<compile_context>
chip_gen: v7x
topology: tpu7x:2x2x1
jax: 0.10.2.dev20260603
libtpu: 0.0.44.dev20260713+nightly
codegen_flags: <defaults>
</compile_context>

<pallas_src>
import functools

import jax
import jax.numpy as jnp
from jax import lax
from jax.experimental import pallas as pl
from jax.experimental.pallas import tpu as pltpu
from jax.experimental.pallas import tpu_sc as plsc

N = 10000
E = 320000
F_IN = 128
H = 256
HALF = H // 2

NS = 16
NW = 2 * NS
WIN = 128
K = 3

EPT_HALF = E // NW
NWIN_HALF = EPT_HALF // WIN
REM_HALF = EPT_HALF - NWIN_HALF * WIN

EPT_FULL = E // NS
NWIN_FULL = EPT_FULL // WIN
REM_FULL = EPT_FULL - NWIN_FULL * WIN

AWIN = 96
AK = 4
ANW_HALF = EPT_HALF // AWIN
AREM_HALF = EPT_HALF - ANW_HALF * AWIN
ANW_FULL = EPT_FULL // AWIN
AREM_FULL = EPT_FULL - ANW_FULL * AWIN

N_CHUNKS = N // 16
CH_LOOP = (N_CHUNKS + NS - 1) // NS
WB_ROWS = 80
WB_CHUNKS = N // WB_ROWS
WB_LOOP = (WB_CHUNKS + NS - 1) // NS
WBV = 80
WBV_CHUNKS = N // WBV
WBV_LOOP = (WBV_CHUNKS + NS - 1) // NS


def _sc_mesh():
    return plsc.VectorSubcoreMesh(core_axis_name="c", subcore_axis_name="s")


def _run_pipeline(n, k, wait_idx, issue_idx, issue_gather, wait_gather,
                  issue_scat, wait_scat):
    def body(wk, carry):
        for q in range(k):
            w = wk * k + q
            p = q
            wait_idx(w, p)
            if issue_gather is not None:
                issue_gather(p)
            pn = (q + 1) % k

            @pl.when(w >= k - 1)
            def _():
                wait_scat(pn)

            @pl.when(w + 1 < n)
            def _():
                issue_idx(w + 1, pn)

            if wait_gather is not None:
                wait_gather(p)
            issue_scat(p)
        return carry

    lax.fori_loop(0, n // k, body, 0)
    for j in range(k - 1):
        wait_scat((n - (k - 1) + j) % k)


def _run_pipeline4(n, wait_idx, issue_idx, issue_gather, wait_gather,
                   issue_scat, wait_scat):
    def body(wk, carry):
        for q in range(4):
            w = wk * 4 + q
            p = q
            p1 = (q + 1) % 4
            p2 = (q + 2) % 4

            @pl.when(w + 1 < n)
            def _():
                wait_idx(w + 1, p1)
                issue_gather(p1)

            @pl.when(w >= 2)
            def _():
                wait_scat(p2)

            @pl.when(w + 2 < n)
            def _():
                issue_idx(w + 2, p2)

            wait_gather(p)
            issue_scat(p)
        return carry

    lax.fori_loop(0, n // 4, body, 0)
    wait_scat((n - 2) % 4)
    wait_scat((n - 1) % 4)


def _grow_zero_rows(rX, width):
    zero16 = jnp.zeros((16,), jnp.float32)
    for r in range(16):
        for j in range(width // 16):
            rX[r, pl.ds(j * 16, 16)] = zero16
    return rX.at[pl.ds(0, 16)]


def _zero_spmem_rows(acc, zblk16, s):
    def zloop(k, carry):
        chunk = s + k * NS

        @pl.when(chunk < N_CHUNKS)
        def _():
            pltpu.sync_copy(zblk16, acc.at[pl.ds(chunk * 16, 16)])
        return carry

    lax.fori_loop(0, CH_LOOP, zloop, 0)


def _zero_spmem_vec(vec_sp, z80, s):
    def zloop(k, carry):
        chunk = s + k * NS

        @pl.when(chunk < WBV_CHUNKS)
        def _():
            pltpu.sync_copy(z80, vec_sp.at[pl.ds(chunk * WBV, WBV)])
        return carry

    lax.fori_loop(0, WBV_LOOP, zloop, 0)


def _writeout_rows(acc, wb, out0, out1, c, s):
    def wloop(k, carry):
        chunk = s + k * NS

        @pl.when(chunk < WB_CHUNKS)
        def _():
            sl = pl.ds(chunk * WB_ROWS, WB_ROWS)
            pltpu.sync_copy(acc.at[sl], wb)

            @pl.when(c == 0)
            def _():
                pltpu.sync_copy(wb, out0.at[sl])

            @pl.when(c == 1)
            def _():
                pltpu.sync_copy(wb, out1.at[sl])
        return carry

    lax.fori_loop(0, WB_LOOP, wloop, 0)


def _writeout_vec(vec_sp, wbv, out0, out1, c, s):
    def wloop(k, carry):
        chunk = s + k * NS

        @pl.when(chunk < WBV_CHUNKS)
        def _():
            sl = pl.ds(chunk * WBV, WBV)
            pltpu.sync_copy(vec_sp.at[sl], wbv)

            @pl.when(c == 0)
            def _():
                pltpu.sync_copy(wbv, out0.at[sl])

            @pl.when(c == 1)
            def _():
                pltpu.sync_copy(wbv, out1.at[sl])
        return carry

    lax.fori_loop(0, WBV_LOOP, wloop, 0)


@functools.partial(
    pl.kernel,
    out_type=(
        jax.ShapeDtypeStruct((N,), jnp.float32),
        jax.ShapeDtypeStruct((N,), jnp.float32),
        jax.ShapeDtypeStruct((N,), jnp.float32),
        jax.ShapeDtypeStruct((N,), jnp.float32),
    ),
    mesh=_sc_mesh(),
    scratch_types=[
        pltpu.VMEM_SHARED((N,), jnp.float32),
        pltpu.VMEM_SHARED((N,), jnp.float32),
        pltpu.VMEM((WIN,), jnp.int32),
        pltpu.VMEM((WIN,), jnp.int32),
        pltpu.VMEM((WIN,), jnp.int32),
        pltpu.VMEM((WIN,), jnp.int32),
        pltpu.VMEM((WIN,), jnp.int32),
        pltpu.VMEM((WIN,), jnp.int32),
        pltpu.VMEM((REM_HALF,), jnp.int32),
        pltpu.VMEM((REM_HALF,), jnp.int32),
        pltpu.VMEM((WIN,), jnp.float32),
        pltpu.VMEM((REM_HALF,), jnp.float32),
        pltpu.VMEM((WBV,), jnp.float32),
        pltpu.SemaphoreType.DMA,
        pltpu.SemaphoreType.DMA,
        pltpu.SemaphoreType.DMA,
        pltpu.SemaphoreType.DMA,
        pltpu.SemaphoreType.DMA,
        pltpu.SemaphoreType.DMA,
    ],
)
def _sc_degrees(src_hbm, dst_hbm, doutA, doutB, dinA, dinB,
                dout_sp, din_sp, i0, i1, i2, j0, j1, j2, idx_r, jdx_r,
                ones, ones_r, v80,
                si0, si1, si2, ss0, ss1, ss2):
    c = lax.axis_index("c")
    s = lax.axis_index("s")
    one16 = jnp.ones((16,), jnp.float32)
    zero16 = jnp.zeros((16,), jnp.float32)
    for j in range(WIN // 16):
        ones[pl.ds(j * 16, 16)] = one16
    ones_r[...] = one16
    for j in range(WBV // 16):
        v80[pl.ds(j * 16, 16)] = zero16

    wid = c * NS + s
    base0 = wid * EPT_HALF
    ibufs = (i0, i1, i2)
    jbufs = (j0, j1, j2)
    isems = (si0, si1, si2)
    ssems = (ss0, ss1, ss2)
    n = NWIN_HALF

    def issue_idx(w, p):
        pltpu.async_copy(src_hbm.at[pl.ds(base0 + w * WIN, WIN)],
                         ibufs[p], isems[p])
        pltpu.async_copy(dst_hbm.at[pl.ds(base0 + w * WIN, WIN)],
                         jbufs[p], isems[p])

    def wait_idx(w, p):
        pltpu.make_async_copy(src_hbm.at[pl.ds(base0 + w * WIN, WIN)],
                              ibufs[p], isems[p]).wait()
        pltpu.make_async_copy(dst_hbm.at[pl.ds(base0 + w * WIN, WIN)],
                              jbufs[p], isems[p]).wait()

    def issue_scat(p):
        pltpu.async_copy(ones, dout_sp.at[ibufs[p]], ssems[p], add=True)
        pltpu.async_copy(ones, din_sp.at[jbufs[p]], ssems[p], add=True)

    def wait_scat(p):
        pltpu.make_async_copy(ones, dout_sp.at[ibufs[p]], ssems[p]).wait()
        pltpu.make_async_copy(ones, din_sp.at[jbufs[p]], ssems[p]).wait()

    issue_idx(0, 0)
    _zero_spmem_vec(dout_sp, v80, s)
    _zero_spmem_vec(din_sp, v80, s)
    plsc.subcore_barrier()

    _run_pipeline(n, K, wait_idx, issue_idx, None, None,
                  issue_scat, wait_scat)

    pltpu.sync_copy(src_hbm.at[pl.ds(base0 + n * WIN, REM_HALF)], idx_r)
    pltpu.sync_copy(dst_hbm.at[pl.ds(base0 + n * WIN, REM_HALF)], jdx_r)
    pltpu.sync_copy(ones_r, dout_sp.at[idx_r], add=True)
    pltpu.sync_copy(ones_r, din_sp.at[jdx_r], add=True)

    plsc.subcore_barrier()
    _writeout_vec(dout_sp, v80, doutA, doutB, c, s)
    _writeout_vec(din_sp, v80, dinA, dinB, c, s)


@functools.partial(
    pl.kernel,
    out_type=(
        jax.ShapeDtypeStruct((N, F_IN), jnp.float32),
        jax.ShapeDtypeStruct((N, F_IN), jnp.float32),
    ),
    mesh=_sc_mesh(),
    scratch_types=[
        pltpu.VMEM_SHARED((N, F_IN), jnp.float32),
        pltpu.VMEM((AWIN,), jnp.int32),
        pltpu.VMEM((AWIN,), jnp.int32),
        pltpu.VMEM((AWIN,), jnp.int32),
        pltpu.VMEM((AWIN,), jnp.int32),
        pltpu.VMEM((AWIN,), jnp.int32),
        pltpu.VMEM((AWIN,), jnp.int32),
        pltpu.VMEM((AWIN,), jnp.int32),
        pltpu.VMEM((AWIN,), jnp.int32),
        pltpu.VMEM((AREM_HALF,), jnp.int32),
        pltpu.VMEM((AREM_HALF,), jnp.int32),
        pltpu.VMEM((AWIN, F_IN), jnp.float32),
        pltpu.VMEM((AWIN, F_IN), jnp.float32),
        pltpu.VMEM((AWIN, F_IN), jnp.float32),
        pltpu.VMEM((AWIN, F_IN), jnp.float32),
        pltpu.SemaphoreType.DMA,
        pltpu.SemaphoreType.DMA,
        pltpu.SemaphoreType.DMA,
        pltpu.SemaphoreType.DMA,
        pltpu.SemaphoreType.DMA,
        pltpu.SemaphoreType.DMA,
        pltpu.SemaphoreType.DMA,
        pltpu.SemaphoreType.DMA,
        pltpu.SemaphoreType.DMA,
        pltpu.SemaphoreType.DMA,
        pltpu.SemaphoreType.DMA,
        pltpu.SemaphoreType.DMA,
    ],
)
def _sc_agg_l1(x_hbm, src_hbm, dst_hbm, outA, outB,
               acc,
               s0, s1, s2, s3, d0, d1, d2, d3, sidx_r, didx_r,
               r0, r1, r2, r3,
               si0, si1, si2, si3, sg0, sg1, sg2, sg3, ss0, ss1, ss2, ss3):
    c = lax.axis_index("c")
    s = lax.axis_index("s")
    zblk16 = _grow_zero_rows(r1, F_IN)

    wid = c * NS + s
    base0 = wid * EPT_HALF
    sbufs = (s0, s1, s2, s3)
    dbufs = (d0, d1, d2, d3)
    rbufs = (r0, r1, r2, r3)
    isems = (si0, si1, si2, si3)
    gsems = (sg0, sg1, sg2, sg3)
    ssems = (ss0, ss1, ss2, ss3)
    n = ANW_HALF

    def issue_idx(w, p):
        pltpu.async_copy(src_hbm.at[pl.ds(base0 + w * AWIN, AWIN)],
                         sbufs[p], isems[p])
        pltpu.async_copy(dst_hbm.at[pl.ds(base0 + w * AWIN, AWIN)],
                         dbufs[p], isems[p])

    def wait_idx(w, p):
        pltpu.make_async_copy(src_hbm.at[pl.ds(base0 + w * AWIN, AWIN)],
                              sbufs[p], isems[p]).wait()
        pltpu.make_async_copy(dst_hbm.at[pl.ds(base0 + w * AWIN, AWIN)],
                              dbufs[p], isems[p]).wait()

    def issue_gather(p):
        pltpu.async_copy(x_hbm.at[sbufs[p]], rbufs[p], gsems[p])

    def wait_gather(p):
        pltpu.make_async_copy(x_hbm.at[sbufs[p]], rbufs[p], gsems[p]).wait()

    def issue_scat(p):
        pltpu.async_copy(rbufs[p], acc.at[dbufs[p]], ssems[p], add=True)

    def wait_scat(p):
        pltpu.make_async_copy(rbufs[p], acc.at[dbufs[p]], ssems[p]).wait()

    issue_idx(0, 0)
    issue_idx(1, 1)
    _zero_spmem_rows(acc, zblk16, s)
    wait_idx(0, 0)
    issue_gather(0)
    plsc.subcore_barrier()

    _run_pipeline4(n, wait_idx, issue_idx, issue_gather, wait_gather,
                   issue_scat, wait_scat)

    base_r = base0 + n * AWIN
    rows_r = r0.at[pl.ds(0, AREM_HALF)]
    pltpu.sync_copy(src_hbm.at[pl.ds(base_r, AREM_HALF)], sidx_r)
    pltpu.sync_copy(dst_hbm.at[pl.ds(base_r, AREM_HALF)], didx_r)
    pltpu.async_copy(x_hbm.at[sidx_r], rows_r, si0).wait()
    pltpu.sync_copy(rows_r, acc.at[didx_r], add=True)

    plsc.subcore_barrier()
    _writeout_rows(acc, r1.at[pl.ds(0, WB_ROWS)], outA, outB, c, s)


@functools.partial(
    pl.kernel,
    out_type=(
        jax.ShapeDtypeStruct((N, HALF), jnp.float32),
        jax.ShapeDtypeStruct((N, HALF), jnp.float32),
    ),
    mesh=_sc_mesh(),
    scratch_types=[
        pltpu.VMEM_SHARED((N, HALF), jnp.float32),
        pltpu.VMEM((AWIN,), jnp.int32),
        pltpu.VMEM((AWIN,), jnp.int32),
        pltpu.VMEM((AWIN,), jnp.int32),
        pltpu.VMEM((AWIN,), jnp.int32),
        pltpu.VMEM((AWIN,), jnp.int32),
        pltpu.VMEM((AWIN,), jnp.int32),
        pltpu.VMEM((AWIN,), jnp.int32),
        pltpu.VMEM((AWIN,), jnp.int32),
        pltpu.VMEM((AREM_FULL,), jnp.int32),
        pltpu.VMEM((AREM_FULL,), jnp.int32),
        pltpu.VMEM((AWIN, HALF), jnp.float32),
        pltpu.VMEM((AWIN, HALF), jnp.float32),
        pltpu.VMEM((AWIN, HALF), jnp.float32),
        pltpu.VMEM((AWIN, HALF), jnp.float32),
        pltpu.SemaphoreType.DMA,
        pltpu.SemaphoreType.DMA,
        pltpu.SemaphoreType.DMA,
        pltpu.SemaphoreType.DMA,
        pltpu.SemaphoreType.DMA,
        pltpu.SemaphoreType.DMA,
        pltpu.SemaphoreType.DMA,
        pltpu.SemaphoreType.DMA,
        pltpu.SemaphoreType.DMA,
        pltpu.SemaphoreType.DMA,
        pltpu.SemaphoreType.DMA,
        pltpu.SemaphoreType.DMA,
    ],
)
def _sc_agg_l2(xA, xB, src_hbm, dst_hbm, outA, outB,
               acc,
               s0, s1, s2, s3, d0, d1, d2, d3, sidx_r, didx_r,
               r0, r1, r2, r3,
               si0, si1, si2, si3, sg0, sg1, sg2, sg3, ss0, ss1, ss2, ss3):
    c = lax.axis_index("c")
    s = lax.axis_index("s")
    zblk16 = _grow_zero_rows(r1, HALF)

    base0 = s * EPT_FULL
    sbufs = (s0, s1, s2, s3)
    dbufs = (d0, d1, d2, d3)
    rbufs = (r0, r1, r2, r3)
    isems = (si0, si1, si2, si3)
    gsems = (sg0, sg1, sg2, sg3)
    ssems = (ss0, ss1, ss2, ss3)
    n = ANW_FULL

    def issue_idx(w, p):
        pltpu.async_copy(src_hbm.at[pl.ds(base0 + w * AWIN, AWIN)],
                         sbufs[p], isems[p])
        pltpu.async_copy(dst_hbm.at[pl.ds(base0 + w * AWIN, AWIN)],
                         dbufs[p], isems[p])

    def wait_idx(w, p):
        pltpu.make_async_copy(src_hbm.at[pl.ds(base0 + w * AWIN, AWIN)],
                              sbufs[p], isems[p]).wait()
        pltpu.make_async_copy(dst_hbm.at[pl.ds(base0 + w * AWIN, AWIN)],
                              dbufs[p], isems[p]).wait()

    def issue_gather(p):
        @pl.when(c == 0)
        def _():
            pltpu.async_copy(xA.at[sbufs[p]], rbufs[p], gsems[p])

        @pl.when(c == 1)
        def _():
            pltpu.async_copy(xB.at[sbufs[p]], rbufs[p], gsems[p])

    def wait_gather(p):
        pltpu.make_async_copy(xA.at[sbufs[p]], rbufs[p], gsems[p]).wait()

    def issue_scat(p):
        pltpu.async_copy(rbufs[p], acc.at[dbufs[p]], ssems[p], add=True)

    def wait_scat(p):
        pltpu.make_async_copy(rbufs[p], acc.at[dbufs[p]], ssems[p]).wait()

    issue_idx(0, 0)
    issue_idx(1, 1)
    _zero_spmem_rows(acc, zblk16, s)
    wait_idx(0, 0)
    issue_gather(0)
    plsc.subcore_barrier()

    _run_pipeline4(n, wait_idx, issue_idx, issue_gather, wait_gather,
                   issue_scat, wait_scat)

    base_r = base0 + n * AWIN
    rows_r = r0.at[pl.ds(0, AREM_FULL)]
    pltpu.sync_copy(src_hbm.at[pl.ds(base_r, AREM_FULL)], sidx_r)
    pltpu.sync_copy(dst_hbm.at[pl.ds(base_r, AREM_FULL)], didx_r)

    @pl.when(c == 0)
    def _():
        pltpu.async_copy(xA.at[sidx_r], rows_r, si0).wait()

    @pl.when(c == 1)
    def _():
        pltpu.async_copy(xB.at[sidx_r], rows_r, si0).wait()

    pltpu.sync_copy(rows_r, acc.at[didx_r], add=True)

    plsc.subcore_barrier()
    _writeout_rows(acc, r1.at[pl.ds(0, WB_ROWS)], outA, outB, c, s)



_BLK = 1000


def _prep_body(feat, doutA, doutB, xs_o, do_o):
    do = lax.rsqrt(jnp.maximum(doutA[...] + doutB[...], 1.0))
    xs_o[...] = feat[...] * do
    do_o[...] = do


def _l1_body(aA, aB, dinA, dinB, do, W1r, b1r, hA, hB, di_o):
    di = lax.rsqrt(jnp.maximum(dinA[...] + dinB[...], 1.0))
    x = (aA[...] + aB[...]) * di
    h = jnp.dot(x, W1r[...], preferred_element_type=jnp.float32) + b1r[...]
    h = jnp.maximum(h, 0.0) * do[...]
    hA[...] = h[:, :HALF]
    hB[...] = h[:, HALF:]
    di_o[...] = di


def _l2_body(aA, aB, di, W2r, b2r, out):
    x = jnp.concatenate([aA[...], aB[...]], axis=1) * di[...]
    out[...] = jnp.dot(x, W2r[...], preferred_element_type=jnp.float32) + b2r[...]


def _row_spec(width):
    return pl.BlockSpec((_BLK, width), lambda i: (i, 0))


def _full_spec(shape):
    return pl.BlockSpec(shape, lambda i: (0, 0))


_prep = pl.pallas_call(
    _prep_body,
    grid=(N // _BLK,),
    in_specs=[_row_spec(F_IN), _row_spec(1), _row_spec(1)],
    out_specs=[_row_spec(F_IN), _row_spec(1)],
    out_shape=[
        jax.ShapeDtypeStruct((N, F_IN), jnp.float32),
        jax.ShapeDtypeStruct((N, 1), jnp.float32),
    ],
)

_l1 = pl.pallas_call(
    _l1_body,
    grid=(N // _BLK,),
    in_specs=[_row_spec(F_IN), _row_spec(F_IN), _row_spec(1), _row_spec(1),
              _row_spec(1), _full_spec((F_IN, H)), _full_spec((1, H))],
    out_specs=[_row_spec(HALF), _row_spec(HALF), _row_spec(1)],
    out_shape=[
        jax.ShapeDtypeStruct((N, HALF), jnp.float32),
        jax.ShapeDtypeStruct((N, HALF), jnp.float32),
        jax.ShapeDtypeStruct((N, 1), jnp.float32),
    ],
)

_l2 = pl.pallas_call(
    _l2_body,
    grid=(N // _BLK,),
    in_specs=[_row_spec(HALF), _row_spec(HALF), _row_spec(1),
              _full_spec((H, H)), _full_spec((1, H))],
    out_specs=_row_spec(H),
    out_shape=jax.ShapeDtypeStruct((N, H), jnp.float32),
)


def kernel(features, edge_index, W1, b1, W2, b2):
    src = edge_index[0]
    dst = edge_index[1]
    doutA, doutB, dinA, dinB = _sc_degrees(src, dst)
    xs, do_is = _prep(features, doutA.reshape(N, 1), doutB.reshape(N, 1))
    aggA, aggB = _sc_agg_l1(xs, src, dst)
    h1A, h1B, di_is = _l1(aggA, aggB, dinA.reshape(N, 1), dinB.reshape(N, 1),
                          do_is, W1, b1.reshape(1, H))
    agg2A, agg2B = _sc_agg_l2(h1A, h1B, src, dst)
    return _l2(agg2A, agg2B, di_is, W2, b2.reshape(1, H))

# --- scband reference (transcript-rebuilt; emitter-appended) ---
"""Pipeline reference for scband-encoder-19670950216306 (READ-ONLY COPY).

The authoritative reference and input builder live on the scoring server;
editing this copy changes nothing except your own understanding.
"""

import jax, jax.numpy as jnp
import numpy as np

N_NODES = 10000
N_EDGES = 320000
IN_FEATS = 128
N_HIDDEN = 256


def setup_inputs(seed: int = 0) -> dict:
    key = jax.random.key(seed)
    k1, k2, k3, k4, k5, k6 = jax.random.split(key, 6)
    features = jax.random.normal(k1, (N_NODES, IN_FEATS), dtype=jnp.float32)
    edge_index = jax.random.randint(k2, (2, N_EDGES), 0, N_NODES, dtype=jnp.int32)
    # GCN params: input layer (in_feats -> n_hidden, relu) + output layer (n_hidden -> n_hidden)
    W1 = jax.random.normal(k3, (IN_FEATS, N_HIDDEN), dtype=jnp.float32) * (1.0 / np.sqrt(IN_FEATS))
    b1 = jnp.zeros((N_HIDDEN,), dtype=jnp.float32)
    W2 = jax.random.normal(k4, (N_HIDDEN, N_HIDDEN), dtype=jnp.float32) * (1.0 / np.sqrt(N_HIDDEN))
    b2 = jnp.zeros((N_HIDDEN,), dtype=jnp.float32)
    return {"features": features, "edge_index": edge_index, "W1": W1, "b1": b1, "W2": W2, "b2": b2}


def _graph_conv(h, src, dst, deg_out_inv_sqrt, deg_in_inv_sqrt, W, b):
    # DGL GraphConv with norm='both': D_out^{-1/2} A^T D_in^{-1/2} style symmetric normalization
    h = h * deg_out_inv_sqrt[:, None]
    msg = jnp.take(h, src, axis=0)
    agg = jnp.zeros((h.shape[0], h.shape[1]), dtype=h.dtype).at[dst].add(msg)
    agg = agg * deg_in_inv_sqrt[:, None]
    return agg @ W + b


def reference(features, edge_index, W1, b1, W2, b2):
    src = edge_index[0]
    dst = edge_index[1]
    ones = jnp.ones((src.shape[0],), dtype=jnp.float32)
    deg_out = jnp.zeros((N_NODES,), dtype=jnp.float32).at[src].add(ones)
    deg_in = jnp.zeros((N_NODES,), dtype=jnp.float32).at[dst].add(ones)
    deg_out = jnp.clip(deg_out, 1.0, None)
    deg_in = jnp.clip(deg_in, 1.0, None)
    do_is = deg_out ** -0.5
    di_is = deg_in ** -0.5
    # layer 1: in_feats -> n_hidden, relu activation (dropout=0 in eval)
    h = _graph_conv(features, src, dst, do_is, di_is, W1, b1)
    h = jax.nn.relu(h)
    # output layer: n_hidden -> n_hidden (no activation)
    h = _graph_conv(h, src, dst, do_is, di_is, W2, b2)
    return h

if __name__ == "__main__":
    import jax
    _d = setup_inputs()
    print(jax.jit(kernel)(*tuple(_d.values())))

</pallas_src>

<mosaic_0001>
#map = affine_map<(d0, d1) -> (0, 0)>
#map1 = affine_map<(d0, d1) -> (0)>
module attributes {stable_mosaic.version = 14 : i64} {
  func.func @_sc_agg_l2(%arg0: i32, %arg1: i32, %arg2: memref<10000x128xf32, #tpu.memory_space<hbm>>, %arg3: memref<10000x128xf32, #tpu.memory_space<hbm>>, %arg4: memref<320000xi32, #tpu.memory_space<hbm>>, %arg5: memref<320000xi32, #tpu.memory_space<hbm>>, %arg6: memref<10000x128xf32, #tpu.memory_space<hbm>>, %arg7: memref<10000x128xf32, #tpu.memory_space<hbm>>, %arg8: memref<10000x128xf32, #tpu.memory_space<vmem_shared>>, %arg9: memref<96xi32, #tpu.memory_space<vmem>>, %arg10: memref<96xi32, #tpu.memory_space<vmem>>, %arg11: memref<96xi32, #tpu.memory_space<vmem>>, %arg12: memref<96xi32, #tpu.memory_space<vmem>>, %arg13: memref<96xi32, #tpu.memory_space<vmem>>, %arg14: memref<96xi32, #tpu.memory_space<vmem>>, %arg15: memref<96xi32, #tpu.memory_space<vmem>>, %arg16: memref<96xi32, #tpu.memory_space<vmem>>, %arg17: memref<32xi32, #tpu.memory_space<vmem>>, %arg18: memref<32xi32, #tpu.memory_space<vmem>>, %arg19: memref<96x128xf32, #tpu.memory_space<vmem>>, %arg20: memref<96x128xf32, #tpu.memory_space<vmem>>, %arg21: memref<96x128xf32, #tpu.memory_space<vmem>>, %arg22: memref<96x128xf32, #tpu.memory_space<vmem>>, %arg23: memref<!tpu.dma_semaphore, #tpu.memory_space<semaphore_mem>>, %arg24: memref<!tpu.dma_semaphore, #tpu.memory_space<semaphore_mem>>, %arg25: memref<!tpu.dma_semaphore, #tpu.memory_space<semaphore_mem>>, %arg26: memref<!tpu.dma_semaphore, #tpu.memory_space<semaphore_mem>>, %arg27: memref<!tpu.dma_semaphore, #tpu.memory_space<semaphore_mem>>, %arg28: memref<!tpu.dma_semaphore, #tpu.memory_space<semaphore_mem>>, %arg29: memref<!tpu.dma_semaphore, #tpu.memory_space<semaphore_mem>>, %arg30: memref<!tpu.dma_semaphore, #tpu.memory_space<semaphore_mem>>, %arg31: memref<!tpu.dma_semaphore, #tpu.memory_space<semaphore_mem>>, %arg32: memref<!tpu.dma_semaphore, #tpu.memory_space<semaphore_mem>>, %arg33: memref<!tpu.dma_semaphore, #tpu.memory_space<semaphore_mem>>, %arg34: memref<!tpu.dma_semaphore, #tpu.memory_space<semaphore_mem>>) attributes {dimension_semantics = [#tpu.dimension_semantics<core_parallel>, #tpu.dimension_semantics<subcore_parallel>], iteration_bounds = array<i64: 2, 16>, scalar_prefetch = 0 : i64, scratch_operands = 27 : i64, tpu.core_type = #tpu.core_type<sc_vector_subcore>, window_params = [{transform_indices = #map}, {transform_indices = #map}, {transform_indices = #map1}, {transform_indices = #map1}, {transform_indices = #map}, {transform_indices = #map}]} {
    %broadcast_in_dim3A = arith.constant 0.000000e+00 : f32
    %broadcast_in_dim3A_0 = vector.broadcast %broadcast_in_dim3A : f32 to vector<16xf32>
    %swap3A = arith.constant 0 : i32
    %swap3A_1 = arith.index_cast %swap3A : i32 to index
    %swap3A_2 = arith.constant 0 : index
    %swap3A_3 = tpu.vector_load %arg20[%swap3A_1, %swap3A_2] {strides = array<i32>} : memref<96x128xf32, #tpu.memory_space<vmem>>, vector<1x16xf32>,
    %swap3A_4 = vector.shape_cast %swap3A_3 : vector<1x16xf32> to vector<16xf32>
    %swap3A_5 = vector.shape_cast %broadcast_in_dim3A_0 : vector<16xf32> to vector<1x16xf32>
    tpu.vector_store %arg20[%swap3A_1, %swap3A_2], %swap3A_5 {strides = array<i32>} : memref<96x128xf32, #tpu.memory_space<vmem>>, vector<1x16xf32>,
    %swap3A_6 = arith.constant 0 : i32
    %swap3A_7 = arith.index_cast %swap3A_6 : i32 to index
    %swap3A_8 = arith.constant 16 : index
    %swap3A_9 = tpu.vector_load %arg20[%swap3A_7, %swap3A_8] {strides = array<i32>} : memref<96x128xf32, #tpu.memory_space<vmem>>, vector<1x16xf32>,
    %swap3A_10 = vector.shape_cast %swap3A_9 : vector<1x16xf32> to vector<16xf32>
    %swap3A_11 = vector.shape_cast %broadcast_in_dim3A_0 : vector<16xf32> to vector<1x16xf32>
    tpu.vector_store %arg20[%swap3A_7, %swap3A_8], %swap3A_11 {strides = array<i32>} : memref<96x128xf32, #tpu.memory_space<vmem>>, vector<1x16xf32>,
    %swap3A_12 = arith.constant 0 : i32
    %swap3A_13 = arith.index_cast %swap3A_12 : i32 to index
    %swap3A_14 = arith.constant 32 : index
    %swap3A_15 = tpu.vector_load %arg20[%swap3A_13, %swap3A_14] {strides = array<i32>} : memref<96x128xf32, #tpu.memory_space<vmem>>, vector<1x16xf32>,
    %swap3A_16 = vector.shape_cast %swap3A_15 : vector<1x16xf32> to vector<16xf32>
    %swap3A_17 = vector.shape_cast %broadcast_in_dim3A_0 : vector<16xf32> to vector<1x16xf32>
    tpu.vector_store %arg20[%swap3A_13, %swap3A_14], %swap3A_17 {strides = array<i32>} : memref<96x128xf32, #tpu.memory_space<vmem>>, vector<1x16xf32>,
    %swap3A_18 = arith.constant 0 : i32
    %swap3A_19 = arith.index_cast %swap3A_18 : i32 to index
    %swap3A_20 = arith.constant 48 : index
    %swap3A_21 = tpu.vector_load %arg20[%swap3A_19, %swap3A_20] {strides = array<i32>} : memref<96x128xf32, #tpu.memory_space<vmem>>, vector<1x16xf32>,
    %swap3A_22 = vector.shape_cast %swap3A_21 : vector<1x16xf32> to vector<16xf32>
    %swap3A_23 = vector.shape_cast %broadcast_in_dim3A_0 : vector<16xf32> to vector<1x16xf32>
    tpu.vector_store %arg20[%swap3A_19, %swap3A_20], %swap3A_23 {strides = array<i32>} : memref<96x128xf32, #tpu.memory_space<vmem>>, vector<1x16xf32>,
    %swap3A_24 = arith.constant 0 : i32
    %swap3A_25 = arith.index_cast %swap3A_24 : i32 to index
    %swap3A_26 = arith.constant 64 : index
    %swap3A_27 = tpu.vector_load %arg20[%swap3A_25, %swap3A_26] {strides = array<i32>} : memref<96x128xf32, #tpu.memory_space<vmem>>, vector<1x16xf32>,
    %swap3A_28 = vector.shape_cast %swap3A_27 : vector<1x16xf32> to vector<16xf32>
    %swap3A_29 = vector.shape_cast %broadcast_in_dim3A_0 : vector<16xf32> to vector<1x16xf32>
    tpu.vector_store %arg20[%swap3A_25, %swap3A_26], %swap3A_29 {strides = array<i32>} : memref<96x128xf32, #tpu.memory_space<vmem>>, vector<1x16xf32>,
    %swap3A_30 = arith.constant 0 : i32
    %swap3A_31 = arith.index_cast %swap3A_30 : i32 to index
    %swap3A_32 = arith.constant 80 : index
    %swap3A_33 = tpu.vector_load %arg20[%swap3A_31, %swap3A_32] {strides = array<i32>} : memref<96x128xf32, #tpu.memory_space<vmem>>, vector<1x16xf32>,
    %swap3A_34 = vector.shape_cast %swap3A_33 : vector<1x16xf32> to vector<16xf32>
    %swap3A_35 = vector.shape_cast %broadcast_in_dim3A_0 : vector<16xf32> to vector<1x16xf32>
    tpu.vector_store %arg20[%swap3A_31, %swap3A_32], %swap3A_35 {strides = array<i32>} : memref<96x128xf32, #tpu.memory_space<vmem>>, vector<1x16xf32>,
    %swap3A_36 = arith.constant 0 : i32
    %swap3A_37 = arith.index_cast %swap3A_36 : i32 to index
    %swap3A_38 = arith.constant 96 : index
    %swap3A_39 = tpu.vector_load %arg20[%swap3A_37, %swap3A_38] {strides = array<i32>} : memref<96x128xf32, #tpu.memory_space<vmem>>, vector<1x16xf32>,
    %swap3A_40 = vector.shape_cast %swap3A_39 : vector<1x16xf32> to vector<16xf32>
    %swap3A_41 = vector.shape_cast %broadcast_in_dim3A_0 : vector<16xf32> to vector<1x16xf32>
    tpu.vector_store %arg20[%swap3A_37, %swap3A_38], %swap3A_41 {strides = array<i32>} : memref<96x128xf32, #tpu.memory_space<vmem>>, vector<1x16xf32>,
    %swap3A_42 = arith.constant 0 : i32
    %swap3A_43 = arith.index_cast %swap3A_42 : i32 to index
    %swap3A_44 = arith.constant 112 : index
    %swap3A_45 = tpu.vector_load %arg20[%swap3A_43, %swap3A_44] {strides = array<i32>} : memref<96x128xf32, #tpu.memory_space<vmem>>, vector<1x16xf32>,
    %swap3A_46 = vector.shape_cast %swap3A_45 : vector<1x16xf32> to vector<16xf32>
    %swap3A_47 = vector.shape_cast %broadcast_in_dim3A_0 : vector<16xf32> to vector<1x16xf32>
    tpu.vector_store %arg20[%swap3A_43, %swap3A_44], %swap3A_47 {strides = array<i32>} : memref<96x128xf32, #tpu.memory_space<vmem>>, vector<1x16xf32>,
    %swap3A_48 = arith.constant 1 : i32
    %swap3A_49 = arith.index_cast %swap3A_48 : i32 to index
    %swap3A_50 = arith.constant 0 : index
    %swap3A_51 = tpu.vector_load %arg20[%swap3A_49, %swap3A_50] {strides = array<i32>} : memref<96x128xf32, #tpu.memory_space<vmem>>, vector<1x16xf32>,
    %swap3A_52 = vector.shape_cast %swap3A_51 : vector<1x16xf32> to vector<16xf32>
    %swap3A_53 = vector.shape_cast %broadcast_in_dim3A_0 : vector<16xf32> to vector<1x16xf32>
    tpu.vector_store %arg20[%swap3A_49, %swap3A_50], %swap3A_53 {strides = array<i32>} : memref<96x128xf32, #tpu.memory_space<vmem>>, vector<1x16xf32>,
    %swap3A_54 = arith.constant 1 : i32
    %swap3A_55 = arith.index_cast %swap3A_54 : i32 to index
    %swap3A_56 = arith.constant 16 : index
    %swap3A_57 = tpu.vector_load %arg20[%swap3A_55, %swap3A_56] {strides = array<i32>} : memref<96x128xf32, #tpu.memory_space<vmem>>, vector<1x16xf32>,
    %swap3A_58 = vector.shape_cast %swap3A_57 : vector<1x16xf32> to vector<16xf32>
    %swap3A_59 = vector.shape_cast %broadcast_in_dim3A_0 : vector<16xf32> to vector<1x16xf32>
    tpu.vector_store %arg20[%swap3A_55, %swap3A_56], %swap3A_59 {strides = array<i32>} : memref<96x128xf32, #tpu.memory_space<vmem>>, vector<1x16xf32>,
    %swap3A_60 = arith.constant 1 : i32
    %swap3A_61 = arith.index_cast %swap3A_60 : i32 to index
    %swap3A_62 = arith.constant 32 : index
    %swap3A_63 = tpu.vector_load %arg20[%swap3A_61, %swap3A_62] {strides = array<i32>} : memref<96x128xf32, #tpu.memory_space<vmem>>, vector<1x16xf32>,
    %swap3A_64 = vector.shape_cast %swap3A_63 : vector<1x16xf32> to vector<16xf32>
    %swap3A_65 = vector.shape_cast %broadcast_in_dim3A_0 : vector<16xf32> to vector<1x16xf32>
    tpu.vector_store %arg20[%swap3A_61, %swap3A_62], %swap3A_65 {strides = array<i32>} : memref<96x128xf32, #tpu.memory_space<vmem>>, vector<1x16xf32>,
    %swap3A_66 = arith.constant 1 : i32
    %swap3A_67 = arith.index_cast %swap3A_66 : i32 to index
    %swap3A_68 = arith.constant 48 : index
    %swap3A_69 = tpu.vector_load %arg20[%swap3A_67, %swap3A_68] {strides = array<i32>} : memref<96x128xf32, #tpu.memory_space<vmem>>, vector<1x16xf32>,
    %swap3A_70 = vector.shape_cast %swap3A_69 : vector<1x16xf32> to vector<16xf32>
    %swap3A_71 = vector.shape_cast %broadcast_in_dim3A_0 : vector<16xf32> to vector<1x16xf32>
    tpu.vector_store %arg20[%swap3A_67, %swap3A_68], %swap3A_71 {strides = array<i32>} : memref<96x128xf32, #tpu.memory_space<vmem>>, vector<1x16xf32>,
    %swap3A_72 = arith.constant 1 : i32
    %swap3A_73 = arith.index_cast %swap3A_72 : i32 to index
    %swap3A_74 = arith.constant 64 : index
    %swap3A_75 = tpu.vector_load %arg20[%swap3A_73, %swap3A_74] {strides = array<i32>} : memref<96x128xf32, #tpu.memory_space<vmem>>, vector<1x16xf32>,
    %swap3A_76 = vector.shape_cast %swap3A_75 : vector<1x16xf32> to vector<16xf32>
    %swap3A_77 = vector.shape_cast %broadcast_in_dim3A_0 : vector<16xf32> to vector<1x16xf32>
    tpu.vector_store %arg20[%swap3A_73, %swap3A_74], %swap3A_77 {strides = array<i32>} : memref<96x128xf32, #tpu.memory_space<vmem>>, vector<1x16xf32>,
    %swap3A_78 = arith.constant 1 : i32
    %swap3A_79 = arith.index_cast %swap3A_78 : i32 to index
    %swap3A_80 = arith.constant 80 : index
    %swap3A_81 = tpu.vector_load %arg20[%swap3A_79, %swap3A_80] {strides = array<i32>} : memref<96x128xf32, #tpu.memory_space<vmem>>, vector<1x16xf32>,
    %swap3A_82 = vector.shape_cast %swap3A_81 : vector<1x16xf32> to vector<16xf32>
    %swap3A_83 = vector.shape_cast %broadcast_in_dim3A_0 : vector<16xf32> to vector<1x16xf32>
    tpu.vector_store %arg20[%swap3A_79, %swap3A_80], %swap3A_83 {strides = array<i32>} : memref<96x128xf32, #tpu.memory_space<vmem>>, vector<1x16xf32>,
    %swap3A_84 = arith.constant 1 : i32
    %swap3A_85 = arith.index_cast %swap3A_84 : i32 to index
    %swap3A_86 = arith.constant 96 : index
    %swap3A_87 = tpu.vector_load %arg20[%swap3A_85, %swap3A_86] {strides = array<i32>} : memref<96x128xf32, #tpu.memory_space<vmem>>, vector<1x16xf32>,
    %swap3A_88 = vector.shape_cast %swap3A_87 : vector<1x16xf32> to vector<16xf32>
    %swap3A_89 = vector.shape_cast %broadcast_in_dim3A_0 : vector<16xf32> to vector<1x16xf32>
    tpu.vector_store %arg20[%swap3A_85, %swap3A_86], %swap3A_89 {strides = array<i32>} : memref<96x128xf32, #tpu.memory_space<vmem>>, vector<1x16xf32>,
    %swap3A_90 = arith.constant 1 : i32
    %swap3A_91 = arith.index_cast %swap3A_90 : i32 to index
    %swap3A_92 = arith.constant 112 : index
    %swap3A_93 = tpu.vector_load %arg20[%swap3A_91, %swap3A_92] {strides = array<i32>} : memref<96x128xf32, #tpu.memory_space<vmem>>, vector<1x16xf32>,
    %swap3A_94 = vector.shape_cast %swap3A_93 : vector<1x16xf32> to vector<16xf32>
    %swap3A_95 = vector.shape_cast %broadcast_in_dim3A_0 : vector<16xf32> to vector<1x16xf32>
    tpu.vector_store %arg20[%swap3A_91, %swap3A_92], %swap3A_95 {strides = array<i32>} : memref<96x128xf32, #tpu.memory_space<vmem>>, vector<1x16xf32>,
    %swap3A_96 = arith.constant 2 : i32
    %swap3A_97 = arith.index_cast %swap3A_96 : i32 to index
    %swap3A_98 = arith.constant 0 : index
    %swap3A_99 = tpu.vector_load %arg20[%swap3A_97, %swap3A_98] {strides = array<i32>} : memref<96x128xf32, #tpu.memory_space<vmem>>, vector<1x16xf32>,
    %swap3A_100 = vector.shape_cast %swap3A_99 : vector<1x16xf32> to vector<16xf32>
    %swap3A_101 = vector.shape_cast %broadcast_in_dim3A_0 : vector<16xf32> to vector<1x16xf32>
    tpu.vector_store %arg20[%swap3A_97, %swap3A_98], %swap3A_101 {strides = array<i32>} : memref<96x128xf32, #tpu.memory_space<vmem>>, vector<1x16xf32>,
    %swap3A_102 = arith.constant 2 : i32
    %swap3A_103 = arith.index_cast %swap3A_102 : i32 to index
    %swap3A_104 = arith.constant 16 : index
    %swap3A_105 = tpu.vector_load %arg20[%swap3A_103, %swap3A_104] {strides = array<i32>} : memref<96x128xf32, #tpu.memory_space<vmem>>, vector<1x16xf32>,
    %swap3A_106 = vector.shape_cast %swap3A_105 : vector<1x16xf32> to vector<16xf32>
    %swap3A_107 = vector.shape_cast %broadcast_in_dim3A_0 : vector<16xf32> to vector<1x16xf32>
    tpu.vector_store %arg20[%swap3A_103, %swap3A_104], %swap3A_107 {strides = array<i32>} : memref<96x128xf32, #tpu.memory_space<vmem>>, vector<1x16xf32>,
    %swap3A_108 = arith.constant 2 : i32
    %swap3A_109 = arith.index_cast %swap3A_108 : i32 to index
    %swap3A_110 = arith.constant 32 : index
    %swap3A_111 = tpu.vector_load %arg20[%swap3A_109, %swap3A_110] {strides = array<i32>} : memref<96x128xf32, #tpu.memory_space<vmem>>, vector<1x16xf32>,
    %swap3A_112 = vector.shape_cast %swap3A_111 : vector<1x16xf32> to vector<16xf32>
    %swap3A_113 = vector.shape_cast %broadcast_in_dim3A_0 : vector<16xf32> to vector<1x16xf32>
    tpu.vector_store %arg20[%swap3A_109, %swap3A_110], %swap3A_113 {strides = array<i32>} : memref<96x128xf32, #tpu.memory_space<vmem>>, vector<1x16xf32>,
    %swap3A_114 = arith.constant 2 : i32
    %swap3A_115 = arith.index_cast %swap3A_114 : i32 to index
    %swap3A_116 = arith.constant 48 : index
    %swap3A_117 = tpu.vector_load %arg20[%swap3A_115, %swap3A_116] {strides = array<i32>} : memref<96x128xf32, #tpu.memory_space<vmem>>, vector<1x16xf32>,
    %swap3A_118 = vector.shape_cast %swap3A_117 : vector<1x16xf32> to vector<16xf32>
    %swap3A_119 = vector.shape_cast %broadcast_in_dim3A_0 : vector<16xf32> to vector<1x16xf32>
    tpu.vector_store %arg20[%swap3A_115, %swap3A_116], %swap3A_119 {strides = array<i32>} : memref<96x128xf32, #tpu.memory_space<vmem>>, vector<1x16xf32>,
    %swap3A_120 = arith.constant 2 : i32
    %swap3A_121 = arith.index_cast %swap3A_120 : i32 to index
    %swap3A_122 = arith.constant 64 : index
    %swap3A_123 = tpu.vector_load %arg20[%swap3A_121, %swap3A_122] {strides = array<i32>} : memref<96x128xf32, #tpu.memory_space<vmem>>, vector<1x16xf32>,
    %swap3A_124 = vector.shape_cast %swap3A_123 : vector<1x16xf32> to vector<16xf32>
    %swap3A_125 = vector.shape_cast %broadcast_in_dim3A_0 : vector<16xf32> to vector<1x16xf32>
    tpu.vector_store %arg20[%swap3A_121, %swap3A_122], %swap3A_125 {strides = array<i32>} : memref<96x128xf32, #tpu.memory_space<vmem>>, vector<1x16xf32>,
    %swap3A_126 = arith.constant 2 : i32
    %swap3A_127 = arith.index_cast %swap3A_126 : i32 to index
    %swap3A_128 = arith.constant 80 : index
    %swap3A_129 = tpu.vector_load %arg20[%swap3A_127, %swap3A_128] {strides = array<i32>} : memref<96x128xf32, #tpu.memory_space<vmem>>, vector<1x16xf32>,
    %swap3A_130 = vector.shape_cast %swap3A_129 : vector<1x16xf32> to vector<16xf32>
    %swap3A_131 = vector.shape_cast %broadcast_in_dim3A_0 : vector<16xf32> to vector<1x16xf32>
    tpu.vector_store %arg20[%swap3A_127, %swap3A_128], %swap3A_131 {strides = array<i32>} : memref<96x128xf32, #tpu.memory_space<vmem>>, vector<1x16xf32>,
    %swap3A_132 = arith.constant 2 : i32
    %swap3A_133 = arith.index_cast %swap3A_132 : i32 to index
    %swap3A_134 = arith.constant 96 : index
    %swap3A_135 = tpu.vector_load %arg20[%swap3A_133, %swap3A_134] {strides = array<i32>} : memref<96x128xf32, #tpu.memory_space<vmem>>, vector<1x16xf32>,
    %swap3A_136 = vector.shape_cast %swap3A_135 : vector<1x16xf32> to vector<16xf32>
    %swap3A_137 = vector.shape_cast %broadcast_in_dim3A_0 : vector<16xf32> to vector<1x16xf32>
    tpu.vector_store %arg20[%swap3A_133, %swap3A_134], %swap3A_137 {strides = array<i32>} : memref<96x128xf32, #tpu.memory_space<vmem>>, vector<1x16xf32>,
    %swap3A_138 = arith.constant 2 : i32
    %swap3A_139 = arith.index_cast %swap3A_138 : i32 to index
    %swap3A_140 = arith.constant 112 : index
    %swap3A_141 = tpu.vector_load %arg20[%swap3A_139, %swap3A_140] {strides = array<i32>} : memref<96x128xf32, #tpu.memory_space<vmem>>, vector<1x16xf32>,
    %swap3A_142 = vector.shape_cast %swap3A_141 : vector<1x16xf32> to vector<16xf32>
    %swap3A_143 = vector.shape_cast %broadcast_in_dim3A_0 : vector<16xf32> to vector<1x16xf32>
    tpu.vector_store %arg20[%swap3A_139, %swap3A_140], %swap3A_143 {strides = array<i32>} : memref<96x128xf32, #tpu.memory_space<vmem>>, vector<1x16xf32>,
    %swap3A_144 = arith.constant 3 : i32
    %swap3A_145 = arith.index_cast %swap3A_144 : i32 to index
    %swap3A_146 = arith.constant 0 : index
    %swap3A_147 = tpu.vector_load %arg20[%swap3A_145, %swap3A_146] {strides = array<i32>} : memref<96x128xf32, #tpu.memory_space<vmem>>, vector<1x16xf32>,
    %swap3A_148 = vector.shape_cast %swap3A_147 : vector<1x16xf32> to vector<16xf32>
    %swap3A_149 = vector.shape_cast %broadcast_in_dim3A_0 : vector<16xf32> to vector<1x16xf32>
    tpu.vector_store %arg20[%swap3A_145, %swap3A_146], %swap3A_149 {strides = array<i32>} : memref<96x128xf32, #tpu.memory_space<vmem>>, vector<1x16xf32>,
    %swap3A_150 = arith.constant 3 : i32
    %swap3A_151 = arith.index_cast %swap3A_150 : i32 to index
    %swap3A_152 = arith.constant 16 : index
    %swap3A_153 = tpu.vector_load %arg20[%swap3A_151, %swap3A_152] {strides = array<i32>} : memref<96x128xf32, #tpu.memory_space<vmem>>, vector<1x16xf32>,
    %swap3A_154 = vector.shape_cast %swap3A_153 : vector<1x16xf32> to vector<16xf32>
    %swap3A_155 = vector.shape_cast %broadcast_in_dim3A_0 : vector<16xf32> to vector<1x16xf32>
    tpu.vector_store %arg20[%swap3A_151, %swap3A_152], %swap3A_155 {strides = array<i32>} : memref<96x128xf32, #tpu.memory_space<vmem>>, vector<1x16xf32>,
    %swap3A_156 = arith.constant 3 : i32
    %swap3A_157 = arith.index_cast %swap3A_156 : i32 to index
    %swap3A_158 = arith.constant 32 : index
    %swap3A_159 = tpu.vector_load %arg20[%swap3A_157, %swap3A_158] {strides = array<i32>} : memref<96x128xf32, #tpu.memory_space<vmem>>, vector<1x16xf32>,
    %swap3A_160 = vector.shape_cast %swap3A_159 : vector<1x16xf32> to vector<16xf32>
    %swap3A_161 = vector.shape_cast %broadcast_in_dim3A_0 : vector<16xf32> to vector<1x16xf32>
    tpu.vector_store %arg20[%swap3A_157, %swap3A_158], %swap3A_161 {strides = array<i32>} : memref<96x128xf32, #tpu.memory_space<vmem>>, vector<1x16xf32>,
    %swap3A_162 = arith.constant 3 : i32
    %swap3A_163 = arith.index_cast %swap3A_162 : i32 to index
    %swap3A_164 = arith.constant 48 : index
    %swap3A_165 = tpu.vector_load %arg20[%swap3A_163, %swap3A_164] {strides = array<i32>} : memref<96x128xf32, #tpu.memory_space<vmem>>, vector<1x16xf32>,
    %swap3A_166 = vector.shape_cast %swap3A_165 : vector<1x16xf32> to vector<16xf32>
    %swap3A_167 = vector.shape_cast %broadcast_in_dim3A_0 : vector<16xf32> to vector<1x16xf32>
    tpu.vector_store %arg20[%swap3A_163, %swap3A_164], %swap3A_167 {strides = array<i32>} : memref<96x128xf32, #tpu.memory_space<vmem>>, vector<1x16xf32>,
    %swap3A_168 = arith.constant 3 : i32
    %swap3A_169 = arith.index_cast %swap3A_168 : i32 to index
    %swap3A_170 = arith.constant 64 : index
    %swap3A_171 = tpu.vector_load %arg20[%swap3A_169, %swap3A_170] {strides = array<i32>} : memref<96x128xf32, #tpu.memory_space<vmem>>, vector<1x16xf32>,
    %swap3A_172 = vector.shape_cast %swap3A_171 : vector<1x16xf32> to vector<16xf32>
    %swap3A_173 = vector.shape_cast %broadcast_in_dim3A_0 : vector<16xf32> to vector<1x16xf32>
    tpu.vector_store %arg20[%swap3A_169, %swap3A_170], %swap3A_173 {strides = array<i32>} : memref<96x128xf32, #tpu.memory_space<vmem>>, vector<1x16xf32>,
    %swap3A_174 = arith.constant 3 : i32
    %swap3A_175 = arith.index_cast %swap3A_174 : i32 to index
    %swap3A_176 = arith.constant 80 : index
    %swap3A_177 = tpu.vector_load %arg20[%swap3A_175, %swap3A_176] {strides = array<i32>} : memref<96x128xf32, #tpu.memory_space<vmem>>, vector<1x16xf32>,
    %swap3A_178 = vector.shape_cast %swap3A_177 : vector<1x16xf32> to vector<16xf32>
    %swap3A_179 = vector.shape_cast %broadcast_in_dim3A_0 : vector<16xf32> to vector<1x16xf32>
    tpu.vector_store %arg20[%swap3A_175, %swap3A_176], %swap3A_179 {strides = array<i32>} : memref<96x128xf32, #tpu.memory_space<vmem>>, vector<1x16xf32>,
    %swap3A_180 = arith.constant 3 : i32
    %swap3A_181 = arith.index_cast %swap3A_180 : i32 to index
    %swap3A_182 = arith.constant 96 : index
    %swap3A_183 = tpu.vector_load %arg20[%swap3A_181, %swap3A_182] {strides = array<i32>} : memref<96x128xf32, #tpu.memory_space<vmem>>, vector<1x16xf32>,
    %swap3A_184 = vector.shape_cast %swap3A_183 : vector<1x16xf32> to vector<16xf32>
    %swap3A_185 = vector.shape_cast %broadcast_in_dim3A_0 : vector<16xf32> to vector<1x16xf32>
    tpu.vector_store %arg20[%swap3A_181, %swap3A_182], %swap3A_185 {strides = array<i32>} : memref<96x128xf32, #tpu.memory_space<vmem>>, vector<1x16xf32>,
    %swap3A_186 = arith.constant 3 : i32
    %swap3A_187 = arith.index_cast %swap3A_186 : i32 to index
    %swap3A_188 = arith.constant 112 : index
    %swap3A_189 = tpu.vector_load %arg20[%swap3A_187, %swap3A_188] {strides = array<i32>} : memref<96x128xf32, #tpu.memory_space<vmem>>, vector<1x16xf32>,
    %swap3A_190 = vector.shape_cast %swap3A_189 : vector<1x16xf32> to vector<16xf32>
    %swap3A_191 = vector.shape_cast %broadcast_in_dim3A_0 : vector<16xf32> to vector<1x16xf32>
    tpu.vector_store %arg20[%swap3A_187, %swap3A_188], %swap3A_191 {strides = array<i32>} : memref<96x128xf32, #tpu.memory_space<vmem>>, vector<1x16xf32>,
    %swap3A_192 = arith.constant 4 : i32
    %swap3A_193 = arith.index_cast %swap3A_192 : i32 to index
    %swap3A_194 = arith.constant 0 : index
    %swap3A_195 = tpu.vector_load %arg20[%swap3A_193, %swap3A_194] {strides = array<i32>} : memref<96x128xf32, #tpu.memory_space<vmem>>, vector<1x16xf32>,
    %swap3A_196 = vector.shape_cast %swap3A_195 : vector<1x16xf32> to vector<16xf32>
    %swap3A_197 = vector.shape_cast %broadcast_in_dim3A_0 : vector<16xf32> to vector<1x16xf32>
    tpu.vector_store %arg20[%swap3A_193, %swap3A_194], %swap3A_197 {strides = array<i32>} : memref<96x128xf32, #tpu.memory_space<vmem>>, vector<1x16xf32>,
    %swap3A_198 = arith.constant 4 : i32
    %swap3A_199 = arith.index_cast %swap3A_198 : i32 to index
    %swap3A_200 = arith.constant 16 : index
    %swap3A_201 = tpu.vector_load %arg20[%swap3A_199, %swap3A_200] {strides = array<i32>} : memref<96x128xf32, #tpu.memory_space<vmem>>, vector<1x16xf32>,
    %swap3A_202 = vector.shape_cast %swap3A_201 : vector<1x16xf32> to vector<16xf32>
    %swap3A_203 = vector.shape_cast %broadcast_in_dim3A_0 : vector<16xf32> to vector<1x16xf32>
    tpu.vector_store %arg20[%swap3A_199, %swap3A_200], %swap3A_203 {strides = array<i32>} : memref<96x128xf32, #tpu.memory_space<vmem>>, vector<1x16xf32>,
    %swap3A_204 = arith.constant 4 : i32
    %swap3A_205 = arith.index_cast %swap3A_204 : i32 to index
    %swap3A_206 = arith.constant 32 : index
    %swap3A_207 = tpu.vector_load %arg20[%swap3A_205, %swap3A_206] {strides = array<i32>} : memref<96x128xf32, #tpu.memory_space<vmem>>, vector<1x16xf32>,
    %swap3A_208 = vector.shape_cast %swap3A_207 : vector<1x16xf32> to vector<16xf32>
    %swap3A_209 = vector.shape_cast %broadcast_in_dim3A_0 : vector<16xf32> to vector<1x16xf32>
    tpu.vector_store %arg20[%swap3A_205, %swap3A_206], %swap3A_209 {strides = array<i32>} : memref<96x128xf32, #tpu.memory_space<vmem>>, vector<1x16xf32>,
    %swap3A_210 = arith.constant 4 : i32
    %swap3A_211 = arith.index_cast %swap3A_210 : i32 to index
    %swap3A_212 = arith.constant 48 : index
    %swap3A_213 = tpu.vector_load %arg20[%swap3A_211, %swap3A_212] {strides = array<i32>} : memref<96x128xf32, #tpu.memory_space<vmem>>, vector<1x16xf32>,
    %swap3A_214 = vector.shape_cast %swap3A_213 : vector<1x16xf32> to vector<16xf32>
    %swap3A_215 = vector.shape_cast %broadcast_in_dim3A_0 : vector<16xf32> to vector<1x16xf32>
    tpu.vector_store %arg20[%swap3A_211, %swap3A_212], %swap3A_215 {strides = array<i32>} : memref<96x128xf32, #tpu.memory_space<vmem>>, vector<1x16xf32>,
    %swap3A_216 = arith.constant 4 : i32
    %swap3A_217 = arith.index_cast %swap3A_216 : i32 to index
    %swap3A_218 = arith.constant 64 : index
    %swap3A_219 = tpu.vector_load %arg20[%swap3A_217, %swap3A_218] {strides = array<i32>} : memref<96x128xf32, #tpu.memory_space<vmem>>, vector<1x16xf32>,
    %swap3A_220 = vector.shape_cast %swap3A_219 : vector<1x16xf32> to vector<16xf32>
    %swap3A_221 = vector.shape_cast %broadcast_in_dim3A_0 : vector<16xf32> to vector<1x16xf32>
    tpu.vector_store %arg20[%swap3A_217, %swap3A_218], %swap3A_221 {strides = array<i32>} : memref<96x128xf32, #tpu.memory_space<vmem>>, vector<1x16xf32>,
    %swap3A_222 = arith.constant 4 : i32
    %swap3A_223 = arith.index_cast %swap3A_222 : i32 to index
    %swap3A_224 = arith.constant 80 : index
    %swap3A_225 = tpu.vector_load %arg20[%swap3A_223, %swap3A_224] {strides = array<i32>} : memref<96x128xf32, #tpu.memory_space<vmem>>, vector<1x16xf32>,
    %swap3A_226 = vector.shape_cast %swap3A_225 : vector<1x16xf32> to vector<16xf32>
    %swap3A_227 = vector.shape_cast %broadcast_in_dim3A_0 : vector<16xf32> to vector<1x16xf32>
    tpu.vector_store %arg20[%swap3A_223, %swap3A_224], %swap3A_227 {strides = array<i32>} : memref<96x128xf32, #tpu.memory_space<vmem>>, vector<1x16xf32>,
    %swap3A_228 = arith.constant 4 : i32
    %swap3A_229 = arith.index_cast %swap3A_228 : i32 to index
    %swap3A_230 = arith.constant 96 : index
    %swap3A_231 = tpu.vector_load %arg20[%swap3A_229, %swap3A_230] {strides = array<i32>} : memref<96x128xf32, #tpu.memory_space<vmem>>, vector<1x16xf32>,
    %swap3A_232 = vector.shape_cast %swap3A_231 : vector<1x16xf32> to vector<16xf32>
    %swap3A_233 = vector.shape_cast %broadcast_in_dim3A_0 : vector<16xf32> to vector<1x16xf32>
    tpu.vector_store %arg20[%swap3A_229, %swap3A_230], %swap3A_233 {strides = array<i32>} : memref<96x128xf32, #tpu.memory_space<vmem>>, vector<1x16xf32>,
    %swap3A_234 = arith.constant 4 : i32
    %swap3A_235 = arith.index_cast %swap3A_234 : i32 to index
    %swap3A_236 = arith.constant 112 : index
    %swap3A_237 = tpu.vector_load %arg20[%swap3A_235, %swap3A_236] {strides = array<i32>} : memref<96x128xf32, #tpu.memory_space<vmem>>, vector<1x16xf32>,
    %swap3A_238 = vector.shape_cast %swap3A_237 : vector<1x16xf32> to vector<16xf32>
    %swap3A_239 = vector.shape_cast %broadcast_in_dim3A_0 : vector<16xf32> to vector<1x16xf32>
    tpu.vector_store %arg20[%swap3A_235, %swap3A_236], %swap3A_239 {strides = array<i32>} : memref<96x128xf32, #tpu.memory_space<vmem>>, vector<1x16xf32>,
    %swap3A_240 = arith.constant 5 : i32
    %swap3A_241 = arith.index_cast %swap3A_240 : i32 to index
    %swap3A_242 = arith.constant 0 : index
    %swap3A_243 = tpu.vector_load %arg20[%swap3A_241, %swap3A_242] {strides = array<i32>} : memref<96x128xf32, #tpu.memory_space<vmem>>, vector<1x16xf32>,
    %swap3A_244 = vector.shape_cast %swap3A_243 : vector<1x16xf32> to vector<16xf32>
    %swap3A_245 = vector.shape_cast %broadcast_in_dim3A_0 : vector<16xf32> to vector<1x16xf32>
    tpu.vector_store %arg20[%swap3A_241, %swap3A_242], %swap3A_245 {strides = array<i32>} : memref<96x128xf32, #tpu.memory_space<vmem>>, vector<1x16xf32>,
    %swap3A_246 = arith.constant 5 : i32
    %swap3A_247 = arith.index_cast %swap3A_246 : i32 to index
    %swap3A_248 = arith.constant 16 : index
    %swap3A_249 = tpu.vector_load %arg20[%swap3A_247, %swap3A_248] {strides = array<i32>} : memref<96x128xf32, #tpu.memory_space<vmem>>, vector<1x16xf32>,
    %swap3A_250 = vector.shape_cast %swap3A_249 : vector<1x16xf32> to vector<16xf32>
    %swap3A_251 = vector.shape_cast %broadcast_in_dim3A_0 : vector<16xf32> to vector<1x16xf32>
    tpu.vector_store %arg20[%swap3A_247, %swap3A_248], %swap3A_251 {strides = array<i32>} : memref<96x128xf32, #tpu.memory_space<vmem>>, vector<1x16xf32>,
    %swap3A_252 = arith.constant 5 : i32
    %swap3A_253 = arith.index_cast %swap3A_252 : i32 to index
    %swap3A_254 = arith.constant 32 : index
    %swap3A_255 = tpu.vector_load %arg20[%swap3A_253, %swap3A_254] {strides = array<i32>} : memref<96x128xf32, #tpu.memory_space<vmem>>, vector<1x16xf32>,
    %swap3A_256 = vector.shape_cast %swap3A_255 : vector<1x16xf32> to vector<16xf32>
    %swap3A_257 = vector.shape_cast %broadcast_in_dim3A_0 : vector<16xf32> to vector<1x16xf32>
    tpu.vector_store %arg20[%swap3A_253, %swap3A_254], %swap3A_257 {strides = array<i32>} : memref<96x128xf32, #tpu.memory_space<vmem>>, vector<1x16xf32>,
    %swap3A_258 = arith.constant 5 : i32
    %swap3A_259 = arith.index_cast %swap3A_258 : i32 to index
    %swap3A_260 = arith.constant 48 : index
    %swap3A_261 = tpu.vector_load %arg20[%swap3A_259, %swap3A_260] {strides = array<i32>} : memref<96x128xf32, #tpu.memory_space<vmem>>, vector<1x16xf32>,
    %swap3A_262 = vector.shape_cast %swap3A_261 : vector<1x16xf32> to vector<16xf32>
    %swap3A_263 = vector.shape_cast %broadcast_in_dim3A_0 : vector<16xf32> to vector<1x16xf32>
    tpu.vector_store %arg20[%swap3A_259, %swap3A_260], %swap3A_263 {strides = array<i32>} : memref<96x128xf32, #tpu.memory_space<vmem>>, vector<1x16xf32>,
    %swap3A_264 = arith.constant 5 : i32
    %swap3A_265 = arith.index_cast %swap3A_264 : i32 to index
    %swap3A_266 = arith.constant 64 : index
    %swap3A_267 = tpu.vector_load %arg20[%swap3A_265, %swap3A_266] {strides = array<i32>} : memref<96x128xf32, #tpu.memory_space<vmem>>, vector<1x16xf32>,
    %swap3A_268 = vector.shape_cast %swap3A_267 : vector<1x16xf32> to vector<16xf32>
    %swap3A_269 = vector.shape_cast %broadcast_in_dim3A_0 : vector<16xf32> to vector<1x16xf32>
    tpu.vector_store %arg20[%swap3A_265, %swap3A_266], %swap3A_269 {strides = array<i32>} : memref<96x128xf32, #tpu.memory_space<vmem>>, vector<1x16xf32>,
    %swap3A_270 = arith.constant 5 : i32
    %swap3A_271 = arith.index_cast %swap3A_270 : i32 to index
    %swap3A_272 = arith.constant 80 : index
    %swap3A_273 = tpu.vector_load %arg20[%swap3A_271, %swap3A_272] {strides = array<i32>} : memref<96x128xf32, #tpu.memory_space<vmem>>, vector<1x16xf32>,
    %swap3A_274 = vector.shape_cast %swap3A_273 : vector<1x16xf32> to vector<16xf32>
    %swap3A_275 = vector.shape_cast %broadcast_in_dim3A_0 : vector<16xf32> to vector<1x16xf32>
    tpu.vector_store %arg20[%swap3A_271, %swap3A_272], %swap3A_275 {strides = array<i32>} : memref<96x128xf32, #tpu.memory_space<vmem>>, vector<1x16xf32>,
    %swap3A_276 = arith.constant 5 : i32
    %swap3A_277 = arith.index_cast %swap3A_276 : i32 to index
    %swap3A_278 = arith.constant 96 : index
    %swap3A_279 = tpu.vector_load %arg20[%swap3A_277, %swap3A_278] {strides = array<i32>} : memref<96x128xf32, #tpu.memory_space<vmem>>, vector<1x16xf32>,
    %swap3A_280 = vector.shape_cast %swap3A_279 : vector<1x16xf32> to vector<16xf32>
    %swap3A_281 = vector.shape_cast %broadcast_in_dim3A_0 : vector<16xf32> to vector<1x16xf32>
    tpu.vector_store %arg20[%swap3A_277, %swap3A_278], %swap3A_281 {strides = array<i32>} : memref<96x128xf32, #tpu.memory_space<vmem>>, vector<1x16xf32>,
    %swap3A_282 = arith.constant 5 : i32
    %swap3A_283 = arith.index_cast %swap3A_282 : i32 to index
    %swap3A_284 = arith.constant 112 : index
    %swap3A_285 = tpu.vector_load %arg20[%swap3A_283, %swap3A_284] {strides = array<i32>} : memref<96x128xf32, #tpu.memory_space<vmem>>, vector<1x16xf32>,
    %swap3A_286 = vector.shape_cast %swap3A_285 : vector<1x16xf32> to vector<16xf32>
    %swap3A_287 = vector.shape_cast %broadcast_in_dim3A_0 : vector<16xf32> to vector<1x16xf32>
    tpu.vector_store %arg20[%swap3A_283, %swap3A_284], %swap3A_287 {strides = array<i32>} : memref<96x128xf32, #tpu.memory_space<vmem>>, vector<1x16xf32>,
    %swap3A_288 = arith.constant 6 : i32
    %swap3A_289 = arith.index_cast %swap3A_288 : i32 to index
    %swap3A_290 = arith.constant 0 : index
    %swap3A_291 = tpu.vector_load %arg20[%swap3A_289, %swap3A_290] {strides = array<i32>} : memref<96x128xf32, #tpu.memory_space<vmem>>, vector<1x16xf32>,
    %swap3A_292 = vector.shape_cast %swap3A_291 : vector<1x16xf32> to vector<16xf32>
    %swap3A_293 = vector.shape_cast %broadcast_in_dim3A_0 : vector<16xf32> to vector<1x16xf32>
    tpu.vector_store %arg20[%swap3A_289, %swap3A_290], %swap3A_293 {strides = array<i32>} : memref<96x128xf32, #tpu.memory_space<vmem>>, vector<1x16xf32>,
    %swap3A_294 = arith.constant 6 : i32
    %swap3A_295 = arith.index_cast %swap3A_294 : i32 to index
    %swap3A_296 = arith.constant 16 : index
    %swap3A_297 = tpu.vector_load %arg20[%swap3A_295, %swap3A_296] {strides = array<i32>} : memref<96x128xf32, #tpu.memory_space<vmem>>, vector<1x16xf32>,
    %swap3A_298 = vector.shape_cast %swap3A_297 : vector<1x16xf32> to vector<16xf32>
    %swap3A_299 = vector.shape_cast %broadcast_in_dim3A_0 : vector<16xf32> to vector<1x16xf32>
    tpu.vector_store %arg20[%swap3A_295, %swap3A_296], %swap3A_299 {strides = array<i32>} : memref<96x128xf32, #tpu.memory_space<vmem>>, vector<1x16xf32>,
    %swap3A_300 = arith.constant 6 : i32
    %swap3A_301 = arith.index_cast %swap3A_300 : i32 to index
    %swap3A_302 = arith.constant 32 : index
    %swap3A_303 = tpu.vector_load %arg20[%swap3A_301, %swap3A_302] {strides = array<i32>} : memref<96x128xf32, #tpu.memory_space<vmem>>, vector<1x16xf32>,
    %swap3A_304 = vector.shape_cast %swap3A_303 : vector<1x16xf32> to vector<16xf32>
    %swap3A_305 = vector.shape_cast %broadcast_in_dim3A_0 : vector<16xf32> to vector<1x16xf32>
    tpu.vector_store %arg20[%swap3A_301, %swap3A_302], %swap3A_305 {strides = array<i32>} : memref<96x128xf32, #tpu.memory_space<vmem>>, vector<1x16xf32>,
    %swap3A_306 = arith.constant 6 : i32
    %swap3A_307 = arith.index_cast %swap3A_306 : i32 to index
    %swap3A_308 = arith.constant 48 : index
    %swap3A_309 = tpu.vector_load %arg20[%swap3A_307, %swap3A_308] {strides = array<i32>} : memref<96x128xf32, #tpu.memory_space<vmem>>, vector<1x16xf32>,
    %swap3A_310 = vector.shape_cast %swap3A_309 : vector<1x16xf32> to vector<16xf32>
    %swap3A_311 = vector.shape_cast %broadcast_in_dim3A_0 : vector<16xf32> to vector<1x16xf32>
    tpu.vector_store %arg20[%swap3A_307, %swap3A_308], %swap3A_311 {strides = array<i32>} : memref<96x128xf32, #tpu.memory_space<vmem>>, vector<1x16xf32>,
    %swap3A_312 = arith.constant 6 : i32
    %swap3A_313 = arith.index_cast %swap3A_312 : i32 to index
    %swap3A_314 = arith.constant 64 : index
    %swap3A_315 = tpu.vector_load %arg20[%swap3A_313, %swap3A_314] {strides = array<i32>} : memref<96x128xf32, #tpu.memory_space<vmem>>, vector<1x16xf32>,
    %swap3A_316 = vector.shape_cast %swap3A_315 : vector<1x16xf32> to vector<16xf32>
    %swap3A_317 = vector.shape_cast %broadcast_in_dim3A_0 : vector<16xf32> to vector<1x16xf32>
    tpu.vector_store %arg20[%swap3A_313, %swap3A_314], %swap3A_317 {strides = array<i32>} : memref<96x128xf32, #tpu.memory_space<vmem>>, vector<1x16xf32>,
    %swap3A_318 = arith.constant 6 : i32
    %swap3A_319 = arith.index_cast %swap3A_318 : i32 to index
    %swap3A_320 = arith.constant 80 : index
    %swap3A_321 = tpu.vector_load %arg20[%swap3A_319, %swap3A_320] {strides = array<i32>} : memref<96x128xf32, #tpu.memory_space<vmem>>, vector<1x16xf32>,
    %swap3A_322 = vector.shape_cast %swap3A_321 : vector<1x16xf32> to vector<16xf32>
    %swap3A_323 = vector.shape_cast %broadcast_in_dim3A_0 : vector<16xf32> to vector<1x16xf32>
    tpu.vector_store %arg20[%swap3A_319, %swap3A_320], %swap3A_323 {strides = array<i32>} : memref<96x128xf32, #tpu.memory_space<vmem>>, vector<1x16xf32>,
    %swap3A_324 = arith.constant 6 : i32
    %swap3A_325 = arith.index_cast %swap3A_324 : i32 to index
    %swap3A_326 = arith.constant 96 : index
    %swap3A_327 = tpu.vector_load %arg20[%swap3A_325, %swap3A_326] {strides = array<i32>} : memref<96x128xf32, #tpu.memory_space<vmem>>, vector<1x16xf32>,
    %swap3A_328 = vector.shape_cast %swap3A_327 : vector<1x16xf32> to vector<16xf32>
    %swap3A_329 = vector.shape_cast %broadcast_in_dim3A_0 : vector<16xf32> to vector<1x16xf32>
    tpu.vector_store %arg20[%swap3A_325, %swap3A_326], %swap3A_329 {strides = array<i32>} : memref<96x128xf32, #tpu.memory_space<vmem>>, vector<1x16xf32>,
    %swap3A_330 = arith.constant 6 : i32
    %swap3A_331 = arith.index_cast %swap3A_330 : i32 to index
    %swap3A_332 = arith.constant 112 : index
    %swap3A_333 = tpu.vector_load %arg20[%swap3A_331, %swap3A_332] {strides = array<i32>} : memref<96x128xf32, #tpu.memory_space<vmem>>, vector<1x16xf32>,
    %swap3A_334 = vector.shape_cast %swap3A_333 : vector<1x16xf32> to vector<16xf32>
    %swap3A_335 = vector.shape_cast %broadcast_in_dim3A_0 : vector<16xf32> to vector<1x16xf32>
    tpu.vector_store %arg20[%swap3A_331, %swap3A_332], %swap3A_335 {strides = array<i32>} : memref<96x128xf32, #tpu.memory_space<vmem>>, vector<1x16xf32>,
    %swap3A_336 = arith.constant 7 : i32
    %swap3A_337 = arith.index_cast %swap3A_336 : i32 to index
    %swap3A_338 = arith.constant 0 : index
    %swap3A_339 = tpu.vector_load %arg20[%swap3A_337, %swap3A_338] {strides = array<i32>} : memref<96x128xf32, #tpu.memory_space<vmem>>, vector<1x16xf32>,
    %swap3A_340 = vector.shape_cast %swap3A_339 : vector<1x16xf32> to vector<16xf32>
    %swap3A_341 = vector.shape_cast %broadcast_in_dim3A_0 : vector<16xf32> to vector<1x16xf32>
    tpu.vector_store %arg20[%swap3A_337, %swap3A_338], %swap3A_341 {strides = array<i32>} : memref<96x128xf32, #tpu.memory_space<vmem>>, vector<1x16xf32>,
    %swap3A_342 = arith.constant 7 : i32
    %swap3A_343 = arith.index_cast %swap3A_342 : i32 to index
    %swap3A_344 = arith.constant 16 : index
    %swap3A_345 = tpu.vector_load %arg20[%swap3A_343, %swap3A_344] {strides = array<i32>} : memref<96x128xf32, #tpu.memory_space<vmem>>, vector<1x16xf32>,
    %swap3A_346 = vector.shape_cast %swap3A_345 : vector<1x16xf32> to vector<16xf32>
    %swap3A_347 = vector.shape_cast %broadcast_in_dim3A_0 : vector<16xf32> to vector<1x16xf32>
    tpu.vector_store %arg20[%swap3A_343, %swap3A_344], %swap3A_347 {strides = array<i32>} : memref<96x128xf32, #tpu.memory_space<vmem>>, vector<1x16xf32>,
    %swap3A_348 = arith.constant 7 : i32
    %swap3A_349 = arith.index_cast %swap3A_348 : i32 to index
    %swap3A_350 = arith.constant 32 : index
    %swap3A_351 = tpu.vector_load %arg20[%swap3A_349, %swap3A_350] {strides = array<i32>} : memref<96x128xf32, #tpu.memory_space<vmem>>, vector<1x16xf32>,
    %swap3A_352 = vector.shape_cast %swap3A_351 : vector<1x16xf32> to vector<16xf32>
    %swap3A_353 = vector.shape_cast %broadcast_in_dim3A_0 : vector<16xf32> to vector<1x16xf32>
    tpu.vector_store %arg20[%swap3A_349, %swap3A_350], %swap3A_353 {strides = array<i32>} : memref<96x128xf32, #tpu.memory_space<vmem>>, vector<1x16xf32>,
    %swap3A_354 = arith.constant 7 : i32
    %swap3A_355 = arith.index_cast %swap3A_354 : i32 to index
    %swap3A_356 = arith.constant 48 : index
    %swap3A_357 = tpu.vector_load %arg20[%swap3A_355, %swap3A_356] {strides = array<i32>} : memref<96x128xf32, #tpu.memory_space<vmem>>, vector<1x16xf32>,
    %swap3A_358 = vector.shape_cast %swap3A_357 : vector<1x16xf32> to vector<16xf32>
    %swap3A_359 = vector.shape_cast %broadcast_in_dim3A_0 : vector<16xf32> to vector<1x16xf32>
    tpu.vector_store %arg20[%swap3A_355, %swap3A_356], %swap3A_359 {strides = array<i32>} : memref<96x128xf32, #tpu.memory_space<vmem>>, vector<1x16xf32>,
    %swap3A_360 = arith.constant 7 : i32
    %swap3A_361 = arith.index_cast %swap3A_360 : i32 to index
    %swap3A_362 = arith.constant 64 : index
    %swap3A_363 = tpu.vector_load %arg20[%swap3A_361, %swap3A_362] {strides = array<i32>} : memref<96x128xf32, #tpu.memory_space<vmem>>, vector<1x16xf32>,
    %swap3A_364 = vector.shape_cast %swap3A_363 : vector<1x16xf32> to vector<16xf32>
    %swap3A_365 = vector.shape_cast %broadcast_in_dim3A_0 : vector<16xf32> to vector<1x16xf32>
    tpu.vector_store %arg20[%swap3A_361, %swap3A_362], %swap3A_365 {strides = array<i32>} : memref<96x128xf32, #tpu.memory_space<vmem>>, vector<1x16xf32>,
    %swap3A_366 = arith.constant 7 : i32
    %swap3A_367 = arith.index_cast %swap3A_366 : i32 to index
    %swap3A_368 = arith.constant 80 : index
    %swap3A_369 = tpu.vector_load %arg20[%swap3A_367, %swap3A_368] {strides = array<i32>} : memref<96x128xf32, #tpu.memory_space<vmem>>, vector<1x16xf32>,
    %swap3A_370 = vector.shape_cast %swap3A_369 : vector<1x16xf32> to vector<16xf32>
    %swap3A_371 = vector.shape_cast %broadcast_in_dim3A_0 : vector<16xf32> to vector<1x16xf32>
    tpu.vector_store %arg20[%swap3A_367, %swap3A_368], %swap3A_371 {strides = array<i32>} : memref<96x128xf32, #tpu.memory_space<vmem>>, vector<1x16xf32>,
    %swap3A_372 = arith.constant 7 : i32
    %swap3A_373 = arith.index_cast %swap3A_372 : i32 to index
    %swap3A_374 = arith.constant 96 : index
    %swap3A_375 = tpu.vector_load %arg20[%swap3A_373, %swap3A_374] {strides = array<i32>} : memref<96x128xf32, #tpu.memory_space<vmem>>, vector<1x16xf32>,
    %swap3A_376 = vector.shape_cast %swap3A_375 : vector<1x16xf32> to vector<16xf32>
    %swap3A_377 = vector.shape_cast %broadcast_in_dim3A_0 : vector<16xf32> to vector<1x16xf32>
    tpu.vector_store %arg20[%swap3A_373, %swap3A_374], %swap3A_377 {strides = array<i32>} : memref<96x128xf32, #tpu.memory_space<vmem>>, vector<1x16xf32>,
    %swap3A_378 = arith.constant 7 : i32
    %swap3A_379 = arith.index_cast %swap3A_378 : i32 to index
    %swap3A_380 = arith.constant 112 : index
    %swap3A_381 = tpu.vector_load %arg20[%swap3A_379, %swap3A_380] {strides = array<i32>} : memref<96x128xf32, #tpu.memory_space<vmem>>, vector<1x16xf32>,
    %swap3A_382 = vector.shape_cast %swap3A_381 : vector<1x16xf32> to vector<16xf32>
    %swap3A_383 = vector.shape_cast %broadcast_in_dim3A_0 : vector<16xf32> to vector<1x16xf32>
    tpu.vector_store %arg20[%swap3A_379, %swap3A_380], %swap3A_383 {strides = array<i32>} : memref<96x128xf32, #tpu.memory_space<vmem>>, vector<1x16xf32>,
    %swap3A_384 = arith.constant 8 : i32
    %swap3A_385 = arith.index_cast %swap3A_384 : i32 to index
    %swap3A_386 = arith.constant 0 : index
    %swap3A_387 = tpu.vector_load %arg20[%swap3A_385, %swap3A_386] {strides = array<i32>} : memref<96x128xf32, #tpu.memory_space<vmem>>, vector<1x16xf32>,
    %swap3A_388 = vector.shape_cast %swap3A_387 : vector<1x16xf32> to vector<16xf32>
    %swap3A_389 = vector.shape_cast %broadcast_in_dim3A_0 : vector<16xf32> to vector<1x16xf32>
    tpu.vector_store %arg20[%swap3A_385, %swap3A_386], %swap3A_389 {strides = array<i32>} : memref<96x128xf32, #tpu.memory_space<vmem>>, vector<1x16xf32>,
    %swap3A_390 = arith.constant 8 : i32
    %swap3A_391 = arith.index_cast %swap3A_390 : i32 to index
    %swap3A_392 = arith.constant 16 : index
    %swap3A_393 = tpu.vector_load %arg20[%swap3A_391, %swap3A_392] {strides = array<i32>} : memref<96x128xf32, #tpu.memory_space<vmem>>, vector<1x16xf32>,
    %swap3A_394 = vector.shape_cast %swap3A_393 : vector<1x16xf32> to vector<16xf32>
    %swap3A_395 = vector.shape_cast %broadcast_in_dim3A_0 : vector<16xf32> to vector<1x16xf32>
    tpu.vector_store %arg20[%swap3A_391, %swap3A_392], %swap3A_395 {strides = array<i32>} : memref<96x128xf32, #tpu.memory_space<vmem>>, vector<1x16xf32>,
    %swap3A_396 = arith.constant 8 : i32
    %swap3A_397 = arith.index_cast %swap3A_396 : i32 to index
    %swap3A_398 = arith.constant 32 : index
    %swap3A_399 = tpu.vector_load %arg20[%swap3A_397, %swap3A_398] {strides = array<i32>} : memref<96x128xf32, #tpu.memory_space<vmem>>, vector<1x16xf32>,
    %swap3A_400 = vector.shape_cast %swap3A_399 : vector<1x16xf32> to vector<16xf32>
    %swap3A_401 = vector.shape_cast %broadcast_in_dim3A_0 : vector<16xf32> to vector<1x16xf32>
    tpu.vector_store %arg20[%swap3A_397, %swap3A_398], %swap3A_401 {strides = array<i32>} : memref<96x128xf32, #tpu.memory_space<vmem>>, vector<1x16xf32>,
    %swap3A_402 = arith.constant 8 : i32
    %swap3A_403 = arith.index_cast %swap3A_402 : i32 to index
    %swap3A_404 = arith.constant 48 : index
    %swap3A_405 = tpu.vector_load %arg20[%swap3A_403, %swap3A_404] {strides = array<i32>} : memref<96x128xf32, #tpu.memory_space<vmem>>, vector<1x16xf32>,
    %swap3A_406 = vector.shape_cast %swap3A_405 : vector<1x16xf32> to vector<16xf32>
    %swap3A_407 = vector.shape_cast %broadcast_in_dim3A_0 : vector<16xf32> to vector<1x16xf32>
    tpu.vector_store %arg20[%swap3A_403, %swap3A_404], %swap3A_407 {strides = array<i32>} : memref<96x128xf32, #tpu.memory_space<vmem>>, vector<1x16xf32>,
    %swap3A_408 = arith.constant 8 : i32
    %swap3A_409 = arith.index_cast %swap3A_408 : i32 to index
    %swap3A_410 = arith.constant 64 : index
    %swap3A_411 = tpu.vector_load %arg20[%swap3A_409, %swap3A_410] {strides = array<i32>} : memref<96x128xf32, #tpu.memory_space<vmem>>, vector<1x16xf32>,
    %swap3A_412 = vector.shape_cast %swap3A_411 : vector<1x16xf32> to vector<16xf32>
    %swap3A_413 = vector.shape_cast %broadcast_in_dim3A_0 : vector<16xf32> to vector<1x16xf32>
    tpu.vector_store %arg20[%swap3A_409, %swap3A_410], %swap3A_413 {strides = array<i32>} : memref<96x128xf32, #tpu.memory_space<vmem>>, vector<1x16xf32>,
    %swap3A_414 = arith.constant 8 : i32
    %swap3A_415 = arith.index_cast %swap3A_414 : i32 to index
    %swap3A_416 = arith.constant 80 : index
    %swap3A_417 = tpu.vector_load %arg20[%swap3A_415, %swap3A_416] {strides = array<i32>} : memref<96x128xf32, #tpu.memory_space<vmem>>, vector<1x16xf32>,
    %swap3A_418 = vector.shape_cast %swap3A_417 : vector<1x16xf32> to vector<16xf32>
    %swap3A_419 = vector.shape_cast %broadcast_in_dim3A_0 : vector<16xf32> to vector<1x16xf32>
    tpu.vector_store %arg20[%swap3A_415, %swap3A_416], %swap3A_419 {strides = array<i32>} : memref<96x128xf32, #tpu.memory_space<vmem>>, vector<1x16xf32>,
    %swap3A_420 = arith.constant 8 : i32
    %swap3A_421 = arith.index_cast %swap3A_420 : i32 to index
    %swap3A_422 = arith.constant 96 : index
    %swap3A_423 = tpu.vector_load %arg20[%swap3A_421, %swap3A_422] {strides = array<i32>} : memref<96x128xf32, #tpu.memory_space<vmem>>, vector<1x16xf32>,
    %swap3A_424 = vector.shape_cast %swap3A_423 : vector<1x16xf32> to vector<16xf32>
    %swap3A_425 = vector.shape_cast %broadcast_in_dim3A_0 : vector<16xf32> to vector<1x16xf32>
    tpu.vector_store %arg20[%swap3A_421, %swap3A_422], %swap3A_425 {strides = array<i32>} : memref<96x128xf32, #tpu.memory_space<vmem>>, vector<1x16xf32>,
    %swap3A_426 = arith.constant 8 : i32
    %swap3A_427 = arith.index_cast %swap3A_426 : i32 to index
    %swap3A_428 = arith.constant 112 : index
    %swap3A_429 = tpu.vector_load %arg20[%swap3A_427, %swap3A_428] {strides = array<i32>} : memref<96x128xf32, #tpu.memory_space<vmem>>, vector<1x16xf32>,
    %swap3A_430 = vector.shape_cast %swap3A_429 : vector<1x16xf32> to vector<16xf32>
    %swap3A_431 = vector.shape_cast %broadcast_in_dim3A_0 : vector<16xf32> to vector<1x16xf32>
    tpu.vector_store %arg20[%swap3A_427, %swap3A_428], %swap3A_431 {strides = array<i32>} : memref<96x128xf32, #tpu.memory_space<vmem>>, vector<1x16xf32>,
    %swap3A_432 = arith.constant 9 : i32
    %swap3A_433 = arith.index_cast %swap3A_432 : i32 to index
    %swap3A_434 = arith.constant 0 : index
    %swap3A_435 = tpu.vector_load %arg20[%swap3A_433, %swap3A_434] {strides = array<i32>} : memref<96x128xf32, #tpu.memory_space<vmem>>, vector<1x16xf32>,
    %swap3A_436 = vector.shape_cast %swap3A_435 : vector<1x16xf32> to vector<16xf32>
    %swap3A_437 = vector.shape_cast %broadcast_in_dim3A_0 : vector<16xf32> to vector<1x16xf32>
    tpu.vector_store %arg20[%swap3A_433, %swap3A_434], %swap3A_437 {strides = array<i32>} : memref<96x128xf32, #tpu.memory_space<vmem>>, vector<1x16xf32>,
    %swap3A_438 = arith.constant 9 : i32
    %swap3A_439 = arith.index_cast %swap3A_438 : i32 to index
    %swap3A_440 = arith.constant 16 : index
    %swap3A_441 = tpu.vector_load %arg20[%swap3A_439, %swap3A_440] {strides = array<i32>} : memref<96x128xf32, #tpu.memory_space<vmem>>, vector<1x16xf32>,
    %swap3A_442 = vector.shape_cast %swap3A_441 : vector<1x16xf32> to vector<16xf32>
    %swap3A_443 = vector.shape_cast %broadcast_in_dim3A_0 : vector<16xf32> to vector<1x16xf32>
    tpu.vector_store %arg20[%swap3A_439, %swap3A_440], %swap3A_443 {strides = array<i32>} : memref<96x128xf32, #tpu.memory_space<vmem>>, vector<1x16xf32>,
    %swap3A_444 = arith.constant 9 : i32
    %swap3A_445 = arith.index_cast %swap3A_444 : i32 to index
    %swap3A_446 = arith.constant 32 : index
    %swap3A_447 = tpu.vector_load %arg20[%swap3A_445, %swap3A_446] {strides = array<i32>} : memref<96x128xf32, #tpu.memory_space<vmem>>, vector<1x16xf32>,
    %swap3A_448 = vector.shape_cast %swap3A_447 : vector<1x16xf32> to vector<16xf32>
    %swap3A_449 = vector.shape_cast %broadcast_in_dim3A_0 : vector<16xf32> to vector<1x16xf32>
    tpu.vector_store %arg20[%swap3A_445, %swap3A_446], %swap3A_449 {strides = array<i32>} : memref<96x128xf32, #tpu.memory_space<vmem>>, vector<1x16xf32>,
    %swap3A_450 = arith.constant 9 : i32
    %swap3A_451 = arith.index_cast %swap3A_450 : i32 to index
    %swap3A_452 = arith.constant 48 : index
    %swap3A_453 = tpu.vector_load %arg20[%swap3A_451, %swap3A_452] {strides = array<i32>} : memref<96x128xf32, #tpu.memory_space<vmem>>, vector<1x16xf32>,
    %swap3A_454 = vector.shape_cast %swap3A_453 : vector<1x16xf32> to vector<16xf32>
    %swap3A_455 = vector.shape_cast %broadcast_in_dim3A_0 : vector<16xf32> to vector<1x16xf32>
    tpu.vector_store %arg20[%swap3A_451, %swap3A_452], %swap3A_455 {strides = array<i32>} : memref<96x128xf32, #tpu.memory_space<vmem>>, vector<1x16xf32>,
    %swap3A_456 = arith.constant 9 : i32
    %swap3A_457 = arith.index_cast %swap3A_456 : i32 to index
    %swap3A_458 = arith.constant 64 : index
    %swap3A_459 = tpu.vector_load %arg20[%swap3A_457, %swap3A_458] {strides = array<i32>} : memref<96x128xf32, #tpu.memory_space<vmem>>, vector<1x16xf32>,
    %swap3A_460 = vector.shape_cast %swap3A_459 : vector<1x16xf32> to vector<16xf32>
    %swap3A_461 = vector.shape_cast %broadcast_in_dim3A_0 : vector<16xf32> to vector<1x16xf32>
    tpu.vector_store %arg20[%swap3A_457, %swap3A_458], %swap3A_461 {strides = array<i32>} : memref<96x128xf32, #tpu.memory_space<vmem>>, vector<1x16xf32>,
    %swap3A_462 = arith.constant 9 : i32
    %swap3A_463 = arith.index_cast %swap3A_462 : i32 to index
    %swap3A_464 = arith.constant 80 : index
    %swap3A_465 = tpu.vector_load %arg20[%swap3A_463, %swap3A_464] {strides = array<i32>} : memref<96x128xf32, #tpu.memory_space<vmem>>, vector<1x16xf32>,
    %swap3A_466 = vector.shape_cast %swap3A_465 : vector<1x16xf32> to vector<16xf32>
    %swap3A_467 = vector.shape_cast %broadcast_in_dim3A_0 : vector<16xf32> to vector<1x16xf32>
    tpu.vector_store %arg20[%swap3A_463, %swap3A_464], %swap3A_467 {strides = array<i32>} : memref<96x128xf32, #tpu.memory_space<vmem>>, vector<1x16xf32>,
    %swap3A_468 = arith.constant 9 : i32
    %swap3A_469 = arith.index_cast %swap3A_468 : i32 to index
    %swap3A_470 = arith.constant 96 : index
    %swap3A_471 = tpu.vector_load %arg20[%swap3A_469, %swap3A_470] {strides = array<i32>} : memref<96x128xf32, #tpu.memory_space<vmem>>, vector<1x16xf32>,
    %swap3A_472 = vector.shape_cast %swap3A_471 : vector<1x16xf32> to vector<16xf32>
    %swap3A_473 = vector.shape_cast %broadcast_in_dim3A_0 : vector<16xf32> to vector<1x16xf32>
    tpu.vector_store %arg20[%swap3A_469, %swap3A_470], %swap3A_473 {strides = array<i32>} : memref<96x128xf32, #tpu.memory_space<vmem>>, vector<1x16xf32>,
    %swap3A_474 = arith.constant 9 : i32
    %swap3A_475 = arith.index_cast %swap3A_474 : i32 to index
    %swap3A_476 = arith.constant 112 : index
    %swap3A_477 = tpu.vector_load %arg20[%swap3A_475, %swap3A_476] {strides = array<i32>} : memref<96x128xf32, #tpu.memory_space<vmem>>, vector<1x16xf32>,
    %swap3A_478 = vector.shape_cast %swap3A_477 : vector<1x16xf32> to vector<16xf32>
    %swap3A_479 = vector.shape_cast %broadcast_in_dim3A_0 : vector<16xf32> to vector<1x16xf32>
    tpu.vector_store %arg20[%swap3A_475, %swap3A_476], %swap3A_479 {strides = array<i32>} : memref<96x128xf32, #tpu.memory_space<vmem>>, vector<1x16xf32>,
    %swap3A_480 = arith.constant 10 : i32
    %swap3A_481 = arith.index_cast %swap3A_480 : i32 to index
    %swap3A_482 = arith.constant 0 : index
    %swap3A_483 = tpu.vector_load %arg20[%swap3A_481, %swap3A_482] {strides = array<i32>} : memref<96x128xf32, #tpu.memory_space<vmem>>, vector<1x16xf32>,
    %swap3A_484 = vector.shape_cast %swap3A_483 : vector<1x16xf32> to vector<16xf32>
    %swap3A_485 = vector.shape_cast %broadcast_in_dim3A_0 : vector<16xf32> to vector<1x16xf32>
    tpu.vector_store %arg20[%swap3A_481, %swap3A_482], %swap3A_485 {strides = array<i32>} : memref<96x128xf32, #tpu.memory_space<vmem>>, vector<1x16xf32>,
    %swap3A_486 = arith.constant 10 : i32
    %swap3A_487 = arith.index_cast %swap3A_486 : i32 to index
    %swap3A_488 = arith.constant 16 : index
    %swap3A_489 = tpu.vector_load %arg20[%swap3A_487, %swap3A_488] {strides = array<i32>} : memref<96x128xf32, #tpu.memory_space<vmem>>, vector<1x16xf32>,
    %swap3A_490 = vector.shape_cast %swap3A_489 : vector<1x16xf32> to vector<16xf32>
    %swap3A_491 = vector.shape_cast %broadcast_in_dim3A_0 : vector<16xf32> to vector<1x16xf32>
    tpu.vector_store %arg20[%swap3A_487, %swap3A_488], %swap3A_491 {strides = array<i32>} : memref<96x128xf32, #tpu.memory_space<vmem>>, vector<1x16xf32>,
    %swap3A_492 = arith.constant 10 : i32
    %swap3A_493 = arith.index_cast %swap3A_492 : i32 to index
    %swap3A_494 = arith.constant 32 : index
    %swap3A_495 = tpu.vector_load %arg20[%swap3A_493, %swap3A_494] {strides = array<i32>} : memref<96x128xf32, #tpu.memory_space<vmem>>, vector<1x16xf32>,
    %swap3A_496 = vector.shape_cast %swap3A_495 : vector<1x16xf32> to vector<16xf32>
    %swap3A_497 = vector.shape_cast %broadcast_in_dim3A_0 : vector<16xf32> to vector<1x16xf32>
    tpu.vector_store %arg20[%swap3A_493, %swap3A_494], %swap3A_497 {strides = array<i32>} : memref<96x128xf32, #tpu.memory_space<vmem>>, vector<1x16xf32>,
    %swap3A_498 = arith.constant 10 : i32
    %swap3A_499 = arith.index_cast %swap3A_498 : i32 to index
    %swap3A_500 = arith.constant 48 : index
    %swap3A_501 = tpu.vector_load %arg20[%swap3A_499, %swap3A_500] {strides = array<i32>} : memref<96x128xf32, #tpu.memory_space<vmem>>, vector<1x16xf32>,
    %swap3A_502 = vector.shape_cast %swap3A_501 : vector<1x16xf32> to vector<16xf32>
    %swap3A_503 = vector.shape_cast %broadcast_in_dim3A_0 : vector<16xf32> to vector<1x16xf32>
    tpu.vector_store %arg20[%swap3A_499, %swap3A_500], %swap3A_503 {strides = array<i32>} : memref<96x128xf32, #tpu.memory_space<vmem>>, vector<1x16xf32>,
    %swap3A_504 = arith.constant 10 : i32
    %swap3A_505 = arith.index_cast %swap3A_504 : i32 to index
    %swap3A_506 = arith.constant 64 : index
    %swap3A_507 = tpu.vector_load %arg20[%swap3A_505, %swap3A_506] {strides = array<i32>} : memref<96x128xf32, #tpu.memory_space<vmem>>, vector<1x16xf32>,
    %swap3A_508 = vector.shape_cast %swap3A_507 : vector<1x16xf32> to vector<16xf32>
    %swap3A_509 = vector.shape_cast %broadcast_in_dim3A_0 : vector<16xf32> to vector<1x16xf32>
    tpu.vector_store %arg20[%swap3A_505, %swap3A_506], %swap3A_509 {strides = array<i32>} : memref<96x128xf32, #tpu.memory_space<vmem>>, vector<1x16xf32>,
    %swap3A_510 = arith.constant 10 : i32
    %swap3A_511 = arith.index_cast %swap3A_510 : i32 to index
    %swap3A_512 = arith.constant 80 : index
    %swap3A_513 = tpu.vector_load %arg20[%swap3A_511, %swap3A_512] {strides = array<i32>} : memref<96x128xf32, #tpu.memory_space<vmem>>, vector<1x16xf32>,
    %swap3A_514 = vector.shape_cast %swap3A_513 : vector<1x16xf32> to vector<16xf32>
    %swap3A_515 = vector.shape_cast %broadcast_in_dim3A_0 : vector<16xf32> to vector<1x16xf32>
    tpu.vector_store %arg20[%swap3A_511, %swap3A_512], %swap3A_515 {strides = array<i32>} : memref<96x128xf32, #tpu.memory_space<vmem>>, vector<1x16xf32>,
    %swap3A_516 = arith.constant 10 : i32
    %swap3A_517 = arith.index_cast %swap3A_516 : i32 to index
    %swap3A_518 = arith.constant 96 : index
    %swap3A_519 = tpu.vector_load %arg20[%swap3A_517, %swap3A_518] {strides = array<i32>} : memref<96x128xf32, #tpu.memory_space<vmem>>, vector<1x16xf32>,
    %swap3A_520 = vector.shape_cast %swap3A_519 : vector<1x16xf32> to vector<16xf32>
    %swap3A_521 = vector.shape_cast %broadcast_in_dim3A_0 : vector<16xf32> to vector<1x16xf32>
    tpu.vector_store %arg20[%swap3A_517, %swap3A_518], %swap3A_521 {strides = array<i32>} : memref<96x128xf32, #tpu.memory_space<vmem>>, vector<1x16xf32>,
    %swap3A_522 = arith.constant 10 : i32
    %swap3A_523 = arith.index_cast %swap3A_522 : i32 to index
    %swap3A_524 = arith.constant 112 : index
    %swap3A_525 = tpu.vector_load %arg20[%swap3A_523, %swap3A_524] {strides = array<i32>} : memref<96x128xf32, #tpu.memory_space<vmem>>, vector<1x16xf32>,
    %swap3A_526 = vector.shape_cast %swap3A_525 : vector<1x16xf32> to vector<16xf32>
    %swap3A_527 = vector.shape_cast %broadcast_in_dim3A_0 : vector<16xf32> to vector<1x16xf32>
    tpu.vector_store %arg20[%swap3A_523, %swap3A_524], %swap3A_527 {strides = array<i32>} : memref<96x128xf32, #tpu.memory_space<vmem>>, vector<1x16xf32>,
    %swap3A_528 = arith.constant 11 : i32
    %swap3A_529 = arith.index_cast %swap3A_528 : i32 to index
    %swap3A_530 = arith.constant 0 : index
    %swap3A_531 = tpu.vector_load %arg20[%swap3A_529, %swap3A_530] {strides = array<i32>} : memref<96x128xf32, #tpu.memory_space<vmem>>, vector<1x16xf32>,
    %swap3A_532 = vector.shape_cast %swap3A_531 : vector<1x16xf32> to vector<16xf32>
    %swap3A_533 = vector.shape_cast %broadcast_in_dim3A_0 : vector<16xf32> to vector<1x16xf32>
    tpu.vector_store %arg20[%swap3A_529, %swap3A_530], %swap3A_533 {strides = array<i32>} : memref<96x128xf32, #tpu.memory_space<vmem>>, vector<1x16xf32>,
    %swap3A_534 = arith.constant 11 : i32
    %swap3A_535 = arith.index_cast %swap3A_534 : i32 to index
    %swap3A_536 = arith.constant 16 : index
    %swap3A_537 = tpu.vector_load %arg20[%swap3A_535, %swap3A_536] {strides = array<i32>} : memref<96x128xf32, #tpu.memory_space<vmem>>, vector<1x16xf32>,
    %swap3A_538 = vector.shape_cast %swap3A_537 : vector<1x16xf32> to vector<16xf32>
    %swap3A_539 = vector.shape_cast %broadcast_in_dim3A_0 : vector<16xf32> to vector<1x16xf32>
    tpu.vector_store %arg20[%swap3A_535, %swap3A_536], %swap3A_539 {strides = array<i32>} : memref<96x128xf32, #tpu.memory_space<vmem>>, vector<1x16xf32>,
    %swap3A_540 = arith.constant 11 : i32
    %swap3A_541 = arith.index_cast %swap3A_540 : i32 to index
    %swap3A_542 = arith.constant 32 : index
    %swap3A_543 = tpu.vector_load %arg20[%swap3A_541, %swap3A_542] {strides = array<i32>} : memref<96x128xf32, #tpu.memory_space<vmem>>, vector<1x16xf32>,
    %swap3A_544 = vector.shape_cast %swap3A_543 : vector<1x16xf32> to vector<16xf32>
    %swap3A_545 = vector.shape_cast %broadcast_in_dim3A_0 : vector<16xf32> to vector<1x16xf32>
    tpu.vector_store %arg20[%swap3A_541, %swap3A_542], %swap3A_545 {strides = array<i32>} : memref<96x128xf32, #tpu.memory_space<vmem>>, vector<1x16xf32>,
    %swap3A_546 = arith.constant 11 : i32
    %swap3A_547 = arith.index_cast %swap3A_546 : i32 to index
    %swap3A_548 = arith.constant 48 : index
    %swap3A_549 = tpu.vector_load %arg20[%swap3A_547, %swap3A_548] {strides = array<i32>} : memref<96x128xf32, #tpu.memory_space<vmem>>, vector<1x16xf32>,
    %swap3A_550 = vector.shape_cast %swap3A_549 : vector<1x16xf32> to vector<16xf32>
    %swap3A_551 = vector.shape_cast %broadcast_in_dim3A_0 : vector<16xf32> to vector<1x16xf32>
    tpu.vector_store %arg20[%swap3A_547, %swap3A_548], %swap3A_551 {strides = array<i32>} : memref<96x128xf32, #tpu.memory_space<vmem>>, vector<1x16xf32>,
    %swap3A_552 = arith.constant 11 : i32
    %swap3A_553 = arith.index_cast %swap3A_552 : i32 to index
    %swap3A_554 = arith.constant 64 : index
    %swap3A_555 = tpu.vector_load %arg20[%swap3A_553, %swap3A_554] {strides = array<i32>} : memref<96x128xf32, #tpu.memory_space<vmem>>, vector<1x16xf32>,
    %swap3A_556 = vector.shape_cast %swap3A_555 : vector<1x16xf32> to vector<16xf32>
    %swap3A_557 = vector.shape_cast %broadcast_in_dim3A_0 : vector<16xf32> to vector<1x16xf32>
    tpu.vector_store %arg20[%swap3A_553, %swap3A_554], %swap3A_557 {strides = array<i32>} : memref<96x128xf32, #tpu.memory_space<vmem>>, vector<1x16xf32>,
    %swap3A_558 = arith.constant 11 : i32
    %swap3A_559 = arith.index_cast %swap3A_558 : i32 to index
    %swap3A_560 = arith.constant 80 : index
    %swap3A_561 = tpu.vector_load %arg20[%swap3A_559, %swap3A_560] {strides = array<i32>} : memref<96x128xf32, #tpu.memory_space<vmem>>, vector<1x16xf32>,
    %swap3A_562 = vector.shape_cast %swap3A_561 : vector<1x16xf32> to vector<16xf32>
    %swap3A_563 = vector.shape_cast %broadcast_in_dim3A_0 : vector<16xf32> to vector<1x16xf32>
    tpu.vector_store %arg20[%swap3A_559, %swap3A_560], %swap3A_563 {strides = array<i32>} : memref<96x128xf32, #tpu.memory_space<vmem>>, vector<1x16xf32>,
    %swap3A_564 = arith.constant 11 : i32
    %swap3A_565 = arith.index_cast %swap3A_564 : i32 to index
    %swap3A_566 = arith.constant 96 : index
    %swap3A_567 = tpu.vector_load %arg20[%swap3A_565, %swap3A_566] {strides = array<i32>} : memref<96x128xf32, #tpu.memory_space<vmem>>, vector<1x16xf32>,
    %swap3A_568 = vector.shape_cast %swap3A_567 : vector<1x16xf32> to vector<16xf32>
    %swap3A_569 = vector.shape_cast %broadcast_in_dim3A_0 : vector<16xf32> to vector<1x16xf32>
    tpu.vector_store %arg20[%swap3A_565, %swap3A_566], %swap3A_569 {strides = array<i32>} : memref<96x128xf32, #tpu.memory_space<vmem>>, vector<1x16xf32>,
    %swap3A_570 = arith.constant 11 : i32
    %swap3A_571 = arith.index_cast %swap3A_570 : i32 to index
    %swap3A_572 = arith.constant 112 : index
    %swap3A_573 = tpu.vector_load %arg20[%swap3A_571, %swap3A_572] {strides = array<i32>} : memref<96x128xf32, #tpu.memory_space<vmem>>, vector<1x16xf32>,
    %swap3A_574 = vector.shape_cast %swap3A_573 : vector<1x16xf32> to vector<16xf32>
    %swap3A_575 = vector.shape_cast %broadcast_in_dim3A_0 : vector<16xf32> to vector<1x16xf32>
    tpu.vector_store %arg20[%swap3A_571, %swap3A_572], %swap3A_575 {strides = array<i32>} : memref<96x128xf32, #tpu.memory_space<vmem>>, vector<1x16xf32>,
    %swap3A_576 = arith.constant 12 : i32
    %swap3A_577 = arith.index_cast %swap3A_576 : i32 to index
    %swap3A_578 = arith.constant 0 : index
    %swap3A_579 = tpu.vector_load %arg20[%swap3A_577, %swap3A_578] {strides = array<i32>} : memref<96x128xf32, #tpu.memory_space<vmem>>, vector<1x16xf32>,
    %swap3A_580 = vector.shape_cast %swap3A_579 : vector<1x16xf32> to vector<16xf32>
    %swap3A_581 = vector.shape_cast %broadcast_in_dim3A_0 : vector<16xf32> to vector<1x16xf32>
    tpu.vector_store %arg20[%swap3A_577, %swap3A_578], %swap3A_581 {strides = array<i32>} : memref<96x128xf32, #tpu.memory_space<vmem>>, vector<1x16xf32>,
    %swap3A_582 = arith.constant 12 : i32
    %swap3A_583 = arith.index_cast %swap3A_582 : i32 to index
    %swap3A_584 = arith.constant 16 : index
    %swap3A_585 = tpu.vector_load %arg20[%swap3A_583, %swap3A_584] {strides = array<i32>} : memref<96x128xf32, #tpu.memory_space<vmem>>, vector<1x16xf32>,
    %swap3A_586 = vector.shape_cast %swap3A_585 : vector<1x16xf32> to vector<16xf32>
    %swap3A_587 = vector.shape_cast %broadcast_in_dim3A_0 : vector<16xf32> to vector<1x16xf32>
    tpu.vector_store %arg20[%swap3A_583, %swap3A_584], %swap3A_587 {strides = array<i32>} : memref<96x128xf32, #tpu.memory_space<vmem>>, vector<1x16xf32>,
    %swap3A_588 = arith.constant 12 : i32
    %swap3A_589 = arith.index_cast %swap3A_588 : i32 to index
    %swap3A_590 = arith.constant 32 : index
    %swap3A_591 = tpu.vector_load %arg20[%swap3A_589, %swap3A_590] {strides = array<i32>} : memref<96x128xf32, #tpu.memory_space<vmem>>, vector<1x16xf32>,
    %swap3A_592 = vector.shape_cast %swap3A_591 : vector<1x16xf32> to vector<16xf32>
    %swap3A_593 = vector.shape_cast %broadcast_in_dim3A_0 : vector<16xf32> to vector<1x16xf32>
    tpu.vector_store %arg20[%swap3A_589, %swap3A_590], %swap3A_593 {strides = array<i32>} : memref<96x128xf32, #tpu.memory_space<vmem>>, vector<1x16xf32>,
    %swap3A_594 = arith.constant 12 : i32
    %swap3A_595 = arith.index_cast %swap3A_594 : i32 to index
    %swap3A_596 = arith.constant 48 : index
    %swap3A_597 = tpu.vector_load %arg20[%swap3A_595, %swap3A_596] {strides = array<i32>} : memref<96x128xf32, #tpu.memory_space<vmem>>, vector<1x16xf32>,
    %swap3A_598 = vector.shape_cast %swap3A_597 : vector<1x16xf32> to vector<16xf32>
    %swap3A_599 = vector.shape_cast %broadcast_in_dim3A_0 : vector<16xf32> to vector<1x16xf32>
    tpu.vector_store %arg20[%swap3A_595, %swap3A_596], %swap3A_599 {strides = array<i32>} : memref<96x128xf32, #tpu.memory_space<vmem>>, vector<1x16xf32>,
    %swap3A_600 = arith.constant 12 : i32
    %swap3A_601 = arith.index_cast %swap3A_600 : i32 to index
    %swap3A_602 = arith.constant 64 : index
    %swap3A_603 = tpu.vector_load %arg20[%swap3A_601, %swap3A_602] {strides = array<i32>} : memref<96x128xf32, #tpu.memory_space<vmem>>, vector<1x16xf32>,
    %swap3A_604 = vector.shape_cast %swap3A_603 : vector<1x16xf32> to vector<16xf32>
    %swap3A_605 = vector.shape_cast %broadcast_in_dim3A_0 : vector<16xf32> to vector<1x16xf32>
    tpu.vector_store %arg20[%swap3A_601, %swap3A_602], %swap3A_605 {strides = array<i32>} : memref<96x128xf32, #tpu.memory_space<vmem>>, vector<1x16xf32>,
    %swap3A_606 = arith.constant 12 : i32
    %swap3A_607 = arith.index_cast %swap3A_606 : i32 to index
    %swap3A_608 = arith.constant 80 : index
    %swap3A_609 = tpu.vector_load %arg20[%swap3A_607, %swap3A_608] {strides = array<i32>} : memref<96x128xf32, #tpu.memory_space<vmem>>, vector<1x16xf32>,
    %swap3A_610 = vector.shape_cast %swap3A_609 : vector<1x16xf32> to vector<16xf32>
    %swap3A_611 = vector.shape_cast %broadcast_in_dim3A_0 : vector<16xf32> to vector<1x16xf32>
    tpu.vector_store %arg20[%swap3A_607, %swap3A_608], %swap3A_611 {strides = array<i32>} : memref<96x128xf32, #tpu.memory_space<vmem>>, vector<1x16xf32>,
    %swap3A_612 = arith.constant 12 : i32
    %swap3A_613 = arith.index_cast %swap3A_612 : i32 to index
    %swap3A_614 = arith.constant 96 : index
    %swap3A_615 = tpu.vector_load %arg20[%swap3A_613, %swap3A_614] {strides = array<i32>} : memref<96x128xf32, #tpu.memory_space<vmem>>, vector<1x16xf32>,
    %swap3A_616 = vector.shape_cast %swap3A_615 : vector<1x16xf32> to vector<16xf32>
    %swap3A_617 = vector.shape_cast %broadcast_in_dim3A_0 : vector<16xf32> to vector<1x16xf32>
    tpu.vector_store %arg20[%swap3A_613, %swap3A_614], %swap3A_617 {strides = array<i32>} : memref<96x128xf32, #tpu.memory_space<vmem>>, vector<1x16xf32>,
    %swap3A_618 = arith.constant 12 : i32
    %swap3A_619 = arith.index_cast %swap3A_618 : i32 to index
    %swap3A_620 = arith.constant 112 : index
    %swap3A_621 = tpu.vector_load %arg20[%swap3A_619, %swap3A_620] {strides = array<i32>} : memref<96x128xf32, #tpu.memory_space<vmem>>, vector<1x16xf32>,
    %swap3A_622 = vector.shape_cast %swap3A_621 : vector<1x16xf32> to vector<16xf32>
    %swap3A_623 = vector.shape_cast %broadcast_in_dim3A_0 : vector<16xf32> to vector<1x16xf32>
    tpu.vector_store %arg20[%swap3A_619, %swap3A_620], %swap3A_623 {strides = array<i32>} : memref<96x128xf32, #tpu.memory_space<vmem>>, vector<1x16xf32>,
    %swap3A_624 = arith.constant 13 : i32
    %swap3A_625 = arith.index_cast %swap3A_624 : i32 to index
    %swap3A_626 = arith.constant 0 : index
    %swap3A_627 = tpu.vector_load %arg20[%swap3A_625, %swap3A_626] {strides = array<i32>} : memref<96x128xf32, #tpu.memory_space<vmem>>, vector<1x16xf32>,
    %swap3A_628 = vector.shape_cast %swap3A_627 : vector<1x16xf32> to vector<16xf32>
    %swap3A_629 = vector.shape_cast %broadcast_in_dim3A_0 : vector<16xf32> to vector<1x16xf32>
    tpu.vector_store %arg20[%swap3A_625, %swap3A_626], %swap3A_629 {strides = array<i32>} : memref<96x128xf32, #tpu.memory_space<vmem>>, vector<1x16xf32>,
    %swap3A_630 = arith.constant 13 : i32
    %swap3A_631 = arith.index_cast %swap3A_630 : i32 to index
    %swap3A_632 = arith.constant 16 : index
    %swap3A_633 = tpu.vector_load %arg20[%swap3A_631, %swap3A_632] {strides = array<i32>} : memref<96x128xf32, #tpu.memory_space<vmem>>, vector<1x16xf32>,
    %swap3A_634 = vector.shape_cast %swap3A_633 : vector<1x16xf32> to vector<16xf32>
    %swap3A_635 = vector.shape_cast %broadcast_in_dim3A_0 : vector<16xf32> to vector<1x16xf32>
    tpu.vector_store %arg20[%swap3A_631, %swap3A_632], %swap3A_635 {strides = array<i32>} : memref<96x128xf32, #tpu.memory_space<vmem>>, vector<1x16xf32>,
    %swap3A_636 = arith.constant 13 : i32
    %swap3A_637 = arith.index_cast %swap3A_636 : i32 to index
    %swap3A_638 = arith.constant 32 : index
    %swap3A_639 = tpu.vector_load %arg20[%swap3A_637, %swap3A_638] {strides = array<i32>} : memref<96x128xf32, #tpu.memory_space<vmem>>, vector<1x16xf32>,
    %swap3A_640 = vector.shape_cast %swap3A_639 : vector<1x16xf32> to vector<16xf32>
    %swap3A_641 = vector.shape_cast %broadcast_in_dim3A_0 : vector<16xf32> to vector<1x16xf32>
    tpu.vector_store %arg20[%swap3A_637, %swap3A_638], %swap3A_641 {strides = array<i32>} : memref<96x128xf32, #tpu.memory_space<vmem>>, vector<1x16xf32>,
    %swap3A_642 = arith.constant 13 : i32
    %swap3A_643 = arith.index_cast %swap3A_642 : i32 to index
    %swap3A_644 = arith.constant 48 : index
    %swap3A_645 = tpu.vector_load %arg20[%swap3A_643, %swap3A_644] {strides = array<i32>} : memref<96x128xf32, #tpu.memory_space<vmem>>, vector<1x16xf32>,
    %swap3A_646 = vector.shape_cast %swap3A_645 : vector<1x16xf32> to vector<16xf32>
    %swap3A_647 = vector.shape_cast %broadcast_in_dim3A_0 : vector<16xf32> to vector<1x16xf32>
    tpu.vector_store %arg20[%swap3A_643, %swap3A_644], %swap3A_647 {strides = array<i32>} : memref<96x128xf32, #tpu.memory_space<vmem>>, vector<1x16xf32>,
    %swap3A_648 = arith.constant 13 : i32
    %swap3A_649 = arith.index_cast %swap3A_648 : i32 to index
    %swap3A_650 = arith.constant 64 : index
    %swap3A_651 = tpu.vector_load %arg20[%swap3A_649, %swap3A_650] {strides = array<i32>} : memref<96x128xf32, #tpu.memory_space<vmem>>, vector<1x16xf32>,
    %swap3A_652 = vector.shape_cast %swap3A_651 : vector<1x16xf32> to vector<16xf32>
    %swap3A_653 = vector.shape_cast %broadcast_in_dim3A_0 : vector<16xf32> to vector<1x16xf32>
    tpu.vector_store %arg20[%swap3A_649, %swap3A_650], %swap3A_653 {strides = array<i32>} : memref<96x128xf32, #tpu.memory_space<vmem>>, vector<1x16xf32>,
    %swap3A_654 = arith.constant 13 : i32
    %swap3A_655 = arith.index_cast %swap3A_654 : i32 to index
    %swap3A_656 = arith.constant 80 : index
    %swap3A_657 = tpu.vector_load %arg20[%swap3A_655, %swap3A_656] {strides = array<i32>} : memref<96x128xf32, #tpu.memory_space<vmem>>, vector<1x16xf32>,
    %swap3A_658 = vector.shape_cast %swap3A_657 : vector<1x16xf32> to vector<16xf32>
    %swap3A_659 = vector.shape_cast %broadcast_in_dim3A_0 : vector<16xf32> to vector<1x16xf32>
    tpu.vector_store %arg20[%swap3A_655, %swap3A_656], %swap3A_659 {strides = array<i32>} : memref<96x128xf32, #tpu.memory_space<vmem>>, vector<1x16xf32>,
    %swap3A_660 = arith.constant 13 : i32
    %swap3A_661 = arith.index_cast %swap3A_660 : i32 to index
    %swap3A_662 = arith.constant 96 : index
    %swap3A_663 = tpu.vector_load %arg20[%swap3A_661, %swap3A_662] {strides = array<i32>} : memref<96x128xf32, #tpu.memory_space<vmem>>, vector<1x16xf32>,
    %swap3A_664 = vector.shape_cast %swap3A_663 : vector<1x16xf32> to vector<16xf32>
    %swap3A_665 = vector.shape_cast %broadcast_in_dim3A_0 : vector<16xf32> to vector<1x16xf32>
    tpu.vector_store %arg20[%swap3A_661, %swap3A_662], %swap3A_665 {strides = array<i32>} : memref<96x128xf32, #tpu.memory_space<vmem>>, vector<1x16xf32>,
    %swap3A_666 = arith.constant 13 : i32
    %swap3A_667 = arith.index_cast %swap3A_666 : i32 to index
    %swap3A_668 = arith.constant 112 : index
    %swap3A_669 = tpu.vector_load %arg20[%swap3A_667, %swap3A_668] {strides = array<i32>} : memref<96x128xf32, #tpu.memory_space<vmem>>, vector<1x16xf32>,
    %swap3A_670 = vector.shape_cast %swap3A_669 : vector<1x16xf32> to vector<16xf32>
    %swap3A_671 = vector.shape_cast %broadcast_in_dim3A_0 : vector<16xf32> to vector<1x16xf32>
    tpu.vector_store %arg20[%swap3A_667, %swap3A_668], %swap3A_671 {strides = array<i32>} : memref<96x128xf32, #tpu.memory_space<vmem>>, vector<1x16xf32>,
    %swap3A_672 = arith.constant 14 : i32
    %swap3A_673 = arith.index_cast %swap3A_672 : i32 to index
    %swap3A_674 = arith.constant 0 : index
    %swap3A_675 = tpu.vector_load %arg20[%swap3A_673, %swap3A_674] {strides = array<i32>} : memref<96x128xf32, #tpu.memory_space<vmem>>, vector<1x16xf32>,
    %swap3A_676 = vector.shape_cast %swap3A_675 : vector<1x16xf32> to vector<16xf32>
    %swap3A_677 = vector.shape_cast %broadcast_in_dim3A_0 : vector<16xf32> to vector<1x16xf32>
    tpu.vector_store %arg20[%swap3A_673, %swap3A_674], %swap3A_677 {strides = array<i32>} : memref<96x128xf32, #tpu.memory_space<vmem>>, vector<1x16xf32>,
    %swap3A_678 = arith.constant 14 : i32
    %swap3A_679 = arith.index_cast %swap3A_678 : i32 to index
    %swap3A_680 = arith.constant 16 : index
    %swap3A_681 = tpu.vector_load %arg20[%swap3A_679, %swap3A_680] {strides = array<i32>} : memref<96x128xf32, #tpu.memory_space<vmem>>, vector<1x16xf32>,
    %swap3A_682 = vector.shape_cast %swap3A_681 : vector<1x16xf32> to vector<16xf32>
    %swap3A_683 = vector.shape_cast %broadcast_in_dim3A_0 : vector<16xf32> to vector<1x16xf32>
    tpu.vector_store %arg20[%swap3A_679, %swap3A_680], %swap3A_683 {strides = array<i32>} : memref<96x128xf32, #tpu.memory_space<vmem>>, vector<1x16xf32>,
    %swap3A_684 = arith.constant 14 : i32
    %swap3A_685 = arith.index_cast %swap3A_684 : i32 to index
    %swap3A_686 = arith.constant 32 : index
    %swap3A_687 = tpu.vector_load %arg20[%swap3A_685, %swap3A_686] {strides = array<i32>} : memref<96x128xf32, #tpu.memory_space<vmem>>, vector<1x16xf32>,
    %swap3A_688 = vector.shape_cast %swap3A_687 : vector<1x16xf32> to vector<16xf32>
    %swap3A_689 = vector.shape_cast %broadcast_in_dim3A_0 : vector<16xf32> to vector<1x16xf32>
    tpu.vector_store %arg20[%swap3A_685, %swap3A_686], %swap3A_689 {strides = array<i32>} : memref<96x128xf32, #tpu.memory_space<vmem>>, vector<1x16xf32>,
    %swap3A_690 = arith.constant 14 : i32
    %swap3A_691 = arith.index_cast %swap3A_690 : i32 to index
    %swap3A_692 = arith.constant 48 : index
    %swap3A_693 = tpu.vector_load %arg20[%swap3A_691, %swap3A_692] {strides = array<i32>} : memref<96x128xf32, #tpu.memory_space<vmem>>, vector<1x16xf32>,
    %swap3A_694 = vector.shape_cast %swap3A_693 : vector<1x16xf32> to vector<16xf32>
    %swap3A_695 = vector.shape_cast %broadcast_in_dim3A_0 : vector<16xf32> to vector<1x16xf32>
    tpu.vector_store %arg20[%swap3A_691, %swap3A_692], %swap3A_695 {strides = array<i32>} : memref<96x128xf32, #tpu.memory_space<vmem>>, vector<1x16xf32>,
    %swap3A_696 = arith.constant 14 : i32
    %swap3A_697 = arith.index_cast %swap3A_696 : i32 to index
    %swap3A_698 = arith.constant 64 : index
    %swap3A_699 = tpu.vector_load %arg20[%swap3A_697, %swap3A_698] {strides = array<i32>} : memref<96x128xf32, #tpu.memory_space<vmem>>, vector<1x16xf32>,
    %swap3A_700 = vector.shape_cast %swap3A_699 : vector<1x16xf32> to vector<16xf32>
    %swap3A_701 = vector.shape_cast %broadcast_in_dim3A_0 : vector<16xf32> to vector<1x16xf32>
    tpu.vector_store %arg20[%swap3A_697, %swap3A_698], %swap3A_701 {strides = array<i32>} : memref<96x128xf32, #tpu.memory_space<vmem>>, vector<1x16xf32>,
    %swap3A_702 = arith.constant 14 : i32
    %swap3A_703 = arith.index_cast %swap3A_702 : i32 to index
    %swap3A_704 = arith.constant 80 : index
    %swap3A_705 = tpu.vector_load %arg20[%swap3A_703, %swap3A_704] {strides = array<i32>} : memref<96x128xf32, #tpu.memory_space<vmem>>, vector<1x16xf32>,
    %swap3A_706 = vector.shape_cast %swap3A_705 : vector<1x16xf32> to vector<16xf32>
    %swap3A_707 = vector.shape_cast %broadcast_in_dim3A_0 : vector<16xf32> to vector<1x16xf32>
    tpu.vector_store %arg20[%swap3A_703, %swap3A_704], %swap3A_707 {strides = array<i32>} : memref<96x128xf32, #tpu.memory_space<vmem>>, vector<1x16xf32>,
    %swap3A_708 = arith.constant 14 : i32
    %swap3A_709 = arith.index_cast %swap3A_708 : i32 to index
    %swap3A_710 = arith.constant 96 : index
    %swap3A_711 = tpu.vector_load %arg20[%swap3A_709, %swap3A_710] {strides = array<i32>} : memref<96x128xf32, #tpu.memory_space<vmem>>, vector<1x16xf32>,
    %swap3A_712 = vector.shape_cast %swap3A_711 : vector<1x16xf32> to vector<16xf32>
    %swap3A_713 = vector.shape_cast %broadcast_in_dim3A_0 : vector<16xf32> to vector<1x16xf32>
    tpu.vector_store %arg20[%swap3A_709, %swap3A_710], %swap3A_713 {strides = array<i32>} : memref<96x128xf32, #tpu.memory_space<vmem>>, vector<1x16xf32>,
    %swap3A_714 = arith.constant 14 : i32
    %swap3A_715 = arith.index_cast %swap3A_714 : i32 to index
    %swap3A_716 = arith.constant 112 : index
    %swap3A_717 = tpu.vector_load %arg20[%swap3A_715, %swap3A_716] {strides = array<i32>} : memref<96x128xf32, #tpu.memory_space<vmem>>, vector<1x16xf32>,
    %swap3A_718 = vector.shape_cast %swap3A_717 : vector<1x16xf32> to vector<16xf32>
    %swap3A_719 = vector.shape_cast %broadcast_in_dim3A_0 : vector<16xf32> to vector<1x16xf32>
    tpu.vector_store %arg20[%swap3A_715, %swap3A_716], %swap3A_719 {strides = array<i32>} : memref<96x128xf32, #tpu.memory_space<vmem>>, vector<1x16xf32>,
    %swap3A_720 = arith.constant 15 : i32
    %swap3A_721 = arith.index_cast %swap3A_720 : i32 to index
    %swap3A_722 = arith.constant 0 : index
    %swap3A_723 = tpu.vector_load %arg20[%swap3A_721, %swap3A_722] {strides = array<i32>} : memref<96x128xf32, #tpu.memory_space<vmem>>, vector<1x16xf32>,
    %swap3A_724 = vector.shape_cast %swap3A_723 : vector<1x16xf32> to vector<16xf32>
    %swap3A_725 = vector.shape_cast %broadcast_in_dim3A_0 : vector<16xf32> to vector<1x16xf32>
    tpu.vector_store %arg20[%swap3A_721, %swap3A_722], %swap3A_725 {strides = array<i32>} : memref<96x128xf32, #tpu.memory_space<vmem>>, vector<1x16xf32>,
    %swap3A_726 = arith.constant 15 : i32
    %swap3A_727 = arith.index_cast %swap3A_726 : i32 to index
    %swap3A_728 = arith.constant 16 : index
    %swap3A_729 = tpu.vector_load %arg20[%swap3A_727, %swap3A_728] {strides = array<i32>} : memref<96x128xf32, #tpu.memory_space<vmem>>, vector<1x16xf32>,
    %swap3A_730 = vector.shape_cast %swap3A_729 : vector<1x16xf32> to vector<16xf32>
    %swap3A_731 = vector.shape_cast %broadcast_in_dim3A_0 : vector<16xf32> to vector<1x16xf32>
    tpu.vector_store %arg20[%swap3A_727, %swap3A_728], %swap3A_731 {strides = array<i32>} : memref<96x128xf32, #tpu.memory_space<vmem>>, vector<1x16xf32>,
    %swap3A_732 = arith.constant 15 : i32
    %swap3A_733 = arith.index_cast %swap3A_732 : i32 to index
    %swap3A_734 = arith.constant 32 : index
    %swap3A_735 = tpu.vector_load %arg20[%swap3A_733, %swap3A_734] {strides = array<i32>} : memref<96x128xf32, #tpu.memory_space<vmem>>, vector<1x16xf32>,
    %swap3A_736 = vector.shape_cast %swap3A_735 : vector<1x16xf32> to vector<16xf32>
    %swap3A_737 = vector.shape_cast %broadcast_in_dim3A_0 : vector<16xf32> to vector<1x16xf32>
    tpu.vector_store %arg20[%swap3A_733, %swap3A_734], %swap3A_737 {strides = array<i32>} : memref<96x128xf32, #tpu.memory_space<vmem>>, vector<1x16xf32>,
    %swap3A_738 = arith.constant 15 : i32
    %swap3A_739 = arith.index_cast %swap3A_738 : i32 to index
    %swap3A_740 = arith.constant 48 : index
    %swap3A_741 = tpu.vector_load %arg20[%swap3A_739, %swap3A_740] {strides = array<i32>} : memref<96x128xf32, #tpu.memory_space<vmem>>, vector<1x16xf32>,
    %swap3A_742 = vector.shape_cast %swap3A_741 : vector<1x16xf32> to vector<16xf32>
    %swap3A_743 = vector.shape_cast %broadcast_in_dim3A_0 : vector<16xf32> to vector<1x16xf32>
    tpu.vector_store %arg20[%swap3A_739, %swap3A_740], %swap3A_743 {strides = array<i32>} : memref<96x128xf32, #tpu.memory_space<vmem>>, vector<1x16xf32>,
    %swap3A_744 = arith.constant 15 : i32
    %swap3A_745 = arith.index_cast %swap3A_744 : i32 to index
    %swap3A_746 = arith.constant 64 : index
    %swap3A_747 = tpu.vector_load %arg20[%swap3A_745, %swap3A_746] {strides = array<i32>} : memref<96x128xf32, #tpu.memory_space<vmem>>, vector<1x16xf32>,
    %swap3A_748 = vector.shape_cast %swap3A_747 : vector<1x16xf32> to vector<16xf32>
    %swap3A_749 = vector.shape_cast %broadcast_in_dim3A_0 : vector<16xf32> to vector<1x16xf32>
    tpu.vector_store %arg20[%swap3A_745, %swap3A_746], %swap3A_749 {strides = array<i32>} : memref<96x128xf32, #tpu.memory_space<vmem>>, vector<1x16xf32>,
    %swap3A_750 = arith.constant 15 : i32
    %swap3A_751 = arith.index_cast %swap3A_750 : i32 to index
    %swap3A_752 = arith.constant 80 : index
    %swap3A_753 = tpu.vector_load %arg20[%swap3A_751, %swap3A_752] {strides = array<i32>} : memref<96x128xf32, #tpu.memory_space<vmem>>, vector<1x16xf32>,
    %swap3A_754 = vector.shape_cast %swap3A_753 : vector<1x16xf32> to vector<16xf32>
    %swap3A_755 = vector.shape_cast %broadcast_in_dim3A_0 : vector<16xf32> to vector<1x16xf32>
    tpu.vector_store %arg20[%swap3A_751, %swap3A_752], %swap3A_755 {strides = array<i32>} : memref<96x128xf32, #tpu.memory_space<vmem>>, vector<1x16xf32>,
    %swap3A_756 = arith.constant 15 : i32
    %swap3A_757 = arith.index_cast %swap3A_756 : i32 to index
    %swap3A_758 = arith.constant 96 : index
    %swap3A_759 = tpu.vector_load %arg20[%swap3A_757, %swap3A_758] {strides = array<i32>} : memref<96x128xf32, #tpu.memory_space<vmem>>, vector<1x16xf32>,
    %swap3A_760 = vector.shape_cast %swap3A_759 : vector<1x16xf32> to vector<16xf32>
    %swap3A_761 = vector.shape_cast %broadcast_in_dim3A_0 : vector<16xf32> to vector<1x16xf32>
    tpu.vector_store %arg20[%swap3A_757, %swap3A_758], %swap3A_761 {strides = array<i32>} : memref<96x128xf32, #tpu.memory_space<vmem>>, vector<1x16xf32>,
    %swap3A_762 = arith.constant 15 : i32
    %swap3A_763 = arith.index_cast %swap3A_762 : i32 to index
    %swap3A_764 = arith.constant 112 : index
    %swap3A_765 = tpu.vector_load %arg20[%swap3A_763, %swap3A_764] {strides = array<i32>} : memref<96x128xf32, #tpu.memory_space<vmem>>, vector<1x16xf32>,
    %swap3A_766 = vector.shape_cast %swap3A_765 : vector<1x16xf32> to vector<16xf32>
    %swap3A_767 = vector.shape_cast %broadcast_in_dim3A_0 : vector<16xf32> to vector<1x16xf32>
    tpu.vector_store %arg20[%swap3A_763, %swap3A_764], %swap3A_767 {strides = array<i32>} : memref<96x128xf32, #tpu.memory_space<vmem>>, vector<1x16xf32>,
    %mul3A = arith.constant 20000 : i32
    %mul3A_768 = arith.muli %arg1, %mul3A : i32
    %add3A = arith.constant 0 : i32
    %add3A_769 = arith.addi %mul3A_768, %add3A : i32
    %dma_start3A = tpu.memref_slice %arg4[%add3A_769] : memref<320000xi32, #tpu.memory_space<hbm>> -> memref<96xi32, #tpu.memory_space<hbm>>
    %dma_start3A_770 = tpu.memref_slice %arg4[%add3A_769] : memref<320000xi32, #tpu.memory_space<hbm>> -> memref<96xi32, #tpu.memory_space<hbm>>
    tpu.enqueue_dma source(%dma_start3A_770 : memref<96xi32, #tpu.memory_space<hbm>>) target(%arg9 : memref<96xi32, #tpu.memory_space<vmem>>) target_semaphore(%arg23 : memref<!tpu.dma_semaphore, #tpu.memory_space<semaphore_mem>>)
    %add3A_771 = arith.constant 0 : i32
    %add3A_772 = arith.addi %mul3A_768, %add3A_771 : i32
    %dma_start3A_773 = tpu.memref_slice %arg5[%add3A_772] : memref<320000xi32, #tpu.memory_space<hbm>> -> memref<96xi32, #tpu.memory_space<hbm>>
    %dma_start3A_774 = tpu.memref_slice %arg5[%add3A_772] : memref<320000xi32, #tpu.memory_space<hbm>> -> memref<96xi32, #tpu.memory_space<hbm>>
    tpu.enqueue_dma source(%dma_start3A_774 : memref<96xi32, #tpu.memory_space<hbm>>) target(%arg13 : memref<96xi32, #tpu.memory_space<vmem>>) target_semaphore(%arg23 : memref<!tpu.dma_semaphore, #tpu.memory_space<semaphore_mem>>)
    %add3A_775 = arith.constant 96 : i32
    %add3A_776 = arith.addi %mul3A_768, %add3A_775 : i32
    %dma_start3A_777 = tpu.memref_slice %arg4[%add3A_776] : memref<320000xi32, #tpu.memory_space<hbm>> -> memref<96xi32, #tpu.memory_space<hbm>>
    %dma_start3A_778 = tpu.memref_slice %arg4[%add3A_776] : memref<320000xi32, #tpu.memory_space<hbm>> -> memref<96xi32, #tpu.memory_space<hbm>>
    tpu.enqueue_dma source(%dma_start3A_778 : memref<96xi32, #tpu.memory_space<hbm>>) target(%arg10 : memref<96xi32, #tpu.memory_space<vmem>>) target_semaphore(%arg24 : memref<!tpu.dma_semaphore, #tpu.memory_space<semaphore_mem>>)
    %add3A_779 = arith.constant 96 : i32
    %add3A_780 = arith.addi %mul3A_768, %add3A_779 : i32
    %dma_start3A_781 = tpu.memref_slice %arg5[%add3A_780] : memref<320000xi32, #tpu.memory_space<hbm>> -> memref<96xi32, #tpu.memory_space<hbm>>
    %dma_start3A_782 = tpu.memref_slice %arg5[%add3A_780] : memref<320000xi32, #tpu.memory_space<hbm>> -> memref<96xi32, #tpu.memory_space<hbm>>
    tpu.enqueue_dma source(%dma_start3A_782 : memref<96xi32, #tpu.memory_space<hbm>>) target(%arg14 : memref<96xi32, #tpu.memory_space<vmem>>) target_semaphore(%arg24 : memref<!tpu.dma_semaphore, #tpu.memory_space<semaphore_mem>>)
    %scan3A = arith.constant 0 : i32
    %scan3A_783 = arith.constant 0 : i32
    %scan3A_784 = arith.constant 40 : i32
    %scan3A_785 = arith.addi %scan3A_783, %scan3A_784 : i32
    %scan3A_786 = arith.constant 1 : i32
    scf.for %scan3A_833 = %scan3A_783 to %scan3A_785 step %scan3A_786  : i32 {
      %mul3A_834 = arith.constant 16 : i32
      %mul3A_835 = arith.muli %scan3A_833, %mul3A_834 : i32
      %add3A_836 = arith.addi %arg1, %mul3A_835 : i32
      %lt3A = arith.constant 625 : i32
      %lt3A_837 = arith.cmpi slt, %add3A_836, %lt3A : i32
      %convert_element_type3A_838 = arith.extui %lt3A_837 : i1 to i32
      %cond3A_839 = arith.constant 0 : i32
      %cond3A_840 = arith.cmpi ne, %convert_element_type3A_838, %cond3A_839 : i32
      scf.if %cond3A_840 {
        %mul3A_841 = arith.constant 16 : i32
        %mul3A_842 = arith.muli %add3A_836, %mul3A_841 : i32
        "tpu.region"() ({
          %run_scoped3A = tpu.sem_alloc : memref<!tpu.dma_semaphore, #tpu.memory_space<semaphore_mem>>
          %dma_start3A_843 = arith.constant 0 : i32
          %dma_start3A_844 = arith.constant 0 : i32
          %dma_start3A_845 = tpu.memref_slice %arg20[%dma_start3A_843, %dma_start3A_844] : memref<96x128xf32, #tpu.memory_space<vmem>> -> memref<16x128xf32, #tpu.memory_space<vmem>>
          %dma_start3A_846 = arith.constant 0 : i32
          %dma_start3A_847 = tpu.memref_slice %arg8[%mul3A_842, %dma_start3A_846] : memref<10000x128xf32, #tpu.memory_space<vmem_shared>> -> memref<16x128xf32, #tpu.memory_space<vmem_shared>>
          %dma_start3A_848 = arith.constant 0 : i32
          %dma_start3A_849 = tpu.memref_slice %arg8[%mul3A_842, %dma_start3A_848] : memref<10000x128xf32, #tpu.memory_space<vmem_shared>> -> memref<16x128xf32, #tpu.memory_space<vmem_shared>>
          %dma_start3A_850 = arith.constant 0 : i32
          %dma_start3A_851 = arith.constant 0 : i32
          %dma_start3A_852 = tpu.memref_slice %arg20[%dma_start3A_850, %dma_start3A_851] : memref<96x128xf32, #tpu.memory_space<vmem>> -> memref<16x128xf32, #tpu.memory_space<vmem>>
          tpu.enqueue_dma source(%dma_start3A_852 : memref<16x128xf32, #tpu.memory_space<vmem>>) target(%dma_start3A_849 : memref<16x128xf32, #tpu.memory_space<vmem_shared>>) target_semaphore(%run_scoped3A : memref<!tpu.dma_semaphore, #tpu.memory_space<semaphore_mem>>)
          %dma_wait3A_853 = arith.constant 0 : i32
          %dma_wait3A_854 = arith.constant 0 : i32
          %dma_wait3A_855 = tpu.memref_slice %arg20[%dma_wait3A_853, %dma_wait3A_854] : memref<96x128xf32, #tpu.memory_space<vmem>> -> memref<16x128xf32, #tpu.memory_space<vmem>>
          %dma_wait3A_856 = arith.constant 0 : i32
          %dma_wait3A_857 = tpu.memref_slice %arg8[%mul3A_842, %dma_wait3A_856] : memref<10000x128xf32, #tpu.memory_space<vmem_shared>> -> memref<16x128xf32, #tpu.memory_space<vmem_shared>>
          %dma_wait3A_858 = arith.constant 0 : i32
          %dma_wait3A_859 = tpu.memref_slice %arg8[%mul3A_842, %dma_wait3A_858] : memref<10000x128xf32, #tpu.memory_space<vmem_shared>> -> memref<16x128xf32, #tpu.memory_space<vmem_shared>>
          %dma_wait3A_860 = arith.constant 0 : i32
          %dma_wait3A_861 = arith.constant 0 : i32
          %dma_wait3A_862 = tpu.memref_slice %arg20[%dma_wait3A_860, %dma_wait3A_861] : memref<96x128xf32, #tpu.memory_space<vmem>> -> memref<16x128xf32, #tpu.memory_space<vmem>>
          tpu.wait_dma2 semaphore(%run_scoped3A : memref<!tpu.dma_semaphore, #tpu.memory_space<semaphore_mem>>) src(%dma_wait3A_862 : memref<16x128xf32, #tpu.memory_space<vmem>>) dst(%dma_wait3A_859 : memref<16x128xf32, #tpu.memory_space<vmem_shared>>)
          tpu.yield
        }) : () -> ()
      } else {
      }
    }
    %scan3A_787 = arith.constant 40 : i32
    %add3A_788 = arith.constant 0 : i32
    %add3A_789 = arith.addi %mul3A_768, %add3A_788 : i32
    %dma_wait3A = tpu.memref_slice %arg4[%add3A_789] : memref<320000xi32, #tpu.memory_space<hbm>> -> memref<96xi32, #tpu.memory_space<hbm>>
    %dma_wait3A_790 = tpu.memref_slice %arg4[%add3A_789] : memref<320000xi32, #tpu.memory_space<hbm>> -> memref<96xi32, #tpu.memory_space<hbm>>
    tpu.wait_dma2 semaphore(%arg23 : memref<!tpu.dma_semaphore, #tpu.memory_space<semaphore_mem>>) src(%dma_wait3A_790 : memref<96xi32, #tpu.memory_space<hbm>>) dst(%arg9 : memref<96xi32, #tpu.memory_space<vmem>>)
    %add3A_791 = arith.constant 0 : i32
    %add3A_792 = arith.addi %mul3A_768, %add3A_791 : i32
    %dma_wait3A_793 = tpu.memref_slice %arg5[%add3A_792] : memref<320000xi32, #tpu.memory_space<hbm>> -> memref<96xi32, #tpu.memory_space<hbm>>
    %dma_wait3A_794 = tpu.memref_slice %arg5[%add3A_792] : memref<320000xi32, #tpu.memory_space<hbm>> -> memref<96xi32, #tpu.memory_space<hbm>>
    tpu.wait_dma2 semaphore(%arg23 : memref<!tpu.dma_semaphore, #tpu.memory_space<semaphore_mem>>) src(%dma_wait3A_794 : memref<96xi32, #tpu.memory_space<hbm>>) dst(%arg13 : memref<96xi32, #tpu.memory_space<vmem>>)
    %eq3A = arith.constant 0 : i32
    %eq3A_795 = arith.cmpi eq, %arg0, %eq3A : i32
    %convert_element_type3A = arith.extui %eq3A_795 : i1 to i32
    %cond3A = arith.constant 0 : i32
    %cond3A_796 = arith.cmpi ne, %convert_element_type3A, %cond3A : i32
    scf.if %cond3A_796 {
      %dma_start3A_833 = arith.constant 0 : i32
      %dma_start3A_834 = arith.constant 0 : i32
      %dma_start3A_835 = tpu.memref_slice %arg2[%dma_start3A_833, %dma_start3A_834] : memref<10000x128xf32, #tpu.memory_space<hbm>> -> memref<10000x128xf32, #tpu.memory_space<hbm>>
      tpu.enqueue_indirect_dma source(%dma_start3A_835 : memref<10000x128xf32, #tpu.memory_space<hbm>>) target(%arg19 : memref<96x128xf32, #tpu.memory_space<vmem>>) offsets(%arg9 : memref<96xi32, #tpu.memory_space<vmem>>) semaphore(%arg27 : memref<!tpu.dma_semaphore, #tpu.memory_space<semaphore_mem>>)
    } else {
    }
    %eq3A_797 = arith.constant 1 : i32
    %eq3A_798 = arith.cmpi eq, %arg0, %eq3A_797 : i32
    %convert_element_type3A_799 = arith.extui %eq3A_798 : i1 to i32
    %cond3A_800 = arith.constant 0 : i32
    %cond3A_801 = arith.cmpi ne, %convert_element_type3A_799, %cond3A_800 : i32
    scf.if %cond3A_801 {
      %dma_start3A_833 = arith.constant 0 : i32
      %dma_start3A_834 = arith.constant 0 : i32
      %dma_start3A_835 = tpu.memref_slice %arg3[%dma_start3A_833, %dma_start3A_834] : memref<10000x128xf32, #tpu.memory_space<hbm>> -> memref<10000x128xf32, #tpu.memory_space<hbm>>
      tpu.enqueue_indirect_dma source(%dma_start3A_835 : memref<10000x128xf32, #tpu.memory_space<hbm>>) target(%arg19 : memref<96x128xf32, #tpu.memory_space<vmem>>) offsets(%arg9 : memref<96xi32, #tpu.memory_space<vmem>>) semaphore(%arg27 : memref<!tpu.dma_semaphore, #tpu.memory_space<semaphore_mem>>)
    } else {
    }
    %barrier3A = arith.constant 0 : index
    tpu.barrier barrier_id(%barrier3A)
    %scan3A_802 = arith.constant 0 : i32
    %scan3A_803 = arith.constant 0 : i32
    %scan3A_804 = arith.constant 52 : i32
    %scan3A_805 = arith.addi %scan3A_803, %scan3A_804 : i32
    %scan3A_806 = arith.constant 1 : i32
    scf.for %scan3A_833 = %scan3A_803 to %scan3A_805 step %scan3A_806  : i32 {
      %mul3A_834 = arith.constant 4 : i32
      %mul3A_835 = arith.muli %scan3A_833, %mul3A_834 : i32
      %add3A_836 = arith.constant 0 : i32
      %add3A_837 = arith.addi %mul3A_835, %add3A_836 : i32
      %add3A_838 = arith.constant 1 : i32
      %add3A_839 = arith.addi %add3A_837, %add3A_838 : i32
      %lt3A = arith.constant 208 : i32
      %lt3A_840 = arith.cmpi slt, %add3A_839, %lt3A : i32
      %convert_element_type3A_841 = arith.extui %lt3A_840 : i1 to i32
      %cond3A_842 = arith.constant 0 : i32
      %cond3A_843 = arith.cmpi ne, %convert_element_type3A_841, %cond3A_842 : i32
      scf.if %cond3A_843 {
        %add3A_948 = arith.constant 1 : i32
        %add3A_949 = arith.addi %add3A_837, %add3A_948 : i32
        %mul3A_950 = arith.constant 96 : i32
        %mul3A_951 = arith.muli %add3A_949, %mul3A_950 : i32
        %add3A_952 = arith.addi %mul3A_768, %mul3A_951 : i32
        %dma_wait3A_953 = tpu.memref_slice %arg4[%add3A_952] : memref<320000xi32, #tpu.memory_space<hbm>> -> memref<96xi32, #tpu.memory_space<hbm>>
        %dma_wait3A_954 = tpu.memref_slice %arg4[%add3A_952] : memref<320000xi32, #tpu.memory_space<hbm>> -> memref<96xi32, #tpu.memory_space<hbm>>
        tpu.wait_dma2 semaphore(%arg24 : memref<!tpu.dma_semaphore, #tpu.memory_space<semaphore_mem>>) src(%dma_wait3A_954 : memref<96xi32, #tpu.memory_space<hbm>>) dst(%arg10 : memref<96xi32, #tpu.memory_space<vmem>>)
        %mul3A_955 = arith.constant 96 : i32
        %mul3A_956 = arith.muli %add3A_949, %mul3A_955 : i32
        %add3A_957 = arith.addi %mul3A_768, %mul3A_956 : i32
        %dma_wait3A_958 = tpu.memref_slice %arg5[%add3A_957] : memref<320000xi32, #tpu.memory_space<hbm>> -> memref<96xi32, #tpu.memory_space<hbm>>
        %dma_wait3A_959 = tpu.memref_slice %arg5[%add3A_957] : memref<320000xi32, #tpu.memory_space<hbm>> -> memref<96xi32, #tpu.memory_space<hbm>>
        tpu.wait_dma2 semaphore(%arg24 : memref<!tpu.dma_semaphore, #tpu.memory_space<semaphore_mem>>) src(%dma_wait3A_959 : memref<96xi32, #tpu.memory_space<hbm>>) dst(%arg14 : memref<96xi32, #tpu.memory_space<vmem>>)
        %eq3A_960 = arith.constant 0 : i32
        %eq3A_961 = arith.cmpi eq, %arg0, %eq3A_960 : i32
        %convert_element_type3A_962 = arith.extui %eq3A_961 : i1 to i32
        %cond3A_963 = arith.constant 0 : i32
        %cond3A_964 = arith.cmpi ne, %convert_element_type3A_962, %cond3A_963 : i32
        scf.if %cond3A_964 {
          %dma_start3A_970 = arith.constant 0 : i32
          %dma_start3A_971 = arith.constant 0 : i32
          %dma_start3A_972 = tpu.memref_slice %arg2[%dma_start3A_970, %dma_start3A_971] : memref<10000x128xf32, #tpu.memory_space<hbm>> -> memref<10000x128xf32, #tpu.memory_space<hbm>>
          tpu.enqueue_indirect_dma source(%dma_start3A_972 : memref<10000x128xf32, #tpu.memory_space<hbm>>) target(%arg20 : memref<96x128xf32, #tpu.memory_space<vmem>>) offsets(%arg10 : memref<96xi32, #tpu.memory_space<vmem>>) semaphore(%arg28 : memref<!tpu.dma_semaphore, #tpu.memory_space<semaphore_mem>>)
        } else {
        }
        %eq3A_965 = arith.constant 1 : i32
        %eq3A_966 = arith.cmpi eq, %arg0, %eq3A_965 : i32
        %convert_element_type3A_967 = arith.extui %eq3A_966 : i1 to i32
        %cond3A_968 = arith.constant 0 : i32
        %cond3A_969 = arith.cmpi ne, %convert_element_type3A_967, %cond3A_968 : i32
        scf.if %cond3A_969 {
          %dma_start3A_970 = arith.constant 0 : i32
          %dma_start3A_971 = arith.constant 0 : i32
          %dma_start3A_972 = tpu.memref_slice %arg3[%dma_start3A_970, %dma_start3A_971] : memref<10000x128xf32, #tpu.memory_space<hbm>> -> memref<10000x128xf32, #tpu.memory_space<hbm>>
          tpu.enqueue_indirect_dma source(%dma_start3A_972 : memref<10000x128xf32, #tpu.memory_space<hbm>>) target(%arg20 : memref<96x128xf32, #tpu.memory_space<vmem>>) offsets(%arg10 : memref<96xi32, #tpu.memory_space<vmem>>) semaphore(%arg28 : memref<!tpu.dma_semaphore, #tpu.memory_space<semaphore_mem>>)
        } else {
        }
      } else {
      }
      %ge3A = arith.constant 2 : i32
      %ge3A_844 = arith.cmpi sge, %add3A_837, %ge3A : i32
      %convert_element_type3A_845 = arith.extui %ge3A_844 : i1 to i32
      %cond3A_846 = arith.constant 0 : i32
      %cond3A_847 = arith.cmpi ne, %convert_element_type3A_845, %cond3A_846 : i32
      scf.if %cond3A_847 {
        %dma_wait3A_948 = arith.constant 0 : i32
        %dma_wait3A_949 = arith.constant 0 : i32
        %dma_wait3A_950 = tpu.memref_slice %arg8[%dma_wait3A_948, %dma_wait3A_949] : memref<10000x128xf32, #tpu.memory_space<vmem_shared>> -> memref<10000x128xf32, #tpu.memory_space<vmem_shared>>
        tpu.wait_indirect_dma semaphore(%arg33 : memref<!tpu.dma_semaphore, #tpu.memory_space<semaphore_mem>>) src(%arg21 : memref<96x128xf32, #tpu.memory_space<vmem>>) dst(%dma_wait3A_950 : memref<10000x128xf32, #tpu.memory_space<vmem_shared>>)
      } else {
      }
      %add3A_848 = arith.constant 2 : i32
      %add3A_849 = arith.addi %add3A_837, %add3A_848 : i32
      %lt3A_850 = arith.constant 208 : i32
      %lt3A_851 = arith.cmpi slt, %add3A_849, %lt3A_850 : i32
      %convert_element_type3A_852 = arith.extui %lt3A_851 : i1 to i32
      %cond3A_853 = arith.constant 0 : i32
      %cond3A_854 = arith.cmpi ne, %convert_element_type3A_852, %cond3A_853 : i32
      scf.if %cond3A_854 {
        %add3A_948 = arith.constant 2 : i32
        %add3A_949 = arith.addi %add3A_837, %add3A_948 : i32
        %mul3A_950 = arith.constant 96 : i32
        %mul3A_951 = arith.muli %add3A_949, %mul3A_950 : i32
        %add3A_952 = arith.addi %mul3A_768, %mul3A_951 : i32
        %dma_start3A_953 = tpu.memref_slice %arg4[%add3A_952] : memref<320000xi32, #tpu.memory_space<hbm>> -> memref<96xi32, #tpu.memory_space<hbm>>
        %dma_start3A_954 = tpu.memref_slice %arg4[%add3A_952] : memref<320000xi32, #tpu.memory_space<hbm>> -> memref<96xi32, #tpu.memory_space<hbm>>
        tpu.enqueue_dma source(%dma_start3A_954 : memref<96xi32, #tpu.memory_space<hbm>>) target(%arg11 : memref<96xi32, #tpu.memory_space<vmem>>) target_semaphore(%arg25 : memref<!tpu.dma_semaphore, #tpu.memory_space<semaphore_mem>>)
        %mul3A_955 = arith.constant 96 : i32
        %mul3A_956 = arith.muli %add3A_949, %mul3A_955 : i32
        %add3A_957 = arith.addi %mul3A_768, %mul3A_956 : i32
        %dma_start3A_958 = tpu.memref_slice %arg5[%add3A_957] : memref<320000xi32, #tpu.memory_space<hbm>> -> memref<96xi32, #tpu.memory_space<hbm>>
        %dma_start3A_959 = tpu.memref_slice %arg5[%add3A_957] : memref<320000xi32, #tpu.memory_space<hbm>> -> memref<96xi32, #tpu.memory_space<hbm>>
        tpu.enqueue_dma source(%dma_start3A_959 : memref<96xi32, #tpu.memory_space<hbm>>) target(%arg15 : memref<96xi32, #tpu.memory_space<vmem>>) target_semaphore(%arg25 : memref<!tpu.dma_semaphore, #tpu.memory_space<semaphore_mem>>)
      } else {
      }
      %dma_wait3A_855 = arith.constant 0 : i32
      %dma_wait3A_856 = arith.constant 0 : i32
      %dma_wait3A_857 = tpu.memref_slice %arg2[%dma_wait3A_855, %dma_wait3A_856] : memref<10000x128xf32, #tpu.memory_space<hbm>> -> memref<10000x128xf32, #tpu.memory_space<hbm>>
      tpu.wait_indirect_dma semaphore(%arg27 : memref<!tpu.dma_semaphore, #tpu.memory_space<semaphore_mem>>) src(%dma_wait3A_857 : memref<10000x128xf32, #tpu.memory_space<hbm>>) dst(%arg19 : memref<96x128xf32, #tpu.memory_space<vmem>>)
      %dma_start3A_858 = arith.constant 0 : i32
      %dma_start3A_859 = arith.constant 0 : i32
      %dma_start3A_860 = tpu.memref_slice %arg8[%dma_start3A_858, %dma_start3A_859] : memref<10000x128xf32, #tpu.memory_space<vmem_shared>> -> memref<10000x128xf32, #tpu.memory_space<vmem_shared>>
      tpu.enqueue_indirect_dma source(%arg19 : memref<96x128xf32, #tpu.memory_space<vmem>>) target(%dma_start3A_860 : memref<10000x128xf32, #tpu.memory_space<vmem_shared>>) offsets(%arg13 : memref<96xi32, #tpu.memory_space<vmem>>) semaphore(%arg31 : memref<!tpu.dma_semaphore, #tpu.memory_space<semaphore_mem>>) {add = true}
      %mul3A_861 = arith.constant 4 : i32
      %mul3A_862 = arith.muli %scan3A_833, %mul3A_861 : i32
      %add3A_863 = arith.constant 1 : i32
      %add3A_864 = arith.addi %mul3A_862, %add3A_863 : i32
      %add3A_865 = arith.constant 1 : i32
      %add3A_866 = arith.addi %add3A_864, %add3A_865 : i32
      %lt3A_867 = arith.constant 208 : i32
      %lt3A_868 = arith.cmpi slt, %add3A_866, %lt3A_867 : i32
      %convert_element_type3A_869 = arith.extui %lt3A_868 : i1 to i32
      %cond3A_870 = arith.constant 0 : i32
      %cond3A_871 = arith.cmpi ne, %convert_element_type3A_869, %cond3A_870 : i32
      scf.if %cond3A_871 {
        %add3A_948 = arith.constant 1 : i32
        %add3A_949 = arith.addi %add3A_864, %add3A_948 : i32
        %mul3A_950 = arith.constant 96 : i32
        %mul3A_951 = arith.muli %add3A_949, %mul3A_950 : i32
        %add3A_952 = arith.addi %mul3A_768, %mul3A_951 : i32
        %dma_wait3A_953 = tpu.memref_slice %arg4[%add3A_952] : memref<320000xi32, #tpu.memory_space<hbm>> -> memref<96xi32, #tpu.memory_space<hbm>>
        %dma_wait3A_954 = tpu.memref_slice %arg4[%add3A_952] : memref<320000xi32, #tpu.memory_space<hbm>> -> memref<96xi32, #tpu.memory_space<hbm>>
        tpu.wait_dma2 semaphore(%arg25 : memref<!tpu.dma_semaphore, #tpu.memory_space<semaphore_mem>>) src(%dma_wait3A_954 : memref<96xi32, #tpu.memory_space<hbm>>) dst(%arg11 : memref<96xi32, #tpu.memory_space<vmem>>)
        %mul3A_955 = arith.constant 96 : i32
        %mul3A_956 = arith.muli %add3A_949, %mul3A_955 : i32
        %add3A_957 = arith.addi %mul3A_768, %mul3A_956 : i32
        %dma_wait3A_958 = tpu.memref_slice %arg5[%add3A_957] : memref<320000xi32, #tpu.memory_space<hbm>> -> memref<96xi32, #tpu.memory_space<hbm>>
        %dma_wait3A_959 = tpu.memref_slice %arg5[%add3A_957] : memref<320000xi32, #tpu.memory_space<hbm>> -> memref<96xi32, #tpu.memory_space<hbm>>
        tpu.wait_dma2 semaphore(%arg25 : memref<!tpu.dma_semaphore, #tpu.memory_space<semaphore_mem>>) src(%dma_wait3A_959 : memref<96xi32, #tpu.memory_space<hbm>>) dst(%arg15 : memref<96xi32, #tpu.memory_space<vmem>>)
        %eq3A_960 = arith.constant 0 : i32
        %eq3A_961 = arith.cmpi eq, %arg0, %eq3A_960 : i32
        %convert_element_type3A_962 = arith.extui %eq3A_961 : i1 to i32
        %cond3A_963 = arith.constant 0 : i32
        %cond3A_964 = arith.cmpi ne, %convert_element_type3A_962, %cond3A_963 : i32
        scf.if %cond3A_964 {
          %dma_start3A_970 = arith.constant 0 : i32
          %dma_start3A_971 = arith.constant 0 : i32
          %dma_start3A_972 = tpu.memref_slice %arg2[%dma_start3A_970, %dma_start3A_971] : memref<10000x128xf32, #tpu.memory_space<hbm>> -> memref<10000x128xf32, #tpu.memory_space<hbm>>
          tpu.enqueue_indirect_dma source(%dma_start3A_972 : memref<10000x128xf32, #tpu.memory_space<hbm>>) target(%arg21 : memref<96x128xf32, #tpu.memory_space<vmem>>) offsets(%arg11 : memref<96xi32, #tpu.memory_space<vmem>>) semaphore(%arg29 : memref<!tpu.dma_semaphore, #tpu.memory_space<semaphore_mem>>)
        } else {
        }
        %eq3A_965 = arith.constant 1 : i32
        %eq3A_966 = arith.cmpi eq, %arg0, %eq3A_965 : i32
        %convert_element_type3A_967 = arith.extui %eq3A_966 : i1 to i32
        %cond3A_968 = arith.constant 0 : i32
        %cond3A_969 = arith.cmpi ne, %convert_element_type3A_967, %cond3A_968 : i32
        scf.if %cond3A_969 {
          %dma_start3A_970 = arith.constant 0 : i32
          %dma_start3A_971 = arith.constant 0 : i32
          %dma_start3A_972 = tpu.memref_slice %arg3[%dma_start3A_970, %dma_start3A_971] : memref<10000x128xf32, #tpu.memory_space<hbm>> -> memref<10000x128xf32, #tpu.memory_space<hbm>>
          tpu.enqueue_indirect_dma source(%dma_start3A_972 : memref<10000x128xf32, #tpu.memory_space<hbm>>) target(%arg21 : memref<96x128xf32, #tpu.memory_space<vmem>>) offsets(%arg11 : memref<96xi32, #tpu.memory_space<vmem>>) semaphore(%arg29 : memref<!tpu.dma_semaphore, #tpu.memory_space<semaphore_mem>>)
        } else {
        }
      } else {
      }
      %ge3A_872 = arith.constant 2 : i32
      %ge3A_873 = arith.cmpi sge, %add3A_864, %ge3A_872 : i32
      %convert_element_type3A_874 = arith.extui %ge3A_873 : i1 to i32
      %cond3A_875 = arith.constant 0 : i32
      %cond3A_876 = arith.cmpi ne, %convert_element_type3A_874, %cond3A_875 : i32
      scf.if %cond3A_876 {
        %dma_wait3A_948 = arith.constant 0 : i32
        %dma_wait3A_949 = arith.constant 0 : i32
        %dma_wait3A_950 = tpu.memref_slice %arg8[%dma_wait3A_948, %dma_wait3A_949] : memref<10000x128xf32, #tpu.memory_space<vmem_shared>> -> memref<10000x128xf32, #tpu.memory_space<vmem_shared>>
        tpu.wait_indirect_dma semaphore(%arg34 : memref<!tpu.dma_semaphore, #tpu.memory_space<semaphore_mem>>) src(%arg22 : memref<96x128xf32, #tpu.memory_space<vmem>>) dst(%dma_wait3A_950 : memref<10000x128xf32, #tpu.memory_space<vmem_shared>>)
      } else {
      }
      %add3A_877 = arith.constant 2 : i32
      %add3A_878 = arith.addi %add3A_864, %add3A_877 : i32
      %lt3A_879 = arith.constant 208 : i32
      %lt3A_880 = arith.cmpi slt, %add3A_878, %lt3A_879 : i32
      %convert_element_type3A_881 = arith.extui %lt3A_880 : i1 to i32
      %cond3A_882 = arith.constant 0 : i32
      %cond3A_883 = arith.cmpi ne, %convert_element_type3A_881, %cond3A_882 : i32
      scf.if %cond3A_883 {
        %add3A_948 = arith.constant 2 : i32
        %add3A_949 = arith.addi %add3A_864, %add3A_948 : i32
        %mul3A_950 = arith.constant 96 : i32
        %mul3A_951 = arith.muli %add3A_949, %mul3A_950 : i32
        %add3A_952 = arith.addi %mul3A_768, %mul3A_951 : i32
        %dma_start3A_953 = tpu.memref_slice %arg4[%add3A_952] : memref<320000xi32, #tpu.memory_space<hbm>> -> memref<96xi32, #tpu.memory_space<hbm>>
        %dma_start3A_954 = tpu.memref_slice %arg4[%add3A_952] : memref<320000xi32, #tpu.memory_space<hbm>> -> memref<96xi32, #tpu.memory_space<hbm>>
        tpu.enqueue_dma source(%dma_start3A_954 : memref<96xi32, #tpu.memory_space<hbm>>) target(%arg12 : memref<96xi32, #tpu.memory_space<vmem>>) target_semaphore(%arg26 : memref<!tpu.dma_semaphore, #tpu.memory_space<semaphore_mem>>)
        %mul3A_955 = arith.constant 96 : i32
        %mul3A_956 = arith.muli %add3A_949, %mul3A_955 : i32
        %add3A_957 = arith.addi %mul3A_768, %mul3A_956 : i32
        %dma_start3A_958 = tpu.memref_slice %arg5[%add3A_957] : memref<320000xi32, #tpu.memory_space<hbm>> -> memref<96xi32, #tpu.memory_space<hbm>>
        %dma_start3A_959 = tpu.memref_slice %arg5[%add3A_957] : memref<320000xi32, #tpu.memory_space<hbm>> -> memref<96xi32, #tpu.memory_space<hbm>>
        tpu.enqueue_dma source(%dma_start3A_959 : memref<96xi32, #tpu.memory_space<hbm>>) target(%arg16 : memref<96xi32, #tpu.memory_space<vmem>>) target_semaphore(%arg26 : memref<!tpu.dma_semaphore, #tpu.memory_space<semaphore_mem>>)
      } else {
      }
      %dma_wait3A_884 = arith.constant 0 : i32
      %dma_wait3A_885 = arith.constant 0 : i32
      %dma_wait3A_886 = tpu.memref_slice %arg2[%dma_wait3A_884, %dma_wait3A_885] : memref<10000x128xf32, #tpu.memory_space<hbm>> -> memref<10000x128xf32, #tpu.memory_space<hbm>>
      tpu.wait_indirect_dma semaphore(%arg28 : memref<!tpu.dma_semaphore, #tpu.memory_space<semaphore_mem>>) src(%dma_wait3A_886 : memref<10000x128xf32, #tpu.memory_space<hbm>>) dst(%arg20 : memref<96x128xf32, #tpu.memory_space<vmem>>)
      %dma_start3A_887 = arith.constant 0 : i32
      %dma_start3A_888 = arith.constant 0 : i32
      %dma_start3A_889 = tpu.memref_slice %arg8[%dma_start3A_887, %dma_start3A_888] : memref<10000x128xf32, #tpu.memory_space<vmem_shared>> -> memref<10000x128xf32, #tpu.memory_space<vmem_shared>>
      tpu.enqueue_indirect_dma source(%arg20 : memref<96x128xf32, #tpu.memory_space<vmem>>) target(%dma_start3A_889 : memref<10000x128xf32, #tpu.memory_space<vmem_shared>>) offsets(%arg14 : memref<96xi32, #tpu.memory_space<vmem>>) semaphore(%arg32 : memref<!tpu.dma_semaphore, #tpu.memory_space<semaphore_mem>>) {add = true}
      %mul3A_890 = arith.constant 4 : i32
      %mul3A_891 = arith.muli %scan3A_833, %mul3A_890 : i32
      %add3A_892 = arith.constant 2 : i32
      %add3A_893 = arith.addi %mul3A_891, %add3A_892 : i32
      %add3A_894 = arith.constant 1 : i32
      %add3A_895 = arith.addi %add3A_893, %add3A_894 : i32
      %lt3A_896 = arith.constant 208 : i32
      %lt3A_897 = arith.cmpi slt, %add3A_895, %lt3A_896 : i32
      %convert_element_type3A_898 = arith.extui %lt3A_897 : i1 to i32
      %cond3A_899 = arith.constant 0 : i32
      %cond3A_900 = arith.cmpi ne, %convert_element_type3A_898, %cond3A_899 : i32
      scf.if %cond3A_900 {
        %add3A_948 = arith.constant 1 : i32
        %add3A_949 = arith.addi %add3A_893, %add3A_948 : i32
        %mul3A_950 = arith.constant 96 : i32
        %mul3A_951 = arith.muli %add3A_949, %mul3A_950 : i32
        %add3A_952 = arith.addi %mul3A_768, %mul3A_951 : i32
        %dma_wait3A_953 = tpu.memref_slice %arg4[%add3A_952] : memref<320000xi32, #tpu.memory_space<hbm>> -> memref<96xi32, #tpu.memory_space<hbm>>
        %dma_wait3A_954 = tpu.memref_slice %arg4[%add3A_952] : memref<320000xi32, #tpu.memory_space<hbm>> -> memref<96xi32, #tpu.memory_space<hbm>>
        tpu.wait_dma2 semaphore(%arg26 : memref<!tpu.dma_semaphore, #tpu.memory_space<semaphore_mem>>) src(%dma_wait3A_954 : memref<96xi32, #tpu.memory_space<hbm>>) dst(%arg12 : memref<96xi32, #tpu.memory_space<vmem>>)
        %mul3A_955 = arith.constant 96 : i32
        %mul3A_956 = arith.muli %add3A_949, %mul3A_955 : i32
        %add3A_957 = arith.addi %mul3A_768, %mul3A_956 : i32
        %dma_wait3A_958 = tpu.memref_slice %arg5[%add3A_957] : memref<320000xi32, #tpu.memory_space<hbm>> -> memref<96xi32, #tpu.memory_space<hbm>>
        %dma_wait3A_959 = tpu.memref_slice %arg5[%add3A_957] : memref<320000xi32, #tpu.memory_space<hbm>> -> memref<96xi32, #tpu.memory_space<hbm>>
        tpu.wait_dma2 semaphore(%arg26 : memref<!tpu.dma_semaphore, #tpu.memory_space<semaphore_mem>>) src(%dma_wait3A_959 : memref<96xi32, #tpu.memory_space<hbm>>) dst(%arg16 : memref<96xi32, #tpu.memory_space<vmem>>)
        %eq3A_960 = arith.constant 0 : i32
        %eq3A_961 = arith.cmpi eq, %arg0, %eq3A_960 : i32
        %convert_element_type3A_962 = arith.extui %eq3A_961 : i1 to i32
        %cond3A_963 = arith.constant 0 : i32
        %cond3A_964 = arith.cmpi ne, %convert_element_type3A_962, %cond3A_963 : i32
        scf.if %cond3A_964 {
          %dma_start3A_970 = arith.constant 0 : i32
          %dma_start3A_971 = arith.constant 0 : i32
          %dma_start3A_972 = tpu.memref_slice %arg2[%dma_start3A_970, %dma_start3A_971] : memref<10000x128xf32, #tpu.memory_space<hbm>> -> memref<10000x128xf32, #tpu.memory_space<hbm>>
          tpu.enqueue_indirect_dma source(%dma_start3A_972 : memref<10000x128xf32, #tpu.memory_space<hbm>>) target(%arg22 : memref<96x128xf32, #tpu.memory_space<vmem>>) offsets(%arg12 : memref<96xi32, #tpu.memory_space<vmem>>) semaphore(%arg30 : memref<!tpu.dma_semaphore, #tpu.memory_space<semaphore_mem>>)
        } else {
        }
        %eq3A_965 = arith.constant 1 : i32
        %eq3A_966 = arith.cmpi eq, %arg0, %eq3A_965 : i32
        %convert_element_type3A_967 = arith.extui %eq3A_966 : i1 to i32
        %cond3A_968 = arith.constant 0 : i32
        %cond3A_969 = arith.cmpi ne, %convert_element_type3A_967, %cond3A_968 : i32
        scf.if %cond3A_969 {
          %dma_start3A_970 = arith.constant 0 : i32
          %dma_start3A_971 = arith.constant 0 : i32
          %dma_start3A_972 = tpu.memref_slice %arg3[%dma_start3A_970, %dma_start3A_971] : memref<10000x128xf32, #tpu.memory_space<hbm>> -> memref<10000x128xf32, #tpu.memory_space<hbm>>
          tpu.enqueue_indirect_dma source(%dma_start3A_972 : memref<10000x128xf32, #tpu.memory_space<hbm>>) target(%arg22 : memref<96x128xf32, #tpu.memory_space<vmem>>) offsets(%arg12 : memref<96xi32, #tpu.memory_space<vmem>>) semaphore(%arg30 : memref<!tpu.dma_semaphore, #tpu.memory_space<semaphore_mem>>)
        } else {
        }
      } else {
      }
      %ge3A_901 = arith.constant 2 : i32
      %ge3A_902 = arith.cmpi sge, %add3A_893, %ge3A_901 : i32
      %convert_element_type3A_903 = arith.extui %ge3A_902 : i1 to i32
      %cond3A_904 = arith.constant 0 : i32
      %cond3A_905 = arith.cmpi ne, %convert_element_type3A_903, %cond3A_904 : i32
      scf.if %cond3A_905 {
        %dma_wait3A_948 = arith.constant 0 : i32
        %dma_wait3A_949 = arith.constant 0 : i32
        %dma_wait3A_950 = tpu.memref_slice %arg8[%dma_wait3A_948, %dma_wait3A_949] : memref<10000x128xf32, #tpu.memory_space<vmem_shared>> -> memref<10000x128xf32, #tpu.memory_space<vmem_shared>>
        tpu.wait_indirect_dma semaphore(%arg31 : memref<!tpu.dma_semaphore, #tpu.memory_space<semaphore_mem>>) src(%arg19 : memref<96x128xf32, #tpu.memory_space<vmem>>) dst(%dma_wait3A_950 : memref<10000x128xf32, #tpu.memory_space<vmem_shared>>)
      } else {
      }
      %add3A_906 = arith.constant 2 : i32
      %add3A_907 = arith.addi %add3A_893, %add3A_906 : i32
      %lt3A_908 = arith.constant 208 : i32
      %lt3A_909 = arith.cmpi slt, %add3A_907, %lt3A_908 : i32
      %convert_element_type3A_910 = arith.extui %lt3A_909 : i1 to i32
      %cond3A_911 = arith.constant 0 : i32
      %cond3A_912 = arith.cmpi ne, %convert_element_type3A_910, %cond3A_911 : i32
      scf.if %cond3A_912 {
        %add3A_948 = arith.constant 2 : i32
        %add3A_949 = arith.addi %add3A_893, %add3A_948 : i32
        %mul3A_950 = arith.constant 96 : i32
        %mul3A_951 = arith.muli %add3A_949, %mul3A_950 : i32
        %add3A_952 = arith.addi %mul3A_768, %mul3A_951 : i32
        %dma_start3A_953 = tpu.memref_slice %arg4[%add3A_952] : memref<320000xi32, #tpu.memory_space<hbm>> -> memref<96xi32, #tpu.memory_space<hbm>>
        %dma_start3A_954 = tpu.memref_slice %arg4[%add3A_952] : memref<320000xi32, #tpu.memory_space<hbm>> -> memref<96xi32, #tpu.memory_space<hbm>>
        tpu.enqueue_dma source(%dma_start3A_954 : memref<96xi32, #tpu.memory_space<hbm>>) target(%arg9 : memref<96xi32, #tpu.memory_space<vmem>>) target_semaphore(%arg23 : memref<!tpu.dma_semaphore, #tpu.memory_space<semaphore_mem>>)
        %mul3A_955 = arith.constant 96 : i32
        %mul3A_956 = arith.muli %add3A_949, %mul3A_955 : i32
        %add3A_957 = arith.addi %mul3A_768, %mul3A_956 : i32
        %dma_start3A_958 = tpu.memref_slice %arg5[%add3A_957] : memref<320000xi32, #tpu.memory_space<hbm>> -> memref<96xi32, #tpu.memory_space<hbm>>
        %dma_start3A_959 = tpu.memref_slice %arg5[%add3A_957] : memref<320000xi32, #tpu.memory_space<hbm>> -> memref<96xi32, #tpu.memory_space<hbm>>
        tpu.enqueue_dma source(%dma_start3A_959 : memref<96xi32, #tpu.memory_space<hbm>>) target(%arg13 : memref<96xi32, #tpu.memory_space<vmem>>) target_semaphore(%arg23 : memref<!tpu.dma_semaphore, #tpu.memory_space<semaphore_mem>>)
      } else {
      }
      %dma_wait3A_913 = arith.constant 0 : i32
      %dma_wait3A_914 = arith.constant 0 : i32
      %dma_wait3A_915 = tpu.memref_slice %arg2[%dma_wait3A_913, %dma_wait3A_914] : memref<10000x128xf32, #tpu.memory_space<hbm>> -> memref<10000x128xf32, #tpu.memory_space<hbm>>
      tpu.wait_indirect_dma semaphore(%arg29 : memref<!tpu.dma_semaphore, #tpu.memory_space<semaphore_mem>>) src(%dma_wait3A_915 : memref<10000x128xf32, #tpu.memory_space<hbm>>) dst(%arg21 : memref<96x128xf32, #tpu.memory_space<vmem>>)
      %dma_start3A_916 = arith.constant 0 : i32
      %dma_start3A_917 = arith.constant 0 : i32
      %dma_start3A_918 = tpu.memref_slice %arg8[%dma_start3A_916, %dma_start3A_917] : memref<10000x128xf32, #tpu.memory_space<vmem_shared>> -> memref<10000x128xf32, #tpu.memory_space<vmem_shared>>
      tpu.enqueue_indirect_dma source(%arg21 : memref<96x128xf32, #tpu.memory_space<vmem>>) target(%dma_start3A_918 : memref<10000x128xf32, #tpu.memory_space<vmem_shared>>) offsets(%arg15 : memref<96xi32, #tpu.memory_space<vmem>>) semaphore(%arg33 : memref<!tpu.dma_semaphore, #tpu.memory_space<semaphore_mem>>) {add = true}
      %mul3A_919 = arith.constant 4 : i32
      %mul3A_920 = arith.muli %scan3A_833, %mul3A_919 : i32
      %add3A_921 = arith.constant 3 : i32
      %add3A_922 = arith.addi %mul3A_920, %add3A_921 : i32
      %add3A_923 = arith.constant 1 : i32
      %add3A_924 = arith.addi %add3A_922, %add3A_923 : i32
      %lt3A_925 = arith.constant 208 : i32
      %lt3A_926 = arith.cmpi slt, %add3A_924, %lt3A_925 : i32
      %convert_element_type3A_927 = arith.extui %lt3A_926 : i1 to i32
      %cond3A_928 = arith.constant 0 : i32
      %cond3A_929 = arith.cmpi ne, %convert_element_type3A_927, %cond3A_928 : i32
      scf.if %cond3A_929 {
        %add3A_948 = arith.constant 1 : i32
        %add3A_949 = arith.addi %add3A_922, %add3A_948 : i32
        %mul3A_950 = arith.constant 96 : i32
        %mul3A_951 = arith.muli %add3A_949, %mul3A_950 : i32
        %add3A_952 = arith.addi %mul3A_768, %mul3A_951 : i32
        %dma_wait3A_953 = tpu.memref_slice %arg4[%add3A_952] : memref<320000xi32, #tpu.memory_space<hbm>> -> memref<96xi32, #tpu.memory_space<hbm>>
        %dma_wait3A_954 = tpu.memref_slice %arg4[%add3A_952] : memref<320000xi32, #tpu.memory_space<hbm>> -> memref<96xi32, #tpu.memory_space<hbm>>
        tpu.wait_dma2 semaphore(%arg23 : memref<!tpu.dma_semaphore, #tpu.memory_space<semaphore_mem>>) src(%dma_wait3A_954 : memref<96xi32, #tpu.memory_space<hbm>>) dst(%arg9 : memref<96xi32, #tpu.memory_space<vmem>>)
        %mul3A_955 = arith.constant 96 : i32
        %mul3A_956 = arith.muli %add3A_949, %mul3A_955 : i32
        %add3A_957 = arith.addi %mul3A_768, %mul3A_956 : i32
        %dma_wait3A_958 = tpu.memref_slice %arg5[%add3A_957] : memref<320000xi32, #tpu.memory_space<hbm>> -> memref<96xi32, #tpu.memory_space<hbm>>
        %dma_wait3A_959 = tpu.memref_slice %arg5[%add3A_957] : memref<320000xi32, #tpu.memory_space<hbm>> -> memref<96xi32, #tpu.memory_space<hbm>>
        tpu.wait_dma2 semaphore(%arg23 : memref<!tpu.dma_semaphore, #tpu.memory_space<semaphore_mem>>) src(%dma_wait3A_959 : memref<96xi32, #tpu.memory_space<hbm>>) dst(%arg13 : memref<96xi32, #tpu.memory_space<vmem>>)
        %eq3A_960 = arith.constant 0 : i32
        %eq3A_961 = arith.cmpi eq, %arg0, %eq3A_960 : i32
        %convert_element_type3A_962 = arith.extui %eq3A_961 : i1 to i32
        %cond3A_963 = arith.constant 0 : i32
        %cond3A_964 = arith.cmpi ne, %convert_element_type3A_962, %cond3A_963 : i32
        scf.if %cond3A_964 {
          %dma_start3A_970 = arith.constant 0 : i32
          %dma_start3A_971 = arith.constant 0 : i32
          %dma_start3A_972 = tpu.memref_slice %arg2[%dma_start3A_970, %dma_start3A_971] : memref<10000x128xf32, #tpu.memory_space<hbm>> -> memref<10000x128xf32, #tpu.memory_space<hbm>>
          tpu.enqueue_indirect_dma source(%dma_start3A_972 : memref<10000x128xf32, #tpu.memory_space<hbm>>) target(%arg19 : memref<96x128xf32, #tpu.memory_space<vmem>>) offsets(%arg9 : memref<96xi32, #tpu.memory_space<vmem>>) semaphore(%arg27 : memref<!tpu.dma_semaphore, #tpu.memory_space<semaphore_mem>>)
        } else {
        }
        %eq3A_965 = arith.constant 1 : i32
        %eq3A_966 = arith.cmpi eq, %arg0, %eq3A_965 : i32
        %convert_element_type3A_967 = arith.extui %eq3A_966 : i1 to i32
        %cond3A_968 = arith.constant 0 : i32
        %cond3A_969 = arith.cmpi ne, %convert_element_type3A_967, %cond3A_968 : i32
        scf.if %cond3A_969 {
          %dma_start3A_970 = arith.constant 0 : i32
          %dma_start3A_971 = arith.constant 0 : i32
          %dma_start3A_972 = tpu.memref_slice %arg3[%dma_start3A_970, %dma_start3A_971] : memref<10000x128xf32, #tpu.memory_space<hbm>> -> memref<10000x128xf32, #tpu.memory_space<hbm>>
          tpu.enqueue_indirect_dma source(%dma_start3A_972 : memref<10000x128xf32, #tpu.memory_space<hbm>>) target(%arg19 : memref<96x128xf32, #tpu.memory_space<vmem>>) offsets(%arg9 : memref<96xi32, #tpu.memory_space<vmem>>) semaphore(%arg27 : memref<!tpu.dma_semaphore, #tpu.memory_space<semaphore_mem>>)
        } else {
        }
      } else {
      }
      %ge3A_930 = arith.constant 2 : i32
      %ge3A_931 = arith.cmpi sge, %add3A_922, %ge3A_930 : i32
      %convert_element_type3A_932 = arith.extui %ge3A_931 : i1 to i32
      %cond3A_933 = arith.constant 0 : i32
      %cond3A_934 = arith.cmpi ne, %convert_element_type3A_932, %cond3A_933 : i32
      scf.if %cond3A_934 {
        %dma_wait3A_948 = arith.constant 0 : i32
        %dma_wait3A_949 = arith.constant 0 : i32
        %dma_wait3A_950 = tpu.memref_slice %arg8[%dma_wait3A_948, %dma_wait3A_949] : memref<10000x128xf32, #tpu.memory_space<vmem_shared>> -> memref<10000x128xf32, #tpu.memory_space<vmem_shared>>
        tpu.wait_indirect_dma semaphore(%arg32 : memref<!tpu.dma_semaphore, #tpu.memory_space<semaphore_mem>>) src(%arg20 : memref<96x128xf32, #tpu.memory_space<vmem>>) dst(%dma_wait3A_950 : memref<10000x128xf32, #tpu.memory_space<vmem_shared>>)
      } else {
      }
      %add3A_935 = arith.constant 2 : i32
      %add3A_936 = arith.addi %add3A_922, %add3A_935 : i32
      %lt3A_937 = arith.constant 208 : i32
      %lt3A_938 = arith.cmpi slt, %add3A_936, %lt3A_937 : i32
      %convert_element_type3A_939 = arith.extui %lt3A_938 : i1 to i32
      %cond3A_940 = arith.constant 0 : i32
      %cond3A_941 = arith.cmpi ne, %convert_element_type3A_939, %cond3A_940 : i32
      scf.if %cond3A_941 {
        %add3A_948 = arith.constant 2 : i32
        %add3A_949 = arith.addi %add3A_922, %add3A_948 : i32
        %mul3A_950 = arith.constant 96 : i32
        %mul3A_951 = arith.muli %add3A_949, %mul3A_950 : i32
        %add3A_952 = arith.addi %mul3A_768, %mul3A_951 : i32
        %dma_start3A_953 = tpu.memref_slice %arg4[%add3A_952] : memref<320000xi32, #tpu.memory_space<hbm>> -> memref<96xi32, #tpu.memory_space<hbm>>
        %dma_start3A_954 = tpu.memref_slice %arg4[%add3A_952] : memref<320000xi32, #tpu.memory_space<hbm>> -> memref<96xi32, #tpu.memory_space<hbm>>
        tpu.enqueue_dma source(%dma_start3A_954 : memref<96xi32, #tpu.memory_space<hbm>>) target(%arg10 : memref<96xi32, #tpu.memory_space<vmem>>) target_semaphore(%arg24 : memref<!tpu.dma_semaphore, #tpu.memory_space<semaphore_mem>>)
        %mul3A_955 = arith.constant 96 : i32
        %mul3A_956 = arith.muli %add3A_949, %mul3A_955 : i32
        %add3A_957 = arith.addi %mul3A_768, %mul3A_956 : i32
        %dma_start3A_958 = tpu.memref_slice %arg5[%add3A_957] : memref<320000xi32, #tpu.memory_space<hbm>> -> memref<96xi32, #tpu.memory_space<hbm>>
        %dma_start3A_959 = tpu.memref_slice %arg5[%add3A_957] : memref<320000xi32, #tpu.memory_space<hbm>> -> memref<96xi32, #tpu.memory_space<hbm>>
        tpu.enqueue_dma source(%dma_start3A_959 : memref<96xi32, #tpu.memory_space<hbm>>) target(%arg14 : memref<96xi32, #tpu.memory_space<vmem>>) target_semaphore(%arg24 : memref<!tpu.dma_semaphore, #tpu.memory_space<semaphore_mem>>)
      } else {
      }
      %dma_wait3A_942 = arith.constant 0 : i32
      %dma_wait3A_943 = arith.constant 0 : i32
      %dma_wait3A_944 = tpu.memref_slice %arg2[%dma_wait3A_942, %dma_wait3A_943] : memref<10000x128xf32, #tpu.memory_space<hbm>> -> memref<10000x128xf32, #tpu.memory_space<hbm>>
      tpu.wait_indirect_dma semaphore(%arg30 : memref<!tpu.dma_semaphore, #tpu.memory_space<semaphore_mem>>) src(%dma_wait3A_944 : memref<10000x128xf32, #tpu.memory_space<hbm>>) dst(%arg22 : memref<96x128xf32, #tpu.memory_space<vmem>>)
      %dma_start3A_945 = arith.constant 0 : i32
      %dma_start3A_946 = arith.constant 0 : i32
      %dma_start3A_947 = tpu.memref_slice %arg8[%dma_start3A_945, %dma_start3A_946] : memref<10000x128xf32, #tpu.memory_space<vmem_shared>> -> memref<10000x128xf32, #tpu.memory_space<vmem_shared>>
      tpu.enqueue_indirect_dma source(%arg22 : memref<96x128xf32, #tpu.memory_space<vmem>>) target(%dma_start3A_947 : memref<10000x128xf32, #tpu.memory_space<vmem_shared>>) offsets(%arg16 : memref<96xi32, #tpu.memory_space<vmem>>) semaphore(%arg34 : memref<!tpu.dma_semaphore, #tpu.memory_space<semaphore_mem>>) {add = true}
    }
    %scan3A_807 = arith.constant 52 : i32
    %dma_wait3A_808 = arith.constant 0 : i32
    %dma_wait3A_809 = arith.constant 0 : i32
    %dma_wait3A_810 = tpu.memref_slice %arg8[%dma_wait3A_808, %dma_wait3A_809] : memref<10000x128xf32, #tpu.memory_space<vmem_shared>> -> memref<10000x128xf32, #tpu.memory_space<vmem_shared>>
    tpu.wait_indirect_dma semaphore(%arg33 : memref<!tpu.dma_semaphore, #tpu.memory_space<semaphore_mem>>) src(%arg21 : memref<96x128xf32, #tpu.memory_space<vmem>>) dst(%dma_wait3A_810 : memref<10000x128xf32, #tpu.memory_space<vmem_shared>>)
    %dma_wait3A_811 = arith.constant 0 : i32
    %dma_wait3A_812 = arith.constant 0 : i32
    %dma_wait3A_813 = tpu.memref_slice %arg8[%dma_wait3A_811, %dma_wait3A_812] : memref<10000x128xf32, #tpu.memory_space<vmem_shared>> -> memref<10000x128xf32, #tpu.memory_space<vmem_shared>>
    tpu.wait_indirect_dma semaphore(%arg34 : memref<!tpu.dma_semaphore, #tpu.memory_space<semaphore_mem>>) src(%arg22 : memref<96x128xf32, #tpu.memory_space<vmem>>) dst(%dma_wait3A_813 : memref<10000x128xf32, #tpu.memory_space<vmem_shared>>)
    %add3A_814 = arith.constant 19968 : i32
    %add3A_815 = arith.addi %mul3A_768, %add3A_814 : i32
    "tpu.region"() ({
      %run_scoped3A = tpu.sem_alloc : memref<!tpu.dma_semaphore, #tpu.memory_space<semaphore_mem>>
      %dma_start3A_833 = tpu.memref_slice %arg4[%add3A_815] : memref<320000xi32, #tpu.memory_space<hbm>> -> memref<32xi32, #tpu.memory_space<hbm>>
      %dma_start3A_834 = tpu.memref_slice %arg4[%add3A_815] : memref<320000xi32, #tpu.memory_space<hbm>> -> memref<32xi32, #tpu.memory_space<hbm>>
      tpu.enqueue_dma source(%dma_start3A_834 : memref<32xi32, #tpu.memory_space<hbm>>) target(%arg17 : memref<32xi32, #tpu.memory_space<vmem>>) target_semaphore(%run_scoped3A : memref<!tpu.dma_semaphore, #tpu.memory_space<semaphore_mem>>)
      %dma_wait3A_835 = tpu.memref_slice %arg4[%add3A_815] : memref<320000xi32, #tpu.memory_space<hbm>> -> memref<32xi32, #tpu.memory_space<hbm>>
      %dma_wait3A_836 = tpu.memref_slice %arg4[%add3A_815] : memref<320000xi32, #tpu.memory_space<hbm>> -> memref<32xi32, #tpu.memory_space<hbm>>
      tpu.wait_dma2 semaphore(%run_scoped3A : memref<!tpu.dma_semaphore, #tpu.memory_space<semaphore_mem>>) src(%dma_wait3A_836 : memref<32xi32, #tpu.memory_space<hbm>>) dst(%arg17 : memref<32xi32, #tpu.memory_space<vmem>>)
      tpu.yield
    }) : () -> ()
    "tpu.region"() ({
      %run_scoped3A = tpu.sem_alloc : memref<!tpu.dma_semaphore, #tpu.memory_space<semaphore_mem>>
      %dma_start3A_833 = tpu.memref_slice %arg5[%add3A_815] : memref<320000xi32, #tpu.memory_space<hbm>> -> memref<32xi32, #tpu.memory_space<hbm>>
      %dma_start3A_834 = tpu.memref_slice %arg5[%add3A_815] : memref<320000xi32, #tpu.memory_space<hbm>> -> memref<32xi32, #tpu.memory_space<hbm>>
      tpu.enqueue_dma source(%dma_start3A_834 : memref<32xi32, #tpu.memory_space<hbm>>) target(%arg18 : memref<32xi32, #tpu.memory_space<vmem>>) target_semaphore(%run_scoped3A : memref<!tpu.dma_semaphore, #tpu.memory_space<semaphore_mem>>)
      %dma_wait3A_835 = tpu.memref_slice %arg5[%add3A_815] : memref<320000xi32, #tpu.memory_space<hbm>> -> memref<32xi32, #tpu.memory_space<hbm>>
      %dma_wait3A_836 = tpu.memref_slice %arg5[%add3A_815] : memref<320000xi32, #tpu.memory_space<hbm>> -> memref<32xi32, #tpu.memory_space<hbm>>
      tpu.wait_dma2 semaphore(%run_scoped3A : memref<!tpu.dma_semaphore, #tpu.memory_space<semaphore_mem>>) src(%dma_wait3A_836 : memref<32xi32, #tpu.memory_space<hbm>>) dst(%arg18 : memref<32xi32, #tpu.memory_space<vmem>>)
      tpu.yield
    }) : () -> ()
    %eq3A_816 = arith.constant 0 : i32
    %eq3A_817 = arith.cmpi eq, %arg0, %eq3A_816 : i32
    %convert_element_type3A_818 = arith.extui %eq3A_817 : i1 to i32
    %cond3A_819 = arith.constant 0 : i32
    %cond3A_820 = arith.cmpi ne, %convert_element_type3A_818, %cond3A_819 : i32
    scf.if %cond3A_820 {
      %dma_start3A_833 = arith.constant 0 : i32
      %dma_start3A_834 = arith.constant 0 : i32
      %dma_start3A_835 = tpu.memref_slice %arg19[%dma_start3A_833, %dma_start3A_834] : memref<96x128xf32, #tpu.memory_space<vmem>> -> memref<32x128xf32, #tpu.memory_space<vmem>>
      %dma_start3A_836 = arith.constant 0 : i32
      %dma_start3A_837 = arith.constant 0 : i32
      %dma_start3A_838 = tpu.memref_slice %arg2[%dma_start3A_836, %dma_start3A_837] : memref<10000x128xf32, #tpu.memory_space<hbm>> -> memref<10000x128xf32, #tpu.memory_space<hbm>>
      tpu.enqueue_indirect_dma source(%dma_start3A_838 : memref<10000x128xf32, #tpu.memory_space<hbm>>) target(%dma_start3A_835 : memref<32x128xf32, #tpu.memory_space<vmem>>) offsets(%arg17 : memref<32xi32, #tpu.memory_space<vmem>>) semaphore(%arg23 : memref<!tpu.dma_semaphore, #tpu.memory_space<semaphore_mem>>)
      %dma_wait3A_839 = arith.constant 0 : i32
      %dma_wait3A_840 = arith.constant 0 : i32
      %dma_wait3A_841 = tpu.memref_slice %arg19[%dma_wait3A_839, %dma_wait3A_840] : memref<96x128xf32, #tpu.memory_space<vmem>> -> memref<32x128xf32, #tpu.memory_space<vmem>>
      %dma_wait3A_842 = arith.constant 0 : i32
      %dma_wait3A_843 = arith.constant 0 : i32
      %dma_wait3A_844 = tpu.memref_slice %arg2[%dma_wait3A_842, %dma_wait3A_843] : memref<10000x128xf32, #tpu.memory_space<hbm>> -> memref<10000x128xf32, #tpu.memory_space<hbm>>
      tpu.wait_indirect_dma semaphore(%arg23 : memref<!tpu.dma_semaphore, #tpu.memory_space<semaphore_mem>>) src(%dma_wait3A_844 : memref<10000x128xf32, #tpu.memory_space<hbm>>) dst(%dma_wait3A_841 : memref<32x128xf32, #tpu.memory_space<vmem>>)
    } else {
    }
    %eq3A_821 = arith.constant 1 : i32
    %eq3A_822 = arith.cmpi eq, %arg0, %eq3A_821 : i32
    %convert_element_type3A_823 = arith.extui %eq3A_822 : i1 to i32
    %cond3A_824 = arith.constant 0 : i32
    %cond3A_825 = arith.cmpi ne, %convert_element_type3A_823, %cond3A_824 : i32
    scf.if %cond3A_825 {
      %dma_start3A_833 = arith.constant 0 : i32
      %dma_start3A_834 = arith.constant 0 : i32
      %dma_start3A_835 = tpu.memref_slice %arg19[%dma_start3A_833, %dma_start3A_834] : memref<96x128xf32, #tpu.memory_space<vmem>> -> memref<32x128xf32, #tpu.memory_space<vmem>>
      %dma_start3A_836 = arith.constant 0 : i32
      %dma_start3A_837 = arith.constant 0 : i32
      %dma_start3A_838 = tpu.memref_slice %arg3[%dma_start3A_836, %dma_start3A_837] : memref<10000x128xf32, #tpu.memory_space<hbm>> -> memref<10000x128xf32, #tpu.memory_space<hbm>>
      tpu.enqueue_indirect_dma source(%dma_start3A_838 : memref<10000x128xf32, #tpu.memory_space<hbm>>) target(%dma_start3A_835 : memref<32x128xf32, #tpu.memory_space<vmem>>) offsets(%arg17 : memref<32xi32, #tpu.memory_space<vmem>>) semaphore(%arg23 : memref<!tpu.dma_semaphore, #tpu.memory_space<semaphore_mem>>)
      %dma_wait3A_839 = arith.constant 0 : i32
      %dma_wait3A_840 = arith.constant 0 : i32
      %dma_wait3A_841 = tpu.memref_slice %arg19[%dma_wait3A_839, %dma_wait3A_840] : memref<96x128xf32, #tpu.memory_space<vmem>> -> memref<32x128xf32, #tpu.memory_space<vmem>>
      %dma_wait3A_842 = arith.constant 0 : i32
      %dma_wait3A_843 = arith.constant 0 : i32
      %dma_wait3A_844 = tpu.memref_slice %arg3[%dma_wait3A_842, %dma_wait3A_843] : memref<10000x128xf32, #tpu.memory_space<hbm>> -> memref<10000x128xf32, #tpu.memory_space<hbm>>
      tpu.wait_indirect_dma semaphore(%arg23 : memref<!tpu.dma_semaphore, #tpu.memory_space<semaphore_mem>>) src(%dma_wait3A_844 : memref<10000x128xf32, #tpu.memory_space<hbm>>) dst(%dma_wait3A_841 : memref<32x128xf32, #tpu.memory_space<vmem>>)
    } else {
    }
    "tpu.region"() ({
      %run_scoped3A = tpu.sem_alloc : memref<!tpu.dma_semaphore, #tpu.memory_space<semaphore_mem>>
      %dma_start3A_833 = arith.constant 0 : i32
      %dma_start3A_834 = arith.constant 0 : i32
      %dma_start3A_835 = tpu.memref_slice %arg19[%dma_start3A_833, %dma_start3A_834] : memref<96x128xf32, #tpu.memory_space<vmem>> -> memref<32x128xf32, #tpu.memory_space<vmem>>
      %dma_start3A_836 = arith.constant 0 : i32
      %dma_start3A_837 = arith.constant 0 : i32
      %dma_start3A_838 = tpu.memref_slice %arg8[%dma_start3A_836, %dma_start3A_837] : memref<10000x128xf32, #tpu.memory_space<vmem_shared>> -> memref<10000x128xf32, #tpu.memory_space<vmem_shared>>
      tpu.enqueue_indirect_dma source(%dma_start3A_835 : memref<32x128xf32, #tpu.memory_space<vmem>>) target(%dma_start3A_838 : memref<10000x128xf32, #tpu.memory_space<vmem_shared>>) offsets(%arg18 : memref<32xi32, #tpu.memory_space<vmem>>) semaphore(%run_scoped3A : memref<!tpu.dma_semaphore, #tpu.memory_space<semaphore_mem>>) {add = true}
      %dma_wait3A_839 = arith.constant 0 : i32
      %dma_wait3A_840 = arith.constant 0 : i32
      %dma_wait3A_841 = tpu.memref_slice %arg19[%dma_wait3A_839, %dma_wait3A_840] : memref<96x128xf32, #tpu.memory_space<vmem>> -> memref<32x128xf32, #tpu.memory_space<vmem>>
      %dma_wait3A_842 = arith.constant 0 : i32
      %dma_wait3A_843 = arith.constant 0 : i32
      %dma_wait3A_844 = tpu.memref_slice %arg8[%dma_wait3A_842, %dma_wait3A_843] : memref<10000x128xf32, #tpu.memory_space<vmem_shared>> -> memref<10000x128xf32, #tpu.memory_space<vmem_shared>>
      tpu.wait_indirect_dma semaphore(%run_scoped3A : memref<!tpu.dma_semaphore, #tpu.memory_space<semaphore_mem>>) src(%dma_wait3A_841 : memref<32x128xf32, #tpu.memory_space<vmem>>) dst(%dma_wait3A_844 : memref<10000x128xf32, #tpu.memory_space<vmem_shared>>)
      tpu.yield
    }) : () -> ()
    %barrier3A_826 = arith.constant 0 : index
    tpu.barrier barrier_id(%barrier3A_826)
    %scan3A_827 = arith.constant 0 : i32
    %scan3A_828 = arith.constant 0 : i32
    %scan3A_829 = arith.constant 8 : i32
    %scan3A_830 = arith.addi %scan3A_828, %scan3A_829 : i32
    %scan3A_831 = arith.constant 1 : i32
    scf.for %scan3A_833 = %scan3A_828 to %scan3A_830 step %scan3A_831  : i32 {
      %mul3A_834 = arith.constant 16 : i32
      %mul3A_835 = arith.muli %scan3A_833, %mul3A_834 : i32
      %add3A_836 = arith.addi %arg1, %mul3A_835 : i32
      %lt3A = arith.constant 125 : i32
      %lt3A_837 = arith.cmpi slt, %add3A_836, %lt3A : i32
      %convert_element_type3A_838 = arith.extui %lt3A_837 : i1 to i32
      %cond3A_839 = arith.constant 0 : i32
      %cond3A_840 = arith.cmpi ne, %convert_element_type3A_838, %cond3A_839 : i32
      scf.if %cond3A_840 {
        %mul3A_841 = arith.constant 80 : i32
        %mul3A_842 = arith.muli %add3A_836, %mul3A_841 : i32
        "tpu.region"() ({
          %run_scoped3A = tpu.sem_alloc : memref<!tpu.dma_semaphore, #tpu.memory_space<semaphore_mem>>
          %dma_start3A_853 = arith.constant 0 : i32
          %dma_start3A_854 = arith.constant 0 : i32
          %dma_start3A_855 = tpu.memref_slice %arg20[%dma_start3A_853, %dma_start3A_854] : memref<96x128xf32, #tpu.memory_space<vmem>> -> memref<80x128xf32, #tpu.memory_space<vmem>>
          %dma_start3A_856 = arith.constant 0 : i32
          %dma_start3A_857 = tpu.memref_slice %arg8[%mul3A_842, %dma_start3A_856] : memref<10000x128xf32, #tpu.memory_space<vmem_shared>> -> memref<80x128xf32, #tpu.memory_space<vmem_shared>>
          %dma_start3A_858 = arith.constant 0 : i32
          %dma_start3A_859 = arith.constant 0 : i32
          %dma_start3A_860 = tpu.memref_slice %arg20[%dma_start3A_858, %dma_start3A_859] : memref<96x128xf32, #tpu.memory_space<vmem>> -> memref<80x128xf32, #tpu.memory_space<vmem>>
          %dma_start3A_861 = arith.constant 0 : i32
          %dma_start3A_862 = tpu.memref_slice %arg8[%mul3A_842, %dma_start3A_861] : memref<10000x128xf32, #tpu.memory_space<vmem_shared>> -> memref<80x128xf32, #tpu.memory_space<vmem_shared>>
          tpu.enqueue_dma source(%dma_start3A_862 : memref<80x128xf32, #tpu.memory_space<vmem_shared>>) target(%dma_start3A_860 : memref<80x128xf32, #tpu.memory_space<vmem>>) target_semaphore(%run_scoped3A : memref<!tpu.dma_semaphore, #tpu.memory_space<semaphore_mem>>)
          %dma_wait3A_863 = arith.constant 0 : i32
          %dma_wait3A_864 = arith.constant 0 : i32
          %dma_wait3A_865 = tpu.memref_slice %arg20[%dma_wait3A_863, %dma_wait3A_864] : memref<96x128xf32, #tpu.memory_space<vmem>> -> memref<80x128xf32, #tpu.memory_space<vmem>>
          %dma_wait3A_866 = arith.constant 0 : i32
          %dma_wait3A_867 = tpu.memref_slice %arg8[%mul3A_842, %dma_wait3A_866] : memref<10000x128xf32, #tpu.memory_space<vmem_shared>> -> memref<80x128xf32, #tpu.memory_space<vmem_shared>>
          %dma_wait3A_868 = arith.constant 0 : i32
          %dma_wait3A_869 = arith.constant 0 : i32
          %dma_wait3A_870 = tpu.memref_slice %arg20[%dma_wait3A_868, %dma_wait3A_869] : memref<96x128xf32, #tpu.memory_space<vmem>> -> memref<80x128xf32, #tpu.memory_space<vmem>>
          %dma_wait3A_871 = arith.constant 0 : i32
          %dma_wait3A_872 = tpu.memref_slice %arg8[%mul3A_842, %dma_wait3A_871] : memref<10000x128xf32, #tpu.memory_space<vmem_shared>> -> memref<80x128xf32, #tpu.memory_space<vmem_shared>>
          tpu.wait_dma2 semaphore(%run_scoped3A : memref<!tpu.dma_semaphore, #tpu.memory_space<semaphore_mem>>) src(%dma_wait3A_872 : memref<80x128xf32, #tpu.memory_space<vmem_shared>>) dst(%dma_wait3A_870 : memref<80x128xf32, #tpu.memory_space<vmem>>)
          tpu.yield
        }) : () -> ()
        %eq3A_843 = arith.constant 0 : i32
        %eq3A_844 = arith.cmpi eq, %arg0, %eq3A_843 : i32
        %convert_element_type3A_845 = arith.extui %eq3A_844 : i1 to i32
        %cond3A_846 = arith.constant 0 : i32
        %cond3A_847 = arith.cmpi ne, %convert_element_type3A_845, %cond3A_846 : i32
        scf.if %cond3A_847 {
          "tpu.region"() ({
            %run_scoped3A = tpu.sem_alloc : memref<!tpu.dma_semaphore, #tpu.memory_space<semaphore_mem>>
            %dma_start3A_853 = arith.constant 0 : i32
            %dma_start3A_854 = arith.constant 0 : i32
            %dma_start3A_855 = tpu.memref_slice %arg20[%dma_start3A_853, %dma_start3A_854] : memref<96x128xf32, #tpu.memory_space<vmem>> -> memref<80x128xf32, #tpu.memory_space<vmem>>
            %dma_start3A_856 = arith.constant 0 : i32
            %dma_start3A_857 = tpu.memref_slice %arg6[%mul3A_842, %dma_start3A_856] : memref<10000x128xf32, #tpu.memory_space<hbm>> -> memref<80x128xf32, #tpu.memory_space<hbm>>
            %dma_start3A_858 = arith.constant 0 : i32
            %dma_start3A_859 = tpu.memref_slice %arg6[%mul3A_842, %dma_start3A_858] : memref<10000x128xf32, #tpu.memory_space<hbm>> -> memref<80x128xf32, #tpu.memory_space<hbm>>
            %dma_start3A_860 = arith.constant 0 : i32
            %dma_start3A_861 = arith.constant 0 : i32
            %dma_start3A_862 = tpu.memref_slice %arg20[%dma_start3A_860, %dma_start3A_861] : memref<96x128xf32, #tpu.memory_space<vmem>> -> memref<80x128xf32, #tpu.memory_space<vmem>>
            tpu.enqueue_dma source(%dma_start3A_862 : memref<80x128xf32, #tpu.memory_space<vmem>>) target(%dma_start3A_859 : memref<80x128xf32, #tpu.memory_space<hbm>>) target_semaphore(%run_scoped3A : memref<!tpu.dma_semaphore, #tpu.memory_space<semaphore_mem>>)
            %dma_wait3A_863 = arith.constant 0 : i32
            %dma_wait3A_864 = arith.constant 0 : i32
            %dma_wait3A_865 = tpu.memref_slice %arg20[%dma_wait3A_863, %dma_wait3A_864] : memref<96x128xf32, #tpu.memory_space<vmem>> -> memref<80x128xf32, #tpu.memory_space<vmem>>
            %dma_wait3A_866 = arith.constant 0 : i32
            %dma_wait3A_867 = tpu.memref_slice %arg6[%mul3A_842, %dma_wait3A_866] : memref<10000x128xf32, #tpu.memory_space<hbm>> -> memref<80x128xf32, #tpu.memory_space<hbm>>
            %dma_wait3A_868 = arith.constant 0 : i32
            %dma_wait3A_869 = tpu.memref_slice %arg6[%mul3A_842, %dma_wait3A_868] : memref<10000x128xf32, #tpu.memory_space<hbm>> -> memref<80x128xf32, #tpu.memory_space<hbm>>
            %dma_wait3A_870 = arith.constant 0 : i32
            %dma_wait3A_871 = arith.constant 0 : i32
            %dma_wait3A_872 = tpu.memref_slice %arg20[%dma_wait3A_870, %dma_wait3A_871] : memref<96x128xf32, #tpu.memory_space<vmem>> -> memref<80x128xf32, #tpu.memory_space<vmem>>
            tpu.wait_dma2 semaphore(%run_scoped3A : memref<!tpu.dma_semaphore, #tpu.memory_space<semaphore_mem>>) src(%dma_wait3A_872 : memref<80x128xf32, #tpu.memory_space<vmem>>) dst(%dma_wait3A_869 : memref<80x128xf32, #tpu.memory_space<hbm>>)
            tpu.yield
          }) : () -> ()
        } else {
        }
        %eq3A_848 = arith.constant 1 : i32
        %eq3A_849 = arith.cmpi eq, %arg0, %eq3A_848 : i32
        %convert_element_type3A_850 = arith.extui %eq3A_849 : i1 to i32
        %cond3A_851 = arith.constant 0 : i32
        %cond3A_852 = arith.cmpi ne, %convert_element_type3A_850, %cond3A_851 : i32
        scf.if %cond3A_852 {
          "tpu.region"() ({
            %run_scoped3A = tpu.sem_alloc : memref<!tpu.dma_semaphore, #tpu.memory_space<semaphore_mem>>
            %dma_start3A_853 = arith.constant 0 : i32
            %dma_start3A_854 = arith.constant 0 : i32
            %dma_start3A_855 = tpu.memref_slice %arg20[%dma_start3A_853, %dma_start3A_854] : memref<96x128xf32, #tpu.memory_space<vmem>> -> memref<80x128xf32, #tpu.memory_space<vmem>>
            %dma_start3A_856 = arith.constant 0 : i32
            %dma_start3A_857 = tpu.memref_slice %arg7[%mul3A_842, %dma_start3A_856] : memref<10000x128xf32, #tpu.memory_space<hbm>> -> memref<80x128xf32, #tpu.memory_space<hbm>>
            %dma_start3A_858 = arith.constant 0 : i32
            %dma_start3A_859 = tpu.memref_slice %arg7[%mul3A_842, %dma_start3A_858] : memref<10000x128xf32, #tpu.memory_space<hbm>> -> memref<80x128xf32, #tpu.memory_space<hbm>>
            %dma_start3A_860 = arith.constant 0 : i32
            %dma_start3A_861 = arith.constant 0 : i32
            %dma_start3A_862 = tpu.memref_slice %arg20[%dma_start3A_860, %dma_start3A_861] : memref<96x128xf32, #tpu.memory_space<vmem>> -> memref<80x128xf32, #tpu.memory_space<vmem>>
            tpu.enqueue_dma source(%dma_start3A_862 : memref<80x128xf32, #tpu.memory_space<vmem>>) target(%dma_start3A_859 : memref<80x128xf32, #tpu.memory_space<hbm>>) target_semaphore(%run_scoped3A : memref<!tpu.dma_semaphore, #tpu.memory_space<semaphore_mem>>)
            %dma_wait3A_863 = arith.constant 0 : i32
            %dma_wait3A_864 = arith.constant 0 : i32
            %dma_wait3A_865 = tpu.memref_slice %arg20[%dma_wait3A_863, %dma_wait3A_864] : memref<96x128xf32, #tpu.memory_space<vmem>> -> memref<80x128xf32, #tpu.memory_space<vmem>>
            %dma_wait3A_866 = arith.constant 0 : i32
            %dma_wait3A_867 = tpu.memref_slice %arg7[%mul3A_842, %dma_wait3A_866] : memref<10000x128xf32, #tpu.memory_space<hbm>> -> memref<80x128xf32, #tpu.memory_space<hbm>>
            %dma_wait3A_868 = arith.constant 0 : i32
            %dma_wait3A_869 = tpu.memref_slice %arg7[%mul3A_842, %dma_wait3A_868] : memref<10000x128xf32, #tpu.memory_space<hbm>> -> memref<80x128xf32, #tpu.memory_space<hbm>>
            %dma_wait3A_870 = arith.constant 0 : i32
            %dma_wait3A_871 = arith.constant 0 : i32
            %dma_wait3A_872 = tpu.memref_slice %arg20[%dma_wait3A_870, %dma_wait3A_871] : memref<96x128xf32, #tpu.memory_space<vmem>> -> memref<80x128xf32, #tpu.memory_space<vmem>>
            tpu.wait_dma2 semaphore(%run_scoped3A : memref<!tpu.dma_semaphore, #tpu.memory_space<semaphore_mem>>) src(%dma_wait3A_872 : memref<80x128xf32, #tpu.memory_space<vmem>>) dst(%dma_wait3A_869 : memref<80x128xf32, #tpu.memory_space<hbm>>)
            tpu.yield
          }) : () -> ()
        } else {
        }
      } else {
      }
    }
    %scan3A_832 = arith.constant 8 : i32
    return
  }
}

#map = affine_map<(d0, d1) -> (0)>
module attributes {stable_mosaic.version = 14 : i64} {
  func.func @_sc_degrees(%arg0: i32, %arg1: i32, %arg2: memref<320000xi32, #tpu.memory_space<hbm>>, %arg3: memref<320000xi32, #tpu.memory_space<hbm>>, %arg4: memref<10000xf32, #tpu.memory_space<hbm>>, %arg5: memref<10000xf32, #tpu.memory_space<hbm>>, %arg6: memref<10000xf32, #tpu.memory_space<hbm>>, %arg7: memref<10000xf32, #tpu.memory_space<hbm>>, %arg8: memref<10000xf32, #tpu.memory_space<vmem_shared>>, %arg9: memref<10000xf32, #tpu.memory_space<vmem_shared>>, %arg10: memref<128xi32, #tpu.memory_space<vmem>>, %arg11: memref<128xi32, #tpu.memory_space<vmem>>, %arg12: memref<128xi32, #tpu.memory_space<vmem>>, %arg13: memref<128xi32, #tpu.memory_space<vmem>>, %arg14: memref<128xi32, #tpu.memory_space<vmem>>, %arg15: memref<128xi32, #tpu.memory_space<vmem>>, %arg16: memref<16xi32, #tpu.memory_space<vmem>>, %arg17: memref<16xi32, #tpu.memory_space<vmem>>, %arg18: memref<128xf32, #tpu.memory_space<vmem>>, %arg19: memref<16xf32, #tpu.memory_space<vmem>>, %arg20: memref<80xf32, #tpu.memory_space<vmem>>, %arg21: memref<!tpu.dma_semaphore, #tpu.memory_space<semaphore_mem>>, %arg22: memref<!tpu.dma_semaphore, #tpu.memory_space<semaphore_mem>>, %arg23: memref<!tpu.dma_semaphore, #tpu.memory_space<semaphore_mem>>, %arg24: memref<!tpu.dma_semaphore, #tpu.memory_space<semaphore_mem>>, %arg25: memref<!tpu.dma_semaphore, #tpu.memory_space<semaphore_mem>>, %arg26: memref<!tpu.dma_semaphore, #tpu.memory_space<semaphore_mem>>) attributes {dimension_semantics = [#tpu.dimension_semantics<core_parallel>, #tpu.dimension_semantics<subcore_parallel>], iteration_bounds = array<i64: 2, 16>, scalar_prefetch = 0 : i64, scratch_operands = 19 : i64, tpu.core_type = #tpu.core_type<sc_vector_subcore>, window_params = [{transform_indices = #map}, {transform_indices = #map}, {transform_indices = #map}, {transform_indices = #map}, {transform_indices = #map}, {transform_indices = #map}]} {
    %broadcast_in_dim3A = arith.constant 1.000000e+00 : f32
    %broadcast_in_dim3A_0 = vector.broadcast %broadcast_in_dim3A : f32 to vector<16xf32>
    %broadcast_in_dim3A_1 = arith.constant 0.000000e+00 : f32
    %broadcast_in_dim3A_2 = vector.broadcast %broadcast_in_dim3A_1 : f32 to vector<16xf32>
    %swap3A = arith.constant 0 : index
    %swap3A_3 = tpu.vector_load %arg18[%swap3A] {strides = array<i32>} : memref<128xf32, #tpu.memory_space<vmem>>, vector<16xf32>,
    %swap3A_4 = vector.shape_cast %swap3A_3 : vector<16xf32> to vector<16xf32>
    %swap3A_5 = vector.shape_cast %broadcast_in_dim3A_0 : vector<16xf32> to vector<16xf32>
    tpu.vector_store %arg18[%swap3A], %swap3A_5 {strides = array<i32>} : memref<128xf32, #tpu.memory_space<vmem>>, vector<16xf32>,
    %swap3A_6 = arith.constant 16 : index
    %swap3A_7 = tpu.vector_load %arg18[%swap3A_6] {strides = array<i32>} : memref<128xf32, #tpu.memory_space<vmem>>, vector<16xf32>,
    %swap3A_8 = vector.shape_cast %swap3A_7 : vector<16xf32> to vector<16xf32>
    %swap3A_9 = vector.shape_cast %broadcast_in_dim3A_0 : vector<16xf32> to vector<16xf32>
    tpu.vector_store %arg18[%swap3A_6], %swap3A_9 {strides = array<i32>} : memref<128xf32, #tpu.memory_space<vmem>>, vector<16xf32>,
    %swap3A_10 = arith.constant 32 : index
    %swap3A_11 = tpu.vector_load %arg18[%swap3A_10] {strides = array<i32>} : memref<128xf32, #tpu.memory_space<vmem>>, vector<16xf32>,
    %swap3A_12 = vector.shape_cast %swap3A_11 : vector<16xf32> to vector<16xf32>
    %swap3A_13 = vector.shape_cast %broadcast_in_dim3A_0 : vector<16xf32> to vector<16xf32>
    tpu.vector_store %arg18[%swap3A_10], %swap3A_13 {strides = array<i32>} : memref<128xf32, #tpu.memory_space<vmem>>, vector<16xf32>,
    %swap3A_14 = arith.constant 48 : index
    %swap3A_15 = tpu.vector_load %arg18[%swap3A_14] {strides = array<i32>} : memref<128xf32, #tpu.memory_space<vmem>>, vector<16xf32>,
    %swap3A_16 = vector.shape_cast %swap3A_15 : vector<16xf32> to vector<16xf32>
    %swap3A_17 = vector.shape_cast %broadcast_in_dim3A_0 : vector<16xf32> to vector<16xf32>
    tpu.vector_store %arg18[%swap3A_14], %swap3A_17 {strides = array<i32>} : memref<128xf32, #tpu.memory_space<vmem>>, vector<16xf32>,
    %swap3A_18 = arith.constant 64 : index
    %swap3A_19 = tpu.vector_load %arg18[%swap3A_18] {strides = array<i32>} : memref<128xf32, #tpu.memory_space<vmem>>, vector<16xf32>,
    %swap3A_20 = vector.shape_cast %swap3A_19 : vector<16xf32> to vector<16xf32>
    %swap3A_21 = vector.shape_cast %broadcast_in_dim3A_0 : vector<16xf32> to vector<16xf32>
    tpu.vector_store %arg18[%swap3A_18], %swap3A_21 {strides = array<i32>} : memref<128xf32, #tpu.memory_space<vmem>>, vector<16xf32>,
    %swap3A_22 = arith.constant 80 : index
    %swap3A_23 = tpu.vector_load %arg18[%swap3A_22] {strides = array<i32>} : memref<128xf32, #tpu.memory_space<vmem>>, vector<16xf32>,
    %swap3A_24 = vector.shape_cast %swap3A_23 : vector<16xf32> to vector<16xf32>
    %swap3A_25 = vector.shape_cast %broadcast_in_dim3A_0 : vector<16xf32> to vector<16xf32>
    tpu.vector_store %arg18[%swap3A_22], %swap3A_25 {strides = array<i32>} : memref<128xf32, #tpu.memory_space<vmem>>, vector<16xf32>,
    %swap3A_26 = arith.constant 96 : index
    %swap3A_27 = tpu.vector_load %arg18[%swap3A_26] {strides = array<i32>} : memref<128xf32, #tpu.memory_space<vmem>>, vector<16xf32>,
    %swap3A_28 = vector.shape_cast %swap3A_27 : vector<16xf32> to vector<16xf32>
    %swap3A_29 = vector.shape_cast %broadcast_in_dim3A_0 : vector<16xf32> to vector<16xf32>
    tpu.vector_store %arg18[%swap3A_26], %swap3A_29 {strides = array<i32>} : memref<128xf32, #tpu.memory_space<vmem>>, vector<16xf32>,
    %swap3A_30 = arith.constant 112 : index
    %swap3A_31 = tpu.vector_load %arg18[%swap3A_30] {strides = array<i32>} : memref<128xf32, #tpu.memory_space<vmem>>, vector<16xf32>,
    %swap3A_32 = vector.shape_cast %swap3A_31 : vector<16xf32> to vector<16xf32>
    %swap3A_33 = vector.shape_cast %broadcast_in_dim3A_0 : vector<16xf32> to vector<16xf32>
    tpu.vector_store %arg18[%swap3A_30], %swap3A_33 {strides = array<i32>} : memref<128xf32, #tpu.memory_space<vmem>>, vector<16xf32>,
    %swap3A_34 = arith.constant 0 : index
    %swap3A_35 = tpu.vector_load %arg19[%swap3A_34] {strides = array<i32>} : memref<16xf32, #tpu.memory_space<vmem>>, vector<16xf32>,
    %swap3A_36 = vector.shape_cast %swap3A_35 : vector<16xf32> to vector<16xf32>
    %swap3A_37 = vector.shape_cast %broadcast_in_dim3A_0 : vector<16xf32> to vector<16xf32>
    tpu.vector_store %arg19[%swap3A_34], %swap3A_37 {strides = array<i32>} : memref<16xf32, #tpu.memory_space<vmem>>, vector<16xf32>,
    %swap3A_38 = arith.constant 0 : index
    %swap3A_39 = tpu.vector_load %arg20[%swap3A_38] {strides = array<i32>} : memref<80xf32, #tpu.memory_space<vmem>>, vector<16xf32>,
    %swap3A_40 = vector.shape_cast %swap3A_39 : vector<16xf32> to vector<16xf32>
    %swap3A_41 = vector.shape_cast %broadcast_in_dim3A_2 : vector<16xf32> to vector<16xf32>
    tpu.vector_store %arg20[%swap3A_38], %swap3A_41 {strides = array<i32>} : memref<80xf32, #tpu.memory_space<vmem>>, vector<16xf32>,
    %swap3A_42 = arith.constant 16 : index
    %swap3A_43 = tpu.vector_load %arg20[%swap3A_42] {strides = array<i32>} : memref<80xf32, #tpu.memory_space<vmem>>, vector<16xf32>,
    %swap3A_44 = vector.shape_cast %swap3A_43 : vector<16xf32> to vector<16xf32>
    %swap3A_45 = vector.shape_cast %broadcast_in_dim3A_2 : vector<16xf32> to vector<16xf32>
    tpu.vector_store %arg20[%swap3A_42], %swap3A_45 {strides = array<i32>} : memref<80xf32, #tpu.memory_space<vmem>>, vector<16xf32>,
    %swap3A_46 = arith.constant 32 : index
    %swap3A_47 = tpu.vector_load %arg20[%swap3A_46] {strides = array<i32>} : memref<80xf32, #tpu.memory_space<vmem>>, vector<16xf32>,
    %swap3A_48 = vector.shape_cast %swap3A_47 : vector<16xf32> to vector<16xf32>
    %swap3A_49 = vector.shape_cast %broadcast_in_dim3A_2 : vector<16xf32> to vector<16xf32>
    tpu.vector_store %arg20[%swap3A_46], %swap3A_49 {strides = array<i32>} : memref<80xf32, #tpu.memory_space<vmem>>, vector<16xf32>,
    %swap3A_50 = arith.constant 48 : index
    %swap3A_51 = tpu.vector_load %arg20[%swap3A_50] {strides = array<i32>} : memref<80xf32, #tpu.memory_space<vmem>>, vector<16xf32>,
    %swap3A_52 = vector.shape_cast %swap3A_51 : vector<16xf32> to vector<16xf32>
    %swap3A_53 = vector.shape_cast %broadcast_in_dim3A_2 : vector<16xf32> to vector<16xf32>
    tpu.vector_store %arg20[%swap3A_50], %swap3A_53 {strides = array<i32>} : memref<80xf32, #tpu.memory_space<vmem>>, vector<16xf32>,
    %swap3A_54 = arith.constant 64 : index
    %swap3A_55 = tpu.vector_load %arg20[%swap3A_54] {strides = array<i32>} : memref<80xf32, #tpu.memory_space<vmem>>, vector<16xf32>,
    %swap3A_56 = vector.shape_cast %swap3A_55 : vector<16xf32> to vector<16xf32>
    %swap3A_57 = vector.shape_cast %broadcast_in_dim3A_2 : vector<16xf32> to vector<16xf32>
    tpu.vector_store %arg20[%swap3A_54], %swap3A_57 {strides = array<i32>} : memref<80xf32, #tpu.memory_space<vmem>>, vector<16xf32>,
    %mul3A = arith.constant 16 : i32
    %mul3A_58 = arith.muli %arg0, %mul3A : i32
    %add3A = arith.addi %mul3A_58, %arg1 : i32
    %mul3A_59 = arith.constant 10000 : i32
    %mul3A_60 = arith.muli %add3A, %mul3A_59 : i32
    %add3A_61 = arith.constant 0 : i32
    %add3A_62 = arith.addi %mul3A_60, %add3A_61 : i32
    %dma_start3A = tpu.memref_slice %arg2[%add3A_62] : memref<320000xi32, #tpu.memory_space<hbm>> -> memref<128xi32, #tpu.memory_space<hbm>>
    %dma_start3A_63 = tpu.memref_slice %arg2[%add3A_62] : memref<320000xi32, #tpu.memory_space<hbm>> -> memref<128xi32, #tpu.memory_space<hbm>>
    tpu.enqueue_dma source(%dma_start3A_63 : memref<128xi32, #tpu.memory_space<hbm>>) target(%arg10 : memref<128xi32, #tpu.memory_space<vmem>>) target_semaphore(%arg21 : memref<!tpu.dma_semaphore, #tpu.memory_space<semaphore_mem>>)
    %add3A_64 = arith.constant 0 : i32
    %add3A_65 = arith.addi %mul3A_60, %add3A_64 : i32
    %dma_start3A_66 = tpu.memref_slice %arg3[%add3A_65] : memref<320000xi32, #tpu.memory_space<hbm>> -> memref<128xi32, #tpu.memory_space<hbm>>
    %dma_start3A_67 = tpu.memref_slice %arg3[%add3A_65] : memref<320000xi32, #tpu.memory_space<hbm>> -> memref<128xi32, #tpu.memory_space<hbm>>
    tpu.enqueue_dma source(%dma_start3A_67 : memref<128xi32, #tpu.memory_space<hbm>>) target(%arg13 : memref<128xi32, #tpu.memory_space<vmem>>) target_semaphore(%arg21 : memref<!tpu.dma_semaphore, #tpu.memory_space<semaphore_mem>>)
    %scan3A = arith.constant 0 : i32
    %scan3A_68 = arith.constant 0 : i32
    %scan3A_69 = arith.constant 8 : i32
    %scan3A_70 = arith.addi %scan3A_68, %scan3A_69 : i32
    %scan3A_71 = arith.constant 1 : i32
    scf.for %scan3A_109 = %scan3A_68 to %scan3A_70 step %scan3A_71  : i32 {
      %mul3A_110 = arith.constant 16 : i32
      %mul3A_111 = arith.muli %scan3A_109, %mul3A_110 : i32
      %add3A_112 = arith.addi %arg1, %mul3A_111 : i32
      %lt3A = arith.constant 125 : i32
      %lt3A_113 = arith.cmpi slt, %add3A_112, %lt3A : i32
      %convert_element_type3A = arith.extui %lt3A_113 : i1 to i32
      %cond3A = arith.constant 0 : i32
      %cond3A_114 = arith.cmpi ne, %convert_element_type3A, %cond3A : i32
      scf.if %cond3A_114 {
        %mul3A_115 = arith.constant 80 : i32
        %mul3A_116 = arith.muli %add3A_112, %mul3A_115 : i32
        "tpu.region"() ({
          %run_scoped3A = tpu.sem_alloc : memref<!tpu.dma_semaphore, #tpu.memory_space<semaphore_mem>>
          %dma_start3A_117 = tpu.memref_slice %arg8[%mul3A_116] : memref<10000xf32, #tpu.memory_space<vmem_shared>> -> memref<80xf32, #tpu.memory_space<vmem_shared>>
          %dma_start3A_118 = tpu.memref_slice %arg8[%mul3A_116] : memref<10000xf32, #tpu.memory_space<vmem_shared>> -> memref<80xf32, #tpu.memory_space<vmem_shared>>
          tpu.enqueue_dma source(%arg20 : memref<80xf32, #tpu.memory_space<vmem>>) target(%dma_start3A_118 : memref<80xf32, #tpu.memory_space<vmem_shared>>) target_semaphore(%run_scoped3A : memref<!tpu.dma_semaphore, #tpu.memory_space<semaphore_mem>>)
          %dma_wait3A_119 = tpu.memref_slice %arg8[%mul3A_116] : memref<10000xf32, #tpu.memory_space<vmem_shared>> -> memref<80xf32, #tpu.memory_space<vmem_shared>>
          %dma_wait3A_120 = tpu.memref_slice %arg8[%mul3A_116] : memref<10000xf32, #tpu.memory_space<vmem_shared>> -> memref<80xf32, #tpu.memory_space<vmem_shared>>
          tpu.wait_dma2 semaphore(%run_scoped3A : memref<!tpu.dma_semaphore, #tpu.memory_space<semaphore_mem>>) src(%arg20 : memref<80xf32, #tpu.memory_space<vmem>>) dst(%dma_wait3A_120 : memref<80xf32, #tpu.memory_space<vmem_shared>>)
          tpu.yield
        }) : () -> ()
      } else {
      }
    }
    %scan3A_72 = arith.constant 8 : i32
    %scan3A_73 = arith.constant 0 : i32
    %scan3A_74 = arith.constant 0 : i32
    %scan3A_75 = arith.constant 8 : i32
    %scan3A_76 = arith.addi %scan3A_74, %scan3A_75 : i32
    %scan3A_77 = arith.constant 1 : i32
    scf.for %scan3A_109 = %scan3A_74 to %scan3A_76 step %scan3A_77  : i32 {
      %mul3A_110 = arith.constant 16 : i32
      %mul3A_111 = arith.muli %scan3A_109, %mul3A_110 : i32
      %add3A_112 = arith.addi %arg1, %mul3A_111 : i32
      %lt3A = arith.constant 125 : i32
      %lt3A_113 = arith.cmpi slt, %add3A_112, %lt3A : i32
      %convert_element_type3A = arith.extui %lt3A_113 : i1 to i32
      %cond3A = arith.constant 0 : i32
      %cond3A_114 = arith.cmpi ne, %convert_element_type3A, %cond3A : i32
      scf.if %cond3A_114 {
        %mul3A_115 = arith.constant 80 : i32
        %mul3A_116 = arith.muli %add3A_112, %mul3A_115 : i32
        "tpu.region"() ({
          %run_scoped3A = tpu.sem_alloc : memref<!tpu.dma_semaphore, #tpu.memory_space<semaphore_mem>>
          %dma_start3A_117 = tpu.memref_slice %arg9[%mul3A_116] : memref<10000xf32, #tpu.memory_space<vmem_shared>> -> memref<80xf32, #tpu.memory_space<vmem_shared>>
          %dma_start3A_118 = tpu.memref_slice %arg9[%mul3A_116] : memref<10000xf32, #tpu.memory_space<vmem_shared>> -> memref<80xf32, #tpu.memory_space<vmem_shared>>
          tpu.enqueue_dma source(%arg20 : memref<80xf32, #tpu.memory_space<vmem>>) target(%dma_start3A_118 : memref<80xf32, #tpu.memory_space<vmem_shared>>) target_semaphore(%run_scoped3A : memref<!tpu.dma_semaphore, #tpu.memory_space<semaphore_mem>>)
          %dma_wait3A_119 = tpu.memref_slice %arg9[%mul3A_116] : memref<10000xf32, #tpu.memory_space<vmem_shared>> -> memref<80xf32, #tpu.memory_space<vmem_shared>>
          %dma_wait3A_120 = tpu.memref_slice %arg9[%mul3A_116] : memref<10000xf32, #tpu.memory_space<vmem_shared>> -> memref<80xf32, #tpu.memory_space<vmem_shared>>
          tpu.wait_dma2 semaphore(%run_scoped3A : memref<!tpu.dma_semaphore, #tpu.memory_space<semaphore_mem>>) src(%arg20 : memref<80xf32, #tpu.memory_space<vmem>>) dst(%dma_wait3A_120 : memref<80xf32, #tpu.memory_space<vmem_shared>>)
          tpu.yield
        }) : () -> ()
      } else {
      }
    }
    %scan3A_78 = arith.constant 8 : i32
    %barrier3A = arith.constant 0 : index
    tpu.barrier barrier_id(%barrier3A)
    %scan3A_79 = arith.constant 0 : i32
    %scan3A_80 = arith.constant 0 : i32
    %scan3A_81 = arith.constant 26 : i32
    %scan3A_82 = arith.addi %scan3A_80, %scan3A_81 : i32
    %scan3A_83 = arith.constant 1 : i32
    scf.for %scan3A_109 = %scan3A_80 to %scan3A_82 step %scan3A_83  : i32 {
      %mul3A_110 = arith.constant 3 : i32
      %mul3A_111 = arith.muli %scan3A_109, %mul3A_110 : i32
      %add3A_112 = arith.constant 0 : i32
      %add3A_113 = arith.addi %mul3A_111, %add3A_112 : i32
      %mul3A_114 = arith.constant 128 : i32
      %mul3A_115 = arith.muli %add3A_113, %mul3A_114 : i32
      %add3A_116 = arith.addi %mul3A_60, %mul3A_115 : i32
      %dma_wait3A_117 = tpu.memref_slice %arg2[%add3A_116] : memref<320000xi32, #tpu.memory_space<hbm>> -> memref<128xi32, #tpu.memory_space<hbm>>
      %dma_wait3A_118 = tpu.memref_slice %arg2[%add3A_116] : memref<320000xi32, #tpu.memory_space<hbm>> -> memref<128xi32, #tpu.memory_space<hbm>>
      tpu.wait_dma2 semaphore(%arg21 : memref<!tpu.dma_semaphore, #tpu.memory_space<semaphore_mem>>) src(%dma_wait3A_118 : memref<128xi32, #tpu.memory_space<hbm>>) dst(%arg10 : memref<128xi32, #tpu.memory_space<vmem>>)
      %mul3A_119 = arith.constant 128 : i32
      %mul3A_120 = arith.muli %add3A_113, %mul3A_119 : i32
      %add3A_121 = arith.addi %mul3A_60, %mul3A_120 : i32
      %dma_wait3A_122 = tpu.memref_slice %arg3[%add3A_121] : memref<320000xi32, #tpu.memory_space<hbm>> -> memref<128xi32, #tpu.memory_space<hbm>>
      %dma_wait3A_123 = tpu.memref_slice %arg3[%add3A_121] : memref<320000xi32, #tpu.memory_space<hbm>> -> memref<128xi32, #tpu.memory_space<hbm>>
      tpu.wait_dma2 semaphore(%arg21 : memref<!tpu.dma_semaphore, #tpu.memory_space<semaphore_mem>>) src(%dma_wait3A_123 : memref<128xi32, #tpu.memory_space<hbm>>) dst(%arg13 : memref<128xi32, #tpu.memory_space<vmem>>)
      %ge3A = arith.constant 2 : i32
      %ge3A_124 = arith.cmpi sge, %add3A_113, %ge3A : i32
      %convert_element_type3A = arith.extui %ge3A_124 : i1 to i32
      %cond3A = arith.constant 0 : i32
      %cond3A_125 = arith.cmpi ne, %convert_element_type3A, %cond3A : i32
      scf.if %cond3A_125 {
        %dma_wait3A_196 = arith.constant 0 : i32
        %dma_wait3A_197 = tpu.memref_slice %arg8[%dma_wait3A_196] : memref<10000xf32, #tpu.memory_space<vmem_shared>> -> memref<10000xf32, #tpu.memory_space<vmem_shared>>
        tpu.wait_indirect_dma semaphore(%arg25 : memref<!tpu.dma_semaphore, #tpu.memory_space<semaphore_mem>>) src(%arg18 : memref<128xf32, #tpu.memory_space<vmem>>) dst(%dma_wait3A_197 : memref<10000xf32, #tpu.memory_space<vmem_shared>>)
        %dma_wait3A_198 = arith.constant 0 : i32
        %dma_wait3A_199 = tpu.memref_slice %arg9[%dma_wait3A_198] : memref<10000xf32, #tpu.memory_space<vmem_shared>> -> memref<10000xf32, #tpu.memory_space<vmem_shared>>
        tpu.wait_indirect_dma semaphore(%arg25 : memref<!tpu.dma_semaphore, #tpu.memory_space<semaphore_mem>>) src(%arg18 : memref<128xf32, #tpu.memory_space<vmem>>) dst(%dma_wait3A_199 : memref<10000xf32, #tpu.memory_space<vmem_shared>>)
      } else {
      }
      %add3A_126 = arith.constant 1 : i32
      %add3A_127 = arith.addi %add3A_113, %add3A_126 : i32
      %lt3A = arith.constant 78 : i32
      %lt3A_128 = arith.cmpi slt, %add3A_127, %lt3A : i32
      %convert_element_type3A_129 = arith.extui %lt3A_128 : i1 to i32
      %cond3A_130 = arith.constant 0 : i32
      %cond3A_131 = arith.cmpi ne, %convert_element_type3A_129, %cond3A_130 : i32
      scf.if %cond3A_131 {
        %add3A_196 = arith.constant 1 : i32
        %add3A_197 = arith.addi %add3A_113, %add3A_196 : i32
        %mul3A_198 = arith.constant 128 : i32
        %mul3A_199 = arith.muli %add3A_197, %mul3A_198 : i32
        %add3A_200 = arith.addi %mul3A_60, %mul3A_199 : i32
        %dma_start3A_201 = tpu.memref_slice %arg2[%add3A_200] : memref<320000xi32, #tpu.memory_space<hbm>> -> memref<128xi32, #tpu.memory_space<hbm>>
        %dma_start3A_202 = tpu.memref_slice %arg2[%add3A_200] : memref<320000xi32, #tpu.memory_space<hbm>> -> memref<128xi32, #tpu.memory_space<hbm>>
        tpu.enqueue_dma source(%dma_start3A_202 : memref<128xi32, #tpu.memory_space<hbm>>) target(%arg11 : memref<128xi32, #tpu.memory_space<vmem>>) target_semaphore(%arg22 : memref<!tpu.dma_semaphore, #tpu.memory_space<semaphore_mem>>)
        %mul3A_203 = arith.constant 128 : i32
        %mul3A_204 = arith.muli %add3A_197, %mul3A_203 : i32
        %add3A_205 = arith.addi %mul3A_60, %mul3A_204 : i32
        %dma_start3A_206 = tpu.memref_slice %arg3[%add3A_205] : memref<320000xi32, #tpu.memory_space<hbm>> -> memref<128xi32, #tpu.memory_space<hbm>>
        %dma_start3A_207 = tpu.memref_slice %arg3[%add3A_205] : memref<320000xi32, #tpu.memory_space<hbm>> -> memref<128xi32, #tpu.memory_space<hbm>>
        tpu.enqueue_dma source(%dma_start3A_207 : memref<128xi32, #tpu.memory_space<hbm>>) target(%arg14 : memref<128xi32, #tpu.memory_space<vmem>>) target_semaphore(%arg22 : memref<!tpu.dma_semaphore, #tpu.memory_space<semaphore_mem>>)
      } else {
      }
      %dma_start3A_132 = arith.constant 0 : i32
      %dma_start3A_133 = tpu.memref_slice %arg8[%dma_start3A_132] : memref<10000xf32, #tpu.memory_space<vmem_shared>> -> memref<10000xf32, #tpu.memory_space<vmem_shared>>
      tpu.enqueue_indirect_dma source(%arg18 : memref<128xf32, #tpu.memory_space<vmem>>) target(%dma_start3A_133 : memref<10000xf32, #tpu.memory_space<vmem_shared>>) offsets(%arg10 : memref<128xi32, #tpu.memory_space<vmem>>) semaphore(%arg24 : memref<!tpu.dma_semaphore, #tpu.memory_space<semaphore_mem>>) {add = true}
      %dma_start3A_134 = arith.constant 0 : i32
      %dma_start3A_135 = tpu.memref_slice %arg9[%dma_start3A_134] : memref<10000xf32, #tpu.memory_space<vmem_shared>> -> memref<10000xf32, #tpu.memory_space<vmem_shared>>
      tpu.enqueue_indirect_dma source(%arg18 : memref<128xf32, #tpu.memory_space<vmem>>) target(%dma_start3A_135 : memref<10000xf32, #tpu.memory_space<vmem_shared>>) offsets(%arg13 : memref<128xi32, #tpu.memory_space<vmem>>) semaphore(%arg24 : memref<!tpu.dma_semaphore, #tpu.memory_space<semaphore_mem>>) {add = true}
      %mul3A_136 = arith.constant 3 : i32
      %mul3A_137 = arith.muli %scan3A_109, %mul3A_136 : i32
      %add3A_138 = arith.constant 1 : i32
      %add3A_139 = arith.addi %mul3A_137, %add3A_138 : i32
      %mul3A_140 = arith.constant 128 : i32
      %mul3A_141 = arith.muli %add3A_139, %mul3A_140 : i32
      %add3A_142 = arith.addi %mul3A_60, %mul3A_141 : i32
      %dma_wait3A_143 = tpu.memref_slice %arg2[%add3A_142] : memref<320000xi32, #tpu.memory_space<hbm>> -> memref<128xi32, #tpu.memory_space<hbm>>
      %dma_wait3A_144 = tpu.memref_slice %arg2[%add3A_142] : memref<320000xi32, #tpu.memory_space<hbm>> -> memref<128xi32, #tpu.memory_space<hbm>>
      tpu.wait_dma2 semaphore(%arg22 : memref<!tpu.dma_semaphore, #tpu.memory_space<semaphore_mem>>) src(%dma_wait3A_144 : memref<128xi32, #tpu.memory_space<hbm>>) dst(%arg11 : memref<128xi32, #tpu.memory_space<vmem>>)
      %mul3A_145 = arith.constant 128 : i32
      %mul3A_146 = arith.muli %add3A_139, %mul3A_145 : i32
      %add3A_147 = arith.addi %mul3A_60, %mul3A_146 : i32
      %dma_wait3A_148 = tpu.memref_slice %arg3[%add3A_147] : memref<320000xi32, #tpu.memory_space<hbm>> -> memref<128xi32, #tpu.memory_space<hbm>>
      %dma_wait3A_149 = tpu.memref_slice %arg3[%add3A_147] : memref<320000xi32, #tpu.memory_space<hbm>> -> memref<128xi32, #tpu.memory_space<hbm>>
      tpu.wait_dma2 semaphore(%arg22 : memref<!tpu.dma_semaphore, #tpu.memory_space<semaphore_mem>>) src(%dma_wait3A_149 : memref<128xi32, #tpu.memory_space<hbm>>) dst(%arg14 : memref<128xi32, #tpu.memory_space<vmem>>)
      %ge3A_150 = arith.constant 2 : i32
      %ge3A_151 = arith.cmpi sge, %add3A_139, %ge3A_150 : i32
      %convert_element_type3A_152 = arith.extui %ge3A_151 : i1 to i32
      %cond3A_153 = arith.constant 0 : i32
      %cond3A_154 = arith.cmpi ne, %convert_element_type3A_152, %cond3A_153 : i32
      scf.if %cond3A_154 {
        %dma_wait3A_196 = arith.constant 0 : i32
        %dma_wait3A_197 = tpu.memref_slice %arg8[%dma_wait3A_196] : memref<10000xf32, #tpu.memory_space<vmem_shared>> -> memref<10000xf32, #tpu.memory_space<vmem_shared>>
        tpu.wait_indirect_dma semaphore(%arg26 : memref<!tpu.dma_semaphore, #tpu.memory_space<semaphore_mem>>) src(%arg18 : memref<128xf32, #tpu.memory_space<vmem>>) dst(%dma_wait3A_197 : memref<10000xf32, #tpu.memory_space<vmem_shared>>)
        %dma_wait3A_198 = arith.constant 0 : i32
        %dma_wait3A_199 = tpu.memref_slice %arg9[%dma_wait3A_198] : memref<10000xf32, #tpu.memory_space<vmem_shared>> -> memref<10000xf32, #tpu.memory_space<vmem_shared>>
        tpu.wait_indirect_dma semaphore(%arg26 : memref<!tpu.dma_semaphore, #tpu.memory_space<semaphore_mem>>) src(%arg18 : memref<128xf32, #tpu.memory_space<vmem>>) dst(%dma_wait3A_199 : memref<10000xf32, #tpu.memory_space<vmem_shared>>)
      } else {
      }
      %add3A_155 = arith.constant 1 : i32
      %add3A_156 = arith.addi %add3A_139, %add3A_155 : i32
      %lt3A_157 = arith.constant 78 : i32
      %lt3A_158 = arith.cmpi slt, %add3A_156, %lt3A_157 : i32
      %convert_element_type3A_159 = arith.extui %lt3A_158 : i1 to i32
      %cond3A_160 = arith.constant 0 : i32
      %cond3A_161 = arith.cmpi ne, %convert_element_type3A_159, %cond3A_160 : i32
      scf.if %cond3A_161 {
        %add3A_196 = arith.constant 1 : i32
        %add3A_197 = arith.addi %add3A_139, %add3A_196 : i32
        %mul3A_198 = arith.constant 128 : i32
        %mul3A_199 = arith.muli %add3A_197, %mul3A_198 : i32
        %add3A_200 = arith.addi %mul3A_60, %mul3A_199 : i32
        %dma_start3A_201 = tpu.memref_slice %arg2[%add3A_200] : memref<320000xi32, #tpu.memory_space<hbm>> -> memref<128xi32, #tpu.memory_space<hbm>>
        %dma_start3A_202 = tpu.memref_slice %arg2[%add3A_200] : memref<320000xi32, #tpu.memory_space<hbm>> -> memref<128xi32, #tpu.memory_space<hbm>>
        tpu.enqueue_dma source(%dma_start3A_202 : memref<128xi32, #tpu.memory_space<hbm>>) target(%arg12 : memref<128xi32, #tpu.memory_space<vmem>>) target_semaphore(%arg23 : memref<!tpu.dma_semaphore, #tpu.memory_space<semaphore_mem>>)
        %mul3A_203 = arith.constant 128 : i32
        %mul3A_204 = arith.muli %add3A_197, %mul3A_203 : i32
        %add3A_205 = arith.addi %mul3A_60, %mul3A_204 : i32
        %dma_start3A_206 = tpu.memref_slice %arg3[%add3A_205] : memref<320000xi32, #tpu.memory_space<hbm>> -> memref<128xi32, #tpu.memory_space<hbm>>
        %dma_start3A_207 = tpu.memref_slice %arg3[%add3A_205] : memref<320000xi32, #tpu.memory_space<hbm>> -> memref<128xi32, #tpu.memory_space<hbm>>
        tpu.enqueue_dma source(%dma_start3A_207 : memref<128xi32, #tpu.memory_space<hbm>>) target(%arg15 : memref<128xi32, #tpu.memory_space<vmem>>) target_semaphore(%arg23 : memref<!tpu.dma_semaphore, #tpu.memory_space<semaphore_mem>>)
      } else {
      }
      %dma_start3A_162 = arith.constant 0 : i32
      %dma_start3A_163 = tpu.memref_slice %arg8[%dma_start3A_162] : memref<10000xf32, #tpu.memory_space<vmem_shared>> -> memref<10000xf32, #tpu.memory_space<vmem_shared>>
      tpu.enqueue_indirect_dma source(%arg18 : memref<128xf32, #tpu.memory_space<vmem>>) target(%dma_start3A_163 : memref<10000xf32, #tpu.memory_space<vmem_shared>>) offsets(%arg11 : memref<128xi32, #tpu.memory_space<vmem>>) semaphore(%arg25 : memref<!tpu.dma_semaphore, #tpu.memory_space<semaphore_mem>>) {add = true}
      %dma_start3A_164 = arith.constant 0 : i32
      %dma_start3A_165 = tpu.memref_slice %arg9[%dma_start3A_164] : memref<10000xf32, #tpu.memory_space<vmem_shared>> -> memref<10000xf32, #tpu.memory_space<vmem_shared>>
      tpu.enqueue_indirect_dma source(%arg18 : memref<128xf32, #tpu.memory_space<vmem>>) target(%dma_start3A_165 : memref<10000xf32, #tpu.memory_space<vmem_shared>>) offsets(%arg14 : memref<128xi32, #tpu.memory_space<vmem>>) semaphore(%arg25 : memref<!tpu.dma_semaphore, #tpu.memory_space<semaphore_mem>>) {add = true}
      %mul3A_166 = arith.constant 3 : i32
      %mul3A_167 = arith.muli %scan3A_109, %mul3A_166 : i32
      %add3A_168 = arith.constant 2 : i32
      %add3A_169 = arith.addi %mul3A_167, %add3A_168 : i32
      %mul3A_170 = arith.constant 128 : i32
      %mul3A_171 = arith.muli %add3A_169, %mul3A_170 : i32
      %add3A_172 = arith.addi %mul3A_60, %mul3A_171 : i32
      %dma_wait3A_173 = tpu.memref_slice %arg2[%add3A_172] : memref<320000xi32, #tpu.memory_space<hbm>> -> memref<128xi32, #tpu.memory_space<hbm>>
      %dma_wait3A_174 = tpu.memref_slice %arg2[%add3A_172] : memref<320000xi32, #tpu.memory_space<hbm>> -> memref<128xi32, #tpu.memory_space<hbm>>
      tpu.wait_dma2 semaphore(%arg23 : memref<!tpu.dma_semaphore, #tpu.memory_space<semaphore_mem>>) src(%dma_wait3A_174 : memref<128xi32, #tpu.memory_space<hbm>>) dst(%arg12 : memref<128xi32, #tpu.memory_space<vmem>>)
      %mul3A_175 = arith.constant 128 : i32
      %mul3A_176 = arith.muli %add3A_169, %mul3A_175 : i32
      %add3A_177 = arith.addi %mul3A_60, %mul3A_176 : i32
      %dma_wait3A_178 = tpu.memref_slice %arg3[%add3A_177] : memref<320000xi32, #tpu.memory_space<hbm>> -> memref<128xi32, #tpu.memory_space<hbm>>
      %dma_wait3A_179 = tpu.memref_slice %arg3[%add3A_177] : memref<320000xi32, #tpu.memory_space<hbm>> -> memref<128xi32, #tpu.memory_space<hbm>>
      tpu.wait_dma2 semaphore(%arg23 : memref<!tpu.dma_semaphore, #tpu.memory_space<semaphore_mem>>) src(%dma_wait3A_179 : memref<128xi32, #tpu.memory_space<hbm>>) dst(%arg15 : memref<128xi32, #tpu.memory_space<vmem>>)
      %ge3A_180 = arith.constant 2 : i32
      %ge3A_181 = arith.cmpi sge, %add3A_169, %ge3A_180 : i32
      %convert_element_type3A_182 = arith.extui %ge3A_181 : i1 to i32
      %cond3A_183 = arith.constant 0 : i32
      %cond3A_184 = arith.cmpi ne, %convert_element_type3A_182, %cond3A_183 : i32
      scf.if %cond3A_184 {
        %dma_wait3A_196 = arith.constant 0 : i32
        %dma_wait3A_197 = tpu.memref_slice %arg8[%dma_wait3A_196] : memref<10000xf32, #tpu.memory_space<vmem_shared>> -> memref<10000xf32, #tpu.memory_space<vmem_shared>>
        tpu.wait_indirect_dma semaphore(%arg24 : memref<!tpu.dma_semaphore, #tpu.memory_space<semaphore_mem>>) src(%arg18 : memref<128xf32, #tpu.memory_space<vmem>>) dst(%dma_wait3A_197 : memref<10000xf32, #tpu.memory_space<vmem_shared>>)
        %dma_wait3A_198 = arith.constant 0 : i32
        %dma_wait3A_199 = tpu.memref_slice %arg9[%dma_wait3A_198] : memref<10000xf32, #tpu.memory_space<vmem_shared>> -> memref<10000xf32, #tpu.memory_space<vmem_shared>>
        tpu.wait_indirect_dma semaphore(%arg24 : memref<!tpu.dma_semaphore, #tpu.memory_space<semaphore_mem>>) src(%arg18 : memref<128xf32, #tpu.memory_space<vmem>>) dst(%dma_wait3A_199 : memref<10000xf32, #tpu.memory_space<vmem_shared>>)
      } else {
      }
      %add3A_185 = arith.constant 1 : i32
      %add3A_186 = arith.addi %add3A_169, %add3A_185 : i32
      %lt3A_187 = arith.constant 78 : i32
      %lt3A_188 = arith.cmpi slt, %add3A_186, %lt3A_187 : i32
      %convert_element_type3A_189 = arith.extui %lt3A_188 : i1 to i32
      %cond3A_190 = arith.constant 0 : i32
      %cond3A_191 = arith.cmpi ne, %convert_element_type3A_189, %cond3A_190 : i32
      scf.if %cond3A_191 {
        %add3A_196 = arith.constant 1 : i32
        %add3A_197 = arith.addi %add3A_169, %add3A_196 : i32
        %mul3A_198 = arith.constant 128 : i32
        %mul3A_199 = arith.muli %add3A_197, %mul3A_198 : i32
        %add3A_200 = arith.addi %mul3A_60, %mul3A_199 : i32
        %dma_start3A_201 = tpu.memref_slice %arg2[%add3A_200] : memref<320000xi32, #tpu.memory_space<hbm>> -> memref<128xi32, #tpu.memory_space<hbm>>
        %dma_start3A_202 = tpu.memref_slice %arg2[%add3A_200] : memref<320000xi32, #tpu.memory_space<hbm>> -> memref<128xi32, #tpu.memory_space<hbm>>
        tpu.enqueue_dma source(%dma_start3A_202 : memref<128xi32, #tpu.memory_space<hbm>>) target(%arg10 : memref<128xi32, #tpu.memory_space<vmem>>) target_semaphore(%arg21 : memref<!tpu.dma_semaphore, #tpu.memory_space<semaphore_mem>>)
        %mul3A_203 = arith.constant 128 : i32
        %mul3A_204 = arith.muli %add3A_197, %mul3A_203 : i32
        %add3A_205 = arith.addi %mul3A_60, %mul3A_204 : i32
        %dma_start3A_206 = tpu.memref_slice %arg3[%add3A_205] : memref<320000xi32, #tpu.memory_space<hbm>> -> memref<128xi32, #tpu.memory_space<hbm>>
        %dma_start3A_207 = tpu.memref_slice %arg3[%add3A_205] : memref<320000xi32, #tpu.memory_space<hbm>> -> memref<128xi32, #tpu.memory_space<hbm>>
        tpu.enqueue_dma source(%dma_start3A_207 : memref<128xi32, #tpu.memory_space<hbm>>) target(%arg13 : memref<128xi32, #tpu.memory_space<vmem>>) target_semaphore(%arg21 : memref<!tpu.dma_semaphore, #tpu.memory_space<semaphore_mem>>)
      } else {
      }
      %dma_start3A_192 = arith.constant 0 : i32
      %dma_start3A_193 = tpu.memref_slice %arg8[%dma_start3A_192] : memref<10000xf32, #tpu.memory_space<vmem_shared>> -> memref<10000xf32, #tpu.memory_space<vmem_shared>>
      tpu.enqueue_indirect_dma source(%arg18 : memref<128xf32, #tpu.memory_space<vmem>>) target(%dma_start3A_193 : memref<10000xf32, #tpu.memory_space<vmem_shared>>) offsets(%arg12 : memref<128xi32, #tpu.memory_space<vmem>>) semaphore(%arg26 : memref<!tpu.dma_semaphore, #tpu.memory_space<semaphore_mem>>) {add = true}
      %dma_start3A_194 = arith.constant 0 : i32
      %dma_start3A_195 = tpu.memref_slice %arg9[%dma_start3A_194] : memref<10000xf32, #tpu.memory_space<vmem_shared>> -> memref<10000xf32, #tpu.memory_space<vmem_shared>>
      tpu.enqueue_indirect_dma source(%arg18 : memref<128xf32, #tpu.memory_space<vmem>>) target(%dma_start3A_195 : memref<10000xf32, #tpu.memory_space<vmem_shared>>) offsets(%arg15 : memref<128xi32, #tpu.memory_space<vmem>>) semaphore(%arg26 : memref<!tpu.dma_semaphore, #tpu.memory_space<semaphore_mem>>) {add = true}
    }
    %scan3A_84 = arith.constant 26 : i32
    %dma_wait3A = arith.constant 0 : i32
    %dma_wait3A_85 = tpu.memref_slice %arg8[%dma_wait3A] : memref<10000xf32, #tpu.memory_space<vmem_shared>> -> memref<10000xf32, #tpu.memory_space<vmem_shared>>
    tpu.wait_indirect_dma semaphore(%arg25 : memref<!tpu.dma_semaphore, #tpu.memory_space<semaphore_mem>>) src(%arg18 : memref<128xf32, #tpu.memory_space<vmem>>) dst(%dma_wait3A_85 : memref<10000xf32, #tpu.memory_space<vmem_shared>>)
    %dma_wait3A_86 = arith.constant 0 : i32
    %dma_wait3A_87 = tpu.memref_slice %arg9[%dma_wait3A_86] : memref<10000xf32, #tpu.memory_space<vmem_shared>> -> memref<10000xf32, #tpu.memory_space<vmem_shared>>
    tpu.wait_indirect_dma semaphore(%arg25 : memref<!tpu.dma_semaphore, #tpu.memory_space<semaphore_mem>>) src(%arg18 : memref<128xf32, #tpu.memory_space<vmem>>) dst(%dma_wait3A_87 : memref<10000xf32, #tpu.memory_space<vmem_shared>>)
    %dma_wait3A_88 = arith.constant 0 : i32
    %dma_wait3A_89 = tpu.memref_slice %arg8[%dma_wait3A_88] : memref<10000xf32, #tpu.memory_space<vmem_shared>> -> memref<10000xf32, #tpu.memory_space<vmem_shared>>
    tpu.wait_indirect_dma semaphore(%arg26 : memref<!tpu.dma_semaphore, #tpu.memory_space<semaphore_mem>>) src(%arg18 : memref<128xf32, #tpu.memory_space<vmem>>) dst(%dma_wait3A_89 : memref<10000xf32, #tpu.memory_space<vmem_shared>>)
    %dma_wait3A_90 = arith.constant 0 : i32
    %dma_wait3A_91 = tpu.memref_slice %arg9[%dma_wait3A_90] : memref<10000xf32, #tpu.memory_space<vmem_shared>> -> memref<10000xf32, #tpu.memory_space<vmem_shared>>
    tpu.wait_indirect_dma semaphore(%arg26 : memref<!tpu.dma_semaphore, #tpu.memory_space<semaphore_mem>>) src(%arg18 : memref<128xf32, #tpu.memory_space<vmem>>) dst(%dma_wait3A_91 : memref<10000xf32, #tpu.memory_space<vmem_shared>>)
    %add3A_92 = arith.constant 9984 : i32
    %add3A_93 = arith.addi %mul3A_60, %add3A_92 : i32
    "tpu.region"() ({
      %run_scoped3A = tpu.sem_alloc : memref<!tpu.dma_semaphore, #tpu.memory_space<semaphore_mem>>
      %dma_start3A_109 = tpu.memref_slice %arg2[%add3A_93] : memref<320000xi32, #tpu.memory_space<hbm>> -> memref<16xi32, #tpu.memory_space<hbm>>
      %dma_start3A_110 = tpu.memref_slice %arg2[%add3A_93] : memref<320000xi32, #tpu.memory_space<hbm>> -> memref<16xi32, #tpu.memory_space<hbm>>
      tpu.enqueue_dma source(%dma_start3A_110 : memref<16xi32, #tpu.memory_space<hbm>>) target(%arg16 : memref<16xi32, #tpu.memory_space<vmem>>) target_semaphore(%run_scoped3A : memref<!tpu.dma_semaphore, #tpu.memory_space<semaphore_mem>>)
      %dma_wait3A_111 = tpu.memref_slice %arg2[%add3A_93] : memref<320000xi32, #tpu.memory_space<hbm>> -> memref<16xi32, #tpu.memory_space<hbm>>
      %dma_wait3A_112 = tpu.memref_slice %arg2[%add3A_93] : memref<320000xi32, #tpu.memory_space<hbm>> -> memref<16xi32, #tpu.memory_space<hbm>>
      tpu.wait_dma2 semaphore(%run_scoped3A : memref<!tpu.dma_semaphore, #tpu.memory_space<semaphore_mem>>) src(%dma_wait3A_112 : memref<16xi32, #tpu.memory_space<hbm>>) dst(%arg16 : memref<16xi32, #tpu.memory_space<vmem>>)
      tpu.yield
    }) : () -> ()
    %add3A_94 = arith.constant 9984 : i32
    %add3A_95 = arith.addi %mul3A_60, %add3A_94 : i32
    "tpu.region"() ({
      %run_scoped3A = tpu.sem_alloc : memref<!tpu.dma_semaphore, #tpu.memory_space<semaphore_mem>>
      %dma_start3A_109 = tpu.memref_slice %arg3[%add3A_95] : memref<320000xi32, #tpu.memory_space<hbm>> -> memref<16xi32, #tpu.memory_space<hbm>>
      %dma_start3A_110 = tpu.memref_slice %arg3[%add3A_95] : memref<320000xi32, #tpu.memory_space<hbm>> -> memref<16xi32, #tpu.memory_space<hbm>>
      tpu.enqueue_dma source(%dma_start3A_110 : memref<16xi32, #tpu.memory_space<hbm>>) target(%arg17 : memref<16xi32, #tpu.memory_space<vmem>>) target_semaphore(%run_scoped3A : memref<!tpu.dma_semaphore, #tpu.memory_space<semaphore_mem>>)
      %dma_wait3A_111 = tpu.memref_slice %arg3[%add3A_95] : memref<320000xi32, #tpu.memory_space<hbm>> -> memref<16xi32, #tpu.memory_space<hbm>>
      %dma_wait3A_112 = tpu.memref_slice %arg3[%add3A_95] : memref<320000xi32, #tpu.memory_space<hbm>> -> memref<16xi32, #tpu.memory_space<hbm>>
      tpu.wait_dma2 semaphore(%run_scoped3A : memref<!tpu.dma_semaphore, #tpu.memory_space<semaphore_mem>>) src(%dma_wait3A_112 : memref<16xi32, #tpu.memory_space<hbm>>) dst(%arg17 : memref<16xi32, #tpu.memory_space<vmem>>)
      tpu.yield
    }) : () -> ()
    "tpu.region"() ({
      %run_scoped3A = tpu.sem_alloc : memref<!tpu.dma_semaphore, #tpu.memory_space<semaphore_mem>>
      %dma_start3A_109 = arith.constant 0 : i32
      %dma_start3A_110 = tpu.memref_slice %arg8[%dma_start3A_109] : memref<10000xf32, #tpu.memory_space<vmem_shared>> -> memref<10000xf32, #tpu.memory_space<vmem_shared>>
      tpu.enqueue_indirect_dma source(%arg19 : memref<16xf32, #tpu.memory_space<vmem>>) target(%dma_start3A_110 : memref<10000xf32, #tpu.memory_space<vmem_shared>>) offsets(%arg16 : memref<16xi32, #tpu.memory_space<vmem>>) semaphore(%run_scoped3A : memref<!tpu.dma_semaphore, #tpu.memory_space<semaphore_mem>>) {add = true}
      %dma_wait3A_111 = arith.constant 0 : i32
      %dma_wait3A_112 = tpu.memref_slice %arg8[%dma_wait3A_111] : memref<10000xf32, #tpu.memory_space<vmem_shared>> -> memref<10000xf32, #tpu.memory_space<vmem_shared>>
      tpu.wait_indirect_dma semaphore(%run_scoped3A : memref<!tpu.dma_semaphore, #tpu.memory_space<semaphore_mem>>) src(%arg19 : memref<16xf32, #tpu.memory_space<vmem>>) dst(%dma_wait3A_112 : memref<10000xf32, #tpu.memory_space<vmem_shared>>)
      tpu.yield
    }) : () -> ()
    "tpu.region"() ({
      %run_scoped3A = tpu.sem_alloc : memref<!tpu.dma_semaphore, #tpu.memory_space<semaphore_mem>>
      %dma_start3A_109 = arith.constant 0 : i32
      %dma_start3A_110 = tpu.memref_slice %arg9[%dma_start3A_109] : memref<10000xf32, #tpu.memory_space<vmem_shared>> -> memref<10000xf32, #tpu.memory_space<vmem_shared>>
      tpu.enqueue_indirect_dma source(%arg19 : memref<16xf32, #tpu.memory_space<vmem>>) target(%dma_start3A_110 : memref<10000xf32, #tpu.memory_space<vmem_shared>>) offsets(%arg17 : memref<16xi32, #tpu.memory_space<vmem>>) semaphore(%run_scoped3A : memref<!tpu.dma_semaphore, #tpu.memory_space<semaphore_mem>>) {add = true}
      %dma_wait3A_111 = arith.constant 0 : i32
      %dma_wait3A_112 = tpu.memref_slice %arg9[%dma_wait3A_111] : memref<10000xf32, #tpu.memory_space<vmem_shared>> -> memref<10000xf32, #tpu.memory_space<vmem_shared>>
      tpu.wait_indirect_dma semaphore(%run_scoped3A : memref<!tpu.dma_semaphore, #tpu.memory_space<semaphore_mem>>) src(%arg19 : memref<16xf32, #tpu.memory_space<vmem>>) dst(%dma_wait3A_112 : memref<10000xf32, #tpu.memory_space<vmem_shared>>)
      tpu.yield
    }) : () -> ()
    %barrier3A_96 = arith.constant 0 : index
    tpu.barrier barrier_id(%barrier3A_96)
    %scan3A_97 = arith.constant 0 : i32
    %scan3A_98 = arith.constant 0 : i32
    %scan3A_99 = arith.constant 8 : i32
    %scan3A_100 = arith.addi %scan3A_98, %scan3A_99 : i32
    %scan3A_101 = arith.constant 1 : i32
    scf.for %scan3A_109 = %scan3A_98 to %scan3A_100 step %scan3A_101  : i32 {
      %mul3A_110 = arith.constant 16 : i32
      %mul3A_111 = arith.muli %scan3A_109, %mul3A_110 : i32
      %add3A_112 = arith.addi %arg1, %mul3A_111 : i32
      %lt3A = arith.constant 125 : i32
      %lt3A_113 = arith.cmpi slt, %add3A_112, %lt3A : i32
      %convert_element_type3A = arith.extui %lt3A_113 : i1 to i32
      %cond3A = arith.constant 0 : i32
      %cond3A_114 = arith.cmpi ne, %convert_element_type3A, %cond3A : i32
      scf.if %cond3A_114 {
        %mul3A_115 = arith.constant 80 : i32
        %mul3A_116 = arith.muli %add3A_112, %mul3A_115 : i32
        "tpu.region"() ({
          %run_scoped3A = tpu.sem_alloc : memref<!tpu.dma_semaphore, #tpu.memory_space<semaphore_mem>>
          %dma_start3A_126 = tpu.memref_slice %arg8[%mul3A_116] : memref<10000xf32, #tpu.memory_space<vmem_shared>> -> memref<80xf32, #tpu.memory_space<vmem_shared>>
          %dma_start3A_127 = tpu.memref_slice %arg8[%mul3A_116] : memref<10000xf32, #tpu.memory_space<vmem_shared>> -> memref<80xf32, #tpu.memory_space<vmem_shared>>
          tpu.enqueue_dma source(%dma_start3A_127 : memref<80xf32, #tpu.memory_space<vmem_shared>>) target(%arg20 : memref<80xf32, #tpu.memory_space<vmem>>) target_semaphore(%run_scoped3A : memref<!tpu.dma_semaphore, #tpu.memory_space<semaphore_mem>>)
          %dma_wait3A_128 = tpu.memref_slice %arg8[%mul3A_116] : memref<10000xf32, #tpu.memory_space<vmem_shared>> -> memref<80xf32, #tpu.memory_space<vmem_shared>>
          %dma_wait3A_129 = tpu.memref_slice %arg8[%mul3A_116] : memref<10000xf32, #tpu.memory_space<vmem_shared>> -> memref<80xf32, #tpu.memory_space<vmem_shared>>
          tpu.wait_dma2 semaphore(%run_scoped3A : memref<!tpu.dma_semaphore, #tpu.memory_space<semaphore_mem>>) src(%dma_wait3A_129 : memref<80xf32, #tpu.memory_space<vmem_shared>>) dst(%arg20 : memref<80xf32, #tpu.memory_space<vmem>>)
          tpu.yield
        }) : () -> ()
        %eq3A = arith.constant 0 : i32
        %eq3A_117 = arith.cmpi eq, %arg0, %eq3A : i32
        %convert_element_type3A_118 = arith.extui %eq3A_117 : i1 to i32
        %cond3A_119 = arith.constant 0 : i32
        %cond3A_120 = arith.cmpi ne, %convert_element_type3A_118, %cond3A_119 : i32
        scf.if %cond3A_120 {
          "tpu.region"() ({
            %run_scoped3A = tpu.sem_alloc : memref<!tpu.dma_semaphore, #tpu.memory_space<semaphore_mem>>
            %dma_start3A_126 = tpu.memref_slice %arg4[%mul3A_116] : memref<10000xf32, #tpu.memory_space<hbm>> -> memref<80xf32, #tpu.memory_space<hbm>>
            %dma_start3A_127 = tpu.memref_slice %arg4[%mul3A_116] : memref<10000xf32, #tpu.memory_space<hbm>> -> memref<80xf32, #tpu.memory_space<hbm>>
            tpu.enqueue_dma source(%arg20 : memref<80xf32, #tpu.memory_space<vmem>>) target(%dma_start3A_127 : memref<80xf32, #tpu.memory_space<hbm>>) target_semaphore(%run_scoped3A : memref<!tpu.dma_semaphore, #tpu.memory_space<semaphore_mem>>)
            %dma_wait3A_128 = tpu.memref_slice %arg4[%mul3A_116] : memref<10000xf32, #tpu.memory_space<hbm>> -> memref<80xf32, #tpu.memory_space<hbm>>
            %dma_wait3A_129 = tpu.memref_slice %arg4[%mul3A_116] : memref<10000xf32, #tpu.memory_space<hbm>> -> memref<80xf32, #tpu.memory_space<hbm>>
            tpu.wait_dma2 semaphore(%run_scoped3A : memref<!tpu.dma_semaphore, #tpu.memory_space<semaphore_mem>>) src(%arg20 : memref<80xf32, #tpu.memory_space<vmem>>) dst(%dma_wait3A_129 : memref<80xf32, #tpu.memory_space<hbm>>)
            tpu.yield
          }) : () -> ()
        } else {
        }
        %eq3A_121 = arith.constant 1 : i32
        %eq3A_122 = arith.cmpi eq, %arg0, %eq3A_121 : i32
        %convert_element_type3A_123 = arith.extui %eq3A_122 : i1 to i32
        %cond3A_124 = arith.constant 0 : i32
        %cond3A_125 = arith.cmpi ne, %convert_element_type3A_123, %cond3A_124 : i32
        scf.if %cond3A_125 {
          "tpu.region"() ({
            %run_scoped3A = tpu.sem_alloc : memref<!tpu.dma_semaphore, #tpu.memory_space<semaphore_mem>>
            %dma_start3A_126 = tpu.memref_slice %arg5[%mul3A_116] : memref<10000xf32, #tpu.memory_space<hbm>> -> memref<80xf32, #tpu.memory_space<hbm>>
            %dma_start3A_127 = tpu.memref_slice %arg5[%mul3A_116] : memref<10000xf32, #tpu.memory_space<hbm>> -> memref<80xf32, #tpu.memory_space<hbm>>
            tpu.enqueue_dma source(%arg20 : memref<80xf32, #tpu.memory_space<vmem>>) target(%dma_start3A_127 : memref<80xf32, #tpu.memory_space<hbm>>) target_semaphore(%run_scoped3A : memref<!tpu.dma_semaphore, #tpu.memory_space<semaphore_mem>>)
            %dma_wait3A_128 = tpu.memref_slice %arg5[%mul3A_116] : memref<10000xf32, #tpu.memory_space<hbm>> -> memref<80xf32, #tpu.memory_space<hbm>>
            %dma_wait3A_129 = tpu.memref_slice %arg5[%mul3A_116] : memref<10000xf32, #tpu.memory_space<hbm>> -> memref<80xf32, #tpu.memory_space<hbm>>
            tpu.wait_dma2 semaphore(%run_scoped3A : memref<!tpu.dma_semaphore, #tpu.memory_space<semaphore_mem>>) src(%arg20 : memref<80xf32, #tpu.memory_space<vmem>>) dst(%dma_wait3A_129 : memref<80xf32, #tpu.memory_space<hbm>>)
            tpu.yield
          }) : () -> ()
        } else {
        }
      } else {
      }
    }
    %scan3A_102 = arith.constant 8 : i32
    %scan3A_103 = arith.constant 0 : i32
    %scan3A_104 = arith.constant 0 : i32
    %scan3A_105 = arith.constant 8 : i32
    %scan3A_106 = arith.addi %scan3A_104, %scan3A_105 : i32
    %scan3A_107 = arith.constant 1 : i32
    scf.for %scan3A_109 = %scan3A_104 to %scan3A_106 step %scan3A_107  : i32 {
      %mul3A_110 = arith.constant 16 : i32
      %mul3A_111 = arith.muli %scan3A_109, %mul3A_110 : i32
      %add3A_112 = arith.addi %arg1, %mul3A_111 : i32
      %lt3A = arith.constant 125 : i32
      %lt3A_113 = arith.cmpi slt, %add3A_112, %lt3A : i32
      %convert_element_type3A = arith.extui %lt3A_113 : i1 to i32
      %cond3A = arith.constant 0 : i32
      %cond3A_114 = arith.cmpi ne, %convert_element_type3A, %cond3A : i32
      scf.if %cond3A_114 {
        %mul3A_115 = arith.constant 80 : i32
        %mul3A_116 = arith.muli %add3A_112, %mul3A_115 : i32
        "tpu.region"() ({
          %run_scoped3A = tpu.sem_alloc : memref<!tpu.dma_semaphore, #tpu.memory_space<semaphore_mem>>
          %dma_start3A_126 = tpu.memref_slice %arg9[%mul3A_116] : memref<10000xf32, #tpu.memory_space<vmem_shared>> -> memref<80xf32, #tpu.memory_space<vmem_shared>>
          %dma_start3A_127 = tpu.memref_slice %arg9[%mul3A_116] : memref<10000xf32, #tpu.memory_space<vmem_shared>> -> memref<80xf32, #tpu.memory_space<vmem_shared>>
          tpu.enqueue_dma source(%dma_start3A_127 : memref<80xf32, #tpu.memory_space<vmem_shared>>) target(%arg20 : memref<80xf32, #tpu.memory_space<vmem>>) target_semaphore(%run_scoped3A : memref<!tpu.dma_semaphore, #tpu.memory_space<semaphore_mem>>)
          %dma_wait3A_128 = tpu.memref_slice %arg9[%mul3A_116] : memref<10000xf32, #tpu.memory_space<vmem_shared>> -> memref<80xf32, #tpu.memory_space<vmem_shared>>
          %dma_wait3A_129 = tpu.memref_slice %arg9[%mul3A_116] : memref<10000xf32, #tpu.memory_space<vmem_shared>> -> memref<80xf32, #tpu.memory_space<vmem_shared>>
          tpu.wait_dma2 semaphore(%run_scoped3A : memref<!tpu.dma_semaphore, #tpu.memory_space<semaphore_mem>>) src(%dma_wait3A_129 : memref<80xf32, #tpu.memory_space<vmem_shared>>) dst(%arg20 : memref<80xf32, #tpu.memory_space<vmem>>)
          tpu.yield
        }) : () -> ()
        %eq3A = arith.constant 0 : i32
        %eq3A_117 = arith.cmpi eq, %arg0, %eq3A : i32
        %convert_element_type3A_118 = arith.extui %eq3A_117 : i1 to i32
        %cond3A_119 = arith.constant 0 : i32
        %cond3A_120 = arith.cmpi ne, %convert_element_type3A_118, %cond3A_119 : i32
        scf.if %cond3A_120 {
          "tpu.region"() ({
            %run_scoped3A = tpu.sem_alloc : memref<!tpu.dma_semaphore, #tpu.memory_space<semaphore_mem>>
            %dma_start3A_126 = tpu.memref_slice %arg6[%mul3A_116] : memref<10000xf32, #tpu.memory_space<hbm>> -> memref<80xf32, #tpu.memory_space<hbm>>
            %dma_start3A_127 = tpu.memref_slice %arg6[%mul3A_116] : memref<10000xf32, #tpu.memory_space<hbm>> -> memref<80xf32, #tpu.memory_space<hbm>>
            tpu.enqueue_dma source(%arg20 : memref<80xf32, #tpu.memory_space<vmem>>) target(%dma_start3A_127 : memref<80xf32, #tpu.memory_space<hbm>>) target_semaphore(%run_scoped3A : memref<!tpu.dma_semaphore, #tpu.memory_space<semaphore_mem>>)
            %dma_wait3A_128 = tpu.memref_slice %arg6[%mul3A_116] : memref<10000xf32, #tpu.memory_space<hbm>> -> memref<80xf32, #tpu.memory_space<hbm>>
            %dma_wait3A_129 = tpu.memref_slice %arg6[%mul3A_116] : memref<10000xf32, #tpu.memory_space<hbm>> -> memref<80xf32, #tpu.memory_space<hbm>>
            tpu.wait_dma2 semaphore(%run_scoped3A : memref<!tpu.dma_semaphore, #tpu.memory_space<semaphore_mem>>) src(%arg20 : memref<80xf32, #tpu.memory_space<vmem>>) dst(%dma_wait3A_129 : memref<80xf32, #tpu.memory_space<hbm>>)
            tpu.yield
          }) : () -> ()
        } else {
        }
        %eq3A_121 = arith.constant 1 : i32
        %eq3A_122 = arith.cmpi eq, %arg0, %eq3A_121 : i32
        %convert_element_type3A_123 = arith.extui %eq3A_122 : i1 to i32
        %cond3A_124 = arith.constant 0 : i32
        %cond3A_125 = arith.cmpi ne, %convert_element_type3A_123, %cond3A_124 : i32
        scf.if %cond3A_125 {
          "tpu.region"() ({
            %run_scoped3A = tpu.sem_alloc : memref<!tpu.dma_semaphore, #tpu.memory_space<semaphore_mem>>
            %dma_start3A_126 = tpu.memref_slice %arg7[%mul3A_116] : memref<10000xf32, #tpu.memory_space<hbm>> -> memref<80xf32, #tpu.memory_space<hbm>>
            %dma_start3A_127 = tpu.memref_slice %arg7[%mul3A_116] : memref<10000xf32, #tpu.memory_space<hbm>> -> memref<80xf32, #tpu.memory_space<hbm>>
            tpu.enqueue_dma source(%arg20 : memref<80xf32, #tpu.memory_space<vmem>>) target(%dma_start3A_127 : memref<80xf32, #tpu.memory_space<hbm>>) target_semaphore(%run_scoped3A : memref<!tpu.dma_semaphore, #tpu.memory_space<semaphore_mem>>)
            %dma_wait3A_128 = tpu.memref_slice %arg7[%mul3A_116] : memref<10000xf32, #tpu.memory_space<hbm>> -> memref<80xf32, #tpu.memory_space<hbm>>
            %dma_wait3A_129 = tpu.memref_slice %arg7[%mul3A_116] : memref<10000xf32, #tpu.memory_space<hbm>> -> memref<80xf32, #tpu.memory_space<hbm>>
            tpu.wait_dma2 semaphore(%run_scoped3A : memref<!tpu.dma_semaphore, #tpu.memory_space<semaphore_mem>>) src(%arg20 : memref<80xf32, #tpu.memory_space<vmem>>) dst(%dma_wait3A_129 : memref<80xf32, #tpu.memory_space<hbm>>)
            tpu.yield
          }) : () -> ()
        } else {
        }
      } else {
      }
    }
    %scan3A_108 = arith.constant 8 : i32
    return
  }
}

#map = affine_map<(d0, d1) -> (0, 0)>
#map1 = affine_map<(d0, d1) -> (0)>
module attributes {stable_mosaic.version = 14 : i64} {
  func.func @_sc_agg_l1(%arg0: i32, %arg1: i32, %arg2: memref<10000x128xf32, #tpu.memory_space<hbm>>, %arg3: memref<320000xi32, #tpu.memory_space<hbm>>, %arg4: memref<320000xi32, #tpu.memory_space<hbm>>, %arg5: memref<10000x128xf32, #tpu.memory_space<hbm>>, %arg6: memref<10000x128xf32, #tpu.memory_space<hbm>>, %arg7: memref<10000x128xf32, #tpu.memory_space<vmem_shared>>, %arg8: memref<96xi32, #tpu.memory_space<vmem>>, %arg9: memref<96xi32, #tpu.memory_space<vmem>>, %arg10: memref<96xi32, #tpu.memory_space<vmem>>, %arg11: memref<96xi32, #tpu.memory_space<vmem>>, %arg12: memref<96xi32, #tpu.memory_space<vmem>>, %arg13: memref<96xi32, #tpu.memory_space<vmem>>, %arg14: memref<96xi32, #tpu.memory_space<vmem>>, %arg15: memref<96xi32, #tpu.memory_space<vmem>>, %arg16: memref<16xi32, #tpu.memory_space<vmem>>, %arg17: memref<16xi32, #tpu.memory_space<vmem>>, %arg18: memref<96x128xf32, #tpu.memory_space<vmem>>, %arg19: memref<96x128xf32, #tpu.memory_space<vmem>>, %arg20: memref<96x128xf32, #tpu.memory_space<vmem>>, %arg21: memref<96x128xf32, #tpu.memory_space<vmem>>, %arg22: memref<!tpu.dma_semaphore, #tpu.memory_space<semaphore_mem>>, %arg23: memref<!tpu.dma_semaphore, #tpu.memory_space<semaphore_mem>>, %arg24: memref<!tpu.dma_semaphore, #tpu.memory_space<semaphore_mem>>, %arg25: memref<!tpu.dma_semaphore, #tpu.memory_space<semaphore_mem>>, %arg26: memref<!tpu.dma_semaphore, #tpu.memory_space<semaphore_mem>>, %arg27: memref<!tpu.dma_semaphore, #tpu.memory_space<semaphore_mem>>, %arg28: memref<!tpu.dma_semaphore, #tpu.memory_space<semaphore_mem>>, %arg29: memref<!tpu.dma_semaphore, #tpu.memory_space<semaphore_mem>>, %arg30: memref<!tpu.dma_semaphore, #tpu.memory_space<semaphore_mem>>, %arg31: memref<!tpu.dma_semaphore, #tpu.memory_space<semaphore_mem>>, %arg32: memref<!tpu.dma_semaphore, #tpu.memory_space<semaphore_mem>>, %arg33: memref<!tpu.dma_semaphore, #tpu.memory_space<semaphore_mem>>) attributes {dimension_semantics = [#tpu.dimension_semantics<core_parallel>, #tpu.dimension_semantics<subcore_parallel>], iteration_bounds = array<i64: 2, 16>, scalar_prefetch = 0 : i64, scratch_operands = 27 : i64, tpu.core_type = #tpu.core_type<sc_vector_subcore>, window_params = [{transform_indices = #map}, {transform_indices = #map1}, {transform_indices = #map1}, {transform_indices = #map}, {transform_indices = #map}]} {
    %broadcast_in_dim3A = arith.constant 0.000000e+00 : f32
    %broadcast_in_dim3A_0 = vector.broadcast %broadcast_in_dim3A : f32 to vector<16xf32>
    %swap3A = arith.constant 0 : i32
    %swap3A_1 = arith.index_cast %swap3A : i32 to index
    %swap3A_2 = arith.constant 0 : index
    %swap3A_3 = tpu.vector_load %arg19[%swap3A_1, %swap3A_2] {strides = array<i32>} : memref<96x128xf32, #tpu.memory_space<vmem>>, vector<1x16xf32>,
    %swap3A_4 = vector.shape_cast %swap3A_3 : vector<1x16xf32> to vector<16xf32>
    %swap3A_5 = vector.shape_cast %broadcast_in_dim3A_0 : vector<16xf32> to vector<1x16xf32>
    tpu.vector_store %arg19[%swap3A_1, %swap3A_2], %swap3A_5 {strides = array<i32>} : memref<96x128xf32, #tpu.memory_space<vmem>>, vector<1x16xf32>,
    %swap3A_6 = arith.constant 0 : i32
    %swap3A_7 = arith.index_cast %swap3A_6 : i32 to index
    %swap3A_8 = arith.constant 16 : index
    %swap3A_9 = tpu.vector_load %arg19[%swap3A_7, %swap3A_8] {strides = array<i32>} : memref<96x128xf32, #tpu.memory_space<vmem>>, vector<1x16xf32>,
    %swap3A_10 = vector.shape_cast %swap3A_9 : vector<1x16xf32> to vector<16xf32>
    %swap3A_11 = vector.shape_cast %broadcast_in_dim3A_0 : vector<16xf32> to vector<1x16xf32>
    tpu.vector_store %arg19[%swap3A_7, %swap3A_8], %swap3A_11 {strides = array<i32>} : memref<96x128xf32, #tpu.memory_space<vmem>>, vector<1x16xf32>,
    %swap3A_12 = arith.constant 0 : i32
    %swap3A_13 = arith.index_cast %swap3A_12 : i32 to index
    %swap3A_14 = arith.constant 32 : index
    %swap3A_15 = tpu.vector_load %arg19[%swap3A_13, %swap3A_14] {strides = array<i32>} : memref<96x128xf32, #tpu.memory_space<vmem>>, vector<1x16xf32>,
    %swap3A_16 = vector.shape_cast %swap3A_15 : vector<1x16xf32> to vector<16xf32>
    %swap3A_17 = vector.shape_cast %broadcast_in_dim3A_0 : vector<16xf32> to vector<1x16xf32>
    tpu.vector_store %arg19[%swap3A_13, %swap3A_14], %swap3A_17 {strides = array<i32>} : memref<96x128xf32, #tpu.memory_space<vmem>>, vector<1x16xf32>,
    %swap3A_18 = arith.constant 0 : i32
    %swap3A_19 = arith.index_cast %swap3A_18 : i32 to index
    %swap3A_20 = arith.constant 48 : index
    %swap3A_21 = tpu.vector_load %arg19[%swap3A_19, %swap3A_20] {strides = array<i32>} : memref<96x128xf32, #tpu.memory_space<vmem>>, vector<1x16xf32>,
    %swap3A_22 = vector.shape_cast %swap3A_21 : vector<1x16xf32> to vector<16xf32>
    %swap3A_23 = vector.shape_cast %broadcast_in_dim3A_0 : vector<16xf32> to vector<1x16xf32>
    tpu.vector_store %arg19[%swap3A_19, %swap3A_20], %swap3A_23 {strides = array<i32>} : memref<96x128xf32, #tpu.memory_space<vmem>>, vector<1x16xf32>,
    %swap3A_24 = arith.constant 0 : i32
    %swap3A_25 = arith.index_cast %swap3A_24 : i32 to index
    %swap3A_26 = arith.constant 64 : index
    %swap3A_27 = tpu.vector_load %arg19[%swap3A_25, %swap3A_26] {strides = array<i32>} : memref<96x128xf32, #tpu.memory_space<vmem>>, vector<1x16xf32>,
    %swap3A_28 = vector.shape_cast %swap3A_27 : vector<1x16xf32> to vector<16xf32>
    %swap3A_29 = vector.shape_cast %broadcast_in_dim3A_0 : vector<16xf32> to vector<1x16xf32>
    tpu.vector_store %arg19[%swap3A_25, %swap3A_26], %swap3A_29 {strides = array<i32>} : memref<96x128xf32, #tpu.memory_space<vmem>>, vector<1x16xf32>,
    %swap3A_30 = arith.constant 0 : i32
    %swap3A_31 = arith.index_cast %swap3A_30 : i32 to index
    %swap3A_32 = arith.constant 80 : index
    %swap3A_33 = tpu.vector_load %arg19[%swap3A_31, %swap3A_32] {strides = array<i32>} : memref<96x128xf32, #tpu.memory_space<vmem>>, vector<1x16xf32>,
    %swap3A_34 = vector.shape_cast %swap3A_33 : vector<1x16xf32> to vector<16xf32>
    %swap3A_35 = vector.shape_cast %broadcast_in_dim3A_0 : vector<16xf32> to vector<1x16xf32>
    tpu.vector_store %arg19[%swap3A_31, %swap3A_32], %swap3A_35 {strides = array<i32>} : memref<96x128xf32, #tpu.memory_space<vmem>>, vector<1x16xf32>,
    %swap3A_36 = arith.constant 0 : i32
    %swap3A_37 = arith.index_cast %swap3A_36 : i32 to index
    %swap3A_38 = arith.constant 96 : index
    %swap3A_39 = tpu.vector_load %arg19[%swap3A_37, %swap3A_38] {strides = array<i32>} : memref<96x128xf32, #tpu.memory_space<vmem>>, vector<1x16xf32>,
    %swap3A_40 = vector.shape_cast %swap3A_39 : vector<1x16xf32> to vector<16xf32>
    %swap3A_41 = vector.shape_cast %broadcast_in_dim3A_0 : vector<16xf32> to vector<1x16xf32>
    tpu.vector_store %arg19[%swap3A_37, %swap3A_38], %swap3A_41 {strides = array<i32>} : memref<96x128xf32, #tpu.memory_space<vmem>>, vector<1x16xf32>,
    %swap3A_42 = arith.constant 0 : i32
    %swap3A_43 = arith.index_cast %swap3A_42 : i32 to index
    %swap3A_44 = arith.constant 112 : index
    %swap3A_45 = tpu.vector_load %arg19[%swap3A_43, %swap3A_44] {strides = array<i32>} : memref<96x128xf32, #tpu.memory_space<vmem>>, vector<1x16xf32>,
    %swap3A_46 = vector.shape_cast %swap3A_45 : vector<1x16xf32> to vector<16xf32>
    %swap3A_47 = vector.shape_cast %broadcast_in_dim3A_0 : vector<16xf32> to vector<1x16xf32>
    tpu.vector_store %arg19[%swap3A_43, %swap3A_44], %swap3A_47 {strides = array<i32>} : memref<96x128xf32, #tpu.memory_space<vmem>>, vector<1x16xf32>,
    %swap3A_48 = arith.constant 1 : i32
    %swap3A_49 = arith.index_cast %swap3A_48 : i32 to index
    %swap3A_50 = arith.constant 0 : index
    %swap3A_51 = tpu.vector_load %arg19[%swap3A_49, %swap3A_50] {strides = array<i32>} : memref<96x128xf32, #tpu.memory_space<vmem>>, vector<1x16xf32>,
    %swap3A_52 = vector.shape_cast %swap3A_51 : vector<1x16xf32> to vector<16xf32>
    %swap3A_53 = vector.shape_cast %broadcast_in_dim3A_0 : vector<16xf32> to vector<1x16xf32>
    tpu.vector_store %arg19[%swap3A_49, %swap3A_50], %swap3A_53 {strides = array<i32>} : memref<96x128xf32, #tpu.memory_space<vmem>>, vector<1x16xf32>,
    %swap3A_54 = arith.constant 1 : i32
    %swap3A_55 = arith.index_cast %swap3A_54 : i32 to index
    %swap3A_56 = arith.constant 16 : index
    %swap3A_57 = tpu.vector_load %arg19[%swap3A_55, %swap3A_56] {strides = array<i32>} : memref<96x128xf32, #tpu.memory_space<vmem>>, vector<1x16xf32>,
    %swap3A_58 = vector.shape_cast %swap3A_57 : vector<1x16xf32> to vector<16xf32>
    %swap3A_59 = vector.shape_cast %broadcast_in_dim3A_0 : vector<16xf32> to vector<1x16xf32>
    tpu.vector_store %arg19[%swap3A_55, %swap3A_56], %swap3A_59 {strides = array<i32>} : memref<96x128xf32, #tpu.memory_space<vmem>>, vector<1x16xf32>,
    %swap3A_60 = arith.constant 1 : i32
    %swap3A_61 = arith.index_cast %swap3A_60 : i32 to index
    %swap3A_62 = arith.constant 32 : index
    %swap3A_63 = tpu.vector_load %arg19[%swap3A_61, %swap3A_62] {strides = array<i32>} : memref<96x128xf32, #tpu.memory_space<vmem>>, vector<1x16xf32>,
    %swap3A_64 = vector.shape_cast %swap3A_63 : vector<1x16xf32> to vector<16xf32>
    %swap3A_65 = vector.shape_cast %broadcast_in_dim3A_0 : vector<16xf32> to vector<1x16xf32>
    tpu.vector_store %arg19[%swap3A_61, %swap3A_62], %swap3A_65 {strides = array<i32>} : memref<96x128xf32, #tpu.memory_space<vmem>>, vector<1x16xf32>,
    %swap3A_66 = arith.constant 1 : i32
    %swap3A_67 = arith.index_cast %swap3A_66 : i32 to index
    %swap3A_68 = arith.constant 48 : index
    %swap3A_69 = tpu.vector_load %arg19[%swap3A_67, %swap3A_68] {strides = array<i32>} : memref<96x128xf32, #tpu.memory_space<vmem>>, vector<1x16xf32>,
    %swap3A_70 = vector.shape_cast %swap3A_69 : vector<1x16xf32> to vector<16xf32>
    %swap3A_71 = vector.shape_cast %broadcast_in_dim3A_0 : vector<16xf32> to vector<1x16xf32>
    tpu.vector_store %arg19[%swap3A_67, %swap3A_68], %swap3A_71 {strides = array<i32>} : memref<96x128xf32, #tpu.memory_space<vmem>>, vector<1x16xf32>,
    %swap3A_72 = arith.constant 1 : i32
    %swap3A_73 = arith.index_cast %swap3A_72 : i32 to index
    %swap3A_74 = arith.constant 64 : index
    %swap3A_75 = tpu.vector_load %arg19[%swap3A_73, %swap3A_74] {strides = array<i32>} : memref<96x128xf32, #tpu.memory_space<vmem>>, vector<1x16xf32>,
    %swap3A_76 = vector.shape_cast %swap3A_75 : vector<1x16xf32> to vector<16xf32>
    %swap3A_77 = vector.shape_cast %broadcast_in_dim3A_0 : vector<16xf32> to vector<1x16xf32>
    tpu.vector_store %arg19[%swap3A_73, %swap3A_74], %swap3A_77 {strides = array<i32>} : memref<96x128xf32, #tpu.memory_space<vmem>>, vector<1x16xf32>,
    %swap3A_78 = arith.constant 1 : i32
    %swap3A_79 = arith.index_cast %swap3A_78 : i32 to index
    %swap3A_80 = arith.constant 80 : index
    %swap3A_81 = tpu.vector_load %arg19[%swap3A_79, %swap3A_80] {strides = array<i32>} : memref<96x128xf32, #tpu.memory_space<vmem>>, vector<1x16xf32>,
    %swap3A_82 = vector.shape_cast %swap3A_81 : vector<1x16xf32> to vector<16xf32>
    %swap3A_83 = vector.shape_cast %broadcast_in_dim3A_0 : vector<16xf32> to vector<1x16xf32>
    tpu.vector_store %arg19[%swap3A_79, %swap3A_80], %swap3A_83 {strides = array<i32>} : memref<96x128xf32, #tpu.memory_space<vmem>>, vector<1x16xf32>,
    %swap3A_84 = arith.constant 1 : i32
    %swap3A_85 = arith.index_cast %swap3A_84 : i32 to index
    %swap3A_86 = arith.constant 96 : index
    %swap3A_87 = tpu.vector_load %arg19[%swap3A_85, %swap3A_86] {strides = array<i32>} : memref<96x128xf32, #tpu.memory_space<vmem>>, vector<1x16xf32>,
    %swap3A_88 = vector.shape_cast %swap3A_87 : vector<1x16xf32> to vector<16xf32>
    %swap3A_89 = vector.shape_cast %broadcast_in_dim3A_0 : vector<16xf32> to vector<1x16xf32>
    tpu.vector_store %arg19[%swap3A_85, %swap3A_86], %swap3A_89 {strides = array<i32>} : memref<96x128xf32, #tpu.memory_space<vmem>>, vector<1x16xf32>,
    %swap3A_90 = arith.constant 1 : i32
    %swap3A_91 = arith.index_cast %swap3A_90 : i32 to index
    %swap3A_92 = arith.constant 112 : index
    %swap3A_93 = tpu.vector_load %arg19[%swap3A_91, %swap3A_92] {strides = array<i32>} : memref<96x128xf32, #tpu.memory_space<vmem>>, vector<1x16xf32>,
    %swap3A_94 = vector.shape_cast %swap3A_93 : vector<1x16xf32> to vector<16xf32>
    %swap3A_95 = vector.shape_cast %broadcast_in_dim3A_0 : vector<16xf32> to vector<1x16xf32>
    tpu.vector_store %arg19[%swap3A_91, %swap3A_92], %swap3A_95 {strides = array<i32>} : memref<96x128xf32, #tpu.memory_space<vmem>>, vector<1x16xf32>,
    %swap3A_96 = arith.constant 2 : i32
    %swap3A_97 = arith.index_cast %swap3A_96 : i32 to index
    %swap3A_98 = arith.constant 0 : index
    %swap3A_99 = tpu.vector_load %arg19[%swap3A_97, %swap3A_98] {strides = array<i32>} : memref<96x128xf32, #tpu.memory_space<vmem>>, vector<1x16xf32>,
    %swap3A_100 = vector.shape_cast %swap3A_99 : vector<1x16xf32> to vector<16xf32>
    %swap3A_101 = vector.shape_cast %broadcast_in_dim3A_0 : vector<16xf32> to vector<1x16xf32>
    tpu.vector_store %arg19[%swap3A_97, %swap3A_98], %swap3A_101 {strides = array<i32>} : memref<96x128xf32, #tpu.memory_space<vmem>>, vector<1x16xf32>,
    %swap3A_102 = arith.constant 2 : i32
    %swap3A_103 = arith.index_cast %swap3A_102 : i32 to index
    %swap3A_104 = arith.constant 16 : index
    %swap3A_105 = tpu.vector_load %arg19[%swap3A_103, %swap3A_104] {strides = array<i32>} : memref<96x128xf32, #tpu.memory_space<vmem>>, vector<1x16xf32>,
    %swap3A_106 = vector.shape_cast %swap3A_105 : vector<1x16xf32> to vector<16xf32>
    %swap3A_107 = vector.shape_cast %broadcast_in_dim3A_0 : vector<16xf32> to vector<1x16xf32>
    tpu.vector_store %arg19[%swap3A_103, %swap3A_104], %swap3A_107 {strides = array<i32>} : memref<96x128xf32, #tpu.memory_space<vmem>>, vector<1x16xf32>,
    %swap3A_108 = arith.constant 2 : i32
    %swap3A_109 = arith.index_cast %swap3A_108 : i32 to index
    %swap3A_110 = arith.constant 32 : index
    %swap3A_111 = tpu.vector_load %arg19[%swap3A_109, %swap3A_110] {strides = array<i32>} : memref<96x128xf32, #tpu.memory_space<vmem>>, vector<1x16xf32>,
    %swap3A_112 = vector.shape_cast %swap3A_111 : vector<1x16xf32> to vector<16xf32>
    %swap3A_113 = vector.shape_cast %broadcast_in_dim3A_0 : vector<16xf32> to vector<1x16xf32>
    tpu.vector_store %arg19[%swap3A_109, %swap3A_110], %swap3A_113 {strides = array<i32>} : memref<96x128xf32, #tpu.memory_space<vmem>>, vector<1x16xf32>,
    %swap3A_114 = arith.constant 2 : i32
    %swap3A_115 = arith.index_cast %swap3A_114 : i32 to index
    %swap3A_116 = arith.constant 48 : index
    %swap3A_117 = tpu.vector_load %arg19[%swap3A_115, %swap3A_116] {strides = array<i32>} : memref<96x128xf32, #tpu.memory_space<vmem>>, vector<1x16xf32>,
    %swap3A_118 = vector.shape_cast %swap3A_117 : vector<1x16xf32> to vector<16xf32>
    %swap3A_119 = vector.shape_cast %broadcast_in_dim3A_0 : vector<16xf32> to vector<1x16xf32>
    tpu.vector_store %arg19[%swap3A_115, %swap3A_116], %swap3A_119 {strides = array<i32>} : memref<96x128xf32, #tpu.memory_space<vmem>>, vector<1x16xf32>,
    %swap3A_120 = arith.constant 2 : i32
    %swap3A_121 = arith.index_cast %swap3A_120 : i32 to index
    %swap3A_122 = arith.constant 64 : index
    %swap3A_123 = tpu.vector_load %arg19[%swap3A_121, %swap3A_122] {strides = array<i32>} : memref<96x128xf32, #tpu.memory_space<vmem>>, vector<1x16xf32>,
    %swap3A_124 = vector.shape_cast %swap3A_123 : vector<1x16xf32> to vector<16xf32>
    %swap3A_125 = vector.shape_cast %broadcast_in_dim3A_0 : vector<16xf32> to vector<1x16xf32>
    tpu.vector_store %arg19[%swap3A_121, %swap3A_122], %swap3A_125 {strides = array<i32>} : memref<96x128xf32, #tpu.memory_space<vmem>>, vector<1x16xf32>,
    %swap3A_126 = arith.constant 2 : i32
    %swap3A_127 = arith.index_cast %swap3A_126 : i32 to index
    %swap3A_128 = arith.constant 80 : index
    %swap3A_129 = tpu.vector_load %arg19[%swap3A_127, %swap3A_128] {strides = array<i32>} : memref<96x128xf32, #tpu.memory_space<vmem>>, vector<1x16xf32>,
    %swap3A_130 = vector.shape_cast %swap3A_129 : vector<1x16xf32> to vector<16xf32>
    %swap3A_131 = vector.shape_cast %broadcast_in_dim3A_0 : vector<16xf32> to vector<1x16xf32>
    tpu.vector_store %arg19[%swap3A_127, %swap3A_128], %swap3A_131 {strides = array<i32>} : memref<96x128xf32, #tpu.memory_space<vmem>>, vector<1x16xf32>,
    %swap3A_132 = arith.constant 2 : i32
    %swap3A_133 = arith.index_cast %swap3A_132 : i32 to index
    %swap3A_134 = arith.constant 96 : index
    %swap3A_135 = tpu.vector_load %arg19[%swap3A_133, %swap3A_134] {strides = array<i32>} : memref<96x128xf32, #tpu.memory_space<vmem>>, vector<1x16xf32>,
    %swap3A_136 = vector.shape_cast %swap3A_135 : vector<1x16xf32> to vector<16xf32>
    %swap3A_137 = vector.shape_cast %broadcast_in_dim3A_0 : vector<16xf32> to vector<1x16xf32>
    tpu.vector_store %arg19[%swap3A_133, %swap3A_134], %swap3A_137 {strides = array<i32>} : memref<96x128xf32, #tpu.memory_space<vmem>>, vector<1x16xf32>,
    %swap3A_138 = arith.constant 2 : i32
    %swap3A_139 = arith.index_cast %swap3A_138 : i32 to index
    %swap3A_140 = arith.constant 112 : index
    %swap3A_141 = tpu.vector_load %arg19[%swap3A_139, %swap3A_140] {strides = array<i32>} : memref<96x128xf32, #tpu.memory_space<vmem>>, vector<1x16xf32>,
    %swap3A_142 = vector.shape_cast %swap3A_141 : vector<1x16xf32> to vector<16xf32>
    %swap3A_143 = vector.shape_cast %broadcast_in_dim3A_0 : vector<16xf32> to vector<1x16xf32>
    tpu.vector_store %arg19[%swap3A_139, %swap3A_140], %swap3A_143 {strides = array<i32>} : memref<96x128xf32, #tpu.memory_space<vmem>>, vector<1x16xf32>,
    %swap3A_144 = arith.constant 3 : i32
    %swap3A_145 = arith.index_cast %swap3A_144 : i32 to index
    %swap3A_146 = arith.constant 0 : index
    %swap3A_147 = tpu.vector_load %arg19[%swap3A_145, %swap3A_146] {strides = array<i32>} : memref<96x128xf32, #tpu.memory_space<vmem>>, vector<1x16xf32>,
    %swap3A_148 = vector.shape_cast %swap3A_147 : vector<1x16xf32> to vector<16xf32>
    %swap3A_149 = vector.shape_cast %broadcast_in_dim3A_0 : vector<16xf32> to vector<1x16xf32>
    tpu.vector_store %arg19[%swap3A_145, %swap3A_146], %swap3A_149 {strides = array<i32>} : memref<96x128xf32, #tpu.memory_space<vmem>>, vector<1x16xf32>,
    %swap3A_150 = arith.constant 3 : i32
    %swap3A_151 = arith.index_cast %swap3A_150 : i32 to index
    %swap3A_152 = arith.constant 16 : index
    %swap3A_153 = tpu.vector_load %arg19[%swap3A_151, %swap3A_152] {strides = array<i32>} : memref<96x128xf32, #tpu.memory_space<vmem>>, vector<1x16xf32>,
    %swap3A_154 = vector.shape_cast %swap3A_153 : vector<1x16xf32> to vector<16xf32>
    %swap3A_155 = vector.shape_cast %broadcast_in_dim3A_0 : vector<16xf32> to vector<1x16xf32>
    tpu.vector_store %arg19[%swap3A_151, %swap3A_152], %swap3A_155 {strides = array<i32>} : memref<96x128xf32, #tpu.memory_space<vmem>>, vector<1x16xf32>,
    %swap3A_156 = arith.constant 3 : i32
    %swap3A_157 = arith.index_cast %swap3A_156 : i32 to index
    %swap3A_158 = arith.constant 32 : index
    %swap3A_159 = tpu.vector_load %arg19[%swap3A_157, %swap3A_158] {strides = array<i32>} : memref<96x128xf32, #tpu.memory_space<vmem>>, vector<1x16xf32>,
    %swap3A_160 = vector.shape_cast %swap3A_159 : vector<1x16xf32> to vector<16xf32>
    %swap3A_161 = vector.shape_cast %broadcast_in_dim3A_0 : vector<16xf32> to vector<1x16xf32>
    tpu.vector_store %arg19[%swap3A_157, %swap3A_158], %swap3A_161 {strides = array<i32>} : memref<96x128xf32, #tpu.memory_space<vmem>>, vector<1x16xf32>,
    %swap3A_162 = arith.constant 3 : i32
    %swap3A_163 = arith.index_cast %swap3A_162 : i32 to index
    %swap3A_164 = arith.constant 48 : index
    %swap3A_165 = tpu.vector_load %arg19[%swap3A_163, %swap3A_164] {strides = array<i32>} : memref<96x128xf32, #tpu.memory_space<vmem>>, vector<1x16xf32>,
    %swap3A_166 = vector.shape_cast %swap3A_165 : vector<1x16xf32> to vector<16xf32>
    %swap3A_167 = vector.shape_cast %broadcast_in_dim3A_0 : vector<16xf32> to vector<1x16xf32>
    tpu.vector_store %arg19[%swap3A_163, %swap3A_164], %swap3A_167 {strides = array<i32>} : memref<96x128xf32, #tpu.memory_space<vmem>>, vector<1x16xf32>,
    %swap3A_168 = arith.constant 3 : i32
    %swap3A_169 = arith.index_cast %swap3A_168 : i32 to index
    %swap3A_170 = arith.constant 64 : index
    %swap3A_171 = tpu.vector_load %arg19[%swap3A_169, %swap3A_170] {strides = array<i32>} : memref<96x128xf32, #tpu.memory_space<vmem>>, vector<1x16xf32>,
    %swap3A_172 = vector.shape_cast %swap3A_171 : vector<1x16xf32> to vector<16xf32>
    %swap3A_173 = vector.shape_cast %broadcast_in_dim3A_0 : vector<16xf32> to vector<1x16xf32>
    tpu.vector_store %arg19[%swap3A_169, %swap3A_170], %swap3A_173 {strides = array<i32>} : memref<96x128xf32, #tpu.memory_space<vmem>>, vector<1x16xf32>,
    %swap3A_174 = arith.constant 3 : i32
    %swap3A_175 = arith.index_cast %swap3A_174 : i32 to index
    %swap3A_176 = arith.constant 80 : index
    %swap3A_177 = tpu.vector_load %arg19[%swap3A_175, %swap3A_176] {strides = array<i32>} : memref<96x128xf32, #tpu.memory_space<vmem>>, vector<1x16xf32>,
    %swap3A_178 = vector.shape_cast %swap3A_177 : vector<1x16xf32> to vector<16xf32>
    %swap3A_179 = vector.shape_cast %broadcast_in_dim3A_0 : vector<16xf32> to vector<1x16xf32>
    tpu.vector_store %arg19[%swap3A_175, %swap3A_176], %swap3A_179 {strides = array<i32>} : memref<96x128xf32, #tpu.memory_space<vmem>>, vector<1x16xf32>,
    %swap3A_180 = arith.constant 3 : i32
    %swap3A_181 = arith.index_cast %swap3A_180 : i32 to index
    %swap3A_182 = arith.constant 96 : index
    %swap3A_183 = tpu.vector_load %arg19[%swap3A_181, %swap3A_182] {strides = array<i32>} : memref<96x128xf32, #tpu.memory_space<vmem>>, vector<1x16xf32>,
    %swap3A_184 = vector.shape_cast %swap3A_183 : vector<1x16xf32> to vector<16xf32>
    %swap3A_185 = vector.shape_cast %broadcast_in_dim3A_0 : vector<16xf32> to vector<1x16xf32>
    tpu.vector_store %arg19[%swap3A_181, %swap3A_182], %swap3A_185 {strides = array<i32>} : memref<96x128xf32, #tpu.memory_space<vmem>>, vector<1x16xf32>,
    %swap3A_186 = arith.constant 3 : i32
    %swap3A_187 = arith.index_cast %swap3A_186 : i32 to index
    %swap3A_188 = arith.constant 112 : index
    %swap3A_189 = tpu.vector_load %arg19[%swap3A_187, %swap3A_188] {strides = array<i32>} : memref<96x128xf32, #tpu.memory_space<vmem>>, vector<1x16xf32>,
    %swap3A_190 = vector.shape_cast %swap3A_189 : vector<1x16xf32> to vector<16xf32>
    %swap3A_191 = vector.shape_cast %broadcast_in_dim3A_0 : vector<16xf32> to vector<1x16xf32>
    tpu.vector_store %arg19[%swap3A_187, %swap3A_188], %swap3A_191 {strides = array<i32>} : memref<96x128xf32, #tpu.memory_space<vmem>>, vector<1x16xf32>,
    %swap3A_192 = arith.constant 4 : i32
    %swap3A_193 = arith.index_cast %swap3A_192 : i32 to index
    %swap3A_194 = arith.constant 0 : index
    %swap3A_195 = tpu.vector_load %arg19[%swap3A_193, %swap3A_194] {strides = array<i32>} : memref<96x128xf32, #tpu.memory_space<vmem>>, vector<1x16xf32>,
    %swap3A_196 = vector.shape_cast %swap3A_195 : vector<1x16xf32> to vector<16xf32>
    %swap3A_197 = vector.shape_cast %broadcast_in_dim3A_0 : vector<16xf32> to vector<1x16xf32>
    tpu.vector_store %arg19[%swap3A_193, %swap3A_194], %swap3A_197 {strides = array<i32>} : memref<96x128xf32, #tpu.memory_space<vmem>>, vector<1x16xf32>,
    %swap3A_198 = arith.constant 4 : i32
    %swap3A_199 = arith.index_cast %swap3A_198 : i32 to index
    %swap3A_200 = arith.constant 16 : index
    %swap3A_201 = tpu.vector_load %arg19[%swap3A_199, %swap3A_200] {strides = array<i32>} : memref<96x128xf32, #tpu.memory_space<vmem>>, vector<1x16xf32>,
    %swap3A_202 = vector.shape_cast %swap3A_201 : vector<1x16xf32> to vector<16xf32>
    %swap3A_203 = vector.shape_cast %broadcast_in_dim3A_0 : vector<16xf32> to vector<1x16xf32>
    tpu.vector_store %arg19[%swap3A_199, %swap3A_200], %swap3A_203 {strides = array<i32>} : memref<96x128xf32, #tpu.memory_space<vmem>>, vector<1x16xf32>,
    %swap3A_204 = arith.constant 4 : i32
    %swap3A_205 = arith.index_cast %swap3A_204 : i32 to index
    %swap3A_206 = arith.constant 32 : index
    %swap3A_207 = tpu.vector_load %arg19[%swap3A_205, %swap3A_206] {strides = array<i32>} : memref<96x128xf32, #tpu.memory_space<vmem>>, vector<1x16xf32>,
    %swap3A_208 = vector.shape_cast %swap3A_207 : vector<1x16xf32> to vector<16xf32>
    %swap3A_209 = vector.shape_cast %broadcast_in_dim3A_0 : vector<16xf32> to vector<1x16xf32>
    tpu.vector_store %arg19[%swap3A_205, %swap3A_206], %swap3A_209 {strides = array<i32>} : memref<96x128xf32, #tpu.memory_space<vmem>>, vector<1x16xf32>,
    %swap3A_210 = arith.constant 4 : i32
    %swap3A_211 = arith.index_cast %swap3A_210 : i32 to index
    %swap3A_212 = arith.constant 48 : index
    %swap3A_213 = tpu.vector_load %arg19[%swap3A_211, %swap3A_212] {strides = array<i32>} : memref<96x128xf32, #tpu.memory_space<vmem>>, vector<1x16xf32>,
    %swap3A_214 = vector.shape_cast %swap3A_213 : vector<1x16xf32> to vector<16xf32>
    %swap3A_215 = vector.shape_cast %broadcast_in_dim3A_0 : vector<16xf32> to vector<1x16xf32>
    tpu.vector_store %arg19[%swap3A_211, %swap3A_212], %swap3A_215 {strides = array<i32>} : memref<96x128xf32, #tpu.memory_space<vmem>>, vector<1x16xf32>,
    %swap3A_216 = arith.constant 4 : i32
    %swap3A_217 = arith.index_cast %swap3A_216 : i32 to index
    %swap3A_218 = arith.constant 64 : index
    %swap3A_219 = tpu.vector_load %arg19[%swap3A_217, %swap3A_218] {strides = array<i32>} : memref<96x128xf32, #tpu.memory_space<vmem>>, vector<1x16xf32>,
    %swap3A_220 = vector.shape_cast %swap3A_219 : vector<1x16xf32> to vector<16xf32>
    %swap3A_221 = vector.shape_cast %broadcast_in_dim3A_0 : vector<16xf32> to vector<1x16xf32>
    tpu.vector_store %arg19[%swap3A_217, %swap3A_218], %swap3A_221 {strides = array<i32>} : memref<96x128xf32, #tpu.memory_space<vmem>>, vector<1x16xf32>,
    %swap3A_222 = arith.constant 4 : i32
    %swap3A_223 = arith.index_cast %swap3A_222 : i32 to index
    %swap3A_224 = arith.constant 80 : index
    %swap3A_225 = tpu.vector_load %arg19[%swap3A_223, %swap3A_224] {strides = array<i32>} : memref<96x128xf32, #tpu.memory_space<vmem>>, vector<1x16xf32>,
    %swap3A_226 = vector.shape_cast %swap3A_225 : vector<1x16xf32> to vector<16xf32>
    %swap3A_227 = vector.shape_cast %broadcast_in_dim3A_0 : vector<16xf32> to vector<1x16xf32>
    tpu.vector_store %arg19[%swap3A_223, %swap3A_224], %swap3A_227 {strides = array<i32>} : memref<96x128xf32, #tpu.memory_space<vmem>>, vector<1x16xf32>,
    %swap3A_228 = arith.constant 4 : i32
    %swap3A_229 = arith.index_cast %swap3A_228 : i32 to index
    %swap3A_230 = arith.constant 96 : index
    %swap3A_231 = tpu.vector_load %arg19[%swap3A_229, %swap3A_230] {strides = array<i32>} : memref<96x128xf32, #tpu.memory_space<vmem>>, vector<1x16xf32>,
    %swap3A_232 = vector.shape_cast %swap3A_231 : vector<1x16xf32> to vector<16xf32>
    %swap3A_233 = vector.shape_cast %broadcast_in_dim3A_0 : vector<16xf32> to vector<1x16xf32>
    tpu.vector_store %arg19[%swap3A_229, %swap3A_230], %swap3A_233 {strides = array<i32>} : memref<96x128xf32, #tpu.memory_space<vmem>>, vector<1x16xf32>,
    %swap3A_234 = arith.constant 4 : i32
    %swap3A_235 = arith.index_cast %swap3A_234 : i32 to index
    %swap3A_236 = arith.constant 112 : index
    %swap3A_237 = tpu.vector_load %arg19[%swap3A_235, %swap3A_236] {strides = array<i32>} : memref<96x128xf32, #tpu.memory_space<vmem>>, vector<1x16xf32>,
    %swap3A_238 = vector.shape_cast %swap3A_237 : vector<1x16xf32> to vector<16xf32>
    %swap3A_239 = vector.shape_cast %broadcast_in_dim3A_0 : vector<16xf32> to vector<1x16xf32>
    tpu.vector_store %arg19[%swap3A_235, %swap3A_236], %swap3A_239 {strides = array<i32>} : memref<96x128xf32, #tpu.memory_space<vmem>>, vector<1x16xf32>,
    %swap3A_240 = arith.constant 5 : i32
    %swap3A_241 = arith.index_cast %swap3A_240 : i32 to index
    %swap3A_242 = arith.constant 0 : index
    %swap3A_243 = tpu.vector_load %arg19[%swap3A_241, %swap3A_242] {strides = array<i32>} : memref<96x128xf32, #tpu.memory_space<vmem>>, vector<1x16xf32>,
    %swap3A_244 = vector.shape_cast %swap3A_243 : vector<1x16xf32> to vector<16xf32>
    %swap3A_245 = vector.shape_cast %broadcast_in_dim3A_0 : vector<16xf32> to vector<1x16xf32>
    tpu.vector_store %arg19[%swap3A_241, %swap3A_242], %swap3A_245 {strides = array<i32>} : memref<96x128xf32, #tpu.memory_space<vmem>>, vector<1x16xf32>,
    %swap3A_246 = arith.constant 5 : i32
    %swap3A_247 = arith.index_cast %swap3A_246 : i32 to index
    %swap3A_248 = arith.constant 16 : index
    %swap3A_249 = tpu.vector_load %arg19[%swap3A_247, %swap3A_248] {strides = array<i32>} : memref<96x128xf32, #tpu.memory_space<vmem>>, vector<1x16xf32>,
    %swap3A_250 = vector.shape_cast %swap3A_249 : vector<1x16xf32> to vector<16xf32>
    %swap3A_251 = vector.shape_cast %broadcast_in_dim3A_0 : vector<16xf32> to vector<1x16xf32>
    tpu.vector_store %arg19[%swap3A_247, %swap3A_248], %swap3A_251 {strides = array<i32>} : memref<96x128xf32, #tpu.memory_space<vmem>>, vector<1x16xf32>,
    %swap3A_252 = arith.constant 5 : i32
    %swap3A_253 = arith.index_cast %swap3A_252 : i32 to index
    %swap3A_254 = arith.constant 32 : index
    %swap3A_255 = tpu.vector_load %arg19[%swap3A_253, %swap3A_254] {strides = array<i32>} : memref<96x128xf32, #tpu.memory_space<vmem>>, vector<1x16xf32>,
    %swap3A_256 = vector.shape_cast %swap3A_255 : vector<1x16xf32> to vector<16xf32>
    %swap3A_257 = vector.shape_cast %broadcast_in_dim3A_0 : vector<16xf32> to vector<1x16xf32>
    tpu.vector_store %arg19[%swap3A_253, %swap3A_254], %swap3A_257 {strides = array<i32>} : memref<96x128xf32, #tpu.memory_space<vmem>>, vector<1x16xf32>,
    %swap3A_258 = arith.constant 5 : i32
    %swap3A_259 = arith.index_cast %swap3A_258 : i32 to index
    %swap3A_260 = arith.constant 48 : index
    %swap3A_261 = tpu.vector_load %arg19[%swap3A_259, %swap3A_260] {strides = array<i32>} : memref<96x128xf32, #tpu.memory_space<vmem>>, vector<1x16xf32>,
    %swap3A_262 = vector.shape_cast %swap3A_261 : vector<1x16xf32> to vector<16xf32>
    %swap3A_263 = vector.shape_cast %broadcast_in_dim3A_0 : vector<16xf32> to vector<1x16xf32>
    tpu.vector_store %arg19[%swap3A_259, %swap3A_260], %swap3A_263 {strides = array<i32>} : memref<96x128xf32, #tpu.memory_space<vmem>>, vector<1x16xf32>,
    %swap3A_264 = arith.constant 5 : i32
    %swap3A_265 = arith.index_cast %swap3A_264 : i32 to index
    %swap3A_266 = arith.constant 64 : index
    %swap3A_267 = tpu.vector_load %arg19[%swap3A_265, %swap3A_266] {strides = array<i32>} : memref<96x128xf32, #tpu.memory_space<vmem>>, vector<1x16xf32>,
    %swap3A_268 = vector.shape_cast %swap3A_267 : vector<1x16xf32> to vector<16xf32>
    %swap3A_269 = vector.shape_cast %broadcast_in_dim3A_0 : vector<16xf32> to vector<1x16xf32>
    tpu.vector_store %arg19[%swap3A_265, %swap3A_266], %swap3A_269 {strides = array<i32>} : memref<96x128xf32, #tpu.memory_space<vmem>>, vector<1x16xf32>,
    %swap3A_270 = arith.constant 5 : i32
    %swap3A_271 = arith.index_cast %swap3A_270 : i32 to index
    %swap3A_272 = arith.constant 80 : index
    %swap3A_273 = tpu.vector_load %arg19[%swap3A_271, %swap3A_272] {strides = array<i32>} : memref<96x128xf32, #tpu.memory_space<vmem>>, vector<1x16xf32>,
    %swap3A_274 = vector.shape_cast %swap3A_273 : vector<1x16xf32> to vector<16xf32>
    %swap3A_275 = vector.shape_cast %broadcast_in_dim3A_0 : vector<16xf32> to vector<1x16xf32>
    tpu.vector_store %arg19[%swap3A_271, %swap3A_272], %swap3A_275 {strides = array<i32>} : memref<96x128xf32, #tpu.memory_space<vmem>>, vector<1x16xf32>,
    %swap3A_276 = arith.constant 5 : i32
    %swap3A_277 = arith.index_cast %swap3A_276 : i32 to index
    %swap3A_278 = arith.constant 96 : index
    %swap3A_279 = tpu.vector_load %arg19[%swap3A_277, %swap3A_278] {strides = array<i32>} : memref<96x128xf32, #tpu.memory_space<vmem>>, vector<1x16xf32>,
    %swap3A_280 = vector.shape_cast %swap3A_279 : vector<1x16xf32> to vector<16xf32>
    %swap3A_281 = vector.shape_cast %broadcast_in_dim3A_0 : vector<16xf32> to vector<1x16xf32>
    tpu.vector_store %arg19[%swap3A_277, %swap3A_278], %swap3A_281 {strides = array<i32>} : memref<96x128xf32, #tpu.memory_space<vmem>>, vector<1x16xf32>,
    %swap3A_282 = arith.constant 5 : i32
    %swap3A_283 = arith.index_cast %swap3A_282 : i32 to index
    %swap3A_284 = arith.constant 112 : index
    %swap3A_285 = tpu.vector_load %arg19[%swap3A_283, %swap3A_284] {strides = array<i32>} : memref<96x128xf32, #tpu.memory_space<vmem>>, vector<1x16xf32>,
    %swap3A_286 = vector.shape_cast %swap3A_285 : vector<1x16xf32> to vector<16xf32>
    %swap3A_287 = vector.shape_cast %broadcast_in_dim3A_0 : vector<16xf32> to vector<1x16xf32>
    tpu.vector_store %arg19[%swap3A_283, %swap3A_284], %swap3A_287 {strides = array<i32>} : memref<96x128xf32, #tpu.memory_space<vmem>>, vector<1x16xf32>,
    %swap3A_288 = arith.constant 6 : i32
    %swap3A_289 = arith.index_cast %swap3A_288 : i32 to index
    %swap3A_290 = arith.constant 0 : index
    %swap3A_291 = tpu.vector_load %arg19[%swap3A_289, %swap3A_290] {strides = array<i32>} : memref<96x128xf32, #tpu.memory_space<vmem>>, vector<1x16xf32>,
    %swap3A_292 = vector.shape_cast %swap3A_291 : vector<1x16xf32> to vector<16xf32>
    %swap3A_293 = vector.shape_cast %broadcast_in_dim3A_0 : vector<16xf32> to vector<1x16xf32>
    tpu.vector_store %arg19[%swap3A_289, %swap3A_290], %swap3A_293 {strides = array<i32>} : memref<96x128xf32, #tpu.memory_space<vmem>>, vector<1x16xf32>,
    %swap3A_294 = arith.constant 6 : i32
    %swap3A_295 = arith.index_cast %swap3A_294 : i32 to index
    %swap3A_296 = arith.constant 16 : index
    %swap3A_297 = tpu.vector_load %arg19[%swap3A_295, %swap3A_296] {strides = array<i32>} : memref<96x128xf32, #tpu.memory_space<vmem>>, vector<1x16xf32>,
    %swap3A_298 = vector.shape_cast %swap3A_297 : vector<1x16xf32> to vector<16xf32>
    %swap3A_299 = vector.shape_cast %broadcast_in_dim3A_0 : vector<16xf32> to vector<1x16xf32>
    tpu.vector_store %arg19[%swap3A_295, %swap3A_296], %swap3A_299 {strides = array<i32>} : memref<96x128xf32, #tpu.memory_space<vmem>>, vector<1x16xf32>,
    %swap3A_300 = arith.constant 6 : i32
    %swap3A_301 = arith.index_cast %swap3A_300 : i32 to index
    %swap3A_302 = arith.constant 32 : index
    %swap3A_303 = tpu.vector_load %arg19[%swap3A_301, %swap3A_302] {strides = array<i32>} : memref<96x128xf32, #tpu.memory_space<vmem>>, vector<1x16xf32>,
    %swap3A_304 = vector.shape_cast %swap3A_303 : vector<1x16xf32> to vector<16xf32>
    %swap3A_305 = vector.shape_cast %broadcast_in_dim3A_0 : vector<16xf32> to vector<1x16xf32>
    tpu.vector_store %arg19[%swap3A_301, %swap3A_302], %swap3A_305 {strides = array<i32>} : memref<96x128xf32, #tpu.memory_space<vmem>>, vector<1x16xf32>,
    %swap3A_306 = arith.constant 6 : i32
    %swap3A_307 = arith.index_cast %swap3A_306 : i32 to index
    %swap3A_308 = arith.constant 48 : index
    %swap3A_309 = tpu.vector_load %arg19[%swap3A_307, %swap3A_308] {strides = array<i32>} : memref<96x128xf32, #tpu.memory_space<vmem>>, vector<1x16xf32>,
    %swap3A_310 = vector.shape_cast %swap3A_309 : vector<1x16xf32> to vector<16xf32>
    %swap3A_311 = vector.shape_cast %broadcast_in_dim3A_0 : vector<16xf32> to vector<1x16xf32>
    tpu.vector_store %arg19[%swap3A_307, %swap3A_308], %swap3A_311 {strides = array<i32>} : memref<96x128xf32, #tpu.memory_space<vmem>>, vector<1x16xf32>,
    %swap3A_312 = arith.constant 6 : i32
    %swap3A_313 = arith.index_cast %swap3A_312 : i32 to index
    %swap3A_314 = arith.constant 64 : index
    %swap3A_315 = tpu.vector_load %arg19[%swap3A_313, %swap3A_314] {strides = array<i32>} : memref<96x128xf32, #tpu.memory_space<vmem>>, vector<1x16xf32>,
    %swap3A_316 = vector.shape_cast %swap3A_315 : vector<1x16xf32> to vector<16xf32>
    %swap3A_317 = vector.shape_cast %broadcast_in_dim3A_0 : vector<16xf32> to vector<1x16xf32>
    tpu.vector_store %arg19[%swap3A_313, %swap3A_314], %swap3A_317 {strides = array<i32>} : memref<96x128xf32, #tpu.memory_space<vmem>>, vector<1x16xf32>,
    %swap3A_318 = arith.constant 6 : i32
    %swap3A_319 = arith.index_cast %swap3A_318 : i32 to index
    %swap3A_320 = arith.constant 80 : index
    %swap3A_321 = tpu.vector_load %arg19[%swap3A_319, %swap3A_320] {strides = array<i32>} : memref<96x128xf32, #tpu.memory_space<vmem>>, vector<1x16xf32>,
    %swap3A_322 = vector.shape_cast %swap3A_321 : vector<1x16xf32> to vector<16xf32>
    %swap3A_323 = vector.shape_cast %broadcast_in_dim3A_0 : vector<16xf32> to vector<1x16xf32>
    tpu.vector_store %arg19[%swap3A_319, %swap3A_320], %swap3A_323 {strides = array<i32>} : memref<96x128xf32, #tpu.memory_space<vmem>>, vector<1x16xf32>,
    %swap3A_324 = arith.constant 6 : i32
    %swap3A_325 = arith.index_cast %swap3A_324 : i32 to index
    %swap3A_326 = arith.constant 96 : index
    %swap3A_327 = tpu.vector_load %arg19[%swap3A_325, %swap3A_326] {strides = array<i32>} : memref<96x128xf32, #tpu.memory_space<vmem>>, vector<1x16xf32>,
    %swap3A_328 = vector.shape_cast %swap3A_327 : vector<1x16xf32> to vector<16xf32>
    %swap3A_329 = vector.shape_cast %broadcast_in_dim3A_0 : vector<16xf32> to vector<1x16xf32>
    tpu.vector_store %arg19[%swap3A_325, %swap3A_326], %swap3A_329 {strides = array<i32>} : memref<96x128xf32, #tpu.memory_space<vmem>>, vector<1x16xf32>,
    %swap3A_330 = arith.constant 6 : i32
    %swap3A_331 = arith.index_cast %swap3A_330 : i32 to index
    %swap3A_332 = arith.constant 112 : index
    %swap3A_333 = tpu.vector_load %arg19[%swap3A_331, %swap3A_332] {strides = array<i32>} : memref<96x128xf32, #tpu.memory_space<vmem>>, vector<1x16xf32>,
    %swap3A_334 = vector.shape_cast %swap3A_333 : vector<1x16xf32> to vector<16xf32>
    %swap3A_335 = vector.shape_cast %broadcast_in_dim3A_0 : vector<16xf32> to vector<1x16xf32>
    tpu.vector_store %arg19[%swap3A_331, %swap3A_332], %swap3A_335 {strides = array<i32>} : memref<96x128xf32, #tpu.memory_space<vmem>>, vector<1x16xf32>,
    %swap3A_336 = arith.constant 7 : i32
    %swap3A_337 = arith.index_cast %swap3A_336 : i32 to index
    %swap3A_338 = arith.constant 0 : index
    %swap3A_339 = tpu.vector_load %arg19[%swap3A_337, %swap3A_338] {strides = array<i32>} : memref<96x128xf32, #tpu.memory_space<vmem>>, vector<1x16xf32>,
    %swap3A_340 = vector.shape_cast %swap3A_339 : vector<1x16xf32> to vector<16xf32>
    %swap3A_341 = vector.shape_cast %broadcast_in_dim3A_0 : vector<16xf32> to vector<1x16xf32>
    tpu.vector_store %arg19[%swap3A_337, %swap3A_338], %swap3A_341 {strides = array<i32>} : memref<96x128xf32, #tpu.memory_space<vmem>>, vector<1x16xf32>,
    %swap3A_342 = arith.constant 7 : i32
    %swap3A_343 = arith.index_cast %swap3A_342 : i32 to index
    %swap3A_344 = arith.constant 16 : index
    %swap3A_345 = tpu.vector_load %arg19[%swap3A_343, %swap3A_344] {strides = array<i32>} : memref<96x128xf32, #tpu.memory_space<vmem>>, vector<1x16xf32>,
    %swap3A_346 = vector.shape_cast %swap3A_345 : vector<1x16xf32> to vector<16xf32>
    %swap3A_347 = vector.shape_cast %broadcast_in_dim3A_0 : vector<16xf32> to vector<1x16xf32>
    tpu.vector_store %arg19[%swap3A_343, %swap3A_344], %swap3A_347 {strides = array<i32>} : memref<96x128xf32, #tpu.memory_space<vmem>>, vector<1x16xf32>,
    %swap3A_348 = arith.constant 7 : i32
    %swap3A_349 = arith.index_cast %swap3A_348 : i32 to index
    %swap3A_350 = arith.constant 32 : index
    %swap3A_351 = tpu.vector_load %arg19[%swap3A_349, %swap3A_350] {strides = array<i32>} : memref<96x128xf32, #tpu.memory_space<vmem>>, vector<1x16xf32>,
    %swap3A_352 = vector.shape_cast %swap3A_351 : vector<1x16xf32> to vector<16xf32>
    %swap3A_353 = vector.shape_cast %broadcast_in_dim3A_0 : vector<16xf32> to vector<1x16xf32>
    tpu.vector_store %arg19[%swap3A_349, %swap3A_350], %swap3A_353 {strides = array<i32>} : memref<96x128xf32, #tpu.memory_space<vmem>>, vector<1x16xf32>,
    %swap3A_354 = arith.constant 7 : i32
    %swap3A_355 = arith.index_cast %swap3A_354 : i32 to index
    %swap3A_356 = arith.constant 48 : index
    %swap3A_357 = tpu.vector_load %arg19[%swap3A_355, %swap3A_356] {strides = array<i32>} : memref<96x128xf32, #tpu.memory_space<vmem>>, vector<1x16xf32>,
    %swap3A_358 = vector.shape_cast %swap3A_357 : vector<1x16xf32> to vector<16xf32>
    %swap3A_359 = vector.shape_cast %broadcast_in_dim3A_0 : vector<16xf32> to vector<1x16xf32>
    tpu.vector_store %arg19[%swap3A_355, %swap3A_356], %swap3A_359 {strides = array<i32>} : memref<96x128xf32, #tpu.memory_space<vmem>>, vector<1x16xf32>,
    %swap3A_360 = arith.constant 7 : i32
    %swap3A_361 = arith.index_cast %swap3A_360 : i32 to index
    %swap3A_362 = arith.constant 64 : index
    %swap3A_363 = tpu.vector_load %arg19[%swap3A_361, %swap3A_362] {strides = array<i32>} : memref<96x128xf32, #tpu.memory_space<vmem>>, vector<1x16xf32>,
    %swap3A_364 = vector.shape_cast %swap3A_363 : vector<1x16xf32> to vector<16xf32>
    %swap3A_365 = vector.shape_cast %broadcast_in_dim3A_0 : vector<16xf32> to vector<1x16xf32>
    tpu.vector_store %arg19[%swap3A_361, %swap3A_362], %swap3A_365 {strides = array<i32>} : memref<96x128xf32, #tpu.memory_space<vmem>>, vector<1x16xf32>,
    %swap3A_366 = arith.constant 7 : i32
    %swap3A_367 = arith.index_cast %swap3A_366 : i32 to index
    %swap3A_368 = arith.constant 80 : index
    %swap3A_369 = tpu.vector_load %arg19[%swap3A_367, %swap3A_368] {strides = array<i32>} : memref<96x128xf32, #tpu.memory_space<vmem>>, vector<1x16xf32>,
    %swap3A_370 = vector.shape_cast %swap3A_369 : vector<1x16xf32> to vector<16xf32>
    %swap3A_371 = vector.shape_cast %broadcast_in_dim3A_0 : vector<16xf32> to vector<1x16xf32>
    tpu.vector_store %arg19[%swap3A_367, %swap3A_368], %swap3A_371 {strides = array<i32>} : memref<96x128xf32, #tpu.memory_space<vmem>>, vector<1x16xf32>,
    %swap3A_372 = arith.constant 7 : i32
    %swap3A_373 = arith.index_cast %swap3A_372 : i32 to index
    %swap3A_374 = arith.constant 96 : index
    %swap3A_375 = tpu.vector_load %arg19[%swap3A_373, %swap3A_374] {strides = array<i32>} : memref<96x128xf32, #tpu.memory_space<vmem>>, vector<1x16xf32>,
    %swap3A_376 = vector.shape_cast %swap3A_375 : vector<1x16xf32> to vector<16xf32>
    %swap3A_377 = vector.shape_cast %broadcast_in_dim3A_0 : vector<16xf32> to vector<1x16xf32>
    tpu.vector_store %arg19[%swap3A_373, %swap3A_374], %swap3A_377 {strides = array<i32>} : memref<96x128xf32, #tpu.memory_space<vmem>>, vector<1x16xf32>,
    %swap3A_378 = arith.constant 7 : i32
    %swap3A_379 = arith.index_cast %swap3A_378 : i32 to index
    %swap3A_380 = arith.constant 112 : index
    %swap3A_381 = tpu.vector_load %arg19[%swap3A_379, %swap3A_380] {strides = array<i32>} : memref<96x128xf32, #tpu.memory_space<vmem>>, vector<1x16xf32>,
    %swap3A_382 = vector.shape_cast %swap3A_381 : vector<1x16xf32> to vector<16xf32>
    %swap3A_383 = vector.shape_cast %broadcast_in_dim3A_0 : vector<16xf32> to vector<1x16xf32>
    tpu.vector_store %arg19[%swap3A_379, %swap3A_380], %swap3A_383 {strides = array<i32>} : memref<96x128xf32, #tpu.memory_space<vmem>>, vector<1x16xf32>,
    %swap3A_384 = arith.constant 8 : i32
    %swap3A_385 = arith.index_cast %swap3A_384 : i32 to index
    %swap3A_386 = arith.constant 0 : index
    %swap3A_387 = tpu.vector_load %arg19[%swap3A_385, %swap3A_386] {strides = array<i32>} : memref<96x128xf32, #tpu.memory_space<vmem>>, vector<1x16xf32>,
    %swap3A_388 = vector.shape_cast %swap3A_387 : vector<1x16xf32> to vector<16xf32>
    %swap3A_389 = vector.shape_cast %broadcast_in_dim3A_0 : vector<16xf32> to vector<1x16xf32>
    tpu.vector_store %arg19[%swap3A_385, %swap3A_386], %swap3A_389 {strides = array<i32>} : memref<96x128xf32, #tpu.memory_space<vmem>>, vector<1x16xf32>,
    %swap3A_390 = arith.constant 8 : i32
    %swap3A_391 = arith.index_cast %swap3A_390 : i32 to index
    %swap3A_392 = arith.constant 16 : index
    %swap3A_393 = tpu.vector_load %arg19[%swap3A_391, %swap3A_392] {strides = array<i32>} : memref<96x128xf32, #tpu.memory_space<vmem>>, vector<1x16xf32>,
    %swap3A_394 = vector.shape_cast %swap3A_393 : vector<1x16xf32> to vector<16xf32>
    %swap3A_395 = vector.shape_cast %broadcast_in_dim3A_0 : vector<16xf32> to vector<1x16xf32>
    tpu.vector_store %arg19[%swap3A_391, %swap3A_392], %swap3A_395 {strides = array<i32>} : memref<96x128xf32, #tpu.memory_space<vmem>>, vector<1x16xf32>,
    %swap3A_396 = arith.constant 8 : i32
    %swap3A_397 = arith.index_cast %swap3A_396 : i32 to index
    %swap3A_398 = arith.constant 32 : index
    %swap3A_399 = tpu.vector_load %arg19[%swap3A_397, %swap3A_398] {strides = array<i32>} : memref<96x128xf32, #tpu.memory_space<vmem>>, vector<1x16xf32>,
    %swap3A_400 = vector.shape_cast %swap3A_399 : vector<1x16xf32> to vector<16xf32>
    %swap3A_401 = vector.shape_cast %broadcast_in_dim3A_0 : vector<16xf32> to vector<1x16xf32>
    tpu.vector_store %arg19[%swap3A_397, %swap3A_398], %swap3A_401 {strides = array<i32>} : memref<96x128xf32, #tpu.memory_space<vmem>>, vector<1x16xf32>,
    %swap3A_402 = arith.constant 8 : i32
    %swap3A_403 = arith.index_cast %swap3A_402 : i32 to index
    %swap3A_404 = arith.constant 48 : index
    %swap3A_405 = tpu.vector_load %arg19[%swap3A_403, %swap3A_404] {strides = array<i32>} : memref<96x128xf32, #tpu.memory_space<vmem>>, vector<1x16xf32>,
    %swap3A_406 = vector.shape_cast %swap3A_405 : vector<1x16xf32> to vector<16xf32>
    %swap3A_407 = vector.shape_cast %broadcast_in_dim3A_0 : vector<16xf32> to vector<1x16xf32>
    tpu.vector_store %arg19[%swap3A_403, %swap3A_404], %swap3A_407 {strides = array<i32>} : memref<96x128xf32, #tpu.memory_space<vmem>>, vector<1x16xf32>,
    %swap3A_408 = arith.constant 8 : i32
    %swap3A_409 = arith.index_cast %swap3A_408 : i32 to index
    %swap3A_410 = arith.constant 64 : index
    %swap3A_411 = tpu.vector_load %arg19[%swap3A_409, %swap3A_410] {strides = array<i32>} : memref<96x128xf32, #tpu.memory_space<vmem>>, vector<1x16xf32>,
    %swap3A_412 = vector.shape_cast %swap3A_411 : vector<1x16xf32> to vector<16xf32>
    %swap3A_413 = vector.shape_cast %broadcast_in_dim3A_0 : vector<16xf32> to vector<1x16xf32>
    tpu.vector_store %arg19[%swap3A_409, %swap3A_410], %swap3A_413 {strides = array<i32>} : memref<96x128xf32, #tpu.memory_space<vmem>>, vector<1x16xf32>,
    %swap3A_414 = arith.constant 8 : i32
    %swap3A_415 = arith.index_cast %swap3A_414 : i32 to index
    %swap3A_416 = arith.constant 80 : index
    %swap3A_417 = tpu.vector_load %arg19[%swap3A_415, %swap3A_416] {strides = array<i32>} : memref<96x128xf32, #tpu.memory_space<vmem>>, vector<1x16xf32>,
    %swap3A_418 = vector.shape_cast %swap3A_417 : vector<1x16xf32> to vector<16xf32>
    %swap3A_419 = vector.shape_cast %broadcast_in_dim3A_0 : vector<16xf32> to vector<1x16xf32>
    tpu.vector_store %arg19[%swap3A_415, %swap3A_416], %swap3A_419 {strides = array<i32>} : memref<96x128xf32, #tpu.memory_space<vmem>>, vector<1x16xf32>,
    %swap3A_420 = arith.constant 8 : i32
    %swap3A_421 = arith.index_cast %swap3A_420 : i32 to index
    %swap3A_422 = arith.constant 96 : index
    %swap3A_423 = tpu.vector_load %arg19[%swap3A_421, %swap3A_422] {strides = array<i32>} : memref<96x128xf32, #tpu.memory_space<vmem>>, vector<1x16xf32>,
    %swap3A_424 = vector.shape_cast %swap3A_423 : vector<1x16xf32> to vector<16xf32>
    %swap3A_425 = vector.shape_cast %broadcast_in_dim3A_0 : vector<16xf32> to vector<1x16xf32>
    tpu.vector_store %arg19[%swap3A_421, %swap3A_422], %swap3A_425 {strides = array<i32>} : memref<96x128xf32, #tpu.memory_space<vmem>>, vector<1x16xf32>,
    %swap3A_426 = arith.constant 8 : i32
    %swap3A_427 = arith.index_cast %swap3A_426 : i32 to index
    %swap3A_428 = arith.constant 112 : index
    %swap3A_429 = tpu.vector_load %arg19[%swap3A_427, %swap3A_428] {strides = array<i32>} : memref<96x128xf32, #tpu.memory_space<vmem>>, vector<1x16xf32>,
    %swap3A_430 = vector.shape_cast %swap3A_429 : vector<1x16xf32> to vector<16xf32>
    %swap3A_431 = vector.shape_cast %broadcast_in_dim3A_0 : vector<16xf32> to vector<1x16xf32>
    tpu.vector_store %arg19[%swap3A_427, %swap3A_428], %swap3A_431 {strides = array<i32>} : memref<96x128xf32, #tpu.memory_space<vmem>>, vector<1x16xf32>,
    %swap3A_432 = arith.constant 9 : i32
    %swap3A_433 = arith.index_cast %swap3A_432 : i32 to index
    %swap3A_434 = arith.constant 0 : index
    %swap3A_435 = tpu.vector_load %arg19[%swap3A_433, %swap3A_434] {strides = array<i32>} : memref<96x128xf32, #tpu.memory_space<vmem>>, vector<1x16xf32>,
    %swap3A_436 = vector.shape_cast %swap3A_435 : vector<1x16xf32> to vector<16xf32>
    %swap3A_437 = vector.shape_cast %broadcast_in_dim3A_0 : vector<16xf32> to vector<1x16xf32>
    tpu.vector_store %arg19[%swap3A_433, %swap3A_434], %swap3A_437 {strides = array<i32>} : memref<96x128xf32, #tpu.memory_space<vmem>>, vector<1x16xf32>,
    %swap3A_438 = arith.constant 9 : i32
    %swap3A_439 = arith.index_cast %swap3A_438 : i32 to index
    %swap3A_440 = arith.constant 16 : index
    %swap3A_441 = tpu.vector_load %arg19[%swap3A_439, %swap3A_440] {strides = array<i32>} : memref<96x128xf32, #tpu.memory_space<vmem>>, vector<1x16xf32>,
    %swap3A_442 = vector.shape_cast %swap3A_441 : vector<1x16xf32> to vector<16xf32>
    %swap3A_443 = vector.shape_cast %broadcast_in_dim3A_0 : vector<16xf32> to vector<1x16xf32>
    tpu.vector_store %arg19[%swap3A_439, %swap3A_440], %swap3A_443 {strides = array<i32>} : memref<96x128xf32, #tpu.memory_space<vmem>>, vector<1x16xf32>,
    %swap3A_444 = arith.constant 9 : i32
    %swap3A_445 = arith.index_cast %swap3A_444 : i32 to index
    %swap3A_446 = arith.constant 32 : index
    %swap3A_447 = tpu.vector_load %arg19[%swap3A_445, %swap3A_446] {strides = array<i32>} : memref<96x128xf32, #tpu.memory_space<vmem>>, vector<1x16xf32>,
    %swap3A_448 = vector.shape_cast %swap3A_447 : vector<1x16xf32> to vector<16xf32>
    %swap3A_449 = vector.shape_cast %broadcast_in_dim3A_0 : vector<16xf32> to vector<1x16xf32>
    tpu.vector_store %arg19[%swap3A_445, %swap3A_446], %swap3A_449 {strides = array<i32>} : memref<96x128xf32, #tpu.memory_space<vmem>>, vector<1x16xf32>,
    %swap3A_450 = arith.constant 9 : i32
    %swap3A_451 = arith.index_cast %swap3A_450 : i32 to index
    %swap3A_452 = arith.constant 48 : index
    %swap3A_453 = tpu.vector_load %arg19[%swap3A_451, %swap3A_452] {strides = array<i32>} : memref<96x128xf32, #tpu.memory_space<vmem>>, vector<1x16xf32>,
    %swap3A_454 = vector.shape_cast %swap3A_453 : vector<1x16xf32> to vector<16xf32>
    %swap3A_455 = vector.shape_cast %broadcast_in_dim3A_0 : vector<16xf32> to vector<1x16xf32>
    tpu.vector_store %arg19[%swap3A_451, %swap3A_452], %swap3A_455 {strides = array<i32>} : memref<96x128xf32, #tpu.memory_space<vmem>>, vector<1x16xf32>,
    %swap3A_456 = arith.constant 9 : i32
    %swap3A_457 = arith.index_cast %swap3A_456 : i32 to index
    %swap3A_458 = arith.constant 64 : index
    %swap3A_459 = tpu.vector_load %arg19[%swap3A_457, %swap3A_458] {strides = array<i32>} : memref<96x128xf32, #tpu.memory_space<vmem>>, vector<1x16xf32>,
    %swap3A_460 = vector.shape_cast %swap3A_459 : vector<1x16xf32> to vector<16xf32>
    %swap3A_461 = vector.shape_cast %broadcast_in_dim3A_0 : vector<16xf32> to vector<1x16xf32>
    tpu.vector_store %arg19[%swap3A_457, %swap3A_458], %swap3A_461 {strides = array<i32>} : memref<96x128xf32, #tpu.memory_space<vmem>>, vector<1x16xf32>,
    %swap3A_462 = arith.constant 9 : i32
    %swap3A_463 = arith.index_cast %swap3A_462 : i32 to index
    %swap3A_464 = arith.constant 80 : index
    %swap3A_465 = tpu.vector_load %arg19[%swap3A_463, %swap3A_464] {strides = array<i32>} : memref<96x128xf32, #tpu.memory_space<vmem>>, vector<1x16xf32>,
    %swap3A_466 = vector.shape_cast %swap3A_465 : vector<1x16xf32> to vector<16xf32>
    %swap3A_467 = vector.shape_cast %broadcast_in_dim3A_0 : vector<16xf32> to vector<1x16xf32>
    tpu.vector_store %arg19[%swap3A_463, %swap3A_464], %swap3A_467 {strides = array<i32>} : memref<96x128xf32, #tpu.memory_space<vmem>>, vector<1x16xf32>,
    %swap3A_468 = arith.constant 9 : i32
    %swap3A_469 = arith.index_cast %swap3A_468 : i32 to index
    %swap3A_470 = arith.constant 96 : index
    %swap3A_471 = tpu.vector_load %arg19[%swap3A_469, %swap3A_470] {strides = array<i32>} : memref<96x128xf32, #tpu.memory_space<vmem>>, vector<1x16xf32>,
    %swap3A_472 = vector.shape_cast %swap3A_471 : vector<1x16xf32> to vector<16xf32>
    %swap3A_473 = vector.shape_cast %broadcast_in_dim3A_0 : vector<16xf32> to vector<1x16xf32>
    tpu.vector_store %arg19[%swap3A_469, %swap3A_470], %swap3A_473 {strides = array<i32>} : memref<96x128xf32, #tpu.memory_space<vmem>>, vector<1x16xf32>,
    %swap3A_474 = arith.constant 9 : i32
    %swap3A_475 = arith.index_cast %swap3A_474 : i32 to index
    %swap3A_476 = arith.constant 112 : index
    %swap3A_477 = tpu.vector_load %arg19[%swap3A_475, %swap3A_476] {strides = array<i32>} : memref<96x128xf32, #tpu.memory_space<vmem>>, vector<1x16xf32>,
    %swap3A_478 = vector.shape_cast %swap3A_477 : vector<1x16xf32> to vector<16xf32>
    %swap3A_479 = vector.shape_cast %broadcast_in_dim3A_0 : vector<16xf32> to vector<1x16xf32>
    tpu.vector_store %arg19[%swap3A_475, %swap3A_476], %swap3A_479 {strides = array<i32>} : memref<96x128xf32, #tpu.memory_space<vmem>>, vector<1x16xf32>,
    %swap3A_480 = arith.constant 10 : i32
    %swap3A_481 = arith.index_cast %swap3A_480 : i32 to index
    %swap3A_482 = arith.constant 0 : index
    %swap3A_483 = tpu.vector_load %arg19[%swap3A_481, %swap3A_482] {strides = array<i32>} : memref<96x128xf32, #tpu.memory_space<vmem>>, vector<1x16xf32>,
    %swap3A_484 = vector.shape_cast %swap3A_483 : vector<1x16xf32> to vector<16xf32>
    %swap3A_485 = vector.shape_cast %broadcast_in_dim3A_0 : vector<16xf32> to vector<1x16xf32>
    tpu.vector_store %arg19[%swap3A_481, %swap3A_482], %swap3A_485 {strides = array<i32>} : memref<96x128xf32, #tpu.memory_space<vmem>>, vector<1x16xf32>,
    %swap3A_486 = arith.constant 10 : i32
    %swap3A_487 = arith.index_cast %swap3A_486 : i32 to index
    %swap3A_488 = arith.constant 16 : index
    %swap3A_489 = tpu.vector_load %arg19[%swap3A_487, %swap3A_488] {strides = array<i32>} : memref<96x128xf32, #tpu.memory_space<vmem>>, vector<1x16xf32>,
    %swap3A_490 = vector.shape_cast %swap3A_489 : vector<1x16xf32> to vector<16xf32>
    %swap3A_491 = vector.shape_cast %broadcast_in_dim3A_0 : vector<16xf32> to vector<1x16xf32>
    tpu.vector_store %arg19[%swap3A_487, %swap3A_488], %swap3A_491 {strides = array<i32>} : memref<96x128xf32, #tpu.memory_space<vmem>>, vector<1x16xf32>,
    %swap3A_492 = arith.constant 10 : i32
    %swap3A_493 = arith.index_cast %swap3A_492 : i32 to index
    %swap3A_494 = arith.constant 32 : index
    %swap3A_495 = tpu.vector_load %arg19[%swap3A_493, %swap3A_494] {strides = array<i32>} : memref<96x128xf32, #tpu.memory_space<vmem>>, vector<1x16xf32>,
    %swap3A_496 = vector.shape_cast %swap3A_495 : vector<1x16xf32> to vector<16xf32>
    %swap3A_497 = vector.shape_cast %broadcast_in_dim3A_0 : vector<16xf32> to vector<1x16xf32>
    tpu.vector_store %arg19[%swap3A_493, %swap3A_494], %swap3A_497 {strides = array<i32>} : memref<96x128xf32, #tpu.memory_space<vmem>>, vector<1x16xf32>,
    %swap3A_498 = arith.constant 10 : i32
    %swap3A_499 = arith.index_cast %swap3A_498 : i32 to index
    %swap3A_500 = arith.constant 48 : index
    %swap3A_501 = tpu.vector_load %arg19[%swap3A_499, %swap3A_500] {strides = array<i32>} : memref<96x128xf32, #tpu.memory_space<vmem>>, vector<1x16xf32>,
    %swap3A_502 = vector.shape_cast %swap3A_501 : vector<1x16xf32> to vector<16xf32>
    %swap3A_503 = vector.shape_cast %broadcast_in_dim3A_0 : vector<16xf32> to vector<1x16xf32>
    tpu.vector_store %arg19[%swap3A_499, %swap3A_500], %swap3A_503 {strides = array<i32>} : memref<96x128xf32, #tpu.memory_space<vmem>>, vector<1x16xf32>,
    %swap3A_504 = arith.constant 10 : i32
    %swap3A_505 = arith.index_cast %swap3A_504 : i32 to index
    %swap3A_506 = arith.constant 64 : index
    %swap3A_507 = tpu.vector_load %arg19[%swap3A_505, %swap3A_506] {strides = array<i32>} : memref<96x128xf32, #tpu.memory_space<vmem>>, vector<1x16xf32>,
    %swap3A_508 = vector.shape_cast %swap3A_507 : vector<1x16xf32> to vector<16xf32>
    %swap3A_509 = vector.shape_cast %broadcast_in_dim3A_0 : vector<16xf32> to vector<1x16xf32>
    tpu.vector_store %arg19[%swap3A_505, %swap3A_506], %swap3A_509 {strides = array<i32>} : memref<96x128xf32, #tpu.memory_space<vmem>>, vector<1x16xf32>,
    %swap3A_510 = arith.constant 10 : i32
    %swap3A_511 = arith.index_cast %swap3A_510 : i32 to index
    %swap3A_512 = arith.constant 80 : index
    %swap3A_513 = tpu.vector_load %arg19[%swap3A_511, %swap3A_512] {strides = array<i32>} : memref<96x128xf32, #tpu.memory_space<vmem>>, vector<1x16xf32>,
    %swap3A_514 = vector.shape_cast %swap3A_513 : vector<1x16xf32> to vector<16xf32>
    %swap3A_515 = vector.shape_cast %broadcast_in_dim3A_0 : vector<16xf32> to vector<1x16xf32>
    tpu.vector_store %arg19[%swap3A_511, %swap3A_512], %swap3A_515 {strides = array<i32>} : memref<96x128xf32, #tpu.memory_space<vmem>>, vector<1x16xf32>,
    %swap3A_516 = arith.constant 10 : i32
    %swap3A_517 = arith.index_cast %swap3A_516 : i32 to index
    %swap3A_518 = arith.constant 96 : index
    %swap3A_519 = tpu.vector_load %arg19[%swap3A_517, %swap3A_518] {strides = array<i32>} : memref<96x128xf32, #tpu.memory_space<vmem>>, vector<1x16xf32>,
    %swap3A_520 = vector.shape_cast %swap3A_519 : vector<1x16xf32> to vector<16xf32>
    %swap3A_521 = vector.shape_cast %broadcast_in_dim3A_0 : vector<16xf32> to vector<1x16xf32>
    tpu.vector_store %arg19[%swap3A_517, %swap3A_518], %swap3A_521 {strides = array<i32>} : memref<96x128xf32, #tpu.memory_space<vmem>>, vector<1x16xf32>,
    %swap3A_522 = arith.constant 10 : i32
    %swap3A_523 = arith.index_cast %swap3A_522 : i32 to index
    %swap3A_524 = arith.constant 112 : index
    %swap3A_525 = tpu.vector_load %arg19[%swap3A_523, %swap3A_524] {strides = array<i32>} : memref<96x128xf32, #tpu.memory_space<vmem>>, vector<1x16xf32>,
    %swap3A_526 = vector.shape_cast %swap3A_525 : vector<1x16xf32> to vector<16xf32>
    %swap3A_527 = vector.shape_cast %broadcast_in_dim3A_0 : vector<16xf32> to vector<1x16xf32>
    tpu.vector_store %arg19[%swap3A_523, %swap3A_524], %swap3A_527 {strides = array<i32>} : memref<96x128xf32, #tpu.memory_space<vmem>>, vector<1x16xf32>,
    %swap3A_528 = arith.constant 11 : i32
    %swap3A_529 = arith.index_cast %swap3A_528 : i32 to index
    %swap3A_530 = arith.constant 0 : index
    %swap3A_531 = tpu.vector_load %arg19[%swap3A_529, %swap3A_530] {strides = array<i32>} : memref<96x128xf32, #tpu.memory_space<vmem>>, vector<1x16xf32>,
    %swap3A_532 = vector.shape_cast %swap3A_531 : vector<1x16xf32> to vector<16xf32>
    %swap3A_533 = vector.shape_cast %broadcast_in_dim3A_0 : vector<16xf32> to vector<1x16xf32>
    tpu.vector_store %arg19[%swap3A_529, %swap3A_530], %swap3A_533 {strides = array<i32>} : memref<96x128xf32, #tpu.memory_space<vmem>>, vector<1x16xf32>,
    %swap3A_534 = arith.constant 11 : i32
    %swap3A_535 = arith.index_cast %swap3A_534 : i32 to index
    %swap3A_536 = arith.constant 16 : index
    %swap3A_537 = tpu.vector_load %arg19[%swap3A_535, %swap3A_536] {strides = array<i32>} : memref<96x128xf32, #tpu.memory_space<vmem>>, vector<1x16xf32>,
    %swap3A_538 = vector.shape_cast %swap3A_537 : vector<1x16xf32> to vector<16xf32>
    %swap3A_539 = vector.shape_cast %broadcast_in_dim3A_0 : vector<16xf32> to vector<1x16xf32>
    tpu.vector_store %arg19[%swap3A_535, %swap3A_536], %swap3A_539 {strides = array<i32>} : memref<96x128xf32, #tpu.memory_space<vmem>>, vector<1x16xf32>,
    %swap3A_540 = arith.constant 11 : i32
    %swap3A_541 = arith.index_cast %swap3A_540 : i32 to index
    %swap3A_542 = arith.constant 32 : index
    %swap3A_543 = tpu.vector_load %arg19[%swap3A_541, %swap3A_542] {strides = array<i32>} : memref<96x128xf32, #tpu.memory_space<vmem>>, vector<1x16xf32>,
    %swap3A_544 = vector.shape_cast %swap3A_543 : vector<1x16xf32> to vector<16xf32>
    %swap3A_545 = vector.shape_cast %broadcast_in_dim3A_0 : vector<16xf32> to vector<1x16xf32>
    tpu.vector_store %arg19[%swap3A_541, %swap3A_542], %swap3A_545 {strides = array<i32>} : memref<96x128xf32, #tpu.memory_space<vmem>>, vector<1x16xf32>,
    %swap3A_546 = arith.constant 11 : i32
    %swap3A_547 = arith.index_cast %swap3A_546 : i32 to index
    %swap3A_548 = arith.constant 48 : index
    %swap3A_549 = tpu.vector_load %arg19[%swap3A_547, %swap3A_548] {strides = array<i32>} : memref<96x128xf32, #tpu.memory_space<vmem>>, vector<1x16xf32>,
    %swap3A_550 = vector.shape_cast %swap3A_549 : vector<1x16xf32> to vector<16xf32>
    %swap3A_551 = vector.shape_cast %broadcast_in_dim3A_0 : vector<16xf32> to vector<1x16xf32>
    tpu.vector_store %arg19[%swap3A_547, %swap3A_548], %swap3A_551 {strides = array<i32>} : memref<96x128xf32, #tpu.memory_space<vmem>>, vector<1x16xf32>,
    %swap3A_552 = arith.constant 11 : i32
    %swap3A_553 = arith.index_cast %swap3A_552 : i32 to index
    %swap3A_554 = arith.constant 64 : index
    %swap3A_555 = tpu.vector_load %arg19[%swap3A_553, %swap3A_554] {strides = array<i32>} : memref<96x128xf32, #tpu.memory_space<vmem>>, vector<1x16xf32>,
    %swap3A_556 = vector.shape_cast %swap3A_555 : vector<1x16xf32> to vector<16xf32>
    %swap3A_557 = vector.shape_cast %broadcast_in_dim3A_0 : vector<16xf32> to vector<1x16xf32>
    tpu.vector_store %arg19[%swap3A_553, %swap3A_554], %swap3A_557 {strides = array<i32>} : memref<96x128xf32, #tpu.memory_space<vmem>>, vector<1x16xf32>,
    %swap3A_558 = arith.constant 11 : i32
    %swap3A_559 = arith.index_cast %swap3A_558 : i32 to index
    %swap3A_560 = arith.constant 80 : index
    %swap3A_561 = tpu.vector_load %arg19[%swap3A_559, %swap3A_560] {strides = array<i32>} : memref<96x128xf32, #tpu.memory_space<vmem>>, vector<1x16xf32>,
    %swap3A_562 = vector.shape_cast %swap3A_561 : vector<1x16xf32> to vector<16xf32>
    %swap3A_563 = vector.shape_cast %broadcast_in_dim3A_0 : vector<16xf32> to vector<1x16xf32>
    tpu.vector_store %arg19[%swap3A_559, %swap3A_560], %swap3A_563 {strides = array<i32>} : memref<96x128xf32, #tpu.memory_space<vmem>>, vector<1x16xf32>,
    %swap3A_564 = arith.constant 11 : i32
    %swap3A_565 = arith.index_cast %swap3A_564 : i32 to index
    %swap3A_566 = arith.constant 96 : index
    %swap3A_567 = tpu.vector_load %arg19[%swap3A_565, %swap3A_566] {strides = array<i32>} : memref<96x128xf32, #tpu.memory_space<vmem>>, vector<1x16xf32>,
    %swap3A_568 = vector.shape_cast %swap3A_567 : vector<1x16xf32> to vector<16xf32>
    %swap3A_569 = vector.shape_cast %broadcast_in_dim3A_0 : vector<16xf32> to vector<1x16xf32>
    tpu.vector_store %arg19[%swap3A_565, %swap3A_566], %swap3A_569 {strides = array<i32>} : memref<96x128xf32, #tpu.memory_space<vmem>>, vector<1x16xf32>,
    %swap3A_570 = arith.constant 11 : i32
    %swap3A_571 = arith.index_cast %swap3A_570 : i32 to index
    %swap3A_572 = arith.constant 112 : index
    %swap3A_573 = tpu.vector_load %arg19[%swap3A_571, %swap3A_572] {strides = array<i32>} : memref<96x128xf32, #tpu.memory_space<vmem>>, vector<1x16xf32>,
    %swap3A_574 = vector.shape_cast %swap3A_573 : vector<1x16xf32> to vector<16xf32>
    %swap3A_575 = vector.shape_cast %broadcast_in_dim3A_0 : vector<16xf32> to vector<1x16xf32>
    tpu.vector_store %arg19[%swap3A_571, %swap3A_572], %swap3A_575 {strides = array<i32>} : memref<96x128xf32, #tpu.memory_space<vmem>>, vector<1x16xf32>,
    %swap3A_576 = arith.constant 12 : i32
    %swap3A_577 = arith.index_cast %swap3A_576 : i32 to index
    %swap3A_578 = arith.constant 0 : index
    %swap3A_579 = tpu.vector_load %arg19[%swap3A_577, %swap3A_578] {strides = array<i32>} : memref<96x128xf32, #tpu.memory_space<vmem>>, vector<1x16xf32>,
    %swap3A_580 = vector.shape_cast %swap3A_579 : vector<1x16xf32> to vector<16xf32>
    %swap3A_581 = vector.shape_cast %broadcast_in_dim3A_0 : vector<16xf32> to vector<1x16xf32>
    tpu.vector_store %arg19[%swap3A_577, %swap3A_578], %swap3A_581 {strides = array<i32>} : memref<96x128xf32, #tpu.memory_space<vmem>>, vector<1x16xf32>,
    %swap3A_582 = arith.constant 12 : i32
    %swap3A_583 = arith.index_cast %swap3A_582 : i32 to index
    %swap3A_584 = arith.constant 16 : index
    %swap3A_585 = tpu.vector_load %arg19[%swap3A_583, %swap3A_584] {strides = array<i32>} : memref<96x128xf32, #tpu.memory_space<vmem>>, vector<1x16xf32>,
    %swap3A_586 = vector.shape_cast %swap3A_585 : vector<1x16xf32> to vector<16xf32>
    %swap3A_587 = vector.shape_cast %broadcast_in_dim3A_0 : vector<16xf32> to vector<1x16xf32>
    tpu.vector_store %arg19[%swap3A_583, %swap3A_584], %swap3A_587 {strides = array<i32>} : memref<96x128xf32, #tpu.memory_space<vmem>>, vector<1x16xf32>,
    %swap3A_588 = arith.constant 12 : i32
    %swap3A_589 = arith.index_cast %swap3A_588 : i32 to index
    %swap3A_590 = arith.constant 32 : index
    %swap3A_591 = tpu.vector_load %arg19[%swap3A_589, %swap3A_590] {strides = array<i32>} : memref<96x128xf32, #tpu.memory_space<vmem>>, vector<1x16xf32>,
    %swap3A_592 = vector.shape_cast %swap3A_591 : vector<1x16xf32> to vector<16xf32>
    %swap3A_593 = vector.shape_cast %broadcast_in_dim3A_0 : vector<16xf32> to vector<1x16xf32>
    tpu.vector_store %arg19[%swap3A_589, %swap3A_590], %swap3A_593 {strides = array<i32>} : memref<96x128xf32, #tpu.memory_space<vmem>>, vector<1x16xf32>,
    %swap3A_594 = arith.constant 12 : i32
    %swap3A_595 = arith.index_cast %swap3A_594 : i32 to index
    %swap3A_596 = arith.constant 48 : index
    %swap3A_597 = tpu.vector_load %arg19[%swap3A_595, %swap3A_596] {strides = array<i32>} : memref<96x128xf32, #tpu.memory_space<vmem>>, vector<1x16xf32>,
    %swap3A_598 = vector.shape_cast %swap3A_597 : vector<1x16xf32> to vector<16xf32>
    %swap3A_599 = vector.shape_cast %broadcast_in_dim3A_0 : vector<16xf32> to vector<1x16xf32>
    tpu.vector_store %arg19[%swap3A_595, %swap3A_596], %swap3A_599 {strides = array<i32>} : memref<96x128xf32, #tpu.memory_space<vmem>>, vector<1x16xf32>,
    %swap3A_600 = arith.constant 12 : i32
    %swap3A_601 = arith.index_cast %swap3A_600 : i32 to index
    %swap3A_602 = arith.constant 64 : index
    %swap3A_603 = tpu.vector_load %arg19[%swap3A_601, %swap3A_602] {strides = array<i32>} : memref<96x128xf32, #tpu.memory_space<vmem>>, vector<1x16xf32>,
    %swap3A_604 = vector.shape_cast %swap3A_603 : vector<1x16xf32> to vector<16xf32>
    %swap3A_605 = vector.shape_cast %broadcast_in_dim3A_0 : vector<16xf32> to vector<1x16xf32>
    tpu.vector_store %arg19[%swap3A_601, %swap3A_602], %swap3A_605 {strides = array<i32>} : memref<96x128xf32, #tpu.memory_space<vmem>>, vector<1x16xf32>,
    %swap3A_606 = arith.constant 12 : i32
    %swap3A_607 = arith.index_cast %swap3A_606 : i32 to index
    %swap3A_608 = arith.constant 80 : index
    %swap3A_609 = tpu.vector_load %arg19[%swap3A_607, %swap3A_608] {strides = array<i32>} : memref<96x128xf32, #tpu.memory_space<vmem>>, vector<1x16xf32>,
    %swap3A_610 = vector.shape_cast %swap3A_609 : vector<1x16xf32> to vector<16xf32>
    %swap3A_611 = vector.shape_cast %broadcast_in_dim3A_0 : vector<16xf32> to vector<1x16xf32>
    tpu.vector_store %arg19[%swap3A_607, %swap3A_608], %swap3A_611 {strides = array<i32>} : memref<96x128xf32, #tpu.memory_space<vmem>>, vector<1x16xf32>,
    %swap3A_612 = arith.constant 12 : i32
    %swap3A_613 = arith.index_cast %swap3A_612 : i32 to index
    %swap3A_614 = arith.constant 96 : index
    %swap3A_615 = tpu.vector_load %arg19[%swap3A_613, %swap3A_614] {strides = array<i32>} : memref<96x128xf32, #tpu.memory_space<vmem>>, vector<1x16xf32>,
    %swap3A_616 = vector.shape_cast %swap3A_615 : vector<1x16xf32> to vector<16xf32>
    %swap3A_617 = vector.shape_cast %broadcast_in_dim3A_0 : vector<16xf32> to vector<1x16xf32>
    tpu.vector_store %arg19[%swap3A_613, %swap3A_614], %swap3A_617 {strides = array<i32>} : memref<96x128xf32, #tpu.memory_space<vmem>>, vector<1x16xf32>,
    %swap3A_618 = arith.constant 12 : i32
    %swap3A_619 = arith.index_cast %swap3A_618 : i32 to index
    %swap3A_620 = arith.constant 112 : index
    %swap3A_621 = tpu.vector_load %arg19[%swap3A_619, %swap3A_620] {strides = array<i32>} : memref<96x128xf32, #tpu.memory_space<vmem>>, vector<1x16xf32>,
    %swap3A_622 = vector.shape_cast %swap3A_621 : vector<1x16xf32> to vector<16xf32>
    %swap3A_623 = vector.shape_cast %broadcast_in_dim3A_0 : vector<16xf32> to vector<1x16xf32>
    tpu.vector_store %arg19[%swap3A_619, %swap3A_620], %swap3A_623 {strides = array<i32>} : memref<96x128xf32, #tpu.memory_space<vmem>>, vector<1x16xf32>,
    %swap3A_624 = arith.constant 13 : i32
    %swap3A_625 = arith.index_cast %swap3A_624 : i32 to index
    %swap3A_626 = arith.constant 0 : index
    %swap3A_627 = tpu.vector_load %arg19[%swap3A_625, %swap3A_626] {strides = array<i32>} : memref<96x128xf32, #tpu.memory_space<vmem>>, vector<1x16xf32>,
    %swap3A_628 = vector.shape_cast %swap3A_627 : vector<1x16xf32> to vector<16xf32>
    %swap3A_629 = vector.shape_cast %broadcast_in_dim3A_0 : vector<16xf32> to vector<1x16xf32>
    tpu.vector_store %arg19[%swap3A_625, %swap3A_626], %swap3A_629 {strides = array<i32>} : memref<96x128xf32, #tpu.memory_space<vmem>>, vector<1x16xf32>,
    %swap3A_630 = arith.constant 13 : i32
    %swap3A_631 = arith.index_cast %swap3A_630 : i32 to index
    %swap3A_632 = arith.constant 16 : index
    %swap3A_633 = tpu.vector_load %arg19[%swap3A_631, %swap3A_632] {strides = array<i32>} : memref<96x128xf32, #tpu.memory_space<vmem>>, vector<1x16xf32>,
    %swap3A_634 = vector.shape_cast %swap3A_633 : vector<1x16xf32> to vector<16xf32>
    %swap3A_635 = vector.shape_cast %broadcast_in_dim3A_0 : vector<16xf32> to vector<1x16xf32>
    tpu.vector_store %arg19[%swap3A_631, %swap3A_632], %swap3A_635 {strides = array<i32>} : memref<96x128xf32, #tpu.memory_space<vmem>>, vector<1x16xf32>,
    %swap3A_636 = arith.constant 13 : i32
    %swap3A_637 = arith.index_cast %swap3A_636 : i32 to index
    %swap3A_638 = arith.constant 32 : index
    %swap3A_639 = tpu.vector_load %arg19[%swap3A_637, %swap3A_638] {strides = array<i32>} : memref<96x128xf32, #tpu.memory_space<vmem>>, vector<1x16xf32>,
    %swap3A_640 = vector.shape_cast %swap3A_639 : vector<1x16xf32> to vector<16xf32>
    %swap3A_641 = vector.shape_cast %broadcast_in_dim3A_0 : vector<16xf32> to vector<1x16xf32>
    tpu.vector_store %arg19[%swap3A_637, %swap3A_638], %swap3A_641 {strides = array<i32>} : memref<96x128xf32, #tpu.memory_space<vmem>>, vector<1x16xf32>,
    %swap3A_642 = arith.constant 13 : i32
    %swap3A_643 = arith.index_cast %swap3A_642 : i32 to index
    %swap3A_644 = arith.constant 48 : index
    %swap3A_645 = tpu.vector_load %arg19[%swap3A_643, %swap3A_644] {strides = array<i32>} : memref<96x128xf32, #tpu.memory_space<vmem>>, vector<1x16xf32>,
    %swap3A_646 = vector.shape_cast %swap3A_645 : vector<1x16xf32> to vector<16xf32>
    %swap3A_647 = vector.shape_cast %broadcast_in_dim3A_0 : vector<16xf32> to vector<1x16xf32>
    tpu.vector_store %arg19[%swap3A_643, %swap3A_644], %swap3A_647 {strides = array<i32>} : memref<96x128xf32, #tpu.memory_space<vmem>>, vector<1x16xf32>,
    %swap3A_648 = arith.constant 13 : i32
    %swap3A_649 = arith.index_cast %swap3A_648 : i32 to index
    %swap3A_650 = arith.constant 64 : index
    %swap3A_651 = tpu.vector_load %arg19[%swap3A_649, %swap3A_650] {strides = array<i32>} : memref<96x128xf32, #tpu.memory_space<vmem>>, vector<1x16xf32>,
    %swap3A_652 = vector.shape_cast %swap3A_651 : vector<1x16xf32> to vector<16xf32>
    %swap3A_653 = vector.shape_cast %broadcast_in_dim3A_0 : vector<16xf32> to vector<1x16xf32>
    tpu.vector_store %arg19[%swap3A_649, %swap3A_650], %swap3A_653 {strides = array<i32>} : memref<96x128xf32, #tpu.memory_space<vmem>>, vector<1x16xf32>,
    %swap3A_654 = arith.constant 13 : i32
    %swap3A_655 = arith.index_cast %swap3A_654 : i32 to index
    %swap3A_656 = arith.constant 80 : index
    %swap3A_657 = tpu.vector_load %arg19[%swap3A_655, %swap3A_656] {strides = array<i32>} : memref<96x128xf32, #tpu.memory_space<vmem>>, vector<1x16xf32>,
    %swap3A_658 = vector.shape_cast %swap3A_657 : vector<1x16xf32> to vector<16xf32>
    %swap3A_659 = vector.shape_cast %broadcast_in_dim3A_0 : vector<16xf32> to vector<1x16xf32>
    tpu.vector_store %arg19[%swap3A_655, %swap3A_656], %swap3A_659 {strides = array<i32>} : memref<96x128xf32, #tpu.memory_space<vmem>>, vector<1x16xf32>,
    %swap3A_660 = arith.constant 13 : i32
    %swap3A_661 = arith.index_cast %swap3A_660 : i32 to index
    %swap3A_662 = arith.constant 96 : index
    %swap3A_663 = tpu.vector_load %arg19[%swap3A_661, %swap3A_662] {strides = array<i32>} : memref<96x128xf32, #tpu.memory_space<vmem>>, vector<1x16xf32>,
    %swap3A_664 = vector.shape_cast %swap3A_663 : vector<1x16xf32> to vector<16xf32>
    %swap3A_665 = vector.shape_cast %broadcast_in_dim3A_0 : vector<16xf32> to vector<1x16xf32>
    tpu.vector_store %arg19[%swap3A_661, %swap3A_662], %swap3A_665 {strides = array<i32>} : memref<96x128xf32, #tpu.memory_space<vmem>>, vector<1x16xf32>,
    %swap3A_666 = arith.constant 13 : i32
    %swap3A_667 = arith.index_cast %swap3A_666 : i32 to index
    %swap3A_668 = arith.constant 112 : index
    %swap3A_669 = tpu.vector_load %arg19[%swap3A_667, %swap3A_668] {strides = array<i32>} : memref<96x128xf32, #tpu.memory_space<vmem>>, vector<1x16xf32>,
    %swap3A_670 = vector.shape_cast %swap3A_669 : vector<1x16xf32> to vector<16xf32>
    %swap3A_671 = vector.shape_cast %broadcast_in_dim3A_0 : vector<16xf32> to vector<1x16xf32>
    tpu.vector_store %arg19[%swap3A_667, %swap3A_668], %swap3A_671 {strides = array<i32>} : memref<96x128xf32, #tpu.memory_space<vmem>>, vector<1x16xf32>,
    %swap3A_672 = arith.constant 14 : i32
    %swap3A_673 = arith.index_cast %swap3A_672 : i32 to index
    %swap3A_674 = arith.constant 0 : index
    %swap3A_675 = tpu.vector_load %arg19[%swap3A_673, %swap3A_674] {strides = array<i32>} : memref<96x128xf32, #tpu.memory_space<vmem>>, vector<1x16xf32>,
    %swap3A_676 = vector.shape_cast %swap3A_675 : vector<1x16xf32> to vector<16xf32>
    %swap3A_677 = vector.shape_cast %broadcast_in_dim3A_0 : vector<16xf32> to vector<1x16xf32>
    tpu.vector_store %arg19[%swap3A_673, %swap3A_674], %swap3A_677 {strides = array<i32>} : memref<96x128xf32, #tpu.memory_space<vmem>>, vector<1x16xf32>,
    %swap3A_678 = arith.constant 14 : i32
    %swap3A_679 = arith.index_cast %swap3A_678 : i32 to index
    %swap3A_680 = arith.constant 16 : index
    %swap3A_681 = tpu.vector_load %arg19[%swap3A_679, %swap3A_680] {strides = array<i32>} : memref<96x128xf32, #tpu.memory_space<vmem>>, vector<1x16xf32>,
    %swap3A_682 = vector.shape_cast %swap3A_681 : vector<1x16xf32> to vector<16xf32>
    %swap3A_683 = vector.shape_cast %broadcast_in_dim3A_0 : vector<16xf32> to vector<1x16xf32>
    tpu.vector_store %arg19[%swap3A_679, %swap3A_680], %swap3A_683 {strides = array<i32>} : memref<96x128xf32, #tpu.memory_space<vmem>>, vector<1x16xf32>,
    %swap3A_684 = arith.constant 14 : i32
    %swap3A_685 = arith.index_cast %swap3A_684 : i32 to index
    %swap3A_686 = arith.constant 32 : index
    %swap3A_687 = tpu.vector_load %arg19[%swap3A_685, %swap3A_686] {strides = array<i32>} : memref<96x128xf32, #tpu.memory_space<vmem>>, vector<1x16xf32>,
    %swap3A_688 = vector.shape_cast %swap3A_687 : vector<1x16xf32> to vector<16xf32>
    %swap3A_689 = vector.shape_cast %broadcast_in_dim3A_0 : vector<16xf32> to vector<1x16xf32>
    tpu.vector_store %arg19[%swap3A_685, %swap3A_686], %swap3A_689 {strides = array<i32>} : memref<96x128xf32, #tpu.memory_space<vmem>>, vector<1x16xf32>,
    %swap3A_690 = arith.constant 14 : i32
    %swap3A_691 = arith.index_cast %swap3A_690 : i32 to index
    %swap3A_692 = arith.constant 48 : index
    %swap3A_693 = tpu.vector_load %arg19[%swap3A_691, %swap3A_692] {strides = array<i32>} : memref<96x128xf32, #tpu.memory_space<vmem>>, vector<1x16xf32>,
    %swap3A_694 = vector.shape_cast %swap3A_693 : vector<1x16xf32> to vector<16xf32>
    %swap3A_695 = vector.shape_cast %broadcast_in_dim3A_0 : vector<16xf32> to vector<1x16xf32>
    tpu.vector_store %arg19[%swap3A_691, %swap3A_692], %swap3A_695 {strides = array<i32>} : memref<96x128xf32, #tpu.memory_space<vmem>>, vector<1x16xf32>,
    %swap3A_696 = arith.constant 14 : i32
    %swap3A_697 = arith.index_cast %swap3A_696 : i32 to index
    %swap3A_698 = arith.constant 64 : index
    %swap3A_699 = tpu.vector_load %arg19[%swap3A_697, %swap3A_698] {strides = array<i32>} : memref<96x128xf32, #tpu.memory_space<vmem>>, vector<1x16xf32>,
    %swap3A_700 = vector.shape_cast %swap3A_699 : vector<1x16xf32> to vector<16xf32>
    %swap3A_701 = vector.shape_cast %broadcast_in_dim3A_0 : vector<16xf32> to vector<1x16xf32>
    tpu.vector_store %arg19[%swap3A_697, %swap3A_698], %swap3A_701 {strides = array<i32>} : memref<96x128xf32, #tpu.memory_space<vmem>>, vector<1x16xf32>,
    %swap3A_702 = arith.constant 14 : i32
    %swap3A_703 = arith.index_cast %swap3A_702 : i32 to index
    %swap3A_704 = arith.constant 80 : index
    %swap3A_705 = tpu.vector_load %arg19[%swap3A_703, %swap3A_704] {strides = array<i32>} : memref<96x128xf32, #tpu.memory_space<vmem>>, vector<1x16xf32>,
    %swap3A_706 = vector.shape_cast %swap3A_705 : vector<1x16xf32> to vector<16xf32>
    %swap3A_707 = vector.shape_cast %broadcast_in_dim3A_0 : vector<16xf32> to vector<1x16xf32>
    tpu.vector_store %arg19[%swap3A_703, %swap3A_704], %swap3A_707 {strides = array<i32>} : memref<96x128xf32, #tpu.memory_space<vmem>>, vector<1x16xf32>,
    %swap3A_708 = arith.constant 14 : i32
    %swap3A_709 = arith.index_cast %swap3A_708 : i32 to index
    %swap3A_710 = arith.constant 96 : index
    %swap3A_711 = tpu.vector_load %arg19[%swap3A_709, %swap3A_710] {strides = array<i32>} : memref<96x128xf32, #tpu.memory_space<vmem>>, vector<1x16xf32>,
    %swap3A_712 = vector.shape_cast %swap3A_711 : vector<1x16xf32> to vector<16xf32>
    %swap3A_713 = vector.shape_cast %broadcast_in_dim3A_0 : vector<16xf32> to vector<1x16xf32>
    tpu.vector_store %arg19[%swap3A_709, %swap3A_710], %swap3A_713 {strides = array<i32>} : memref<96x128xf32, #tpu.memory_space<vmem>>, vector<1x16xf32>,
    %swap3A_714 = arith.constant 14 : i32
    %swap3A_715 = arith.index_cast %swap3A_714 : i32 to index
    %swap3A_716 = arith.constant 112 : index
    %swap3A_717 = tpu.vector_load %arg19[%swap3A_715, %swap3A_716] {strides = array<i32>} : memref<96x128xf32, #tpu.memory_space<vmem>>, vector<1x16xf32>,
    %swap3A_718 = vector.shape_cast %swap3A_717 : vector<1x16xf32> to vector<16xf32>
    %swap3A_719 = vector.shape_cast %broadcast_in_dim3A_0 : vector<16xf32> to vector<1x16xf32>
    tpu.vector_store %arg19[%swap3A_715, %swap3A_716], %swap3A_719 {strides = array<i32>} : memref<96x128xf32, #tpu.memory_space<vmem>>, vector<1x16xf32>,
    %swap3A_720 = arith.constant 15 : i32
    %swap3A_721 = arith.index_cast %swap3A_720 : i32 to index
    %swap3A_722 = arith.constant 0 : index
    %swap3A_723 = tpu.vector_load %arg19[%swap3A_721, %swap3A_722] {strides = array<i32>} : memref<96x128xf32, #tpu.memory_space<vmem>>, vector<1x16xf32>,
    %swap3A_724 = vector.shape_cast %swap3A_723 : vector<1x16xf32> to vector<16xf32>
    %swap3A_725 = vector.shape_cast %broadcast_in_dim3A_0 : vector<16xf32> to vector<1x16xf32>
    tpu.vector_store %arg19[%swap3A_721, %swap3A_722], %swap3A_725 {strides = array<i32>} : memref<96x128xf32, #tpu.memory_space<vmem>>, vector<1x16xf32>,
    %swap3A_726 = arith.constant 15 : i32
    %swap3A_727 = arith.index_cast %swap3A_726 : i32 to index
    %swap3A_728 = arith.constant 16 : index
    %swap3A_729 = tpu.vector_load %arg19[%swap3A_727, %swap3A_728] {strides = array<i32>} : memref<96x128xf32, #tpu.memory_space<vmem>>, vector<1x16xf32>,
    %swap3A_730 = vector.shape_cast %swap3A_729 : vector<1x16xf32> to vector<16xf32>
    %swap3A_731 = vector.shape_cast %broadcast_in_dim3A_0 : vector<16xf32> to vector<1x16xf32>
    tpu.vector_store %arg19[%swap3A_727, %swap3A_728], %swap3A_731 {strides = array<i32>} : memref<96x128xf32, #tpu.memory_space<vmem>>, vector<1x16xf32>,
    %swap3A_732 = arith.constant 15 : i32
    %swap3A_733 = arith.index_cast %swap3A_732 : i32 to index
    %swap3A_734 = arith.constant 32 : index
    %swap3A_735 = tpu.vector_load %arg19[%swap3A_733, %swap3A_734] {strides = array<i32>} : memref<96x128xf32, #tpu.memory_space<vmem>>, vector<1x16xf32>,
    %swap3A_736 = vector.shape_cast %swap3A_735 : vector<1x16xf32> to vector<16xf32>
    %swap3A_737 = vector.shape_cast %broadcast_in_dim3A_0 : vector<16xf32> to vector<1x16xf32>
    tpu.vector_store %arg19[%swap3A_733, %swap3A_734], %swap3A_737 {strides = array<i32>} : memref<96x128xf32, #tpu.memory_space<vmem>>, vector<1x16xf32>,
    %swap3A_738 = arith.constant 15 : i32
    %swap3A_739 = arith.index_cast %swap3A_738 : i32 to index
    %swap3A_740 = arith.constant 48 : index
    %swap3A_741 = tpu.vector_load %arg19[%swap3A_739, %swap3A_740] {strides = array<i32>} : memref<96x128xf32, #tpu.memory_space<vmem>>, vector<1x16xf32>,
    %swap3A_742 = vector.shape_cast %swap3A_741 : vector<1x16xf32> to vector<16xf32>
    %swap3A_743 = vector.shape_cast %broadcast_in_dim3A_0 : vector<16xf32> to vector<1x16xf32>
    tpu.vector_store %arg19[%swap3A_739, %swap3A_740], %swap3A_743 {strides = array<i32>} : memref<96x128xf32, #tpu.memory_space<vmem>>, vector<1x16xf32>,
    %swap3A_744 = arith.constant 15 : i32
    %swap3A_745 = arith.index_cast %swap3A_744 : i32 to index
    %swap3A_746 = arith.constant 64 : index
    %swap3A_747 = tpu.vector_load %arg19[%swap3A_745, %swap3A_746] {strides = array<i32>} : memref<96x128xf32, #tpu.memory_space<vmem>>, vector<1x16xf32>,
    %swap3A_748 = vector.shape_cast %swap3A_747 : vector<1x16xf32> to vector<16xf32>
    %swap3A_749 = vector.shape_cast %broadcast_in_dim3A_0 : vector<16xf32> to vector<1x16xf32>
    tpu.vector_store %arg19[%swap3A_745, %swap3A_746], %swap3A_749 {strides = array<i32>} : memref<96x128xf32, #tpu.memory_space<vmem>>, vector<1x16xf32>,
    %swap3A_750 = arith.constant 15 : i32
    %swap3A_751 = arith.index_cast %swap3A_750 : i32 to index
    %swap3A_752 = arith.constant 80 : index
    %swap3A_753 = tpu.vector_load %arg19[%swap3A_751, %swap3A_752] {strides = array<i32>} : memref<96x128xf32, #tpu.memory_space<vmem>>, vector<1x16xf32>,
    %swap3A_754 = vector.shape_cast %swap3A_753 : vector<1x16xf32> to vector<16xf32>
    %swap3A_755 = vector.shape_cast %broadcast_in_dim3A_0 : vector<16xf32> to vector<1x16xf32>
    tpu.vector_store %arg19[%swap3A_751, %swap3A_752], %swap3A_755 {strides = array<i32>} : memref<96x128xf32, #tpu.memory_space<vmem>>, vector<1x16xf32>,
    %swap3A_756 = arith.constant 15 : i32
    %swap3A_757 = arith.index_cast %swap3A_756 : i32 to index
    %swap3A_758 = arith.constant 96 : index
    %swap3A_759 = tpu.vector_load %arg19[%swap3A_757, %swap3A_758] {strides = array<i32>} : memref<96x128xf32, #tpu.memory_space<vmem>>, vector<1x16xf32>,
    %swap3A_760 = vector.shape_cast %swap3A_759 : vector<1x16xf32> to vector<16xf32>
    %swap3A_761 = vector.shape_cast %broadcast_in_dim3A_0 : vector<16xf32> to vector<1x16xf32>
    tpu.vector_store %arg19[%swap3A_757, %swap3A_758], %swap3A_761 {strides = array<i32>} : memref<96x128xf32, #tpu.memory_space<vmem>>, vector<1x16xf32>,
    %swap3A_762 = arith.constant 15 : i32
    %swap3A_763 = arith.index_cast %swap3A_762 : i32 to index
    %swap3A_764 = arith.constant 112 : index
    %swap3A_765 = tpu.vector_load %arg19[%swap3A_763, %swap3A_764] {strides = array<i32>} : memref<96x128xf32, #tpu.memory_space<vmem>>, vector<1x16xf32>,
    %swap3A_766 = vector.shape_cast %swap3A_765 : vector<1x16xf32> to vector<16xf32>
    %swap3A_767 = vector.shape_cast %broadcast_in_dim3A_0 : vector<16xf32> to vector<1x16xf32>
    tpu.vector_store %arg19[%swap3A_763, %swap3A_764], %swap3A_767 {strides = array<i32>} : memref<96x128xf32, #tpu.memory_space<vmem>>, vector<1x16xf32>,
    %mul3A = arith.constant 16 : i32
    %mul3A_768 = arith.muli %arg0, %mul3A : i32
    %add3A = arith.addi %mul3A_768, %arg1 : i32
    %mul3A_769 = arith.constant 10000 : i32
    %mul3A_770 = arith.muli %add3A, %mul3A_769 : i32
    %add3A_771 = arith.constant 0 : i32
    %add3A_772 = arith.addi %mul3A_770, %add3A_771 : i32
    %dma_start3A = tpu.memref_slice %arg3[%add3A_772] : memref<320000xi32, #tpu.memory_space<hbm>> -> memref<96xi32, #tpu.memory_space<hbm>>
    %dma_start3A_773 = tpu.memref_slice %arg3[%add3A_772] : memref<320000xi32, #tpu.memory_space<hbm>> -> memref<96xi32, #tpu.memory_space<hbm>>
    tpu.enqueue_dma source(%dma_start3A_773 : memref<96xi32, #tpu.memory_space<hbm>>) target(%arg8 : memref<96xi32, #tpu.memory_space<vmem>>) target_semaphore(%arg22 : memref<!tpu.dma_semaphore, #tpu.memory_space<semaphore_mem>>)
    %add3A_774 = arith.constant 0 : i32
    %add3A_775 = arith.addi %mul3A_770, %add3A_774 : i32
    %dma_start3A_776 = tpu.memref_slice %arg4[%add3A_775] : memref<320000xi32, #tpu.memory_space<hbm>> -> memref<96xi32, #tpu.memory_space<hbm>>
    %dma_start3A_777 = tpu.memref_slice %arg4[%add3A_775] : memref<320000xi32, #tpu.memory_space<hbm>> -> memref<96xi32, #tpu.memory_space<hbm>>
    tpu.enqueue_dma source(%dma_start3A_777 : memref<96xi32, #tpu.memory_space<hbm>>) target(%arg12 : memref<96xi32, #tpu.memory_space<vmem>>) target_semaphore(%arg22 : memref<!tpu.dma_semaphore, #tpu.memory_space<semaphore_mem>>)
    %add3A_778 = arith.constant 96 : i32
    %add3A_779 = arith.addi %mul3A_770, %add3A_778 : i32
    %dma_start3A_780 = tpu.memref_slice %arg3[%add3A_779] : memref<320000xi32, #tpu.memory_space<hbm>> -> memref<96xi32, #tpu.memory_space<hbm>>
    %dma_start3A_781 = tpu.memref_slice %arg3[%add3A_779] : memref<320000xi32, #tpu.memory_space<hbm>> -> memref<96xi32, #tpu.memory_space<hbm>>
    tpu.enqueue_dma source(%dma_start3A_781 : memref<96xi32, #tpu.memory_space<hbm>>) target(%arg9 : memref<96xi32, #tpu.memory_space<vmem>>) target_semaphore(%arg23 : memref<!tpu.dma_semaphore, #tpu.memory_space<semaphore_mem>>)
    %add3A_782 = arith.constant 96 : i32
    %add3A_783 = arith.addi %mul3A_770, %add3A_782 : i32
    %dma_start3A_784 = tpu.memref_slice %arg4[%add3A_783] : memref<320000xi32, #tpu.memory_space<hbm>> -> memref<96xi32, #tpu.memory_space<hbm>>
    %dma_start3A_785 = tpu.memref_slice %arg4[%add3A_783] : memref<320000xi32, #tpu.memory_space<hbm>> -> memref<96xi32, #tpu.memory_space<hbm>>
    tpu.enqueue_dma source(%dma_start3A_785 : memref<96xi32, #tpu.memory_space<hbm>>) target(%arg13 : memref<96xi32, #tpu.memory_space<vmem>>) target_semaphore(%arg23 : memref<!tpu.dma_semaphore, #tpu.memory_space<semaphore_mem>>)
    %scan3A = arith.constant 0 : i32
    %scan3A_786 = arith.constant 0 : i32
    %scan3A_787 = arith.constant 40 : i32
    %scan3A_788 = arith.addi %scan3A_786, %scan3A_787 : i32
    %scan3A_789 = arith.constant 1 : i32
    scf.for %scan3A_834 = %scan3A_786 to %scan3A_788 step %scan3A_789  : i32 {
      %mul3A_835 = arith.constant 16 : i32
      %mul3A_836 = arith.muli %scan3A_834, %mul3A_835 : i32
      %add3A_837 = arith.addi %arg1, %mul3A_836 : i32
      %lt3A = arith.constant 625 : i32
      %lt3A_838 = arith.cmpi slt, %add3A_837, %lt3A : i32
      %convert_element_type3A = arith.extui %lt3A_838 : i1 to i32
      %cond3A = arith.constant 0 : i32
      %cond3A_839 = arith.cmpi ne, %convert_element_type3A, %cond3A : i32
      scf.if %cond3A_839 {
        %mul3A_840 = arith.constant 16 : i32
        %mul3A_841 = arith.muli %add3A_837, %mul3A_840 : i32
        "tpu.region"() ({
          %run_scoped3A = tpu.sem_alloc : memref<!tpu.dma_semaphore, #tpu.memory_space<semaphore_mem>>
          %dma_start3A_842 = arith.constant 0 : i32
          %dma_start3A_843 = arith.constant 0 : i32
          %dma_start3A_844 = tpu.memref_slice %arg19[%dma_start3A_842, %dma_start3A_843] : memref<96x128xf32, #tpu.memory_space<vmem>> -> memref<16x128xf32, #tpu.memory_space<vmem>>
          %dma_start3A_845 = arith.constant 0 : i32
          %dma_start3A_846 = tpu.memref_slice %arg7[%mul3A_841, %dma_start3A_845] : memref<10000x128xf32, #tpu.memory_space<vmem_shared>> -> memref<16x128xf32, #tpu.memory_space<vmem_shared>>
          %dma_start3A_847 = arith.constant 0 : i32
          %dma_start3A_848 = tpu.memref_slice %arg7[%mul3A_841, %dma_start3A_847] : memref<10000x128xf32, #tpu.memory_space<vmem_shared>> -> memref<16x128xf32, #tpu.memory_space<vmem_shared>>
          %dma_start3A_849 = arith.constant 0 : i32
          %dma_start3A_850 = arith.constant 0 : i32
          %dma_start3A_851 = tpu.memref_slice %arg19[%dma_start3A_849, %dma_start3A_850] : memref<96x128xf32, #tpu.memory_space<vmem>> -> memref<16x128xf32, #tpu.memory_space<vmem>>
          tpu.enqueue_dma source(%dma_start3A_851 : memref<16x128xf32, #tpu.memory_space<vmem>>) target(%dma_start3A_848 : memref<16x128xf32, #tpu.memory_space<vmem_shared>>) target_semaphore(%run_scoped3A : memref<!tpu.dma_semaphore, #tpu.memory_space<semaphore_mem>>)
          %dma_wait3A_852 = arith.constant 0 : i32
          %dma_wait3A_853 = arith.constant 0 : i32
          %dma_wait3A_854 = tpu.memref_slice %arg19[%dma_wait3A_852, %dma_wait3A_853] : memref<96x128xf32, #tpu.memory_space<vmem>> -> memref<16x128xf32, #tpu.memory_space<vmem>>
          %dma_wait3A_855 = arith.constant 0 : i32
          %dma_wait3A_856 = tpu.memref_slice %arg7[%mul3A_841, %dma_wait3A_855] : memref<10000x128xf32, #tpu.memory_space<vmem_shared>> -> memref<16x128xf32, #tpu.memory_space<vmem_shared>>
          %dma_wait3A_857 = arith.constant 0 : i32
          %dma_wait3A_858 = tpu.memref_slice %arg7[%mul3A_841, %dma_wait3A_857] : memref<10000x128xf32, #tpu.memory_space<vmem_shared>> -> memref<16x128xf32, #tpu.memory_space<vmem_shared>>
          %dma_wait3A_859 = arith.constant 0 : i32
          %dma_wait3A_860 = arith.constant 0 : i32
          %dma_wait3A_861 = tpu.memref_slice %arg19[%dma_wait3A_859, %dma_wait3A_860] : memref<96x128xf32, #tpu.memory_space<vmem>> -> memref<16x128xf32, #tpu.memory_space<vmem>>
          tpu.wait_dma2 semaphore(%run_scoped3A : memref<!tpu.dma_semaphore, #tpu.memory_space<semaphore_mem>>) src(%dma_wait3A_861 : memref<16x128xf32, #tpu.memory_space<vmem>>) dst(%dma_wait3A_858 : memref<16x128xf32, #tpu.memory_space<vmem_shared>>)
          tpu.yield
        }) : () -> ()
      } else {
      }
    }
    %scan3A_790 = arith.constant 40 : i32
    %add3A_791 = arith.constant 0 : i32
    %add3A_792 = arith.addi %mul3A_770, %add3A_791 : i32
    %dma_wait3A = tpu.memref_slice %arg3[%add3A_792] : memref<320000xi32, #tpu.memory_space<hbm>> -> memref<96xi32, #tpu.memory_space<hbm>>
    %dma_wait3A_793 = tpu.memref_slice %arg3[%add3A_792] : memref<320000xi32, #tpu.memory_space<hbm>> -> memref<96xi32, #tpu.memory_space<hbm>>
    tpu.wait_dma2 semaphore(%arg22 : memref<!tpu.dma_semaphore, #tpu.memory_space<semaphore_mem>>) src(%dma_wait3A_793 : memref<96xi32, #tpu.memory_space<hbm>>) dst(%arg8 : memref<96xi32, #tpu.memory_space<vmem>>)
    %add3A_794 = arith.constant 0 : i32
    %add3A_795 = arith.addi %mul3A_770, %add3A_794 : i32
    %dma_wait3A_796 = tpu.memref_slice %arg4[%add3A_795] : memref<320000xi32, #tpu.memory_space<hbm>> -> memref<96xi32, #tpu.memory_space<hbm>>
    %dma_wait3A_797 = tpu.memref_slice %arg4[%add3A_795] : memref<320000xi32, #tpu.memory_space<hbm>> -> memref<96xi32, #tpu.memory_space<hbm>>
    tpu.wait_dma2 semaphore(%arg22 : memref<!tpu.dma_semaphore, #tpu.memory_space<semaphore_mem>>) src(%dma_wait3A_797 : memref<96xi32, #tpu.memory_space<hbm>>) dst(%arg12 : memref<96xi32, #tpu.memory_space<vmem>>)
    %dma_start3A_798 = arith.constant 0 : i32
    %dma_start3A_799 = arith.constant 0 : i32
    %dma_start3A_800 = tpu.memref_slice %arg2[%dma_start3A_798, %dma_start3A_799] : memref<10000x128xf32, #tpu.memory_space<hbm>> -> memref<10000x128xf32, #tpu.memory_space<hbm>>
    tpu.enqueue_indirect_dma source(%dma_start3A_800 : memref<10000x128xf32, #tpu.memory_space<hbm>>) target(%arg18 : memref<96x128xf32, #tpu.memory_space<vmem>>) offsets(%arg8 : memref<96xi32, #tpu.memory_space<vmem>>) semaphore(%arg26 : memref<!tpu.dma_semaphore, #tpu.memory_space<semaphore_mem>>)
    %barrier3A = arith.constant 0 : index
    tpu.barrier barrier_id(%barrier3A)
    %scan3A_801 = arith.constant 0 : i32
    %scan3A_802 = arith.constant 0 : i32
    %scan3A_803 = arith.constant 26 : i32
    %scan3A_804 = arith.addi %scan3A_802, %scan3A_803 : i32
    %scan3A_805 = arith.constant 1 : i32
    scf.for %scan3A_834 = %scan3A_802 to %scan3A_804 step %scan3A_805  : i32 {
      %mul3A_835 = arith.constant 4 : i32
      %mul3A_836 = arith.muli %scan3A_834, %mul3A_835 : i32
      %add3A_837 = arith.constant 0 : i32
      %add3A_838 = arith.addi %mul3A_836, %add3A_837 : i32
      %add3A_839 = arith.constant 1 : i32
      %add3A_840 = arith.addi %add3A_838, %add3A_839 : i32
      %lt3A = arith.constant 104 : i32
      %lt3A_841 = arith.cmpi slt, %add3A_840, %lt3A : i32
      %convert_element_type3A = arith.extui %lt3A_841 : i1 to i32
      %cond3A = arith.constant 0 : i32
      %cond3A_842 = arith.cmpi ne, %convert_element_type3A, %cond3A : i32
      scf.if %cond3A_842 {
        %add3A_947 = arith.constant 1 : i32
        %add3A_948 = arith.addi %add3A_838, %add3A_947 : i32
        %mul3A_949 = arith.constant 96 : i32
        %mul3A_950 = arith.muli %add3A_948, %mul3A_949 : i32
        %add3A_951 = arith.addi %mul3A_770, %mul3A_950 : i32
        %dma_wait3A_952 = tpu.memref_slice %arg3[%add3A_951] : memref<320000xi32, #tpu.memory_space<hbm>> -> memref<96xi32, #tpu.memory_space<hbm>>
        %dma_wait3A_953 = tpu.memref_slice %arg3[%add3A_951] : memref<320000xi32, #tpu.memory_space<hbm>> -> memref<96xi32, #tpu.memory_space<hbm>>
        tpu.wait_dma2 semaphore(%arg23 : memref<!tpu.dma_semaphore, #tpu.memory_space<semaphore_mem>>) src(%dma_wait3A_953 : memref<96xi32, #tpu.memory_space<hbm>>) dst(%arg9 : memref<96xi32, #tpu.memory_space<vmem>>)
        %mul3A_954 = arith.constant 96 : i32
        %mul3A_955 = arith.muli %add3A_948, %mul3A_954 : i32
        %add3A_956 = arith.addi %mul3A_770, %mul3A_955 : i32
        %dma_wait3A_957 = tpu.memref_slice %arg4[%add3A_956] : memref<320000xi32, #tpu.memory_space<hbm>> -> memref<96xi32, #tpu.memory_space<hbm>>
        %dma_wait3A_958 = tpu.memref_slice %arg4[%add3A_956] : memref<320000xi32, #tpu.memory_space<hbm>> -> memref<96xi32, #tpu.memory_space<hbm>>
        tpu.wait_dma2 semaphore(%arg23 : memref<!tpu.dma_semaphore, #tpu.memory_space<semaphore_mem>>) src(%dma_wait3A_958 : memref<96xi32, #tpu.memory_space<hbm>>) dst(%arg13 : memref<96xi32, #tpu.memory_space<vmem>>)
        %dma_start3A_959 = arith.constant 0 : i32
        %dma_start3A_960 = arith.constant 0 : i32
        %dma_start3A_961 = tpu.memref_slice %arg2[%dma_start3A_959, %dma_start3A_960] : memref<10000x128xf32, #tpu.memory_space<hbm>> -> memref<10000x128xf32, #tpu.memory_space<hbm>>
        tpu.enqueue_indirect_dma source(%dma_start3A_961 : memref<10000x128xf32, #tpu.memory_space<hbm>>) target(%arg19 : memref<96x128xf32, #tpu.memory_space<vmem>>) offsets(%arg9 : memref<96xi32, #tpu.memory_space<vmem>>) semaphore(%arg27 : memref<!tpu.dma_semaphore, #tpu.memory_space<semaphore_mem>>)
      } else {
      }
      %ge3A = arith.constant 2 : i32
      %ge3A_843 = arith.cmpi sge, %add3A_838, %ge3A : i32
      %convert_element_type3A_844 = arith.extui %ge3A_843 : i1 to i32
      %cond3A_845 = arith.constant 0 : i32
      %cond3A_846 = arith.cmpi ne, %convert_element_type3A_844, %cond3A_845 : i32
      scf.if %cond3A_846 {
        %dma_wait3A_947 = arith.constant 0 : i32
        %dma_wait3A_948 = arith.constant 0 : i32
        %dma_wait3A_949 = tpu.memref_slice %arg7[%dma_wait3A_947, %dma_wait3A_948] : memref<10000x128xf32, #tpu.memory_space<vmem_shared>> -> memref<10000x128xf32, #tpu.memory_space<vmem_shared>>
        tpu.wait_indirect_dma semaphore(%arg32 : memref<!tpu.dma_semaphore, #tpu.memory_space<semaphore_mem>>) src(%arg20 : memref<96x128xf32, #tpu.memory_space<vmem>>) dst(%dma_wait3A_949 : memref<10000x128xf32, #tpu.memory_space<vmem_shared>>)
      } else {
      }
      %add3A_847 = arith.constant 2 : i32
      %add3A_848 = arith.addi %add3A_838, %add3A_847 : i32
      %lt3A_849 = arith.constant 104 : i32
      %lt3A_850 = arith.cmpi slt, %add3A_848, %lt3A_849 : i32
      %convert_element_type3A_851 = arith.extui %lt3A_850 : i1 to i32
      %cond3A_852 = arith.constant 0 : i32
      %cond3A_853 = arith.cmpi ne, %convert_element_type3A_851, %cond3A_852 : i32
      scf.if %cond3A_853 {
        %add3A_947 = arith.constant 2 : i32
        %add3A_948 = arith.addi %add3A_838, %add3A_947 : i32
        %mul3A_949 = arith.constant 96 : i32
        %mul3A_950 = arith.muli %add3A_948, %mul3A_949 : i32
        %add3A_951 = arith.addi %mul3A_770, %mul3A_950 : i32
        %dma_start3A_952 = tpu.memref_slice %arg3[%add3A_951] : memref<320000xi32, #tpu.memory_space<hbm>> -> memref<96xi32, #tpu.memory_space<hbm>>
        %dma_start3A_953 = tpu.memref_slice %arg3[%add3A_951] : memref<320000xi32, #tpu.memory_space<hbm>> -> memref<96xi32, #tpu.memory_space<hbm>>
        tpu.enqueue_dma source(%dma_start3A_953 : memref<96xi32, #tpu.memory_space<hbm>>) target(%arg10 : memref<96xi32, #tpu.memory_space<vmem>>) target_semaphore(%arg24 : memref<!tpu.dma_semaphore, #tpu.memory_space<semaphore_mem>>)
        %mul3A_954 = arith.constant 96 : i32
        %mul3A_955 = arith.muli %add3A_948, %mul3A_954 : i32
        %add3A_956 = arith.addi %mul3A_770, %mul3A_955 : i32
        %dma_start3A_957 = tpu.memref_slice %arg4[%add3A_956] : memref<320000xi32, #tpu.memory_space<hbm>> -> memref<96xi32, #tpu.memory_space<hbm>>
        %dma_start3A_958 = tpu.memref_slice %arg4[%add3A_956] : memref<320000xi32, #tpu.memory_space<hbm>> -> memref<96xi32, #tpu.memory_space<hbm>>
        tpu.enqueue_dma source(%dma_start3A_958 : memref<96xi32, #tpu.memory_space<hbm>>) target(%arg14 : memref<96xi32, #tpu.memory_space<vmem>>) target_semaphore(%arg24 : memref<!tpu.dma_semaphore, #tpu.memory_space<semaphore_mem>>)
      } else {
      }
      %dma_wait3A_854 = arith.constant 0 : i32
      %dma_wait3A_855 = arith.constant 0 : i32
      %dma_wait3A_856 = tpu.memref_slice %arg2[%dma_wait3A_854, %dma_wait3A_855] : memref<10000x128xf32, #tpu.memory_space<hbm>> -> memref<10000x128xf32, #tpu.memory_space<hbm>>
      tpu.wait_indirect_dma semaphore(%arg26 : memref<!tpu.dma_semaphore, #tpu.memory_space<semaphore_mem>>) src(%dma_wait3A_856 : memref<10000x128xf32, #tpu.memory_space<hbm>>) dst(%arg18 : memref<96x128xf32, #tpu.memory_space<vmem>>)
      %dma_start3A_857 = arith.constant 0 : i32
      %dma_start3A_858 = arith.constant 0 : i32
      %dma_start3A_859 = tpu.memref_slice %arg7[%dma_start3A_857, %dma_start3A_858] : memref<10000x128xf32, #tpu.memory_space<vmem_shared>> -> memref<10000x128xf32, #tpu.memory_space<vmem_shared>>
      tpu.enqueue_indirect_dma source(%arg18 : memref<96x128xf32, #tpu.memory_space<vmem>>) target(%dma_start3A_859 : memref<10000x128xf32, #tpu.memory_space<vmem_shared>>) offsets(%arg12 : memref<96xi32, #tpu.memory_space<vmem>>) semaphore(%arg30 : memref<!tpu.dma_semaphore, #tpu.memory_space<semaphore_mem>>) {add = true}
      %mul3A_860 = arith.constant 4 : i32
      %mul3A_861 = arith.muli %scan3A_834, %mul3A_860 : i32
      %add3A_862 = arith.constant 1 : i32
      %add3A_863 = arith.addi %mul3A_861, %add3A_862 : i32
      %add3A_864 = arith.constant 1 : i32
      %add3A_865 = arith.addi %add3A_863, %add3A_864 : i32
      %lt3A_866 = arith.constant 104 : i32
      %lt3A_867 = arith.cmpi slt, %add3A_865, %lt3A_866 : i32
      %convert_element_type3A_868 = arith.extui %lt3A_867 : i1 to i32
      %cond3A_869 = arith.constant 0 : i32
      %cond3A_870 = arith.cmpi ne, %convert_element_type3A_868, %cond3A_869 : i32
      scf.if %cond3A_870 {
        %add3A_947 = arith.constant 1 : i32
        %add3A_948 = arith.addi %add3A_863, %add3A_947 : i32
        %mul3A_949 = arith.constant 96 : i32
        %mul3A_950 = arith.muli %add3A_948, %mul3A_949 : i32
        %add3A_951 = arith.addi %mul3A_770, %mul3A_950 : i32
        %dma_wait3A_952 = tpu.memref_slice %arg3[%add3A_951] : memref<320000xi32, #tpu.memory_space<hbm>> -> memref<96xi32, #tpu.memory_space<hbm>>
        %dma_wait3A_953 = tpu.memref_slice %arg3[%add3A_951] : memref<320000xi32, #tpu.memory_space<hbm>> -> memref<96xi32, #tpu.memory_space<hbm>>
        tpu.wait_dma2 semaphore(%arg24 : memref<!tpu.dma_semaphore, #tpu.memory_space<semaphore_mem>>) src(%dma_wait3A_953 : memref<96xi32, #tpu.memory_space<hbm>>) dst(%arg10 : memref<96xi32, #tpu.memory_space<vmem>>)
        %mul3A_954 = arith.constant 96 : i32
        %mul3A_955 = arith.muli %add3A_948, %mul3A_954 : i32
        %add3A_956 = arith.addi %mul3A_770, %mul3A_955 : i32
        %dma_wait3A_957 = tpu.memref_slice %arg4[%add3A_956] : memref<320000xi32, #tpu.memory_space<hbm>> -> memref<96xi32, #tpu.memory_space<hbm>>
        %dma_wait3A_958 = tpu.memref_slice %arg4[%add3A_956] : memref<320000xi32, #tpu.memory_space<hbm>> -> memref<96xi32, #tpu.memory_space<hbm>>
        tpu.wait_dma2 semaphore(%arg24 : memref<!tpu.dma_semaphore, #tpu.memory_space<semaphore_mem>>) src(%dma_wait3A_958 : memref<96xi32, #tpu.memory_space<hbm>>) dst(%arg14 : memref<96xi32, #tpu.memory_space<vmem>>)
        %dma_start3A_959 = arith.constant 0 : i32
        %dma_start3A_960 = arith.constant 0 : i32
        %dma_start3A_961 = tpu.memref_slice %arg2[%dma_start3A_959, %dma_start3A_960] : memref<10000x128xf32, #tpu.memory_space<hbm>> -> memref<10000x128xf32, #tpu.memory_space<hbm>>
        tpu.enqueue_indirect_dma source(%dma_start3A_961 : memref<10000x128xf32, #tpu.memory_space<hbm>>) target(%arg20 : memref<96x128xf32, #tpu.memory_space<vmem>>) offsets(%arg10 : memref<96xi32, #tpu.memory_space<vmem>>) semaphore(%arg28 : memref<!tpu.dma_semaphore, #tpu.memory_space<semaphore_mem>>)
      } else {
      }
      %ge3A_871 = arith.constant 2 : i32
      %ge3A_872 = arith.cmpi sge, %add3A_863, %ge3A_871 : i32
      %convert_element_type3A_873 = arith.extui %ge3A_872 : i1 to i32
      %cond3A_874 = arith.constant 0 : i32
      %cond3A_875 = arith.cmpi ne, %convert_element_type3A_873, %cond3A_874 : i32
      scf.if %cond3A_875 {
        %dma_wait3A_947 = arith.constant 0 : i32
        %dma_wait3A_948 = arith.constant 0 : i32
        %dma_wait3A_949 = tpu.memref_slice %arg7[%dma_wait3A_947, %dma_wait3A_948] : memref<10000x128xf32, #tpu.memory_space<vmem_shared>> -> memref<10000x128xf32, #tpu.memory_space<vmem_shared>>
        tpu.wait_indirect_dma semaphore(%arg33 : memref<!tpu.dma_semaphore, #tpu.memory_space<semaphore_mem>>) src(%arg21 : memref<96x128xf32, #tpu.memory_space<vmem>>) dst(%dma_wait3A_949 : memref<10000x128xf32, #tpu.memory_space<vmem_shared>>)
      } else {
      }
      %add3A_876 = arith.constant 2 : i32
      %add3A_877 = arith.addi %add3A_863, %add3A_876 : i32
      %lt3A_878 = arith.constant 104 : i32
      %lt3A_879 = arith.cmpi slt, %add3A_877, %lt3A_878 : i32
      %convert_element_type3A_880 = arith.extui %lt3A_879 : i1 to i32
      %cond3A_881 = arith.constant 0 : i32
      %cond3A_882 = arith.cmpi ne, %convert_element_type3A_880, %cond3A_881 : i32
      scf.if %cond3A_882 {
        %add3A_947 = arith.constant 2 : i32
        %add3A_948 = arith.addi %add3A_863, %add3A_947 : i32
        %mul3A_949 = arith.constant 96 : i32
        %mul3A_950 = arith.muli %add3A_948, %mul3A_949 : i32
        %add3A_951 = arith.addi %mul3A_770, %mul3A_950 : i32
        %dma_start3A_952 = tpu.memref_slice %arg3[%add3A_951] : memref<320000xi32, #tpu.memory_space<hbm>> -> memref<96xi32, #tpu.memory_space<hbm>>
        %dma_start3A_953 = tpu.memref_slice %arg3[%add3A_951] : memref<320000xi32, #tpu.memory_space<hbm>> -> memref<96xi32, #tpu.memory_space<hbm>>
        tpu.enqueue_dma source(%dma_start3A_953 : memref<96xi32, #tpu.memory_space<hbm>>) target(%arg11 : memref<96xi32, #tpu.memory_space<vmem>>) target_semaphore(%arg25 : memref<!tpu.dma_semaphore, #tpu.memory_space<semaphore_mem>>)
        %mul3A_954 = arith.constant 96 : i32
        %mul3A_955 = arith.muli %add3A_948, %mul3A_954 : i32
        %add3A_956 = arith.addi %mul3A_770, %mul3A_955 : i32
        %dma_start3A_957 = tpu.memref_slice %arg4[%add3A_956] : memref<320000xi32, #tpu.memory_space<hbm>> -> memref<96xi32, #tpu.memory_space<hbm>>
        %dma_start3A_958 = tpu.memref_slice %arg4[%add3A_956] : memref<320000xi32, #tpu.memory_space<hbm>> -> memref<96xi32, #tpu.memory_space<hbm>>
        tpu.enqueue_dma source(%dma_start3A_958 : memref<96xi32, #tpu.memory_space<hbm>>) target(%arg15 : memref<96xi32, #tpu.memory_space<vmem>>) target_semaphore(%arg25 : memref<!tpu.dma_semaphore, #tpu.memory_space<semaphore_mem>>)
      } else {
      }
      %dma_wait3A_883 = arith.constant 0 : i32
      %dma_wait3A_884 = arith.constant 0 : i32
      %dma_wait3A_885 = tpu.memref_slice %arg2[%dma_wait3A_883, %dma_wait3A_884] : memref<10000x128xf32, #tpu.memory_space<hbm>> -> memref<10000x128xf32, #tpu.memory_space<hbm>>
      tpu.wait_indirect_dma semaphore(%arg27 : memref<!tpu.dma_semaphore, #tpu.memory_space<semaphore_mem>>) src(%dma_wait3A_885 : memref<10000x128xf32, #tpu.memory_space<hbm>>) dst(%arg19 : memref<96x128xf32, #tpu.memory_space<vmem>>)
      %dma_start3A_886 = arith.constant 0 : i32
      %dma_start3A_887 = arith.constant 0 : i32
      %dma_start3A_888 = tpu.memref_slice %arg7[%dma_start3A_886, %dma_start3A_887] : memref<10000x128xf32, #tpu.memory_space<vmem_shared>> -> memref<10000x128xf32, #tpu.memory_space<vmem_shared>>
      tpu.enqueue_indirect_dma source(%arg19 : memref<96x128xf32, #tpu.memory_space<vmem>>) target(%dma_start3A_888 : memref<10000x128xf32, #tpu.memory_space<vmem_shared>>) offsets(%arg13 : memref<96xi32, #tpu.memory_space<vmem>>) semaphore(%arg31 : memref<!tpu.dma_semaphore, #tpu.memory_space<semaphore_mem>>) {add = true}
      %mul3A_889 = arith.constant 4 : i32
      %mul3A_890 = arith.muli %scan3A_834, %mul3A_889 : i32
      %add3A_891 = arith.constant 2 : i32
      %add3A_892 = arith.addi %mul3A_890, %add3A_891 : i32
      %add3A_893 = arith.constant 1 : i32
      %add3A_894 = arith.addi %add3A_892, %add3A_893 : i32
      %lt3A_895 = arith.constant 104 : i32
      %lt3A_896 = arith.cmpi slt, %add3A_894, %lt3A_895 : i32
      %convert_element_type3A_897 = arith.extui %lt3A_896 : i1 to i32
      %cond3A_898 = arith.constant 0 : i32
      %cond3A_899 = arith.cmpi ne, %convert_element_type3A_897, %cond3A_898 : i32
      scf.if %cond3A_899 {
        %add3A_947 = arith.constant 1 : i32
        %add3A_948 = arith.addi %add3A_892, %add3A_947 : i32
        %mul3A_949 = arith.constant 96 : i32
        %mul3A_950 = arith.muli %add3A_948, %mul3A_949 : i32
        %add3A_951 = arith.addi %mul3A_770, %mul3A_950 : i32
        %dma_wait3A_952 = tpu.memref_slice %arg3[%add3A_951] : memref<320000xi32, #tpu.memory_space<hbm>> -> memref<96xi32, #tpu.memory_space<hbm>>
        %dma_wait3A_953 = tpu.memref_slice %arg3[%add3A_951] : memref<320000xi32, #tpu.memory_space<hbm>> -> memref<96xi32, #tpu.memory_space<hbm>>
        tpu.wait_dma2 semaphore(%arg25 : memref<!tpu.dma_semaphore, #tpu.memory_space<semaphore_mem>>) src(%dma_wait3A_953 : memref<96xi32, #tpu.memory_space<hbm>>) dst(%arg11 : memref<96xi32, #tpu.memory_space<vmem>>)
        %mul3A_954 = arith.constant 96 : i32
        %mul3A_955 = arith.muli %add3A_948, %mul3A_954 : i32
        %add3A_956 = arith.addi %mul3A_770, %mul3A_955 : i32
        %dma_wait3A_957 = tpu.memref_slice %arg4[%add3A_956] : memref<320000xi32, #tpu.memory_space<hbm>> -> memref<96xi32, #tpu.memory_space<hbm>>
        %dma_wait3A_958 = tpu.memref_slice %arg4[%add3A_956] : memref<320000xi32, #tpu.memory_space<hbm>> -> memref<96xi32, #tpu.memory_space<hbm>>
        tpu.wait_dma2 semaphore(%arg25 : memref<!tpu.dma_semaphore, #tpu.memory_space<semaphore_mem>>) src(%dma_wait3A_958 : memref<96xi32, #tpu.memory_space<hbm>>) dst(%arg15 : memref<96xi32, #tpu.memory_space<vmem>>)
        %dma_start3A_959 = arith.constant 0 : i32
        %dma_start3A_960 = arith.constant 0 : i32
        %dma_start3A_961 = tpu.memref_slice %arg2[%dma_start3A_959, %dma_start3A_960] : memref<10000x128xf32, #tpu.memory_space<hbm>> -> memref<10000x128xf32, #tpu.memory_space<hbm>>
        tpu.enqueue_indirect_dma source(%dma_start3A_961 : memref<10000x128xf32, #tpu.memory_space<hbm>>) target(%arg21 : memref<96x128xf32, #tpu.memory_space<vmem>>) offsets(%arg11 : memref<96xi32, #tpu.memory_space<vmem>>) semaphore(%arg29 : memref<!tpu.dma_semaphore, #tpu.memory_space<semaphore_mem>>)
      } else {
      }
      %ge3A_900 = arith.constant 2 : i32
      %ge3A_901 = arith.cmpi sge, %add3A_892, %ge3A_900 : i32
      %convert_element_type3A_902 = arith.extui %ge3A_901 : i1 to i32
      %cond3A_903 = arith.constant 0 : i32
      %cond3A_904 = arith.cmpi ne, %convert_element_type3A_902, %cond3A_903 : i32
      scf.if %cond3A_904 {
        %dma_wait3A_947 = arith.constant 0 : i32
        %dma_wait3A_948 = arith.constant 0 : i32
        %dma_wait3A_949 = tpu.memref_slice %arg7[%dma_wait3A_947, %dma_wait3A_948] : memref<10000x128xf32, #tpu.memory_space<vmem_shared>> -> memref<10000x128xf32, #tpu.memory_space<vmem_shared>>
        tpu.wait_indirect_dma semaphore(%arg30 : memref<!tpu.dma_semaphore, #tpu.memory_space<semaphore_mem>>) src(%arg18 : memref<96x128xf32, #tpu.memory_space<vmem>>) dst(%dma_wait3A_949 : memref<10000x128xf32, #tpu.memory_space<vmem_shared>>)
      } else {
      }
      %add3A_905 = arith.constant 2 : i32
      %add3A_906 = arith.addi %add3A_892, %add3A_905 : i32
      %lt3A_907 = arith.constant 104 : i32
      %lt3A_908 = arith.cmpi slt, %add3A_906, %lt3A_907 : i32
      %convert_element_type3A_909 = arith.extui %lt3A_908 : i1 to i32
      %cond3A_910 = arith.constant 0 : i32
      %cond3A_911 = arith.cmpi ne, %convert_element_type3A_909, %cond3A_910 : i32
      scf.if %cond3A_911 {
        %add3A_947 = arith.constant 2 : i32
        %add3A_948 = arith.addi %add3A_892, %add3A_947 : i32
        %mul3A_949 = arith.constant 96 : i32
        %mul3A_950 = arith.muli %add3A_948, %mul3A_949 : i32
        %add3A_951 = arith.addi %mul3A_770, %mul3A_950 : i32
        %dma_start3A_952 = tpu.memref_slice %arg3[%add3A_951] : memref<320000xi32, #tpu.memory_space<hbm>> -> memref<96xi32, #tpu.memory_space<hbm>>
        %dma_start3A_953 = tpu.memref_slice %arg3[%add3A_951] : memref<320000xi32, #tpu.memory_space<hbm>> -> memref<96xi32, #tpu.memory_space<hbm>>
        tpu.enqueue_dma source(%dma_start3A_953 : memref<96xi32, #tpu.memory_space<hbm>>) target(%arg8 : memref<96xi32, #tpu.memory_space<vmem>>) target_semaphore(%arg22 : memref<!tpu.dma_semaphore, #tpu.memory_space<semaphore_mem>>)
        %mul3A_954 = arith.constant 96 : i32
        %mul3A_955 = arith.muli %add3A_948, %mul3A_954 : i32
        %add3A_956 = arith.addi %mul3A_770, %mul3A_955 : i32
        %dma_start3A_957 = tpu.memref_slice %arg4[%add3A_956] : memref<320000xi32, #tpu.memory_space<hbm>> -> memref<96xi32, #tpu.memory_space<hbm>>
        %dma_start3A_958 = tpu.memref_slice %arg4[%add3A_956] : memref<320000xi32, #tpu.memory_space<hbm>> -> memref<96xi32, #tpu.memory_space<hbm>>
        tpu.enqueue_dma source(%dma_start3A_958 : memref<96xi32, #tpu.memory_space<hbm>>) target(%arg12 : memref<96xi32, #tpu.memory_space<vmem>>) target_semaphore(%arg22 : memref<!tpu.dma_semaphore, #tpu.memory_space<semaphore_mem>>)
      } else {
      }
      %dma_wait3A_912 = arith.constant 0 : i32
      %dma_wait3A_913 = arith.constant 0 : i32
      %dma_wait3A_914 = tpu.memref_slice %arg2[%dma_wait3A_912, %dma_wait3A_913] : memref<10000x128xf32, #tpu.memory_space<hbm>> -> memref<10000x128xf32, #tpu.memory_space<hbm>>
      tpu.wait_indirect_dma semaphore(%arg28 : memref<!tpu.dma_semaphore, #tpu.memory_space<semaphore_mem>>) src(%dma_wait3A_914 : memref<10000x128xf32, #tpu.memory_space<hbm>>) dst(%arg20 : memref<96x128xf32, #tpu.memory_space<vmem>>)
      %dma_start3A_915 = arith.constant 0 : i32
      %dma_start3A_916 = arith.constant 0 : i32
      %dma_start3A_917 = tpu.memref_slice %arg7[%dma_start3A_915, %dma_start3A_916] : memref<10000x128xf32, #tpu.memory_space<vmem_shared>> -> memref<10000x128xf32, #tpu.memory_space<vmem_shared>>
      tpu.enqueue_indirect_dma source(%arg20 : memref<96x128xf32, #tpu.memory_space<vmem>>) target(%dma_start3A_917 : memref<10000x128xf32, #tpu.memory_space<vmem_shared>>) offsets(%arg14 : memref<96xi32, #tpu.memory_space<vmem>>) semaphore(%arg32 : memref<!tpu.dma_semaphore, #tpu.memory_space<semaphore_mem>>) {add = true}
      %mul3A_918 = arith.constant 4 : i32
      %mul3A_919 = arith.muli %scan3A_834, %mul3A_918 : i32
      %add3A_920 = arith.constant 3 : i32
      %add3A_921 = arith.addi %mul3A_919, %add3A_920 : i32
      %add3A_922 = arith.constant 1 : i32
      %add3A_923 = arith.addi %add3A_921, %add3A_922 : i32
      %lt3A_924 = arith.constant 104 : i32
      %lt3A_925 = arith.cmpi slt, %add3A_923, %lt3A_924 : i32
      %convert_element_type3A_926 = arith.extui %lt3A_925 : i1 to i32
      %cond3A_927 = arith.constant 0 : i32
      %cond3A_928 = arith.cmpi ne, %convert_element_type3A_926, %cond3A_927 : i32
      scf.if %cond3A_928 {
        %add3A_947 = arith.constant 1 : i32
        %add3A_948 = arith.addi %add3A_921, %add3A_947 : i32
        %mul3A_949 = arith.constant 96 : i32
        %mul3A_950 = arith.muli %add3A_948, %mul3A_949 : i32
        %add3A_951 = arith.addi %mul3A_770, %mul3A_950 : i32
        %dma_wait3A_952 = tpu.memref_slice %arg3[%add3A_951] : memref<320000xi32, #tpu.memory_space<hbm>> -> memref<96xi32, #tpu.memory_space<hbm>>
        %dma_wait3A_953 = tpu.memref_slice %arg3[%add3A_951] : memref<320000xi32, #tpu.memory_space<hbm>> -> memref<96xi32, #tpu.memory_space<hbm>>
        tpu.wait_dma2 semaphore(%arg22 : memref<!tpu.dma_semaphore, #tpu.memory_space<semaphore_mem>>) src(%dma_wait3A_953 : memref<96xi32, #tpu.memory_space<hbm>>) dst(%arg8 : memref<96xi32, #tpu.memory_space<vmem>>)
        %mul3A_954 = arith.constant 96 : i32
        %mul3A_955 = arith.muli %add3A_948, %mul3A_954 : i32
        %add3A_956 = arith.addi %mul3A_770, %mul3A_955 : i32
        %dma_wait3A_957 = tpu.memref_slice %arg4[%add3A_956] : memref<320000xi32, #tpu.memory_space<hbm>> -> memref<96xi32, #tpu.memory_space<hbm>>
        %dma_wait3A_958 = tpu.memref_slice %arg4[%add3A_956] : memref<320000xi32, #tpu.memory_space<hbm>> -> memref<96xi32, #tpu.memory_space<hbm>>
        tpu.wait_dma2 semaphore(%arg22 : memref<!tpu.dma_semaphore, #tpu.memory_space<semaphore_mem>>) src(%dma_wait3A_958 : memref<96xi32, #tpu.memory_space<hbm>>) dst(%arg12 : memref<96xi32, #tpu.memory_space<vmem>>)
        %dma_start3A_959 = arith.constant 0 : i32
        %dma_start3A_960 = arith.constant 0 : i32
        %dma_start3A_961 = tpu.memref_slice %arg2[%dma_start3A_959, %dma_start3A_960] : memref<10000x128xf32, #tpu.memory_space<hbm>> -> memref<10000x128xf32, #tpu.memory_space<hbm>>
        tpu.enqueue_indirect_dma source(%dma_start3A_961 : memref<10000x128xf32, #tpu.memory_space<hbm>>) target(%arg18 : memref<96x128xf32, #tpu.memory_space<vmem>>) offsets(%arg8 : memref<96xi32, #tpu.memory_space<vmem>>) semaphore(%arg26 : memref<!tpu.dma_semaphore, #tpu.memory_space<semaphore_mem>>)
      } else {
      }
      %ge3A_929 = arith.constant 2 : i32
      %ge3A_930 = arith.cmpi sge, %add3A_921, %ge3A_929 : i32
      %convert_element_type3A_931 = arith.extui %ge3A_930 : i1 to i32
      %cond3A_932 = arith.constant 0 : i32
      %cond3A_933 = arith.cmpi ne, %convert_element_type3A_931, %cond3A_932 : i32
      scf.if %cond3A_933 {
        %dma_wait3A_947 = arith.constant 0 : i32
        %dma_wait3A_948 = arith.constant 0 : i32
        %dma_wait3A_949 = tpu.memref_slice %arg7[%dma_wait3A_947, %dma_wait3A_948] : memref<10000x128xf32, #tpu.memory_space<vmem_shared>> -> memref<10000x128xf32, #tpu.memory_space<vmem_shared>>
        tpu.wait_indirect_dma semaphore(%arg31 : memref<!tpu.dma_semaphore, #tpu.memory_space<semaphore_mem>>) src(%arg19 : memref<96x128xf32, #tpu.memory_space<vmem>>) dst(%dma_wait3A_949 : memref<10000x128xf32, #tpu.memory_space<vmem_shared>>)
      } else {
      }
      %add3A_934 = arith.constant 2 : i32
      %add3A_935 = arith.addi %add3A_921, %add3A_934 : i32
      %lt3A_936 = arith.constant 104 : i32
      %lt3A_937 = arith.cmpi slt, %add3A_935, %lt3A_936 : i32
      %convert_element_type3A_938 = arith.extui %lt3A_937 : i1 to i32
      %cond3A_939 = arith.constant 0 : i32
      %cond3A_940 = arith.cmpi ne, %convert_element_type3A_938, %cond3A_939 : i32
      scf.if %cond3A_940 {
        %add3A_947 = arith.constant 2 : i32
        %add3A_948 = arith.addi %add3A_921, %add3A_947 : i32
        %mul3A_949 = arith.constant 96 : i32
        %mul3A_950 = arith.muli %add3A_948, %mul3A_949 : i32
        %add3A_951 = arith.addi %mul3A_770, %mul3A_950 : i32
        %dma_start3A_952 = tpu.memref_slice %arg3[%add3A_951] : memref<320000xi32, #tpu.memory_space<hbm>> -> memref<96xi32, #tpu.memory_space<hbm>>
        %dma_start3A_953 = tpu.memref_slice %arg3[%add3A_951] : memref<320000xi32, #tpu.memory_space<hbm>> -> memref<96xi32, #tpu.memory_space<hbm>>
        tpu.enqueue_dma source(%dma_start3A_953 : memref<96xi32, #tpu.memory_space<hbm>>) target(%arg9 : memref<96xi32, #tpu.memory_space<vmem>>) target_semaphore(%arg23 : memref<!tpu.dma_semaphore, #tpu.memory_space<semaphore_mem>>)
        %mul3A_954 = arith.constant 96 : i32
        %mul3A_955 = arith.muli %add3A_948, %mul3A_954 : i32
        %add3A_956 = arith.addi %mul3A_770, %mul3A_955 : i32
        %dma_start3A_957 = tpu.memref_slice %arg4[%add3A_956] : memref<320000xi32, #tpu.memory_space<hbm>> -> memref<96xi32, #tpu.memory_space<hbm>>
        %dma_start3A_958 = tpu.memref_slice %arg4[%add3A_956] : memref<320000xi32, #tpu.memory_space<hbm>> -> memref<96xi32, #tpu.memory_space<hbm>>
        tpu.enqueue_dma source(%dma_start3A_958 : memref<96xi32, #tpu.memory_space<hbm>>) target(%arg13 : memref<96xi32, #tpu.memory_space<vmem>>) target_semaphore(%arg23 : memref<!tpu.dma_semaphore, #tpu.memory_space<semaphore_mem>>)
      } else {
      }
      %dma_wait3A_941 = arith.constant 0 : i32
      %dma_wait3A_942 = arith.constant 0 : i32
      %dma_wait3A_943 = tpu.memref_slice %arg2[%dma_wait3A_941, %dma_wait3A_942] : memref<10000x128xf32, #tpu.memory_space<hbm>> -> memref<10000x128xf32, #tpu.memory_space<hbm>>
      tpu.wait_indirect_dma semaphore(%arg29 : memref<!tpu.dma_semaphore, #tpu.memory_space<semaphore_mem>>) src(%dma_wait3A_943 : memref<10000x128xf32, #tpu.memory_space<hbm>>) dst(%arg21 : memref<96x128xf32, #tpu.memory_space<vmem>>)
      %dma_start3A_944 = arith.constant 0 : i32
      %dma_start3A_945 = arith.constant 0 : i32
      %dma_start3A_946 = tpu.memref_slice %arg7[%dma_start3A_944, %dma_start3A_945] : memref<10000x128xf32, #tpu.memory_space<vmem_shared>> -> memref<10000x128xf32, #tpu.memory_space<vmem_shared>>
      tpu.enqueue_indirect_dma source(%arg21 : memref<96x128xf32, #tpu.memory_space<vmem>>) target(%dma_start3A_946 : memref<10000x128xf32, #tpu.memory_space<vmem_shared>>) offsets(%arg15 : memref<96xi32, #tpu.memory_space<vmem>>) semaphore(%arg33 : memref<!tpu.dma_semaphore, #tpu.memory_space<semaphore_mem>>) {add = true}
    }
    %scan3A_806 = arith.constant 26 : i32
    %dma_wait3A_807 = arith.constant 0 : i32
    %dma_wait3A_808 = arith.constant 0 : i32
    %dma_wait3A_809 = tpu.memref_slice %arg7[%dma_wait3A_807, %dma_wait3A_808] : memref<10000x128xf32, #tpu.memory_space<vmem_shared>> -> memref<10000x128xf32, #tpu.memory_space<vmem_shared>>
    tpu.wait_indirect_dma semaphore(%arg32 : memref<!tpu.dma_semaphore, #tpu.memory_space<semaphore_mem>>) src(%arg20 : memref<96x128xf32, #tpu.memory_space<vmem>>) dst(%dma_wait3A_809 : memref<10000x128xf32, #tpu.memory_space<vmem_shared>>)
    %dma_wait3A_810 = arith.constant 0 : i32
    %dma_wait3A_811 = arith.constant 0 : i32
    %dma_wait3A_812 = tpu.memref_slice %arg7[%dma_wait3A_810, %dma_wait3A_811] : memref<10000x128xf32, #tpu.memory_space<vmem_shared>> -> memref<10000x128xf32, #tpu.memory_space<vmem_shared>>
    tpu.wait_indirect_dma semaphore(%arg33 : memref<!tpu.dma_semaphore, #tpu.memory_space<semaphore_mem>>) src(%arg21 : memref<96x128xf32, #tpu.memory_space<vmem>>) dst(%dma_wait3A_812 : memref<10000x128xf32, #tpu.memory_space<vmem_shared>>)
    %add3A_813 = arith.constant 9984 : i32
    %add3A_814 = arith.addi %mul3A_770, %add3A_813 : i32
    "tpu.region"() ({
      %run_scoped3A = tpu.sem_alloc : memref<!tpu.dma_semaphore, #tpu.memory_space<semaphore_mem>>
      %dma_start3A_834 = tpu.memref_slice %arg3[%add3A_814] : memref<320000xi32, #tpu.memory_space<hbm>> -> memref<16xi32, #tpu.memory_space<hbm>>
      %dma_start3A_835 = tpu.memref_slice %arg3[%add3A_814] : memref<320000xi32, #tpu.memory_space<hbm>> -> memref<16xi32, #tpu.memory_space<hbm>>
      tpu.enqueue_dma source(%dma_start3A_835 : memref<16xi32, #tpu.memory_space<hbm>>) target(%arg16 : memref<16xi32, #tpu.memory_space<vmem>>) target_semaphore(%run_scoped3A : memref<!tpu.dma_semaphore, #tpu.memory_space<semaphore_mem>>)
      %dma_wait3A_836 = tpu.memref_slice %arg3[%add3A_814] : memref<320000xi32, #tpu.memory_space<hbm>> -> memref<16xi32, #tpu.memory_space<hbm>>
      %dma_wait3A_837 = tpu.memref_slice %arg3[%add3A_814] : memref<320000xi32, #tpu.memory_space<hbm>> -> memref<16xi32, #tpu.memory_space<hbm>>
      tpu.wait_dma2 semaphore(%run_scoped3A : memref<!tpu.dma_semaphore, #tpu.memory_space<semaphore_mem>>) src(%dma_wait3A_837 : memref<16xi32, #tpu.memory_space<hbm>>) dst(%arg16 : memref<16xi32, #tpu.memory_space<vmem>>)
      tpu.yield
    }) : () -> ()
    "tpu.region"() ({
      %run_scoped3A = tpu.sem_alloc : memref<!tpu.dma_semaphore, #tpu.memory_space<semaphore_mem>>
      %dma_start3A_834 = tpu.memref_slice %arg4[%add3A_814] : memref<320000xi32, #tpu.memory_space<hbm>> -> memref<16xi32, #tpu.memory_space<hbm>>
      %dma_start3A_835 = tpu.memref_slice %arg4[%add3A_814] : memref<320000xi32, #tpu.memory_space<hbm>> -> memref<16xi32, #tpu.memory_space<hbm>>
      tpu.enqueue_dma source(%dma_start3A_835 : memref<16xi32, #tpu.memory_space<hbm>>) target(%arg17 : memref<16xi32, #tpu.memory_space<vmem>>) target_semaphore(%run_scoped3A : memref<!tpu.dma_semaphore, #tpu.memory_space<semaphore_mem>>)
      %dma_wait3A_836 = tpu.memref_slice %arg4[%add3A_814] : memref<320000xi32, #tpu.memory_space<hbm>> -> memref<16xi32, #tpu.memory_space<hbm>>
      %dma_wait3A_837 = tpu.memref_slice %arg4[%add3A_814] : memref<320000xi32, #tpu.memory_space<hbm>> -> memref<16xi32, #tpu.memory_space<hbm>>
      tpu.wait_dma2 semaphore(%run_scoped3A : memref<!tpu.dma_semaphore, #tpu.memory_space<semaphore_mem>>) src(%dma_wait3A_837 : memref<16xi32, #tpu.memory_space<hbm>>) dst(%arg17 : memref<16xi32, #tpu.memory_space<vmem>>)
      tpu.yield
    }) : () -> ()
    %dma_start3A_815 = arith.constant 0 : i32
    %dma_start3A_816 = arith.constant 0 : i32
    %dma_start3A_817 = tpu.memref_slice %arg18[%dma_start3A_815, %dma_start3A_816] : memref<96x128xf32, #tpu.memory_space<vmem>> -> memref<16x128xf32, #tpu.memory_space<vmem>>
    %dma_start3A_818 = arith.constant 0 : i32
    %dma_start3A_819 = arith.constant 0 : i32
    %dma_start3A_820 = tpu.memref_slice %arg2[%dma_start3A_818, %dma_start3A_819] : memref<10000x128xf32, #tpu.memory_space<hbm>> -> memref<10000x128xf32, #tpu.memory_space<hbm>>
    tpu.enqueue_indirect_dma source(%dma_start3A_820 : memref<10000x128xf32, #tpu.memory_space<hbm>>) target(%dma_start3A_817 : memref<16x128xf32, #tpu.memory_space<vmem>>) offsets(%arg16 : memref<16xi32, #tpu.memory_space<vmem>>) semaphore(%arg22 : memref<!tpu.dma_semaphore, #tpu.memory_space<semaphore_mem>>)
    %dma_wait3A_821 = arith.constant 0 : i32
    %dma_wait3A_822 = arith.constant 0 : i32
    %dma_wait3A_823 = tpu.memref_slice %arg18[%dma_wait3A_821, %dma_wait3A_822] : memref<96x128xf32, #tpu.memory_space<vmem>> -> memref<16x128xf32, #tpu.memory_space<vmem>>
    %dma_wait3A_824 = arith.constant 0 : i32
    %dma_wait3A_825 = arith.constant 0 : i32
    %dma_wait3A_826 = tpu.memref_slice %arg2[%dma_wait3A_824, %dma_wait3A_825] : memref<10000x128xf32, #tpu.memory_space<hbm>> -> memref<10000x128xf32, #tpu.memory_space<hbm>>
    tpu.wait_indirect_dma semaphore(%arg22 : memref<!tpu.dma_semaphore, #tpu.memory_space<semaphore_mem>>) src(%dma_wait3A_826 : memref<10000x128xf32, #tpu.memory_space<hbm>>) dst(%dma_wait3A_823 : memref<16x128xf32, #tpu.memory_space<vmem>>)
    "tpu.region"() ({
      %run_scoped3A = tpu.sem_alloc : memref<!tpu.dma_semaphore, #tpu.memory_space<semaphore_mem>>
      %dma_start3A_834 = arith.constant 0 : i32
      %dma_start3A_835 = arith.constant 0 : i32
      %dma_start3A_836 = tpu.memref_slice %arg18[%dma_start3A_834, %dma_start3A_835] : memref<96x128xf32, #tpu.memory_space<vmem>> -> memref<16x128xf32, #tpu.memory_space<vmem>>
      %dma_start3A_837 = arith.constant 0 : i32
      %dma_start3A_838 = arith.constant 0 : i32
      %dma_start3A_839 = tpu.memref_slice %arg7[%dma_start3A_837, %dma_start3A_838] : memref<10000x128xf32, #tpu.memory_space<vmem_shared>> -> memref<10000x128xf32, #tpu.memory_space<vmem_shared>>
      tpu.enqueue_indirect_dma source(%dma_start3A_836 : memref<16x128xf32, #tpu.memory_space<vmem>>) target(%dma_start3A_839 : memref<10000x128xf32, #tpu.memory_space<vmem_shared>>) offsets(%arg17 : memref<16xi32, #tpu.memory_space<vmem>>) semaphore(%run_scoped3A : memref<!tpu.dma_semaphore, #tpu.memory_space<semaphore_mem>>) {add = true}
      %dma_wait3A_840 = arith.constant 0 : i32
      %dma_wait3A_841 = arith.constant 0 : i32
      %dma_wait3A_842 = tpu.memref_slice %arg18[%dma_wait3A_840, %dma_wait3A_841] : memref<96x128xf32, #tpu.memory_space<vmem>> -> memref<16x128xf32, #tpu.memory_space<vmem>>
      %dma_wait3A_843 = arith.constant 0 : i32
      %dma_wait3A_844 = arith.constant 0 : i32
      %dma_wait3A_845 = tpu.memref_slice %arg7[%dma_wait3A_843, %dma_wait3A_844] : memref<10000x128xf32, #tpu.memory_space<vmem_shared>> -> memref<10000x128xf32, #tpu.memory_space<vmem_shared>>
      tpu.wait_indirect_dma semaphore(%run_scoped3A : memref<!tpu.dma_semaphore, #tpu.memory_space<semaphore_mem>>) src(%dma_wait3A_842 : memref<16x128xf32, #tpu.memory_space<vmem>>) dst(%dma_wait3A_845 : memref<10000x128xf32, #tpu.memory_space<vmem_shared>>)
      tpu.yield
    }) : () -> ()
    %barrier3A_827 = arith.constant 0 : index
    tpu.barrier barrier_id(%barrier3A_827)
    %scan3A_828 = arith.constant 0 : i32
    %scan3A_829 = arith.constant 0 : i32
    %scan3A_830 = arith.constant 8 : i32
    %scan3A_831 = arith.addi %scan3A_829, %scan3A_830 : i32
    %scan3A_832 = arith.constant 1 : i32
    scf.for %scan3A_834 = %scan3A_829 to %scan3A_831 step %scan3A_832  : i32 {
      %mul3A_835 = arith.constant 16 : i32
      %mul3A_836 = arith.muli %scan3A_834, %mul3A_835 : i32
      %add3A_837 = arith.addi %arg1, %mul3A_836 : i32
      %lt3A = arith.constant 125 : i32
      %lt3A_838 = arith.cmpi slt, %add3A_837, %lt3A : i32
      %convert_element_type3A = arith.extui %lt3A_838 : i1 to i32
      %cond3A = arith.constant 0 : i32
      %cond3A_839 = arith.cmpi ne, %convert_element_type3A, %cond3A : i32
      scf.if %cond3A_839 {
        %mul3A_840 = arith.constant 80 : i32
        %mul3A_841 = arith.muli %add3A_837, %mul3A_840 : i32
        "tpu.region"() ({
          %run_scoped3A = tpu.sem_alloc : memref<!tpu.dma_semaphore, #tpu.memory_space<semaphore_mem>>
          %dma_start3A_851 = arith.constant 0 : i32
          %dma_start3A_852 = arith.constant 0 : i32
          %dma_start3A_853 = tpu.memref_slice %arg19[%dma_start3A_851, %dma_start3A_852] : memref<96x128xf32, #tpu.memory_space<vmem>> -> memref<80x128xf32, #tpu.memory_space<vmem>>
          %dma_start3A_854 = arith.constant 0 : i32
          %dma_start3A_855 = tpu.memref_slice %arg7[%mul3A_841, %dma_start3A_854] : memref<10000x128xf32, #tpu.memory_space<vmem_shared>> -> memref<80x128xf32, #tpu.memory_space<vmem_shared>>
          %dma_start3A_856 = arith.constant 0 : i32
          %dma_start3A_857 = arith.constant 0 : i32
          %dma_start3A_858 = tpu.memref_slice %arg19[%dma_start3A_856, %dma_start3A_857] : memref<96x128xf32, #tpu.memory_space<vmem>> -> memref<80x128xf32, #tpu.memory_space<vmem>>
          %dma_start3A_859 = arith.constant 0 : i32
          %dma_start3A_860 = tpu.memref_slice %arg7[%mul3A_841, %dma_start3A_859] : memref<10000x128xf32, #tpu.memory_space<vmem_shared>> -> memref<80x128xf32, #tpu.memory_space<vmem_shared>>
          tpu.enqueue_dma source(%dma_start3A_860 : memref<80x128xf32, #tpu.memory_space<vmem_shared>>) target(%dma_start3A_858 : memref<80x128xf32, #tpu.memory_space<vmem>>) target_semaphore(%run_scoped3A : memref<!tpu.dma_semaphore, #tpu.memory_space<semaphore_mem>>)
          %dma_wait3A_861 = arith.constant 0 : i32
          %dma_wait3A_862 = arith.constant 0 : i32
          %dma_wait3A_863 = tpu.memref_slice %arg19[%dma_wait3A_861, %dma_wait3A_862] : memref<96x128xf32, #tpu.memory_space<vmem>> -> memref<80x128xf32, #tpu.memory_space<vmem>>
          %dma_wait3A_864 = arith.constant 0 : i32
          %dma_wait3A_865 = tpu.memref_slice %arg7[%mul3A_841, %dma_wait3A_864] : memref<10000x128xf32, #tpu.memory_space<vmem_shared>> -> memref<80x128xf32, #tpu.memory_space<vmem_shared>>
          %dma_wait3A_866 = arith.constant 0 : i32
          %dma_wait3A_867 = arith.constant 0 : i32
          %dma_wait3A_868 = tpu.memref_slice %arg19[%dma_wait3A_866, %dma_wait3A_867] : memref<96x128xf32, #tpu.memory_space<vmem>> -> memref<80x128xf32, #tpu.memory_space<vmem>>
          %dma_wait3A_869 = arith.constant 0 : i32
          %dma_wait3A_870 = tpu.memref_slice %arg7[%mul3A_841, %dma_wait3A_869] : memref<10000x128xf32, #tpu.memory_space<vmem_shared>> -> memref<80x128xf32, #tpu.memory_space<vmem_shared>>
          tpu.wait_dma2 semaphore(%run_scoped3A : memref<!tpu.dma_semaphore, #tpu.memory_space<semaphore_mem>>) src(%dma_wait3A_870 : memref<80x128xf32, #tpu.memory_space<vmem_shared>>) dst(%dma_wait3A_868 : memref<80x128xf32, #tpu.memory_space<vmem>>)
          tpu.yield
        }) : () -> ()
        %eq3A = arith.constant 0 : i32
        %eq3A_842 = arith.cmpi eq, %arg0, %eq3A : i32
        %convert_element_type3A_843 = arith.extui %eq3A_842 : i1 to i32
        %cond3A_844 = arith.constant 0 : i32
        %cond3A_845 = arith.cmpi ne, %convert_element_type3A_843, %cond3A_844 : i32
        scf.if %cond3A_845 {
          "tpu.region"() ({
            %run_scoped3A = tpu.sem_alloc : memref<!tpu.dma_semaphore, #tpu.memory_space<semaphore_mem>>
            %dma_start3A_851 = arith.constant 0 : i32
            %dma_start3A_852 = arith.constant 0 : i32
            %dma_start3A_853 = tpu.memref_slice %arg19[%dma_start3A_851, %dma_start3A_852] : memref<96x128xf32, #tpu.memory_space<vmem>> -> memref<80x128xf32, #tpu.memory_space<vmem>>
            %dma_start3A_854 = arith.constant 0 : i32
            %dma_start3A_855 = tpu.memref_slice %arg5[%mul3A_841, %dma_start3A_854] : memref<10000x128xf32, #tpu.memory_space<hbm>> -> memref<80x128xf32, #tpu.memory_space<hbm>>
            %dma_start3A_856 = arith.constant 0 : i32
            %dma_start3A_857 = tpu.memref_slice %arg5[%mul3A_841, %dma_start3A_856] : memref<10000x128xf32, #tpu.memory_space<hbm>> -> memref<80x128xf32, #tpu.memory_space<hbm>>
            %dma_start3A_858 = arith.constant 0 : i32
            %dma_start3A_859 = arith.constant 0 : i32
            %dma_start3A_860 = tpu.memref_slice %arg19[%dma_start3A_858, %dma_start3A_859] : memref<96x128xf32, #tpu.memory_space<vmem>> -> memref<80x128xf32, #tpu.memory_space<vmem>>
            tpu.enqueue_dma source(%dma_start3A_860 : memref<80x128xf32, #tpu.memory_space<vmem>>) target(%dma_start3A_857 : memref<80x128xf32, #tpu.memory_space<hbm>>) target_semaphore(%run_scoped3A : memref<!tpu.dma_semaphore, #tpu.memory_space<semaphore_mem>>)
            %dma_wait3A_861 = arith.constant 0 : i32
            %dma_wait3A_862 = arith.constant 0 : i32
            %dma_wait3A_863 = tpu.memref_slice %arg19[%dma_wait3A_861, %dma_wait3A_862] : memref<96x128xf32, #tpu.memory_space<vmem>> -> memref<80x128xf32, #tpu.memory_space<vmem>>
            %dma_wait3A_864 = arith.constant 0 : i32
            %dma_wait3A_865 = tpu.memref_slice %arg5[%mul3A_841, %dma_wait3A_864] : memref<10000x128xf32, #tpu.memory_space<hbm>> -> memref<80x128xf32, #tpu.memory_space<hbm>>
            %dma_wait3A_866 = arith.constant 0 : i32
            %dma_wait3A_867 = tpu.memref_slice %arg5[%mul3A_841, %dma_wait3A_866] : memref<10000x128xf32, #tpu.memory_space<hbm>> -> memref<80x128xf32, #tpu.memory_space<hbm>>
            %dma_wait3A_868 = arith.constant 0 : i32
            %dma_wait3A_869 = arith.constant 0 : i32
            %dma_wait3A_870 = tpu.memref_slice %arg19[%dma_wait3A_868, %dma_wait3A_869] : memref<96x128xf32, #tpu.memory_space<vmem>> -> memref<80x128xf32, #tpu.memory_space<vmem>>
            tpu.wait_dma2 semaphore(%run_scoped3A : memref<!tpu.dma_semaphore, #tpu.memory_space<semaphore_mem>>) src(%dma_wait3A_870 : memref<80x128xf32, #tpu.memory_space<vmem>>) dst(%dma_wait3A_867 : memref<80x128xf32, #tpu.memory_space<hbm>>)
            tpu.yield
          }) : () -> ()
        } else {
        }
        %eq3A_846 = arith.constant 1 : i32
        %eq3A_847 = arith.cmpi eq, %arg0, %eq3A_846 : i32
        %convert_element_type3A_848 = arith.extui %eq3A_847 : i1 to i32
        %cond3A_849 = arith.constant 0 : i32
        %cond3A_850 = arith.cmpi ne, %convert_element_type3A_848, %cond3A_849 : i32
        scf.if %cond3A_850 {
          "tpu.region"() ({
            %run_scoped3A = tpu.sem_alloc : memref<!tpu.dma_semaphore, #tpu.memory_space<semaphore_mem>>
            %dma_start3A_851 = arith.constant 0 : i32
            %dma_start3A_852 = arith.constant 0 : i32
            %dma_start3A_853 = tpu.memref_slice %arg19[%dma_start3A_851, %dma_start3A_852] : memref<96x128xf32, #tpu.memory_space<vmem>> -> memref<80x128xf32, #tpu.memory_space<vmem>>
            %dma_start3A_854 = arith.constant 0 : i32
            %dma_start3A_855 = tpu.memref_slice %arg6[%mul3A_841, %dma_start3A_854] : memref<10000x128xf32, #tpu.memory_space<hbm>> -> memref<80x128xf32, #tpu.memory_space<hbm>>
            %dma_start3A_856 = arith.constant 0 : i32
            %dma_start3A_857 = tpu.memref_slice %arg6[%mul3A_841, %dma_start3A_856] : memref<10000x128xf32, #tpu.memory_space<hbm>> -> memref<80x128xf32, #tpu.memory_space<hbm>>
            %dma_start3A_858 = arith.constant 0 : i32
            %dma_start3A_859 = arith.constant 0 : i32
            %dma_start3A_860 = tpu.memref_slice %arg19[%dma_start3A_858, %dma_start3A_859] : memref<96x128xf32, #tpu.memory_space<vmem>> -> memref<80x128xf32, #tpu.memory_space<vmem>>
            tpu.enqueue_dma source(%dma_start3A_860 : memref<80x128xf32, #tpu.memory_space<vmem>>) target(%dma_start3A_857 : memref<80x128xf32, #tpu.memory_space<hbm>>) target_semaphore(%run_scoped3A : memref<!tpu.dma_semaphore, #tpu.memory_space<semaphore_mem>>)
            %dma_wait3A_861 = arith.constant 0 : i32
            %dma_wait3A_862 = arith.constant 0 : i32
            %dma_wait3A_863 = tpu.memref_slice %arg19[%dma_wait3A_861, %dma_wait3A_862] : memref<96x128xf32, #tpu.memory_space<vmem>> -> memref<80x128xf32, #tpu.memory_space<vmem>>
            %dma_wait3A_864 = arith.constant 0 : i32
            %dma_wait3A_865 = tpu.memref_slice %arg6[%mul3A_841, %dma_wait3A_864] : memref<10000x128xf32, #tpu.memory_space<hbm>> -> memref<80x128xf32, #tpu.memory_space<hbm>>
            %dma_wait3A_866 = arith.constant 0 : i32
            %dma_wait3A_867 = tpu.memref_slice %arg6[%mul3A_841, %dma_wait3A_866] : memref<10000x128xf32, #tpu.memory_space<hbm>> -> memref<80x128xf32, #tpu.memory_space<hbm>>
            %dma_wait3A_868 = arith.constant 0 : i32
            %dma_wait3A_869 = arith.constant 0 : i32
            %dma_wait3A_870 = tpu.memref_slice %arg19[%dma_wait3A_868, %dma_wait3A_869] : memref<96x128xf32, #tpu.memory_space<vmem>> -> memref<80x128xf32, #tpu.memory_space<vmem>>
            tpu.wait_dma2 semaphore(%run_scoped3A : memref<!tpu.dma_semaphore, #tpu.memory_space<semaphore_mem>>) src(%dma_wait3A_870 : memref<80x128xf32, #tpu.memory_space<vmem>>) dst(%dma_wait3A_867 : memref<80x128xf32, #tpu.memory_space<hbm>>)
            tpu.yield
          }) : () -> ()
        } else {
        }
      } else {
      }
    }
    %scan3A_833 = arith.constant 8 : i32
    return
  }
}

module attributes {stable_mosaic.version = 14 : i64} {
  func.func @_prep_body(%arg0: i32, %arg1: memref<1000x128xf32, #tpu.memory_space<vmem>>, %arg2: memref<1000x1xf32, #tpu.memory_space<vmem>>, %arg3: memref<1000x1xf32, #tpu.memory_space<vmem>>, %arg4: memref<1000x128xf32, #tpu.memory_space<vmem>>, %arg5: memref<1000x1xf32, #tpu.memory_space<vmem>>) attributes {dimension_semantics = [#tpu.dimension_semantics<arbitrary>], iteration_bounds = array<i64: 10>, scalar_prefetch = 0 : i64, scratch_operands = 0 : i64, tpu.core_type = #tpu.core_type<tc>, window_params = [{transform_indices = @transform_0, window_bounds = array<i64: 1000, 128>}, {transform_indices = @transform_1, window_bounds = array<i64: 1000, 1>}, {transform_indices = @transform_2, window_bounds = array<i64: 1000, 1>}, {transform_indices = @transform_3, window_bounds = array<i64: 1000, 128>}, {transform_indices = @transform_4, window_bounds = array<i64: 1000, 1>}]} {
    %get3A = arith.constant 0 : index
    %get3A_0 = arith.constant 0 : index
    %get3A_1 = vector.load %arg2[%get3A, %get3A_0] : memref<1000x1xf32, #tpu.memory_space<vmem>>, vector<1000x1xf32>
    %get3A_2 = arith.constant 0 : index
    %get3A_3 = arith.constant 0 : index
    %get3A_4 = vector.load %arg3[%get3A_2, %get3A_3] : memref<1000x1xf32, #tpu.memory_space<vmem>>, vector<1000x1xf32>
    %add3A = arith.addf %get3A_1, %get3A_4 : vector<1000x1xf32>
    %max3A = arith.constant 1.000000e+00 : f32
    %max3A_5 = vector.broadcast %max3A : f32 to vector<1000x1xf32>
    %max3A_6 = arith.maximumf %add3A, %max3A_5 : vector<1000x1xf32>
    %rsqrt3A = math.rsqrt %max3A_6 : vector<1000x1xf32>
    %get3A_7 = arith.constant 0 : index
    %get3A_8 = arith.constant 0 : index
    %get3A_9 = vector.load %arg1[%get3A_7, %get3A_8] : memref<1000x128xf32, #tpu.memory_space<vmem>>, vector<1000x128xf32>
    %mul3A = vector.broadcast %rsqrt3A : vector<1000x1xf32> to vector<1000x128xf32>
    %mul3A_10 = arith.mulf %get3A_9, %mul3A : vector<1000x128xf32>
    %swap3A = arith.constant 0 : index
    %swap3A_11 = arith.constant 0 : index
    %swap3A_12 = vector.load %arg4[%swap3A, %swap3A_11] : memref<1000x128xf32, #tpu.memory_space<vmem>>, vector<1000x128xf32>
    tpu.vector_store %arg4[%swap3A, %swap3A_11], %mul3A_10 {strides = array<i32>} : memref<1000x128xf32, #tpu.memory_space<vmem>>, vector<1000x128xf32>,
    %swap3A_13 = arith.constant 0 : index
    %swap3A_14 = arith.constant 0 : index
    %swap3A_15 = vector.load %arg5[%swap3A_13, %swap3A_14] : memref<1000x1xf32, #tpu.memory_space<vmem>>, vector<1000x1xf32>
    tpu.vector_store %arg5[%swap3A_13, %swap3A_14], %rsqrt3A {strides = array<i32>} : memref<1000x1xf32, #tpu.memory_space<vmem>>, vector<1000x1xf32>,
    return
  }
  func.func @transform_0(%arg0: i32) -> (i32, i32) {
    %c0_i32 = arith.constant 0 : i32
    %c0_i32_0 = arith.constant 0 : i32
    return %arg0, %c0_i32 : i32, i32
  }
  func.func @transform_1(%arg0: i32) -> (i32, i32) {
    %c0_i32 = arith.constant 0 : i32
    %c0_i32_0 = arith.constant 0 : i32
    return %arg0, %c0_i32 : i32, i32
  }
  func.func @transform_2(%arg0: i32) -> (i32, i32) {
    %c0_i32 = arith.constant 0 : i32
    %c0_i32_0 = arith.constant 0 : i32
    return %arg0, %c0_i32 : i32, i32
  }
  func.func @transform_3(%arg0: i32) -> (i32, i32) {
    %c0_i32 = arith.constant 0 : i32
    %c0_i32_0 = arith.constant 0 : i32
    return %arg0, %c0_i32 : i32, i32
  }
  func.func @transform_4(%arg0: i32) -> (i32, i32) {
    %c0_i32 = arith.constant 0 : i32
    %c0_i32_0 = arith.constant 0 : i32
    return %arg0, %c0_i32 : i32, i32
  }
}

module attributes {stable_mosaic.version = 14 : i64} {
  func.func @_l1_body(%arg0: i32, %arg1: memref<1000x128xf32, #tpu.memory_space<vmem>>, %arg2: memref<1000x128xf32, #tpu.memory_space<vmem>>, %arg3: memref<1000x1xf32, #tpu.memory_space<vmem>>, %arg4: memref<1000x1xf32, #tpu.memory_space<vmem>>, %arg5: memref<1000x1xf32, #tpu.memory_space<vmem>>, %arg6: memref<128x256xf32, #tpu.memory_space<vmem>>, %arg7: memref<1x256xf32, #tpu.memory_space<vmem>>, %arg8: memref<1000x128xf32, #tpu.memory_space<vmem>>, %arg9: memref<1000x128xf32, #tpu.memory_space<vmem>>, %arg10: memref<1000x1xf32, #tpu.memory_space<vmem>>) attributes {dimension_semantics = [#tpu.dimension_semantics<arbitrary>], iteration_bounds = array<i64: 10>, scalar_prefetch = 0 : i64, scratch_operands = 0 : i64, tpu.core_type = #tpu.core_type<tc>, window_params = [{transform_indices = @transform_0, window_bounds = array<i64: 1000, 128>}, {transform_indices = @transform_1, window_bounds = array<i64: 1000, 128>}, {transform_indices = @transform_2, window_bounds = array<i64: 1000, 1>}, {transform_indices = @transform_3, window_bounds = array<i64: 1000, 1>}, {transform_indices = @transform_4, window_bounds = array<i64: 1000, 1>}, {pipeline_mode = #tpu.pipeline_mode<synchronous>, transform_indices = @transform_5, window_bounds = array<i64: 128, 256>}, {pipeline_mode = #tpu.pipeline_mode<synchronous>, transform_indices = @transform_6, window_bounds = array<i64: 1, 256>}, {transform_indices = @transform_7, window_bounds = array<i64: 1000, 128>}, {transform_indices = @transform_8, window_bounds = array<i64: 1000, 128>}, {transform_indices = @transform_9, window_bounds = array<i64: 1000, 1>}]} {
    %get3A = arith.constant 0 : index
    %get3A_0 = arith.constant 0 : index
    %get3A_1 = vector.load %arg3[%get3A, %get3A_0] : memref<1000x1xf32, #tpu.memory_space<vmem>>, vector<1000x1xf32>
    %get3A_2 = arith.constant 0 : index
    %get3A_3 = arith.constant 0 : index
    %get3A_4 = vector.load %arg4[%get3A_2, %get3A_3] : memref<1000x1xf32, #tpu.memory_space<vmem>>, vector<1000x1xf32>
    %add3A = arith.addf %get3A_1, %get3A_4 : vector<1000x1xf32>
    %max3A = arith.constant 1.000000e+00 : f32
    %max3A_5 = vector.broadcast %max3A : f32 to vector<1000x1xf32>
    %max3A_6 = arith.maximumf %add3A, %max3A_5 : vector<1000x1xf32>
    %rsqrt3A = math.rsqrt %max3A_6 : vector<1000x1xf32>
    %get3A_7 = arith.constant 0 : index
    %get3A_8 = arith.constant 0 : index
    %get3A_9 = vector.load %arg1[%get3A_7, %get3A_8] : memref<1000x128xf32, #tpu.memory_space<vmem>>, vector<1000x128xf32>
    %get3A_10 = arith.constant 0 : index
    %get3A_11 = arith.constant 0 : index
    %get3A_12 = vector.load %arg2[%get3A_10, %get3A_11] : memref<1000x128xf32, #tpu.memory_space<vmem>>, vector<1000x128xf32>
    %add3A_13 = arith.addf %get3A_9, %get3A_12 : vector<1000x128xf32>
    %mul3A = vector.broadcast %rsqrt3A : vector<1000x1xf32> to vector<1000x128xf32>
    %mul3A_14 = arith.mulf %add3A_13, %mul3A : vector<1000x128xf32>
    %get3A_15 = arith.constant 0 : index
    %get3A_16 = arith.constant 0 : index
    %get3A_17 = vector.load %arg6[%get3A_15, %get3A_16] : memref<128x256xf32, #tpu.memory_space<vmem>>, vector<128x256xf32>
    %dot_general3A = arith.constant dense<0.000000e+00> : vector<1000x256xf32>
    %dot_general3A_18 = tpu.matmul %mul3A_14, %get3A_17, %dot_general3A {dimension_numbers = #tpu.dot_dimension_numbers<[1], [0], [0], [1], [0, 0, 1, 1], [], []>, transpose_lhs_hint = false} : vector<1000x128xf32>, vector<128x256xf32>, vector<1000x256xf32> -> vector<1000x256xf32>
    %get3A_19 = arith.constant 0 : index
    %get3A_20 = arith.constant 0 : index
    %get3A_21 = vector.load %arg7[%get3A_19, %get3A_20] : memref<1x256xf32, #tpu.memory_space<vmem>>, vector<1x256xf32>
    %add3A_22 = vector.broadcast %get3A_21 : vector<1x256xf32> to vector<1000x256xf32>
    %add3A_23 = arith.addf %dot_general3A_18, %add3A_22 : vector<1000x256xf32>
    %max3A_24 = arith.constant 0.000000e+00 : f32
    %max3A_25 = vector.broadcast %max3A_24 : f32 to vector<1000x256xf32>
    %max3A_26 = arith.maximumf %add3A_23, %max3A_25 : vector<1000x256xf32>
    %get3A_27 = arith.constant 0 : index
    %get3A_28 = arith.constant 0 : index
    %get3A_29 = vector.load %arg5[%get3A_27, %get3A_28] : memref<1000x1xf32, #tpu.memory_space<vmem>>, vector<1000x1xf32>
    %mul3A_30 = vector.broadcast %get3A_29 : vector<1000x1xf32> to vector<1000x256xf32>
    %mul3A_31 = arith.mulf %max3A_26, %mul3A_30 : vector<1000x256xf32>
    %slice3A = vector.extract_strided_slice %mul3A_31 {offsets = [0, 0], sizes = [1000, 128], strides = [1, 1]} : vector<1000x256xf32> to vector<1000x128xf32>
    %swap3A = arith.constant 0 : index
    %swap3A_32 = arith.constant 0 : index
    %swap3A_33 = vector.load %arg8[%swap3A, %swap3A_32] : memref<1000x128xf32, #tpu.memory_space<vmem>>, vector<1000x128xf32>
    tpu.vector_store %arg8[%swap3A, %swap3A_32], %slice3A {strides = array<i32>} : memref<1000x128xf32, #tpu.memory_space<vmem>>, vector<1000x128xf32>,
    %slice3A_34 = vector.extract_strided_slice %mul3A_31 {offsets = [0, 128], sizes = [1000, 128], strides = [1, 1]} : vector<1000x256xf32> to vector<1000x128xf32>
    %swap3A_35 = arith.constant 0 : index
    %swap3A_36 = arith.constant 0 : index
    %swap3A_37 = vector.load %arg9[%swap3A_35, %swap3A_36] : memref<1000x128xf32, #tpu.memory_space<vmem>>, vector<1000x128xf32>
    tpu.vector_store %arg9[%swap3A_35, %swap3A_36], %slice3A_34 {strides = array<i32>} : memref<1000x128xf32, #tpu.memory_space<vmem>>, vector<1000x128xf32>,
    %swap3A_38 = arith.constant 0 : index
    %swap3A_39 = arith.constant 0 : index
    %swap3A_40 = vector.load %arg10[%swap3A_38, %swap3A_39] : memref<1000x1xf32, #tpu.memory_space<vmem>>, vector<1000x1xf32>
    tpu.vector_store %arg10[%swap3A_38, %swap3A_39], %rsqrt3A {strides = array<i32>} : memref<1000x1xf32, #tpu.memory_space<vmem>>, vector<1000x1xf32>,
    return
  }
  func.func @transform_0(%arg0: i32) -> (i32, i32) {
    %c0_i32 = arith.constant 0 : i32
    %c0_i32_0 = arith.constant 0 : i32
    return %arg0, %c0_i32 : i32, i32
  }
  func.func @transform_1(%arg0: i32) -> (i32, i32) {
    %c0_i32 = arith.constant 0 : i32
    %c0_i32_0 = arith.constant 0 : i32
    return %arg0, %c0_i32 : i32, i32
  }
  func.func @transform_2(%arg0: i32) -> (i32, i32) {
    %c0_i32 = arith.constant 0 : i32
    %c0_i32_0 = arith.constant 0 : i32
    return %arg0, %c0_i32 : i32, i32
  }
  func.func @transform_3(%arg0: i32) -> (i32, i32) {
    %c0_i32 = arith.constant 0 : i32
    %c0_i32_0 = arith.constant 0 : i32
    return %arg0, %c0_i32 : i32, i32
  }
  func.func @transform_4(%arg0: i32) -> (i32, i32) {
    %c0_i32 = arith.constant 0 : i32
    %c0_i32_0 = arith.constant 0 : i32
    return %arg0, %c0_i32 : i32, i32
  }
  func.func @transform_5(%arg0: i32) -> (i32, i32) {
    %c0_i32 = arith.constant 0 : i32
    %c0_i32_0 = arith.constant 0 : i32
    %c0_i32_1 = arith.constant 0 : i32
    return %c0_i32, %c0_i32_0 : i32, i32
  }
  func.func @transform_6(%arg0: i32) -> (i32, i32) {
    %c0_i32 = arith.constant 0 : i32
    %c0_i32_0 = arith.constant 0 : i32
    %c0_i32_1 = arith.constant 0 : i32
    return %c0_i32, %c0_i32_0 : i32, i32
  }
  func.func @transform_7(%arg0: i32) -> (i32, i32) {
    %c0_i32 = arith.constant 0 : i32
    %c0_i32_0 = arith.constant 0 : i32
    return %arg0, %c0_i32 : i32, i32
  }
  func.func @transform_8(%arg0: i32) -> (i32, i32) {
    %c0_i32 = arith.constant 0 : i32
    %c0_i32_0 = arith.constant 0 : i32
    return %arg0, %c0_i32 : i32, i32
  }
  func.func @transform_9(%arg0: i32) -> (i32, i32) {
    %c0_i32 = arith.constant 0 : i32
    %c0_i32_0 = arith.constant 0 : i32
    return %arg0, %c0_i32 : i32, i32
  }
}

module attributes {stable_mosaic.version = 14 : i64} {
  func.func @_l2_body(%arg0: i32, %arg1: memref<1000x128xf32, #tpu.memory_space<vmem>>, %arg2: memref<1000x128xf32, #tpu.memory_space<vmem>>, %arg3: memref<1000x1xf32, #tpu.memory_space<vmem>>, %arg4: memref<256x256xf32, #tpu.memory_space<vmem>>, %arg5: memref<1x256xf32, #tpu.memory_space<vmem>>, %arg6: memref<1000x256xf32, #tpu.memory_space<vmem>>) attributes {dimension_semantics = [#tpu.dimension_semantics<arbitrary>], iteration_bounds = array<i64: 10>, scalar_prefetch = 0 : i64, scratch_operands = 0 : i64, tpu.core_type = #tpu.core_type<tc>, window_params = [{transform_indices = @transform_0, window_bounds = array<i64: 1000, 128>}, {transform_indices = @transform_1, window_bounds = array<i64: 1000, 128>}, {transform_indices = @transform_2, window_bounds = array<i64: 1000, 1>}, {pipeline_mode = #tpu.pipeline_mode<synchronous>, transform_indices = @transform_3, window_bounds = array<i64: 256, 256>}, {pipeline_mode = #tpu.pipeline_mode<synchronous>, transform_indices = @transform_4, window_bounds = array<i64: 1, 256>}, {transform_indices = @transform_5, window_bounds = array<i64: 1000, 256>}]} {
    %get3A = arith.constant 0 : index
    %get3A_0 = arith.constant 0 : index
    %get3A_1 = vector.load %arg1[%get3A, %get3A_0] : memref<1000x128xf32, #tpu.memory_space<vmem>>, vector<1000x128xf32>
    %get3A_2 = arith.constant 0 : index
    %get3A_3 = arith.constant 0 : index
    %get3A_4 = vector.load %arg2[%get3A_2, %get3A_3] : memref<1000x128xf32, #tpu.memory_space<vmem>>, vector<1000x128xf32>
    %concatenate3A = tpu.concatenate %get3A_1, %get3A_4 in 1 : vector<1000x128xf32>, vector<1000x128xf32> -> vector<1000x256xf32>
    %get3A_5 = arith.constant 0 : index
    %get3A_6 = arith.constant 0 : index
    %get3A_7 = vector.load %arg3[%get3A_5, %get3A_6] : memref<1000x1xf32, #tpu.memory_space<vmem>>, vector<1000x1xf32>
    %mul3A = vector.broadcast %get3A_7 : vector<1000x1xf32> to vector<1000x256xf32>
    %mul3A_8 = arith.mulf %concatenate3A, %mul3A : vector<1000x256xf32>
    %get3A_9 = arith.constant 0 : index
    %get3A_10 = arith.constant 0 : index
    %get3A_11 = vector.load %arg4[%get3A_9, %get3A_10] : memref<256x256xf32, #tpu.memory_space<vmem>>, vector<256x256xf32>
    %dot_general3A = arith.constant dense<0.000000e+00> : vector<1000x256xf32>
    %dot_general3A_12 = tpu.matmul %mul3A_8, %get3A_11, %dot_general3A {dimension_numbers = #tpu.dot_dimension_numbers<[1], [0], [0], [1], [0, 0, 1, 1], [], []>, transpose_lhs_hint = false} : vector<1000x256xf32>, vector<256x256xf32>, vector<1000x256xf32> -> vector<1000x256xf32>
    %get3A_13 = arith.constant 0 : index
    %get3A_14 = arith.constant 0 : index
    %get3A_15 = vector.load %arg5[%get3A_13, %get3A_14] : memref<1x256xf32, #tpu.memory_space<vmem>>, vector<1x256xf32>
    %add3A = vector.broadcast %get3A_15 : vector<1x256xf32> to vector<1000x256xf32>
    %add3A_16 = arith.addf %dot_general3A_12, %add3A : vector<1000x256xf32>
    %swap3A = arith.constant 0 : index
    %swap3A_17 = arith.constant 0 : index
    %swap3A_18 = vector.load %arg6[%swap3A, %swap3A_17] : memref<1000x256xf32, #tpu.memory_space<vmem>>, vector<1000x256xf32>
    tpu.vector_store %arg6[%swap3A, %swap3A_17], %add3A_16 {strides = array<i32>} : memref<1000x256xf32, #tpu.memory_space<vmem>>, vector<1000x256xf32>,
    return
  }
  func.func @transform_0(%arg0: i32) -> (i32, i32) {
    %c0_i32 = arith.constant 0 : i32
    %c0_i32_0 = arith.constant 0 : i32
    return %arg0, %c0_i32 : i32, i32
  }
  func.func @transform_1(%arg0: i32) -> (i32, i32) {
    %c0_i32 = arith.constant 0 : i32
    %c0_i32_0 = arith.constant 0 : i32
    return %arg0, %c0_i32 : i32, i32
  }
  func.func @transform_2(%arg0: i32) -> (i32, i32) {
    %c0_i32 = arith.constant 0 : i32
    %c0_i32_0 = arith.constant 0 : i32
    return %arg0, %c0_i32 : i32, i32
  }
  func.func @transform_3(%arg0: i32) -> (i32, i32) {
    %c0_i32 = arith.constant 0 : i32
    %c0_i32_0 = arith.constant 0 : i32
    %c0_i32_1 = arith.constant 0 : i32
    return %c0_i32, %c0_i32_0 : i32, i32
  }
  func.func @transform_4(%arg0: i32) -> (i32, i32) {
    %c0_i32 = arith.constant 0 : i32
    %c0_i32_0 = arith.constant 0 : i32
    %c0_i32_1 = arith.constant 0 : i32
    return %c0_i32, %c0_i32_0 : i32, i32
  }
  func.func @transform_5(%arg0: i32) -> (i32, i32) {
    %c0_i32 = arith.constant 0 : i32
    %c0_i32_0 = arith.constant 0 : i32
    return %arg0, %c0_i32 : i32, i32
  }
}

</mosaic_0001>

<sc_bundles>
// kernel: kernel.11.cloned.1.call-start
scs
__scs_entry_jumppad:
0x0: {  	(pc) =	sbr.rel $0x88, $3  }
0x1: {  	(tag) =	ssettag $0x0;
	lr =	simm.s32 $0x1  }
0x2: {  	[smem:$0x3F9B] =	sst lr;
	_ =	strace $0xD0000000  }
0x3: {  	_ = 	snop  }
0x4: {  	_ = 	snop  }
0x5: {  	_ = 	snop  }
0x6: {  	_ = 	snop  }
0x7: {  	_ = 	snop  }
__scs_overlays_trampoline_lowered:
0x8: {  	[smem:$0x3FAA] =	sst s0  }
0x9: {  	[smem:$0x3FAB] =	sst s1  }
0xa: {  	[smem:$0x3FAC] =	sst s2  }
0xb: {  	[smem:$0x3FAD] =	sst s3  }
0xc: {  	[smem:$0x3FAE] =	sst s4  }
0xd: {  	[smem:$0x3FAF] =	sst s5  }
0xe: {  	[smem:$0x3FB0] =	sst s6  }
0xf: {  	[smem:$0x3FB1] =	sst s7  }
0x10: {  	[smem:$0x3FB2] =	sst s8  }
0x11: {  	[smem:$0x3FB3] =	sst s9;
	s0 =	simm.s32 @!p0 $0x0  }
0x12: {  	s1 =	sld [smem:$0x3F99];
	s0 =	simm.s32 @p0 $0x1  }
0x13: {  	[smem:$0x3FB4] =	sst s0;
	s0 =	simm.s32 @!p1 $0x0  }
0x14: {  	s2 =	sld [smem:$0x3F98];
	s0 =	simm.s32 @p1 $0x1  }
0x15: {  	[smem:$0x3FB5] =	sst s0;
	s0 =	simm.s32 @!p2 $0x0  }
0x16: {  	s3 =	sld [smem:$0x3FDB];
	s0 =	simm.s32 @p2 $0x1  }
0x17: {  	s4 =	simm.s32 $0x1BF5;
	[smem:$0x3FB7] =	sst s0  }
0x18: {  	s0 =	sld [smem:$0x3F9A];
	_ =	swait.ge [sflag:s4], $0x0  }
0x19: {  	s7 =	sld [smem:$0x3F9B]  }
0x1a: {  	s8 =	sadd.s32 $0xFFFFE003, lr  }
0x1b: {  	s9 =	sadd.s32 $0xFFFFFEF7, lr;
	s5 =	simm.s32 $0xFFFFFFFF;
	p2 =	slt.u32 s8, $0xFFFFF086  }
0x1c: {  	p1 =	slt.u32 s9, $0xF7A;
	s5 =	simm.s32 @!p2 $0x0  }
0x1d: {  	s5 =	simm.s32 @p1 $0x1;
	p0 =	seq.s32 s7, s2  }
0x1e: {  	s7 =	smul.u32 @!p0 $0xF7A, s2;
	p2 =	seq.s32 @!p0 s5, $0x0  }
0x1f: {  	s9 =	smul.u32 $0xF7A, s1;
	s8 =	simm.s32 @!p0 $0x1BF5;
	p2 =	por !p2, p0  }
0x20: {  	[sflag:s8] =	ssyncset.s32 @!p0 $0xFFFFF086;
	s6 =	sadd.s32 @!p0 s3, s7;
	s7 =	simm.s32 @!p0 $0x108  }
0x21: {  	s3 =	sadd.s32 s3, s9;
	s6 =	sadd.s32 @!p0 $0x88, s6;
	s7 =	simm.s32 @p2 $0x1082  }
0x22: {  	[simem:s7], [sflag:s8] =	dma.local @!p0 [hbm:s6], $0xF7A  }
0x23: {  	s9 =	sor.u32 $0xD0000000, s2;
	s6 =	simm.s32 $0x108;
	_ =	swait.ge @!p0 [sflag:s8], $0x0  }
0x24: {  	s3 =	sadd.s32 $0x88, s3;
	s6 =	simm.s32 @!p1 $0x1082;
	[sflag:s4] =	ssyncset.s32 $0xFFFFF086  }
0x25: {  	[simem:s6], [sflag:s4] =	dma.local [hbm:s3], $0xF7A  }
0x26: {  	[smem:$0x3F9B] =	sst s1;
	(tag) =	ssettag s2;
	_ =	strace s9  }
0x27: {  	s1 =	sld [smem:$0x3FAB]  }
0x28: {  	s2 =	sld [smem:$0x3FAC]  }
0x29: {  	s4 =	sld [smem:$0x3FAE]  }
0x2a: {  	p0 =	seq.s32 s5, $0x0;
	s5 =	sld [smem:$0x3FAF]  }
0x2b: {  	s6 =	sld [smem:$0x3FB0]  }
0x2c: {  	s7 =	sld [smem:$0x3FB1]  }
0x2d: {  	s3 =	simm.s32 $0x108;
	s8 =	sld [smem:$0x3FB2]  }
0x2e: {  	s3 =	simm.s32 @!p0 $0x1082;
	s9 =	sld [smem:$0x3FB3]  }
0x2f: {  	lr =	sadd.s32 s0, s3;
	s0 =	sld [smem:$0x3FAA]  }
0x30: {  	s3 =	sld [smem:$0x3FAD]  }
0x31: {  	[smem:$0x3FB6] =	sst s10  }
0x32: {  	s10 =	sld [smem:$0x3FB4];
	_ =	sdelay $0x3  }
0x33: {  	p0 =	seq.s32 s10, $0x1;
	s10 =	sld [smem:$0x3FB6];
	_ =	sdelay $0x3  }
0x34: {  	[smem:$0x3FB6] =	sst s10  }
0x35: {  	s10 =	sld [smem:$0x3FB5];
	_ =	sdelay $0x3  }
0x36: {  	p1 =	seq.s32 s10, $0x1;
	s10 =	sld [smem:$0x3FB6];
	_ =	sdelay $0x3  }
0x37: {  	[smem:$0x3FB6] =	sst s10  }
0x38: {  	s10 =	sld [smem:$0x3FB7]  }
0x39: {  	_ = 	snop;
	(pc) =	sbr.ind lr, $3  }
0x3a: {  	_ = 	snop  }
0x3b: {  	_ = 	snop  }
0x3c: {  	p2 =	seq.s32 s10, $0x1;
	s10 =	sld [smem:$0x3FB6]  }
0x3d: {  	_ =	shalt  }
0x3e: {  	_ =	shalt  }
0x3f: {  	_ =	shalt  }
0x40: {  	_ =	shalt  }
0x41: {  	_ =	shalt  }
0x42: {  	_ =	shalt  }
0x43: {  	_ =	shalt  }
0x44: {  	_ =	shalt  }
0x45: {  	_ =	shalt  }
0x46: {  	_ =	shalt  }
0x47: {  	_ =	shalt  }
0x48: {  	_ =	shalt  }
0x49: {  	_ =	shalt  }
0x4a: {  	_ =	shalt  }
0x4b: {  	_ =	shalt  }
0x4c: {  	_ =	shalt  }
0x4d: {  	_ =	shalt  }
0x4e: {  	_ =	shalt  }
0x4f: {  	_ =	shalt  }
0x50: {  	_ =	shalt  }
0x51: {  	_ =	shalt  }
0x52: {  	_ =	shalt  }
0x53: {  	_ =	shalt  }
0x54: {  	_ =	shalt  }
0x55: {  	_ =	shalt  }
0x56: {  	_ =	shalt  }
0x57: {  	_ =	shalt  }
0x58: {  	_ =	shalt  }
0x59: {  	_ =	shalt  }
0x5a: {  	_ =	shalt  }
0x5b: {  	_ =	shalt  }
0x5c: {  	_ =	shalt  }
0x5d: {  	_ =	shalt  }
0x5e: {  	_ =	shalt  }
0x5f: {  	_ =	shalt  }
0x60: {  	_ =	shalt  }
0x61: {  	_ =	shalt  }
0x62: {  	_ =	shalt  }
0x63: {  	_ =	shalt  }
0x64: {  	_ =	shalt  }
0x65: {  	_ =	shalt  }
0x66: {  	_ =	shalt  }
0x67: {  	_ =	shalt  }
0x68: {  	_ =	shalt  }
0x69: {  	_ =	shalt  }
0x6a: {  	_ =	shalt  }
0x6b: {  	_ =	shalt  }
0x6c: {  	_ =	shalt  }
0x6d: {  	_ =	shalt  }
0x6e: {  	_ =	shalt  }
0x6f: {  	_ =	shalt  }
0x70: {  	_ =	shalt  }
0x71: {  	_ =	shalt  }
0x72: {  	_ =	shalt  }
0x73: {  	_ =	shalt  }
0x74: {  	_ =	shalt  }
0x75: {  	_ =	shalt  }
0x76: {  	_ =	shalt  }
0x77: {  	_ =	shalt  }
0x78: {  	_ =	shalt  }
0x79: {  	_ =	shalt  }
0x7a: {  	_ =	shalt  }
0x7b: {  	_ =	shalt  }
0x7c: {  	_ =	shalt  }
0x7d: {  	_ =	shalt  }
0x7e: {  	_ =	shalt  }
0x7f: {  	_ =	shalt  }
0x80: {  	_ =	shalt  }
0x81: {  	_ =	shalt  }
0x82: {  	_ =	shalt  }
0x83: {  	_ =	shalt  }
0x84: {  	_ =	shalt  }
0x85: {  	_ =	shalt  }
0x86: {  	_ =	shalt  }
0x87: {  	_ =	shalt  }
.Lfunc_end0:
.L_simem_size_0:
called_computation.1_lowered:
.L_overlay_start_0:
0x88: {  	s2 =	sld [smem:$0x3FD9]  }
0x89: {  	s3 =	sld [smem:$0x3FFE];
	_ =	sdelay $0x1  }
0x8a: {  	s1 =	srdreg.scid  }
0x8b: {  	s0 =	sand.u32 $0x1, s1  }
0x8c: {  	s17 =	sshll.u32 s0, $0xA;
	s2 =	sadd.s32 s3, s2  }
0x8d: {  	s2 =	sadd.s32 s2, s17  }
0x8e: {  	[smem:$0x3FC2] =	sst s2  }
0x8f: {  	_ = 	snop  }
0x90: {  	s2 =	sld [smem:$0x3FD0];
	(tm) =	ssettm $0x1  }
0x91: {  	s18 =	sld [smem:$0x3FFB];
	_ =	sdelay $0x3  }
0x92: {  	_ =	strace s18  }
0x93: {  	s3 =	sld [smem:$0x3FFC];
	_ =	sdelay $0x3  }
0x94: {  	_ =	strace s3  }
0x95: {  	s3 =	sld [smem:$0x3FFD];
	_ =	sdelay $0x3  }
0x96: {  	_ =	strace s3  }
0x97: {  	_ =	strace $0x8FFFFFFF  }
0x98: {  	s19 =	sld [smem:$0x3FDB];
	_ =	sdelay $0x1  }
0x99: {  	s4 =	simm.s32 $_scs_section_size  }
0x9a: {  	s5 =	simm.s32 $_size__tile_overlayer_lowered;
	s6 =	simm.s32 $_tile_overlayer_lowered  }
0x9b: {  	s22 =	simm.s32 $0x1BFF;
	s21 =	sshll.u32 s6, $0x1;
	s3 =	sadd.s32 s4, s19  }
0x9c: {  	s7 =	simm.s32 $0x0;
	s20 =	sshll.u32 s5, $0x1;
	s5 =	sadd.s32 s21, s3  }
0x9d: {  	[timem:s7], [sflag:s22] =	dma.local [hbm:s5], s20  }
0x9e: {  	_ =	swait.ge [sflag:s22], s20  }
0x9f: {  	s4 =	ssub.s32 $0x0, s20;
	[sflag:s22] =	ssyncset.done $0x0  }
0xa0: {  	[sflag:s22] =	ssyncadd.s32 s4;
	_ =	sdelay $0x1  }
0xa1: {  	s23 =	simm.s32 $0x1B8B  }
0xa2: {  	_ =	swait.ge [sflag:s23], $0x1  }
0xa3: {  	[sflag:s23] =	ssyncset.done $0x0  }
0xa4: {  	s25 =	simm.s32 $0x1B8E;
	s24 =	sld [smem:$0x3FFE];
	[sflag:s23] =	ssyncadd.s32 $0xFFFFFFFF  }
0xa5: {  	s26 =	simm.s32 $execute0_lowered;
	[smem:$0x3FD2] =	sst s25  }
0xa6: {  	s5 =	sshll.u32 s26, $0x1;
	_ =	strace $0x80000049;
	[dreg:$0x1] =	wrdreg $0xFFFFFFFF  }
0xa7: {  	s28 =	simm.s32 $_size_execute0_lowered;
	s3 =	sadd.s32 s3, s5;
	[dreg:$0x0] =	wrdreg $0x0  }
0xa8: {  	s5 =	sshll.u32 s28, $0x1;
	[dreg:$0x2] =	wrdreg s3  }
0xa9: {  	[dreg:$0x3] =	wrdreg s5  }
0xaa: {  	[dreg:$0x4] =	wrdreg $0xC0  }
0xab: {  	_ =	task [dreg:s7], $0x5FFFF  }
0xac: {  	[dreg:$0x1] =	wrdreg $0xFFFFFFFF  }
0xad: {  	[dreg:$0x0] =	wrdreg $0x60  }
0xae: {  	[dreg:$0x2] =	wrdreg s2  }
0xaf: {  	[dreg:$0x3] =	wrdreg s24  }
0xb0: {  	[dreg:$0x4] =	wrdreg $0x0  }
0xb1: {  	[dreg:$0x5] =	wrdreg $0x9  }
0xb2: {  	_ =	task.clear_ibuf [dreg:s7], $0x6FFFF;
	_ =	strace $0x90000049  }
0xb3: {  	s29 =	simm.s32 $0x9;
	_ =	strace $0x8000004B  }
0xb4: {  	_ =	swait.ge [sflag:s29], $0x1  }
0xb5: {  	[sflag:s29] =	ssyncadd.s32 $0xFFFFFFFF  }
0xb6: {  	_ =	strace $0x9000004B  }
0xb7: {  	_ =	sfence  }
0xb8: {  	s30 =	sld [smem:$0x0];
	_ =	sdelay $0x2  }
0xb9: {  	s31 =	sshll.u32 s1, $0xD;
	s1 =	sshrl.u32 s1, $0x2  }
0xba: {  	s3 =	sand.u32 $0x4000, s31;
	s1 =	sadd.s32 s1, s30  }
0xbb: {  	s0 =	sor.u32 s3, s0;
	s1 =	sshll.u32 s1, $0x11  }
0xbc: {  	s0 =	sor.u32 s1, s0  }
0xbd: {  	s0 =	sadd.s32 $0x8F2B, s0  }
0xbe: {  	[sflag:s0] =	ssyncadd.remote.s32 $0x1  }
0xbf: {  	_ =	sfence.sel $0xFFFF  }
0xc0: {  	[dreg:$0x0] =	wrdreg $0xFFFFFFFF;
	(pc) =	sbr.abs _section_cstart, $3  }
0xc1: {  	[dreg:$0x1] =	wrdreg $0xFFFFFFFF  }
0xc2: {  	_ =	task.clear_ibuf [dreg:s7], $0x2FFFF;
	_ =	strace $0x9FFFFFFF  }
0xc3: {  	(tm) =	ssettm $0x7FFFFFFF  }
tec
execute0_lowered:
.L_overlay_start_1:
0x0: {  	(tag) =	ssettag $0x1  }
0x1: {  	s1 =	rddreg [dreg:$0x0]  }
0x2: {  	s0 =	rddreg [dreg:$0x1]  }
0x3: {  	s2 =	rddreg [dreg:$0x2];
	s3 =	srdreg.scid;
	s4 =	simm.s32 $0x0  }
0x4: {  	s29 =	simm.s32 $0x13880;
	s30 =	simm.s32 $0x1;
	s9 =	sand.u32 $0x1, s3  }
0x5: {  	[smem:$0x7FF] =	sst s4;
	s3 =	stileid.u32;
	s6 =	sadd.s32 $0x3800, s0  }
0x6: {  	s11 =	sadd.s32 $0x3F800, s0;
	s5 =	sshll.u32 s9, $0x4;
	s12 =	smul.u32 $0x500, s3  }
0x7: {  	s13 =	ssub.s32 $0x2, s9;
	p0 =	seq.s32 s9, $0x1;
	s9 =	smul.u32 $0x27100, s9  }
0x8: {  	_ =	strace $0x8000004A;
	s8 =	sor.u32 $0x20, s3;
	s23 =	smul.u32 $0x2710, s3  }
0x9: {  	s7 =	sor.u32 s3, s5;
	s5 =	sadd.s32 $0xD600, s0;
	s16 =	smul.u32 $0x500, s8  }
0xa: {  	s0 =	sadd.s32 $0x66A00, s0;
	s15 =	sshrl.u32 s13, $0x1;
	s8 =	smul.u32 $0xA000, s8  }
0xb: {  	s10 =	smul.u32 $0x2710, s7;
	s7 =	sor.u32 $0x10, s3;
	s13 =	ssub.s32 s13, s15  }
0xc: {  	s11 =	smov.u32 @p0 s0;
	s15 =	sor.u32 $0x30, s3;
	s0 =	sadd.s32 s23, s9  }
0xd: {  	s9 =	sor.u32 $0x40, s3;
	s14 =	smul.u32 $0x500, s7;
	s12 =	sadd.s32 s11, s12  }
0xe: {  	s24 =	smul.u32 $0x500, s15;
	s25 =	sadd.s32 s11, s16;
	s28 =	sadd.s32 $0x1E0, s0  }
0xf: {  	s31 =	smul.u32 $0x500, s9;
	s19 =	sadd.s32 $0x120, s0;
	[dreg:$0xc] =	wrdreg s12  }
0x10: {  	s22 =	sadd.s32 $0xC0, s0;
	s0 =	sadd.s32 $0x180, s0;
	[dreg:$0xe] =	wrdreg s25  }
0x11: {  	s12 =	sshrl.u32 s28, $0x3;
	s28 =	simm.s32 $0x13B80;
	[smem:$0x7FD] =	sst s0  }
0x12: {  	s16 =	sor.u32 $0x50, s3;
	s14 =	sadd.s32 s11, s14;
	[dreg:$0xa] =	wrdreg s28  }
0x13: {  	s7 =	smul.u32 $0xA000, s7;
	s26 =	sadd.s32 s11, s24;
	[dreg:$0xd] =	wrdreg s14  }
0x14: {  	s10 =	sshrl.u32 s10, $0x3;
	s18 =	sadd.s32 s12, s6;
	[dreg:$0xf] =	wrdreg s26  }
0x15: {  	s20 =	sshrl.u32 s19, $0x3;
	s12 =	sadd.s32 s12, s5;
	[dreg:$0x4] =	wrdreg s18  }
0x16: {  	s17 =	smul.u32 $0x500, s16;
	s21 =	sadd.s32 s20, s6;
	[dreg:$0x5] =	wrdreg s12  }
0x17: {  	s23 =	sadd.s32 s20, s5;
	s24 =	sshrl.u32 s22, $0x3;
	[dreg:$0x6] =	wrdreg s21  }
0x18: {  	s19 =	sor.u32 $0x60, s3;
	[dreg:$0x7] =	wrdreg s23;
	s25 =	sadd.s32 s24, s6  }
0x19: {  	s20 =	smul.u32 $0x500, s19;
	s26 =	sadd.s32 s24, s5;
	[dreg:$0x8] =	wrdreg s25  }
0x1a: {  	s22 =	sadd.s32 $0xC, s10;
	s14 =	sadd.s32 s11, s31;
	[dreg:$0x9] =	wrdreg s26  }
0x1b: {  	s7 =	sshrl.u32 s7, $0x2;
	s17 =	sadd.s32 s11, s17;
	[dreg:$0x10] =	wrdreg s14  }
0x1c: {  	s18 =	sor.u32 $0x70, s3;
	s21 =	simm.s32 $0x19D80;
	[dreg:$0x11] =	wrdreg s17  }
0x1d: {  	s23 =	sadd.s32 s5, s22;
	s24 =	sadd.s32 s5, s10;
	[dreg:$0xb] =	wrdreg s21  }
0x1e: {  	s7 =	sadd.s32 s7, s2;
	s31 =	smul.u32 $0x500, s18;
	[dreg:$0x14] =	wrdreg s23  }
0x1f: {  	s20 =	sadd.s32 s11, s20;
	[dreg:$0x16] =	wrdreg s24;
	s25 =	sadd.s32 s6, s10  }
0x20: {  	s10 =	sadd.s32 $0x4E0, s10;
	s26 =	smul.u32 $0xA000, s3;
	[dreg:$0x1c] =	wrdreg s7  }
0x21: {  	s14 =	sshrl.u32 s8, $0x2;
	p1 =	sgt.u32 s18, $0x7C;
	s23 =	smul.u32 $0xA000, s18  }
0x22: {  	s8 =	simm.s32 $0x13A80;
	s18 =	simm.s32 $0x3;
	[dreg:$0x12] =	wrdreg s20  }
0x23: {  	[dreg:$0x17] =	wrdreg s25;
	s28 =	sadd.s32 s5, s10;
	s10 =	sadd.s32 s6, s10  }
0x24: {  	s7 =	sadd.s32 s14, s2;
	s20 =	smul.u32 $0xA000, s16;
	s14 =	simm.s32 $0x2  }
0x25: {  	s16 =	simm.s32 $0x13980;
	s11 =	sadd.s32 s11, s31;
	[dreg:$0x18] =	wrdreg s28  }
0x26: {  	[dreg:$0x19] =	wrdreg s10;
	s31 =	smax.u32 s13, $0x1;
	s13 =	smul.u32 $0xA000, s15  }
0x27: {  	s12 =	sshrl.u32 s26, $0x2;
	s15 =	smul.u32 $0xA000, s9;
	[dreg:$0x1d] =	wrdreg s7  }
0x28: {  	s26 =	sshrl.u32 s23, $0x2;
	s28 =	sshll.u32 s3, $0xB;
	[dreg:$0x13] =	wrdreg s11  }
0x29: {  	s23 =	simm.s32 $0x1CD80;
	s11 =	sadd.s32 s6, s22;
	[dreg:$0x1a] =	wrdreg s31  }
0x2a: {  	s10 =	sadd.s32 s12, s2;
	s22 =	smul.u32 $0xA000, s19;
	s9 =	sshrl.u32 s20, $0x2  }
0x2b: {  	s31 =	sadd.s32 s28, s2;
	s12 =	simm.s32 $0x60;
	[dreg:$0x15] =	wrdreg s11  }
0x2c: {  	s19 =	simm.s32 $0x13A00;
	s20 =	simm.s32 $0x13C00;
	[dreg:$0x1b] =	wrdreg s10  }
0x2d: {  	s17 =	sshrl.u32 s13, $0x2;
	s21 =	sshrl.u32 s15, $0x2;
	s24 =	sadd.s32 s9, s2  }
0x2e: {  	[smem:$0x7FC] =	sst s31;
	s9 =	simm.s32 $0x13900;
	s10 =	simm.s32 $0x13B00  }
0x2f: {  	s13 =	simm.s32 $0x13D80;
	s15 =	simm.s32 $0x16D80;
	s7 =	sadd.s32 s17, s2  }
0x30: {  	[smem:$0x7F9] =	sst s24;
	s25 =	sshrl.u32 s22, $0x2;
	s17 =	simm.s32 $0x5  }
0x31: {  	s22 =	simm.s32 $0x4;
	[dreg:$0x1e] =	wrdreg s7;
	s7 =	sadd.s32 s21, s2  }
0x32: {  	s24 =	simm.s32 $0x9;
	[dreg:$0x1f] =	wrdreg s7;
	s7 =	sadd.s32 s25, s2  }
0x33: {  	s21 =	simm.s32 $0x6;
	[smem:$0x7FA] =	sst s7;
	s7 =	sadd.s32 s26, s2  }
0x34: {  	v0 =	vimm.f32 $0.0e+00;
	s25 =	simm.s32 $0x8;
	[smem:$0x7FB] =	sst s7;
	s7 =	simm.s32 $0x0  }
.LBB2_1:
0x35: {  	[tilespmem:$0x16D80] =	vst v0  }
0x36: {  	[tilespmem:$0x16D90] =	vst v0  }
0x37: {  	[tilespmem:$0x16DA0] =	vst v0  }
0x38: {  	[tilespmem:$0x16DB0] =	vst v0  }
0x39: {  	[tilespmem:$0x16DC0] =	vst v0  }
0x3a: {  	[tilespmem:$0x16DD0] =	vst v0  }
0x3b: {  	[tilespmem:$0x16DE0] =	vst v0  }
0x3c: {  	[tilespmem:$0x16DF0] =	vst v0  }
0x3d: {  	[tilespmem:$0x16E00] =	vst v0  }
0x3e: {  	[tilespmem:$0x16E10] =	vst v0  }
0x3f: {  	[tilespmem:$0x16E20] =	vst v0  }
0x40: {  	[tilespmem:$0x16E30] =	vst v0  }
0x41: {  	[tilespmem:$0x16E40] =	vst v0  }
0x42: {  	[tilespmem:$0x16E50] =	vst v0  }
0x43: {  	[tilespmem:$0x16E60] =	vst v0  }
0x44: {  	[tilespmem:$0x16E70] =	vst v0  }
0x45: {  	[tilespmem:$0x16E80] =	vst v0  }
0x46: {  	[tilespmem:$0x16E90] =	vst v0  }
0x47: {  	[tilespmem:$0x16EA0] =	vst v0  }
0x48: {  	[tilespmem:$0x16EB0] =	vst v0  }
0x49: {  	[tilespmem:$0x16EC0] =	vst v0  }
0x4a: {  	[tilespmem:$0x16ED0] =	vst v0  }
0x4b: {  	[tilespmem:$0x16EE0] =	vst v0  }
0x4c: {  	[tilespmem:$0x16EF0] =	vst v0  }
0x4d: {  	[tilespmem:$0x16F00] =	vst v0  }
0x4e: {  	[tilespmem:$0x16F10] =	vst v0  }
0x4f: {  	[tilespmem:$0x16F20] =	vst v0  }
0x50: {  	[tilespmem:$0x16F30] =	vst v0  }
0x51: {  	[tilespmem:$0x16F40] =	vst v0  }
0x52: {  	[tilespmem:$0x16F50] =	vst v0  }
0x53: {  	[tilespmem:$0x16F60] =	vst v0  }
0x54: {  	[tilespmem:$0x16F70] =	vst v0  }
0x55: {  	[tilespmem:$0x16F80] =	vst v0  }
0x56: {  	[tilespmem:$0x16F90] =	vst v0  }
0x57: {  	[tilespmem:$0x16FA0] =	vst v0  }
0x58: {  	[tilespmem:$0x16FB0] =	vst v0  }
0x59: {  	[tilespmem:$0x16FC0] =	vst v0  }
0x5a: {  	[tilespmem:$0x16FD0] =	vst v0  }
0x5b: {  	[tilespmem:$0x16FE0] =	vst v0  }
0x5c: {  	[tilespmem:$0x16FF0] =	vst v0  }
0x5d: {  	[tilespmem:$0x17000] =	vst v0  }
0x5e: {  	[tilespmem:$0x17010] =	vst v0  }
0x5f: {  	[tilespmem:$0x17020] =	vst v0  }
0x60: {  	[tilespmem:$0x17030] =	vst v0  }
0x61: {  	[tilespmem:$0x17040] =	vst v0  }
0x62: {  	[tilespmem:$0x17050] =	vst v0  }
0x63: {  	[tilespmem:$0x17060] =	vst v0  }
0x64: {  	[tilespmem:$0x17070] =	vst v0  }
0x65: {  	[tilespmem:$0x17080] =	vst v0  }
0x66: {  	[tilespmem:$0x17090] =	vst v0  }
0x67: {  	[tilespmem:$0x170A0] =	vst v0  }
0x68: {  	[tilespmem:$0x170B0] =	vst v0  }
0x69: {  	[tilespmem:$0x170C0] =	vst v0  }
0x6a: {  	[tilespmem:$0x170D0] =	vst v0  }
0x6b: {  	[tilespmem:$0x170E0] =	vst v0  }
0x6c: {  	[tilespmem:$0x170F0] =	vst v0  }
0x6d: {  	[tilespmem:$0x17100] =	vst v0  }
0x6e: {  	[tilespmem:$0x17110] =	vst v0  }
0x6f: {  	[tilespmem:$0x17120] =	vst v0  }
0x70: {  	[tilespmem:$0x17130] =	vst v0  }
0x71: {  	[tilespmem:$0x17140] =	vst v0  }
0x72: {  	[tilespmem:$0x17150] =	vst v0  }
0x73: {  	[tilespmem:$0x17160] =	vst v0  }
0x74: {  	[tilespmem:$0x17170] =	vst v0  }
0x75: {  	[tilespmem:$0x17180] =	vst v0  }
0x76: {  	[tilespmem:$0x17190] =	vst v0  }
0x77: {  	[tilespmem:$0x171A0] =	vst v0  }
0x78: {  	[tilespmem:$0x171B0] =	vst v0  }
0x79: {  	[tilespmem:$0x171C0] =	vst v0  }
0x7a: {  	[tilespmem:$0x171D0] =	vst v0  }
0x7b: {  	[tilespmem:$0x171E0] =	vst v0  }
0x7c: {  	[tilespmem:$0x171F0] =	vst v0  }
0x7d: {  	[tilespmem:$0x17200] =	vst v0  }
0x7e: {  	[tilespmem:$0x17210] =	vst v0  }
0x7f: {  	[tilespmem:$0x17220] =	vst v0  }
0x80: {  	[tilespmem:$0x17230] =	vst v0  }
0x81: {  	[tilespmem:$0x17240] =	vst v0  }
0x82: {  	[tilespmem:$0x17250] =	vst v0  }
0x83: {  	[tilespmem:$0x17260] =	vst v0  }
0x84: {  	[tilespmem:$0x17270] =	vst v0  }
0x85: {  	[tilespmem:$0x17280] =	vst v0  }
0x86: {  	[tilespmem:$0x17290] =	vst v0  }
0x87: {  	[tilespmem:$0x172A0] =	vst v0  }
0x88: {  	[tilespmem:$0x172B0] =	vst v0  }
0x89: {  	[tilespmem:$0x172C0] =	vst v0  }
0x8a: {  	[tilespmem:$0x172D0] =	vst v0  }
0x8b: {  	[tilespmem:$0x172E0] =	vst v0  }
0x8c: {  	[tilespmem:$0x172F0] =	vst v0  }
0x8d: {  	[tilespmem:$0x17300] =	vst v0  }
0x8e: {  	[tilespmem:$0x17310] =	vst v0  }
0x8f: {  	[tilespmem:$0x17320] =	vst v0  }
0x90: {  	[tilespmem:$0x17330] =	vst v0  }
0x91: {  	[tilespmem:$0x17340] =	vst v0  }
0x92: {  	[tilespmem:$0x17350] =	vst v0  }
0x93: {  	[tilespmem:$0x17360] =	vst v0  }
0x94: {  	[tilespmem:$0x17370] =	vst v0  }
0x95: {  	[tilespmem:$0x17380] =	vst v0  }
0x96: {  	[tilespmem:$0x17390] =	vst v0  }
0x97: {  	[tilespmem:$0x173A0] =	vst v0  }
0x98: {  	[tilespmem:$0x173B0] =	vst v0  }
0x99: {  	[tilespmem:$0x173C0] =	vst v0  }
0x9a: {  	[tilespmem:$0x173D0] =	vst v0  }
0x9b: {  	[tilespmem:$0x173E0] =	vst v0  }
0x9c: {  	[tilespmem:$0x173F0] =	vst v0  }
0x9d: {  	[tilespmem:$0x17400] =	vst v0  }
0x9e: {  	[tilespmem:$0x17410] =	vst v0  }
0x9f: {  	[tilespmem:$0x17420] =	vst v0  }
0xa0: {  	[tilespmem:$0x17430] =	vst v0  }
0xa1: {  	[tilespmem:$0x17440] =	vst v0  }
0xa2: {  	[tilespmem:$0x17450] =	vst v0  }
0xa3: {  	[tilespmem:$0x17460] =	vst v0  }
0xa4: {  	[tilespmem:$0x17470] =	vst v0  }
0xa5: {  	[tilespmem:$0x17480] =	vst v0  }
0xa6: {  	[tilespmem:$0x17490] =	vst v0  }
0xa7: {  	[tilespmem:$0x174A0] =	vst v0  }
0xa8: {  	[tilespmem:$0x174B0] =	vst v0  }
0xa9: {  	[tilespmem:$0x174C0] =	vst v0  }
0xaa: {  	[tilespmem:$0x174D0] =	vst v0  }
0xab: {  	[tilespmem:$0x174E0] =	vst v0  }
0xac: {  	[tilespmem:$0x174F0] =	vst v0  }
0xad: {  	[tilespmem:$0x17500] =	vst v0  }
0xae: {  	[tilespmem:$0x17510] =	vst v0  }
0xaf: {  	[tilespmem:$0x17520] =	vst v0  }
0xb0: {  	[tilespmem:$0x17530] =	vst v0  }
0xb1: {  	[tilespmem:$0x17540] =	vst v0  }
0xb2: {  	[tilespmem:$0x17550] =	vst v0  }
0xb3: {  	[tilespmem:$0x17560] =	vst v0  }
0xb4: {  	[tilespmem:$0x17570] =	vst v0;
	s0 =	rddreg [dreg:$0x16]  }
0xb5: {  	[tilespmem:s29], [sflag:$0x1] =	stream.linear.gather [hbm4b:s0+s4], $0x60, $0x38;
	[tilespmem:$0x1FD80] =	vst v63  }
0xb6: {  	s11 =	rddreg [dreg:$0x17]  }
0xb7: {  	[tilespmem:s8], [sflag:$0x1] =	stream.linear.gather [hbm4b:s11+s4], $0x60, $0x38;
	[tilespmem:$0x1FD80] =	vst v63  }
0xb8: {  	s26 =	rddreg [dreg:$0x14]  }
0xb9: {  	[tilespmem:s9], [sflag:$0x2] =	stream.linear.gather [hbm4b:s26+s4], $0x60, $0x38;
	[tilespmem:$0x1FD80] =	vst v63  }
0xba: {  	s28 =	rddreg [dreg:$0x15]  }
0xbb: {  	[tilespmem:s10], [sflag:$0x2] =	stream.linear.gather [hbm4b:s28+s4], $0x60, $0x38;
	[tilespmem:$0x1FD80] =	vst v63  }
0xbc: {  	s31 =	sadd.s32 $0x0, s3;
	s28 =	sld [smem:$0x7FC]  }
0xbd: {  	p2 =	sgt.u32 s31, $0x270  }
0xbe: {  	[smem:$0x7F8] =	sst s7;
	s0 =	simm.s32 @!p2 $0x16D80;
	s26 =	simm.s32 @!p2 $0xD  }
0xbf: {  	[spmem:s28] =	stream.linear.scatter @!p2 [tilespmem:s0], [sflag:$0xD], $0x800, $0x38;
	[tilespmem:$0x1FD80] =	vst v63  }
0xc0: {  	s7 =	simm.s32 $0x10;
	_ =	swait.ge @!p2 [sflag:s26], $0x800  }
0xc1: {  	s11 =	simm.s32 $0x20;
	s0 =	sadd.s32 $0x8000, s28;
	[sflag:s26] =	ssyncset.done @!p2 $0x0  }
.LBB2_2:
0xc2: {  	s31 =	sadd.s32 s7, s3;
	s7 =	smov.u32 s11;
	s11 =	sadd.s32 $0x10, s11  }
0xc3: {  	[sflag:s26] =	ssyncadd.s32 @!p2 $0xFFFFF800;
	p3 =	sne.s32 s11, $0x280  }
.Ltmp0:
0xc4: {  	p2 =	sgt.u32 s31, $0x270;
	(pc) =	sbr.rel @p3 .LBB2_2-.Ltmp0, $4  }
0xc5: {  	s31 =	simm.s32 @!p2 $0x16D80;
	s26 =	simm.s32 @!p2 $0xD  }
0xc6: {  	[spmem:s0] =	stream.linear.scatter @!p2 [tilespmem:s31], [sflag:$0xD], $0x800, $0x38;
	[tilespmem:$0x1FD80] =	vst v63  }
0xc7: {  	_ =	swait.ge @!p2 [sflag:s26], $0x800  }
0xc8: {  	s0 =	sadd.s32 $0x8000, s0;
	[sflag:s26] =	ssyncset.done @!p2 $0x0  }
0xc9: {  	s7 =	sadd.s32 s7, s3  }
0xca: {  	p3 =	sgt.u32 s7, $0x270  }
0xcb: {  	[sflag:s26] =	ssyncadd.s32 @!p2 $0xFFFFF800;
	s7 =	simm.s32 @!p3 $0x16D80;
	s11 =	simm.s32 @!p3 $0xD  }
0xcc: {  	[spmem:s0] =	stream.linear.scatter @!p3 [tilespmem:s7], [sflag:$0xD], $0x800, $0x38;
	[tilespmem:$0x1FD80] =	vst v63  }
0xcd: {  	_ =	swait.ge @!p3 [sflag:s11], $0x800  }
0xce: {  	[sflag:s11] =	ssyncset.done @!p3 $0x0  }
0xcf: {  	[sflag:s11] =	ssyncadd.s32 @!p3 $0xFFFFF800  }
0xd0: {  	_ =	swait.ge [sflag:s30], $0x60  }
0xd1: {  	[sflag:s30] =	ssyncset.done $0x0  }
0xd2: {  	[sflag:s30] =	ssyncadd.s32 $0xFFFFFFA0  }
0xd3: {  	_ =	swait.ge [sflag:s30], $0x60  }
0xd4: {  	[sflag:s30] =	ssyncset.done $0x0  }
0xd5: {  	[sflag:s30] =	ssyncadd.s32 $0xFFFFFFA0  }
0xd6: {  	[tilespmem:s13], [sflag:$0x5] =	stream.indirect.gather [hbm4b:s1+s12], $0x80, s29, s12, $0xb8;
	[tilespmem:$0x1FD80] =	vst v63  }
0xd7: {  	[bflag:$0x0] =	sbarrier.arrive $0xFFFF  }
0xd8: {  	_ =	swait.ge [sflag:s14], $0x60  }
0xd9: {  	[sflag:s14] =	ssyncset.done $0x0  }
0xda: {  	[sflag:s14] =	ssyncadd.s32 $0xFFFFFFA0  }
0xdb: {  	_ =	swait.ge [sflag:s14], $0x60  }
0xdc: {  	p2 =	por $0x1, $0x1;
	[sflag:s14] =	ssyncset.done $0x0  }
0xdd: {  	s0 =	simm.s32 @!p2 $0xB;
	[sflag:s14] =	ssyncadd.s32 $0xFFFFFFA0  }
0xde: {  	[tilespmem:s15], [sflag:$0x6] =	stream.indirect.gather [hbm4b:s1+s12], $0x80, s9, s12, $0xb8;
	[tilespmem:$0x1FD80] =	vst v63  }
0xdf: {  	_ =	swait.ge @!p2 [sflag:s0], $0x3000  }
0xe0: {  	s30 =	rddreg [dreg:$0x9];
	[sflag:s0] =	ssyncset.done @!p2 $0x0  }
0xe1: {  	s31 =	rddreg [dreg:$0x8];
	[sflag:s0] =	ssyncadd.s32 @!p2 $0xFFFFD000;
	s7 =	sadd.s32 $0x0, s30  }
0xe2: {  	[tilespmem:s16], [sflag:$0x3] =	stream.linear.gather [hbm4b:s7+s4], $0x60, $0x38;
	[tilespmem:$0x1FD80] =	vst v63  }
0xe3: {  	s3 =	rddreg [dreg:$0xa];
	s26 =	sadd.s32 $0x0, s31  }
0xe4: {  	[tilespmem:s3], [sflag:$0x3] =	stream.linear.gather [hbm4b:s26+s4], $0x60, $0x38;
	[tilespmem:$0x1FD80] =	vst v63  }
0xe5: {  	_ =	swait.ge [sflag:s17], $0x3000  }
0xe6: {  	[sflag:s17] =	ssyncset.done $0x0  }
0xe7: {  	[sflag:s17] =	ssyncadd.s32 $0xFFFFD000  }
0xe8: {  	[spmem:s2] =	stream.indirect.scatter.add.f32 [tilespmem:s13], [sflag:$0x9], $0x80, s8, s12, $0xb8;
	[tilespmem:$0x1FD80] =	vst v63  }
0xe9: {  	_ =	swait.ge [sflag:s18], $0x60  }
0xea: {  	[sflag:s18] =	ssyncset.done $0x0  }
0xeb: {  	[sflag:s18] =	ssyncadd.s32 $0xFFFFFFA0  }
0xec: {  	_ =	swait.ge [sflag:s18], $0x60  }
0xed: {  	[sflag:s18] =	ssyncset.done $0x0  }
0xee: {  	s7 =	simm.s32 @!p2 $0xC;
	s28 =	rddreg [dreg:$0xb];
	[sflag:s18] =	ssyncadd.s32 $0xFFFFFFA0  }
0xef: {  	[tilespmem:s28], [sflag:$0x7] =	stream.indirect.gather [hbm4b:s1+s12], $0x80, s16, s12, $0xb8;
	[tilespmem:$0x1FD80] =	vst v63  }
0xf0: {  	_ =	swait.ge @!p2 [sflag:s7], $0x3000  }
0xf1: {  	s29 =	rddreg [dreg:$0x7];
	[sflag:s7] =	ssyncset.done @!p2 $0x0  }
0xf2: {  	s30 =	rddreg [dreg:$0x6];
	[sflag:s7] =	ssyncadd.s32 @!p2 $0xFFFFD000;
	s0 =	sadd.s32 $0x0, s29  }
0xf3: {  	[tilespmem:s19], [sflag:$0x4] =	stream.linear.gather [hbm4b:s0+s4], $0x60, $0x38;
	[tilespmem:$0x1FD80] =	vst v63  }
0xf4: {  	s31 =	sadd.s32 $0x0, s30  }
0xf5: {  	[tilespmem:s20], [sflag:$0x4] =	stream.linear.gather [hbm4b:s31+s4], $0x60, $0x38;
	[tilespmem:$0x1FD80] =	vst v63  }
0xf6: {  	_ =	swait.ge [sflag:s21], $0x3000  }
0xf7: {  	[sflag:s21] =	ssyncset.done $0x0  }
0xf8: {  	[sflag:s21] =	ssyncadd.s32 $0xFFFFD000  }
0xf9: {  	[spmem:s2] =	stream.indirect.scatter.add.f32 [tilespmem:s15], [sflag:$0xA], $0x80, s10, s12, $0xb8;
	[tilespmem:$0x1FD80] =	vst v63  }
0xfa: {  	_ =	swait.ge [sflag:s22], $0x60  }
0xfb: {  	[sflag:s22] =	ssyncset.done $0x0  }
0xfc: {  	[sflag:s22] =	ssyncadd.s32 $0xFFFFFFA0  }
0xfd: {  	_ =	swait.ge [sflag:s22], $0x60  }
0xfe: {  	[sflag:s22] =	ssyncset.done $0x0  }
0xff: {  	s3 =	sld [smem:$0x7FD];
	[sflag:s22] =	ssyncadd.s32 $0xFFFFFFA0  }
0x100: {  	[tilespmem:s23], [sflag:$0x8] =	stream.indirect.gather [hbm4b:s1+s12], $0x80, s19, s12, $0xb8;
	[tilespmem:$0x1FD80] =	vst v63  }
0x101: {  	p2 =	por $0x1, $0x1;
	_ =	swait.ge [sflag:s24], $0x3000  }
0x102: {  	s11 =	simm.s32 @p2 $0x13880;
	s0 =	sshrl.u32 @p2 s3, $0x3;
	[sflag:s24] =	ssyncset.done $0x0  }
0x103: {  	s26 =	simm.s32 @p2 $0x0;
	s7 =	sadd.s32 @p2 s5, s0;
	[sflag:s24] =	ssyncadd.s32 $0xFFFFD000  }
0x104: {  	[tilespmem:s11], [sflag:$0x1] =	stream.linear.gather @p2 [hbm4b:s7+s26], $0x60, $0x38;
	[tilespmem:$0x1FD80] =	vst v63  }
0x105: {  	s31 =	simm.s32 @p2 $0x7;
	s0 =	sadd.s32 @p2 s6, s0;
	s7 =	simm.s32 @p2 $0x13A80  }
0x106: {  	[tilespmem:s7], [sflag:$0x1] =	stream.linear.gather @p2 [hbm4b:s0+s26], $0x60, $0x38;
	[tilespmem:$0x1FD80] =	vst v63  }
0x107: {  	_ =	swait.ge @p2 [sflag:s31], $0x3000  }
0x108: {  	s0 =	simm.s32 @p2 $0x19D80;
	[sflag:s31] =	ssyncset.done @p2 $0x0  }
0x109: {  	s7 =	simm.s32 @p2 $0x60;
	[sflag:s31] =	ssyncadd.s32 @p2 $0xFFFFD000;
	s31 =	simm.s32 @p2 $0x13B80  }
0x10a: {  	[spmem:s2] =	stream.indirect.scatter.add.f32 @p2 [tilespmem:s0], [sflag:$0xB], $0x80, s31, s7, $0xb8;
	[tilespmem:$0x1FD80] =	vst v63  }
0x10b: {  	s0 =	simm.s32 @p2 $0x1  }
0x10c: {  	_ =	swait.ge @p2 [sflag:s0], $0x60  }
0x10d: {  	[sflag:s0] =	ssyncset.done @p2 $0x0  }
0x10e: {  	[sflag:s0] =	ssyncadd.s32 @p2 $0xFFFFFFA0  }
0x10f: {  	_ =	swait.ge @p2 [sflag:s0], $0x60  }
0x110: {  	[sflag:s0] =	ssyncset.done @p2 $0x0  }
0x111: {  	[sflag:s0] =	ssyncadd.s32 @p2 $0xFFFFFFA0;
	s0 =	simm.s32 @p2 $0x13D80  }
0x112: {  	[tilespmem:s0], [sflag:$0x5] =	stream.indirect.gather @p2 [hbm4b:s1+s7], $0x80, s11, s7, $0xb8;
	[tilespmem:$0x1FD80] =	vst v63  }
0x113: {  	s0 =	simm.s32 @p2 $0xA  }
0x114: {  	_ =	swait.ge @p2 [sflag:s0], $0x3000  }
0x115: {  	s7 =	rddreg [dreg:$0x5]  }
0x116: {  	[sflag:s0] =	ssyncset.done @p2 $0x0;
	s11 =	rddreg [dreg:$0x4]  }
0x117: {  	[sflag:s0] =	ssyncadd.s32 @p2 $0xFFFFD000;
	s0 =	sadd.s32 @p2 $0x0, s7;
	s7 =	simm.s32 @p2 $0x13900  }
0x118: {  	[tilespmem:s7], [sflag:$0x2] =	stream.linear.gather @p2 [hbm4b:s0+s26], $0x60, $0x38;
	[tilespmem:$0x1FD80] =	vst v63  }
0x119: {  	s0 =	simm.s32 @p2 $0x13B00;
	s7 =	sadd.s32 @p2 $0x0, s11  }
0x11a: {  	[tilespmem:s0], [sflag:$0x2] =	stream.linear.gather @p2 [hbm4b:s7+s26], $0x60, $0x38;
	[tilespmem:$0x1FD80] =	vst v63  }
0x11b: {  	s0 =	simm.s32 @!p2 $0x7  }
0x11c: {  	_ =	swait.ge @!p2 [sflag:s0], $0x3000  }
0x11d: {  	s11 =	simm.s32 @!p2 $0x60;
	[sflag:s0] =	ssyncset.done @!p2 $0x0  }
0x11e: {  	s7 =	simm.s32 @!p2 $0x19D80;
	[sflag:s0] =	ssyncadd.s32 @!p2 $0xFFFFD000;
	s0 =	simm.s32 @!p2 $0x13B80  }
0x11f: {  	[spmem:s2] =	stream.indirect.scatter.add.f32 @!p2 [tilespmem:s7], [sflag:$0xB], $0x80, s0, s11, $0xb8;
	[tilespmem:$0x1FD80] =	vst v63  }
0x120: {  	s0 =	simm.s32 @!p2 $0xA  }
0x121: {  	_ =	swait.ge @!p2 [sflag:s0], $0x3000  }
0x122: {  	[sflag:s0] =	ssyncset.done @!p2 $0x0  }
0x123: {  	[sflag:s0] =	ssyncadd.s32 @!p2 $0xFFFFD000  }
0x124: {  	_ =	swait.ge [sflag:s25], $0x3000  }
0x125: {  	s26 =	sadd.s32 $0x180, s3;
	s7 =	simm.s32 $0x30;
	[sflag:s25] =	ssyncset.done $0x0  }
.LBB2_4:
0x126: {  	[sflag:s25] =	ssyncadd.s32 $0xFFFFD000  }
0x127: {  	[spmem:s2] =	stream.indirect.scatter.add.f32 [tilespmem:s23], [sflag:$0xC], $0x80, s20, s12, $0xb8;
	[tilespmem:$0x1FD80] =	vst v63  }
0x128: {  	_ =	swait.ge [sflag:s14], $0x60  }
0x129: {  	[sflag:s14] =	ssyncset.done $0x0  }
0x12a: {  	[sflag:s14] =	ssyncadd.s32 $0xFFFFFFA0  }
0x12b: {  	s31 =	smov.u32 s7;
	_ =	swait.ge [sflag:s14], $0x60  }
0x12c: {  	p4 =	seq.s32 s31, $0x0;
	[sflag:s14] =	ssyncset.done $0x0  }
0x12d: {  	s29 =	simm.s32 @!p4 $0xB;
	[sflag:s14] =	ssyncadd.s32 $0xFFFFFFA0  }
0x12e: {  	[tilespmem:s15], [sflag:$0x6] =	stream.indirect.gather [hbm4b:s1+s12], $0x80, s9, s12, $0xb8;
	[tilespmem:$0x1FD80] =	vst v63  }
0x12f: {  	_ =	swait.ge @!p4 [sflag:s29], $0x3000  }
0x130: {  	[sflag:s29] =	ssyncset.done @!p4 $0x0;
	s28 =	rddreg [dreg:$0x9]  }
0x131: {  	s3 =	rddreg [dreg:$0x8];
	[sflag:s29] =	ssyncadd.s32 @!p4 $0xFFFFD000;
	s28 =	sadd.s32 s31, s28  }
0x132: {  	[tilespmem:s16], [sflag:$0x3] =	stream.linear.gather [hbm4b:s28+s4], $0x60, $0x38;
	[tilespmem:$0x1FD80] =	vst v63  }
0x133: {  	s30 =	rddreg [dreg:$0xa];
	s29 =	sadd.s32 s31, s3  }
0x134: {  	[tilespmem:s30], [sflag:$0x3] =	stream.linear.gather [hbm4b:s29+s4], $0x60, $0x38;
	[tilespmem:$0x1FD80] =	vst v63  }
0x135: {  	_ =	swait.ge [sflag:s17], $0x3000  }
0x136: {  	[sflag:s17] =	ssyncset.done $0x0  }
0x137: {  	[sflag:s17] =	ssyncadd.s32 $0xFFFFD000  }
0x138: {  	[spmem:s2] =	stream.indirect.scatter.add.f32 [tilespmem:s13], [sflag:$0x9], $0x80, s8, s12, $0xb8;
	[tilespmem:$0x1FD80] =	vst v63  }
0x139: {  	_ =	swait.ge [sflag:s18], $0x60  }
0x13a: {  	[sflag:s18] =	ssyncset.done $0x0  }
0x13b: {  	[sflag:s18] =	ssyncadd.s32 $0xFFFFFFA0  }
0x13c: {  	_ =	swait.ge [sflag:s18], $0x60  }
0x13d: {  	[sflag:s18] =	ssyncset.done $0x0  }
0x13e: {  	s29 =	simm.s32 @!p4 $0xC;
	s30 =	rddreg [dreg:$0xb];
	[sflag:s18] =	ssyncadd.s32 $0xFFFFFFA0  }
0x13f: {  	[tilespmem:s30], [sflag:$0x7] =	stream.indirect.gather [hbm4b:s1+s12], $0x80, s16, s12, $0xb8;
	[tilespmem:$0x1FD80] =	vst v63  }
0x140: {  	_ =	swait.ge @!p4 [sflag:s29], $0x3000  }
0x141: {  	s28 =	rddreg [dreg:$0x7];
	[sflag:s29] =	ssyncset.done @!p4 $0x0  }
0x142: {  	s3 =	rddreg [dreg:$0x6];
	[sflag:s29] =	ssyncadd.s32 @!p4 $0xFFFFD000;
	s28 =	sadd.s32 s31, s28  }
0x143: {  	[tilespmem:s19], [sflag:$0x4] =	stream.linear.gather [hbm4b:s28+s4], $0x60, $0x38;
	[tilespmem:$0x1FD80] =	vst v63  }
0x144: {  	s30 =	sadd.s32 s31, s3  }
0x145: {  	[tilespmem:s20], [sflag:$0x4] =	stream.linear.gather [hbm4b:s30+s4], $0x60, $0x38;
	[tilespmem:$0x1FD80] =	vst v63  }
0x146: {  	_ =	swait.ge [sflag:s21], $0x3000  }
0x147: {  	[sflag:s21] =	ssyncset.done $0x0  }
0x148: {  	[sflag:s21] =	ssyncadd.s32 $0xFFFFD000  }
0x149: {  	[spmem:s2] =	stream.indirect.scatter.add.f32 [tilespmem:s15], [sflag:$0xA], $0x80, s10, s12, $0xb8;
	[tilespmem:$0x1FD80] =	vst v63  }
0x14a: {  	_ =	swait.ge [sflag:s22], $0x60  }
0x14b: {  	[sflag:s22] =	ssyncset.done $0x0  }
0x14c: {  	[sflag:s22] =	ssyncadd.s32 $0xFFFFFFA0  }
0x14d: {  	_ =	swait.ge [sflag:s22], $0x60  }
0x14e: {  	[sflag:s22] =	ssyncset.done $0x0  }
0x14f: {  	p2 =	sne.s32 s7, $0x4B0;
	[sflag:s22] =	ssyncadd.s32 $0xFFFFFFA0  }
0x150: {  	[tilespmem:s23], [sflag:$0x8] =	stream.indirect.gather [hbm4b:s1+s12], $0x80, s19, s12, $0xb8;
	[tilespmem:$0x1FD80] =	vst v63  }
0x151: {  	s0 =	sshrl.u32 @p2 s26, $0x3;
	_ =	swait.ge [sflag:s24], $0x3000  }
0x152: {  	s11 =	sadd.s32 @p2 s5, s0;
	[sflag:s24] =	ssyncset.done $0x0  }
0x153: {  	s29 =	simm.s32 @p2 $0x0;
	s28 =	simm.s32 @p2 $0x13880;
	[sflag:s24] =	ssyncadd.s32 $0xFFFFD000  }
0x154: {  	[tilespmem:s28], [sflag:$0x1] =	stream.linear.gather @p2 [hbm4b:s11+s29], $0x60, $0x38;
	[tilespmem:$0x1FD80] =	vst v63  }
0x155: {  	s0 =	sadd.s32 @p2 s6, s0;
	s30 =	simm.s32 @p2 $0x13A80;
	s11 =	simm.s32 @p2 $0x7  }
0x156: {  	[tilespmem:s30], [sflag:$0x1] =	stream.linear.gather @p2 [hbm4b:s0+s29], $0x60, $0x38;
	[tilespmem:$0x1FD80] =	vst v63  }
0x157: {  	_ =	swait.ge @p2 [sflag:s11], $0x3000  }
0x158: {  	s3 =	simm.s32 @p2 $0x13B80;
	s0 =	simm.s32 @p2 $0x19D80;
	[sflag:s11] =	ssyncset.done @p2 $0x0  }
0x159: {  	s30 =	simm.s32 @p2 $0x60;
	[sflag:s11] =	ssyncadd.s32 @p2 $0xFFFFD000;
	s11 =	simm.s32 @p2 $0x1  }
0x15a: {  	[spmem:s2] =	stream.indirect.scatter.add.f32 @p2 [tilespmem:s0], [sflag:$0xB], $0x80, s3, s30, $0xb8;
	[tilespmem:$0x1FD80] =	vst v63  }
0x15b: {  	_ =	swait.ge @p2 [sflag:s11], $0x60  }
0x15c: {  	[sflag:s11] =	ssyncset.done @p2 $0x0  }
0x15d: {  	[sflag:s11] =	ssyncadd.s32 @p2 $0xFFFFFFA0  }
0x15e: {  	_ =	swait.ge @p2 [sflag:s11], $0x60  }
0x15f: {  	[sflag:s11] =	ssyncset.done @p2 $0x0  }
0x160: {  	s0 =	simm.s32 @p2 $0x13D80;
	s3 =	simm.s32 @p2 $0xA;
	[sflag:s11] =	ssyncadd.s32 @p2 $0xFFFFFFA0  }
0x161: {  	[tilespmem:s0], [sflag:$0x5] =	stream.indirect.gather @p2 [hbm4b:s1+s30], $0x80, s28, s30, $0xb8;
	[tilespmem:$0x1FD80] =	vst v63  }
0x162: {  	_ =	swait.ge @p2 [sflag:s3], $0x3000  }
0x163: {  	s0 =	rddreg [dreg:$0x5]  }
0x164: {  	s7 =	sadd.s32 $0x30, s7;
	[sflag:s3] =	ssyncset.done @p2 $0x0;
	s11 =	rddreg [dreg:$0x4]  }
0x165: {  	[sflag:s3] =	ssyncadd.s32 @p2 $0xFFFFD000;
	s0 =	sadd.s32 @p2 s31, s0;
	s3 =	simm.s32 @p2 $0x13900  }
0x166: {  	[tilespmem:s3], [sflag:$0x2] =	stream.linear.gather @p2 [hbm4b:s0+s29], $0x60, $0x38;
	[tilespmem:$0x1FD80] =	vst v63  }
0x167: {  	s28 =	simm.s32 @p2 $0x13B00;
	s0 =	sadd.s32 @p2 s31, s11;
	s3 =	simm.s32 @!p2 $0x7  }
0x168: {  	[tilespmem:s28], [sflag:$0x2] =	stream.linear.gather @p2 [hbm4b:s0+s29], $0x60, $0x38;
	[tilespmem:$0x1FD80] =	vst v63  }
0x169: {  	p3 =	sne.s32 s7, $0x4E0;
	_ =	swait.ge @!p2 [sflag:s3], $0x3000  }
0x16a: {  	s11 =	simm.s32 @!p2 $0x60;
	s0 =	simm.s32 @!p2 $0x19D80;
	[sflag:s3] =	ssyncset.done @!p2 $0x0  }
0x16b: {  	s28 =	simm.s32 @!p2 $0x13B80;
	[sflag:s3] =	ssyncadd.s32 @!p2 $0xFFFFD000;
	s3 =	simm.s32 @!p2 $0xA  }
0x16c: {  	[spmem:s2] =	stream.indirect.scatter.add.f32 @!p2 [tilespmem:s0], [sflag:$0xB], $0x80, s28, s11, $0xb8;
	[tilespmem:$0x1FD80] =	vst v63  }
.Ltmp1:
0x16d: {  	_ =	swait.ge @!p2 [sflag:s3], $0x3000;
	(pc) =	sbr.rel @p3 .LBB2_4-.Ltmp1, $4  }
0x16e: {  	[sflag:s3] =	ssyncset.done @!p2 $0x0  }
0x16f: {  	[sflag:s3] =	ssyncadd.s32 @!p2 $0xFFFFD000  }
0x170: {  	_ =	swait.ge [sflag:s25], $0x3000  }
0x171: {  	s26 =	sadd.s32 $0x180, s26;
	[sflag:s25] =	ssyncset.done $0x0  }
0x172: {  	[sflag:s25] =	ssyncadd.s32 $0xFFFFD000;
	s0 =	simm.s32 $0xB  }
0x173: {  	[spmem:s2] =	stream.indirect.scatter.add.f32 [tilespmem:s23], [sflag:$0xC], $0x80, s20, s12, $0xb8;
	[tilespmem:$0x1FD80] =	vst v63  }
0x174: {  	_ =	swait.ge [sflag:s0], $0x3000  }
0x175: {  	[sflag:s0] =	ssyncset.done $0x0  }
0x176: {  	s11 =	simm.s32 $0xC;
	[sflag:s0] =	ssyncadd.s32 $0xFFFFD000  }
0x177: {  	_ =	swait.ge [sflag:s11], $0x3000  }
0x178: {  	s3 =	simm.s32 $0x13C80;
	[sflag:s11] =	ssyncset.done $0x0  }
0x179: {  	s7 =	simm.s32 $0xD;
	s26 =	rddreg [dreg:$0x18];
	[sflag:s11] =	ssyncadd.s32 $0xFFFFD000  }
0x17a: {  	[tilespmem:s3], [sflag:$0xD] =	stream.linear.gather [hbm4b:s26+s4], $0x10, $0x38;
	[tilespmem:$0x1FD80] =	vst v63  }
0x17b: {  	_ =	swait.ge [sflag:s7], $0x10  }
0x17c: {  	[sflag:s7] =	ssyncset.done $0x0  }
0x17d: {  	s11 =	simm.s32 $0x13D00;
	s28 =	rddreg [dreg:$0x19];
	[sflag:s7] =	ssyncadd.s32 $0xFFFFFFF0  }
0x17e: {  	[tilespmem:s11], [sflag:$0xD] =	stream.linear.gather [hbm4b:s28+s4], $0x10, $0x38;
	[tilespmem:$0x1FD80] =	vst v63  }
0x17f: {  	_ =	swait.ge [sflag:s7], $0x10  }
0x180: {  	[sflag:s7] =	ssyncset.done $0x0  }
0x181: {  	s31 =	simm.s32 $0x10;
	s30 =	simm.s32 $0x1;
	[sflag:s7] =	ssyncadd.s32 $0xFFFFFFF0  }
0x182: {  	[tilespmem:s13], [sflag:$0x1] =	stream.indirect.gather [hbm4b:s1+s31], $0x80, s3, s31, $0xb8;
	[tilespmem:$0x1FD80] =	vst v63  }
0x183: {  	_ =	swait.ge [sflag:s30], $0x800  }
0x184: {  	[sflag:s30] =	ssyncset.done $0x0  }
0x185: {  	[sflag:s30] =	ssyncadd.s32 $0xFFFFF800  }
0x186: {  	[spmem:s2] =	stream.indirect.scatter.add.f32 [tilespmem:s13], [sflag:$0xD], $0x80, s11, s31, $0xb8;
	[tilespmem:$0x1FD80] =	vst v63  }
0x187: {  	_ =	swait.ge [sflag:s7], $0x800  }
0x188: {  	[sflag:s7] =	ssyncset.done $0x0  }
0x189: {  	[sflag:s7] =	ssyncadd.s32 $0xFFFFF800  }
0x18a: {  	[bflag:$0x0] =	sbarrier.arrive $0xFFFF  }
0x18b: {  	s7 =	simm.s32 $0xE;
	s11 =	rddreg [dreg:$0x1b]  }
0x18c: {  	[tilespmem:s15], [sflag:$0xE] =	stream.linear.gather [spmem:s11], $0x2800, $0x38;
	[tilespmem:$0x1FD80] =	vst v63  }
0x18d: {  	_ =	swait.ge [sflag:s7], $0x2800  }
0x18e: {  	s0 =	simm.s32 $0xD;
	[sflag:s7] =	ssyncset.done $0x0  }
0x18f: {  	s0 =	simm.s32 @!p0 $0xE;
	s26 =	rddreg [dreg:$0xc];
	[sflag:s7] =	ssyncadd.s32 $0xFFFFD800  }
0x190: {  	[hbm4b:s26+s4] =	stream.linear.scatter [tilespmem:s15], [sflag:s0], $0x2800, $0x38;
	[tilespmem:$0x1FD80] =	vst v63  }
0x191: {  	_ =	swait.ge [sflag:s0], $0x2800  }
0x192: {  	[sflag:s0] =	ssyncset.done $0x0  }
0x193: {  	s28 =	rddreg [dreg:$0x1c];
	[sflag:s0] =	ssyncadd.s32 $0xFFFFD800  }
0x194: {  	[tilespmem:s15], [sflag:$0xE] =	stream.linear.gather [spmem:s28], $0x2800, $0x38;
	[tilespmem:$0x1FD80] =	vst v63  }
0x195: {  	_ =	swait.ge [sflag:s7], $0x2800  }
0x196: {  	[sflag:s7] =	ssyncset.done $0x0  }
0x197: {  	s31 =	rddreg [dreg:$0xd];
	[sflag:s7] =	ssyncadd.s32 $0xFFFFD800  }
0x198: {  	[hbm4b:s31+s4] =	stream.linear.scatter [tilespmem:s15], [sflag:s0], $0x2800, $0x38;
	[tilespmem:$0x1FD80] =	vst v63  }
0x199: {  	_ =	swait.ge [sflag:s0], $0x2800  }
0x19a: {  	[sflag:s0] =	ssyncset.done $0x0  }
0x19b: {  	s11 =	rddreg [dreg:$0x1d];
	[sflag:s0] =	ssyncadd.s32 $0xFFFFD800  }
0x19c: {  	[tilespmem:s15], [sflag:$0xE] =	stream.linear.gather [spmem:s11], $0x2800, $0x38;
	[tilespmem:$0x1FD80] =	vst v63  }
0x19d: {  	_ =	swait.ge [sflag:s7], $0x2800  }
0x19e: {  	[sflag:s7] =	ssyncset.done $0x0  }
0x19f: {  	s26 =	rddreg [dreg:$0xe];
	[sflag:s7] =	ssyncadd.s32 $0xFFFFD800  }
0x1a0: {  	[hbm4b:s26+s4] =	stream.linear.scatter [tilespmem:s15], [sflag:s0], $0x2800, $0x38;
	[tilespmem:$0x1FD80] =	vst v63  }
0x1a1: {  	_ =	swait.ge [sflag:s0], $0x2800  }
0x1a2: {  	[sflag:s0] =	ssyncset.done $0x0  }
0x1a3: {  	s28 =	rddreg [dreg:$0x1e];
	[sflag:s0] =	ssyncadd.s32 $0xFFFFD800  }
0x1a4: {  	[tilespmem:s15], [sflag:$0xE] =	stream.linear.gather [spmem:s28], $0x2800, $0x38;
	[tilespmem:$0x1FD80] =	vst v63  }
0x1a5: {  	_ =	swait.ge [sflag:s7], $0x2800  }
0x1a6: {  	[sflag:s7] =	ssyncset.done $0x0  }
0x1a7: {  	s31 =	rddreg [dreg:$0xf];
	[sflag:s7] =	ssyncadd.s32 $0xFFFFD800  }
0x1a8: {  	[hbm4b:s31+s4] =	stream.linear.scatter [tilespmem:s15], [sflag:s0], $0x2800, $0x38;
	[tilespmem:$0x1FD80] =	vst v63  }
0x1a9: {  	_ =	swait.ge [sflag:s0], $0x2800  }
0x1aa: {  	[sflag:s0] =	ssyncset.done $0x0  }
0x1ab: {  	s11 =	rddreg [dreg:$0x1f];
	[sflag:s0] =	ssyncadd.s32 $0xFFFFD800  }
0x1ac: {  	[tilespmem:s15], [sflag:$0xE] =	stream.linear.gather [spmem:s11], $0x2800, $0x38;
	[tilespmem:$0x1FD80] =	vst v63  }
0x1ad: {  	_ =	swait.ge [sflag:s7], $0x2800  }
0x1ae: {  	[sflag:s7] =	ssyncset.done $0x0  }
0x1af: {  	s26 =	rddreg [dreg:$0x10];
	[sflag:s7] =	ssyncadd.s32 $0xFFFFD800  }
0x1b0: {  	[hbm4b:s26+s4] =	stream.linear.scatter [tilespmem:s15], [sflag:s0], $0x2800, $0x38;
	[tilespmem:$0x1FD80] =	vst v63  }
0x1b1: {  	_ =	swait.ge [sflag:s0], $0x2800  }
0x1b2: {  	s28 =	sld [smem:$0x7F9]  }
0x1b3: {  	[sflag:s0] =	ssyncset.done $0x0  }
0x1b4: {  	[sflag:s0] =	ssyncadd.s32 $0xFFFFD800  }
0x1b5: {  	[tilespmem:s15], [sflag:$0xE] =	stream.linear.gather [spmem:s28], $0x2800, $0x38;
	[tilespmem:$0x1FD80] =	vst v63  }
0x1b6: {  	_ =	swait.ge [sflag:s7], $0x2800  }
0x1b7: {  	[sflag:s7] =	ssyncset.done $0x0  }
0x1b8: {  	s31 =	rddreg [dreg:$0x11];
	[sflag:s7] =	ssyncadd.s32 $0xFFFFD800  }
0x1b9: {  	[hbm4b:s31+s4] =	stream.linear.scatter [tilespmem:s15], [sflag:s0], $0x2800, $0x38;
	[tilespmem:$0x1FD80] =	vst v63  }
0x1ba: {  	_ =	swait.ge [sflag:s0], $0x2800  }
0x1bb: {  	s11 =	sld [smem:$0x7FA]  }
0x1bc: {  	[sflag:s0] =	ssyncset.done $0x0  }
0x1bd: {  	[sflag:s0] =	ssyncadd.s32 $0xFFFFD800  }
0x1be: {  	[tilespmem:s15], [sflag:$0xE] =	stream.linear.gather [spmem:s11], $0x2800, $0x38;
	[tilespmem:$0x1FD80] =	vst v63  }
0x1bf: {  	_ =	swait.ge [sflag:s7], $0x2800  }
0x1c0: {  	[sflag:s7] =	ssyncset.done $0x0  }
0x1c1: {  	s26 =	rddreg [dreg:$0x12];
	[sflag:s7] =	ssyncadd.s32 $0xFFFFD800  }
0x1c2: {  	[hbm4b:s26+s4] =	stream.linear.scatter [tilespmem:s15], [sflag:s0], $0x2800, $0x38;
	[tilespmem:$0x1FD80] =	vst v63  }
0x1c3: {  	_ =	swait.ge [sflag:s0], $0x2800  }
0x1c4: {  	s7 =	sld [smem:$0x7FB]  }
0x1c5: {  	[sflag:s0] =	ssyncset.done $0x0  }
0x1c6: {  	s3 =	simm.s32 @!p1 $0x16D80;
	[sflag:s0] =	ssyncadd.s32 $0xFFFFD800  }
0x1c7: {  	[tilespmem:s3], [sflag:$0xE] =	stream.linear.gather @!p1 [spmem:s7], $0x2800, $0x38;
	[tilespmem:$0x1FD80] =	vst v63  }
0x1c8: {  	s7 =	simm.s32 @!p1 $0xE  }
0x1c9: {  	_ =	swait.ge @!p1 [sflag:s7], $0x2800  }
0x1ca: {  	[sflag:s7] =	ssyncset.done @!p1 $0x0  }
0x1cb: {  	s11 =	rddreg [dreg:$0x13];
	[sflag:s7] =	ssyncadd.s32 @!p1 $0xFFFFD800;
	s7 =	simm.s32 @!p1 $0x0  }
0x1cc: {  	[hbm4b:s11+s7] =	stream.linear.scatter @!p1 [tilespmem:s3], [sflag:s0], $0x2800, $0x38;
	[tilespmem:$0x1FD80] =	vst v63  }
0x1cd: {  	_ =	swait.ge @!p1 [sflag:s0], $0x2800  }
0x1ce: {  	s28 =	sld [smem:$0x7F8];
	_ =	sdelay $0x2  }
0x1cf: {  	s31 =	rddreg [dreg:$0x1a];
	s7 =	sadd.s32 $0x1, s28  }
0x1d0: {  	p2 =	sne.s32 s7, s31  }
.Ltmp2:
0x1d1: {  	_ = 	snop;
	(pc) =	sbr.rel @p2 .LBB2_1-.Ltmp2, $3  }
0x1d2: {  	_ =	sdelay $0x1  }
0x1d3: {  	[sflag:s0] =	ssyncset.done @!p1 $0x0  }
0x1d4: {  	s29 =	simm.s32 $0x13880;
	s3 =	stileid.u32;
	[sflag:s0] =	ssyncadd.s32 @!p1 $0xFFFFD800  }
0x1d5: {  	_ =	sfence.sel $0x180000  }
0x1d6: {  	[bflag:$0x0] =	sbarrier.arrive $0xFFFF  }
0x1d7: {  	_ =	strace $0x9000004A  }
0x1d8: {  	[bflag:$0x2] =	sbarrier.arrive $0xFFFF  }
0x1d9: {  	p0 =	sne.s32 s3, $0x0;
	s0 =	rddreg [dreg:$0x3]  }
0x1da: {  	s0 =	sadd.s32 @!p0 $0x100000, s0  }
0x1db: {  	[sflag:s0] =	ssyncadd.tile.s32 @!p0 $0x1;
	_ =	shalt  }
.Lfunc_end2:
_tile_overlayer_lowered:
.L_overlay_start_2:
0x1dc: {  	(tag) =	ssettag $0x2  }
0x1dd: {  	s0 =	rddreg [dreg:$0x0];
	s2 =	stileid.u32  }
0x1de: {  	s1 =	rddreg [dreg:$0x1];
	p0 =	sne.s32 s2, $0x0  }
0x1df: {  	s3 =	rddreg [dreg:$0x2];
	[bflag:$0x3] =	sbarrier.arrive $0xFFFF;
	s2 =	simm.s32 @!p0 $0x1C0D  }
0x1e0: {  	[timem:s3], [sflag:s2] =	dma.local @!p0 [hbm:s0], s1  }
0x1e1: {  	s0 =	simm.s32 @!p0 $0xD  }
0x1e2: {  	_ =	swait.ge @!p0 [sflag:s0], s1  }
0x1e3: {  	s1 =	ssub.s32 @!p0 $0x0, s1;
	[sflag:s0] =	ssyncset.done @!p0 $0x0  }
0x1e4: {  	[sflag:s0] =	ssyncadd.s32 @!p0 s1  }
0x1e5: {  	[bflag:$0x3] =	sbarrier.arrive $0xFFFF  }
0x1e6: {  	_ =	shalt  }

// kernel: kernel.14.cloned.1.call-start
scs
__scs_entry_jumppad:
0x0: {  	(pc) =	sbr.rel $0x88, $3  }
0x1: {  	(tag) =	ssettag $0x0;
	lr =	simm.s32 $0x1  }
0x2: {  	[smem:$0x3F9B] =	sst lr;
	_ =	strace $0xD0000000  }
0x3: {  	_ = 	snop  }
0x4: {  	_ = 	snop  }
0x5: {  	_ = 	snop  }
0x6: {  	_ = 	snop  }
0x7: {  	_ = 	snop  }
__scs_overlays_trampoline_lowered:
0x8: {  	[smem:$0x3FAA] =	sst s0  }
0x9: {  	[smem:$0x3FAB] =	sst s1  }
0xa: {  	[smem:$0x3FAC] =	sst s2  }
0xb: {  	[smem:$0x3FAD] =	sst s3  }
0xc: {  	[smem:$0x3FAE] =	sst s4  }
0xd: {  	[smem:$0x3FAF] =	sst s5  }
0xe: {  	[smem:$0x3FB0] =	sst s6  }
0xf: {  	[smem:$0x3FB1] =	sst s7  }
0x10: {  	[smem:$0x3FB2] =	sst s8  }
0x11: {  	[smem:$0x3FB3] =	sst s9;
	s0 =	simm.s32 @!p0 $0x0  }
0x12: {  	s1 =	sld [smem:$0x3F99];
	s0 =	simm.s32 @p0 $0x1  }
0x13: {  	[smem:$0x3FB4] =	sst s0;
	s0 =	simm.s32 @!p1 $0x0  }
0x14: {  	s2 =	sld [smem:$0x3F98];
	s0 =	simm.s32 @p1 $0x1  }
0x15: {  	[smem:$0x3FB5] =	sst s0;
	s0 =	simm.s32 @!p2 $0x0  }
0x16: {  	s3 =	sld [smem:$0x3FDB];
	s0 =	simm.s32 @p2 $0x1  }
0x17: {  	s4 =	simm.s32 $0x1BF5;
	[smem:$0x3FB7] =	sst s0  }
0x18: {  	s0 =	sld [smem:$0x3F9A];
	_ =	swait.ge [sflag:s4], $0x0  }
0x19: {  	s7 =	sld [smem:$0x3F9B]  }
0x1a: {  	s8 =	sadd.s32 $0xFFFFE003, lr  }
0x1b: {  	s9 =	sadd.s32 $0xFFFFFEF7, lr;
	s5 =	simm.s32 $0xFFFFFFFF;
	p2 =	slt.u32 s8, $0xFFFFF086  }
0x1c: {  	p1 =	slt.u32 s9, $0xF7A;
	s5 =	simm.s32 @!p2 $0x0  }
0x1d: {  	s5 =	simm.s32 @p1 $0x1;
	p0 =	seq.s32 s7, s2  }
0x1e: {  	s7 =	smul.u32 @!p0 $0xF7A, s2;
	p2 =	seq.s32 @!p0 s5, $0x0  }
0x1f: {  	s9 =	smul.u32 $0xF7A, s1;
	s8 =	simm.s32 @!p0 $0x1BF5;
	p2 =	por !p2, p0  }
0x20: {  	[sflag:s8] =	ssyncset.s32 @!p0 $0xFFFFF086;
	s6 =	sadd.s32 @!p0 s3, s7;
	s7 =	simm.s32 @!p0 $0x108  }
0x21: {  	s3 =	sadd.s32 s3, s9;
	s6 =	sadd.s32 @!p0 $0x88, s6;
	s7 =	simm.s32 @p2 $0x1082  }
0x22: {  	[simem:s7], [sflag:s8] =	dma.local @!p0 [hbm:s6], $0xF7A  }
0x23: {  	s9 =	sor.u32 $0xD0000000, s2;
	s6 =	simm.s32 $0x108;
	_ =	swait.ge @!p0 [sflag:s8], $0x0  }
0x24: {  	s3 =	sadd.s32 $0x88, s3;
	s6 =	simm.s32 @!p1 $0x1082;
	[sflag:s4] =	ssyncset.s32 $0xFFFFF086  }
0x25: {  	[simem:s6], [sflag:s4] =	dma.local [hbm:s3], $0xF7A  }
0x26: {  	[smem:$0x3F9B] =	sst s1;
	(tag) =	ssettag s2;
	_ =	strace s9  }
0x27: {  	s1 =	sld [smem:$0x3FAB]  }
0x28: {  	s2 =	sld [smem:$0x3FAC]  }
0x29: {  	s4 =	sld [smem:$0x3FAE]  }
0x2a: {  	p0 =	seq.s32 s5, $0x0;
	s5 =	sld [smem:$0x3FAF]  }
0x2b: {  	s6 =	sld [smem:$0x3FB0]  }
0x2c: {  	s7 =	sld [smem:$0x3FB1]  }
0x2d: {  	s3 =	simm.s32 $0x108;
	s8 =	sld [smem:$0x3FB2]  }
0x2e: {  	s3 =	simm.s32 @!p0 $0x1082;
	s9 =	sld [smem:$0x3FB3]  }
0x2f: {  	lr =	sadd.s32 s0, s3;
	s0 =	sld [smem:$0x3FAA]  }
0x30: {  	s3 =	sld [smem:$0x3FAD]  }
0x31: {  	[smem:$0x3FB6] =	sst s10  }
0x32: {  	s10 =	sld [smem:$0x3FB4];
	_ =	sdelay $0x3  }
0x33: {  	p0 =	seq.s32 s10, $0x1;
	s10 =	sld [smem:$0x3FB6];
	_ =	sdelay $0x3  }
0x34: {  	[smem:$0x3FB6] =	sst s10  }
0x35: {  	s10 =	sld [smem:$0x3FB5];
	_ =	sdelay $0x3  }
0x36: {  	p1 =	seq.s32 s10, $0x1;
	s10 =	sld [smem:$0x3FB6];
	_ =	sdelay $0x3  }
0x37: {  	[smem:$0x3FB6] =	sst s10  }
0x38: {  	s10 =	sld [smem:$0x3FB7]  }
0x39: {  	_ = 	snop;
	(pc) =	sbr.ind lr, $3  }
0x3a: {  	_ = 	snop  }
0x3b: {  	_ = 	snop  }
0x3c: {  	p2 =	seq.s32 s10, $0x1;
	s10 =	sld [smem:$0x3FB6]  }
0x3d: {  	_ =	shalt  }
0x3e: {  	_ =	shalt  }
0x3f: {  	_ =	shalt  }
0x40: {  	_ =	shalt  }
0x41: {  	_ =	shalt  }
0x42: {  	_ =	shalt  }
0x43: {  	_ =	shalt  }
0x44: {  	_ =	shalt  }
0x45: {  	_ =	shalt  }
0x46: {  	_ =	shalt  }
0x47: {  	_ =	shalt  }
0x48: {  	_ =	shalt  }
0x49: {  	_ =	shalt  }
0x4a: {  	_ =	shalt  }
0x4b: {  	_ =	shalt  }
0x4c: {  	_ =	shalt  }
0x4d: {  	_ =	shalt  }
0x4e: {  	_ =	shalt  }
0x4f: {  	_ =	shalt  }
0x50: {  	_ =	shalt  }
0x51: {  	_ =	shalt  }
0x52: {  	_ =	shalt  }
0x53: {  	_ =	shalt  }
0x54: {  	_ =	shalt  }
0x55: {  	_ =	shalt  }
0x56: {  	_ =	shalt  }
0x57: {  	_ =	shalt  }
0x58: {  	_ =	shalt  }
0x59: {  	_ =	shalt  }
0x5a: {  	_ =	shalt  }
0x5b: {  	_ =	shalt  }
0x5c: {  	_ =	shalt  }
0x5d: {  	_ =	shalt  }
0x5e: {  	_ =	shalt  }
0x5f: {  	_ =	shalt  }
0x60: {  	_ =	shalt  }
0x61: {  	_ =	shalt  }
0x62: {  	_ =	shalt  }
0x63: {  	_ =	shalt  }
0x64: {  	_ =	shalt  }
0x65: {  	_ =	shalt  }
0x66: {  	_ =	shalt  }
0x67: {  	_ =	shalt  }
0x68: {  	_ =	shalt  }
0x69: {  	_ =	shalt  }
0x6a: {  	_ =	shalt  }
0x6b: {  	_ =	shalt  }
0x6c: {  	_ =	shalt  }
0x6d: {  	_ =	shalt  }
0x6e: {  	_ =	shalt  }
0x6f: {  	_ =	shalt  }
0x70: {  	_ =	shalt  }
0x71: {  	_ =	shalt  }
0x72: {  	_ =	shalt  }
0x73: {  	_ =	shalt  }
0x74: {  	_ =	shalt  }
0x75: {  	_ =	shalt  }
0x76: {  	_ =	shalt  }
0x77: {  	_ =	shalt  }
0x78: {  	_ =	shalt  }
0x79: {  	_ =	shalt  }
0x7a: {  	_ =	shalt  }
0x7b: {  	_ =	shalt  }
0x7c: {  	_ =	shalt  }
0x7d: {  	_ =	shalt  }
0x7e: {  	_ =	shalt  }
0x7f: {  	_ =	shalt  }
0x80: {  	_ =	shalt  }
0x81: {  	_ =	shalt  }
0x82: {  	_ =	shalt  }
0x83: {  	_ =	shalt  }
0x84: {  	_ =	shalt  }
0x85: {  	_ =	shalt  }
0x86: {  	_ =	shalt  }
0x87: {  	_ =	shalt  }
.Lfunc_end0:
.L_simem_size_0:
called_computation.2_lowered:
.L_overlay_start_0:
0x88: {  	s2 =	sld [smem:$0x3FD9]  }
0x89: {  	s3 =	sld [smem:$0x3FFE];
	_ =	sdelay $0x1  }
0x8a: {  	s1 =	srdreg.scid  }
0x8b: {  	s0 =	sand.u32 $0x1, s1  }
0x8c: {  	s17 =	sshll.u32 s0, $0xA;
	s2 =	sadd.s32 s3, s2  }
0x8d: {  	s2 =	sadd.s32 s2, s17  }
0x8e: {  	[smem:$0x3FC2] =	sst s2  }
0x8f: {  	_ = 	snop  }
0x90: {  	s2 =	sld [smem:$0x3FD0];
	(tm) =	ssettm $0x1  }
0x91: {  	s18 =	sld [smem:$0x3FFB];
	_ =	sdelay $0x3  }
0x92: {  	_ =	strace s18  }
0x93: {  	s3 =	sld [smem:$0x3FFC];
	_ =	sdelay $0x3  }
0x94: {  	_ =	strace s3  }
0x95: {  	s3 =	sld [smem:$0x3FFD];
	_ =	sdelay $0x3  }
0x96: {  	_ =	strace s3  }
0x97: {  	_ =	strace $0x8FFFFFFF  }
0x98: {  	s19 =	sld [smem:$0x3FDB];
	_ =	sdelay $0x1  }
0x99: {  	s4 =	simm.s32 $_scs_section_size  }
0x9a: {  	s5 =	simm.s32 $_size__tile_overlayer_lowered;
	s6 =	simm.s32 $_tile_overlayer_lowered  }
0x9b: {  	s22 =	simm.s32 $0x1BFF;
	s21 =	sshll.u32 s6, $0x1;
	s3 =	sadd.s32 s4, s19  }
0x9c: {  	s7 =	simm.s32 $0x0;
	s20 =	sshll.u32 s5, $0x1;
	s5 =	sadd.s32 s21, s3  }
0x9d: {  	[timem:s7], [sflag:s22] =	dma.local [hbm:s5], s20  }
0x9e: {  	_ =	swait.ge [sflag:s22], s20  }
0x9f: {  	s4 =	ssub.s32 $0x0, s20;
	[sflag:s22] =	ssyncset.done $0x0  }
0xa0: {  	[sflag:s22] =	ssyncadd.s32 s4;
	_ =	sdelay $0x1  }
0xa1: {  	s23 =	simm.s32 $0x1B8B  }
0xa2: {  	_ =	swait.ge [sflag:s23], $0x1  }
0xa3: {  	[sflag:s23] =	ssyncset.done $0x0  }
0xa4: {  	s25 =	simm.s32 $0x1B8E;
	s24 =	sld [smem:$0x3FFE];
	[sflag:s23] =	ssyncadd.s32 $0xFFFFFFFF  }
0xa5: {  	s26 =	simm.s32 $execute0_lowered;
	[smem:$0x3FD2] =	sst s25  }
0xa6: {  	s5 =	sshll.u32 s26, $0x1;
	_ =	strace $0x8000004C;
	[dreg:$0x1] =	wrdreg $0xFFFFFFFF  }
0xa7: {  	s28 =	simm.s32 $_size_execute0_lowered;
	s3 =	sadd.s32 s3, s5;
	[dreg:$0x0] =	wrdreg $0x0  }
0xa8: {  	s5 =	sshll.u32 s28, $0x1;
	[dreg:$0x2] =	wrdreg s3  }
0xa9: {  	[dreg:$0x3] =	wrdreg s5  }
0xaa: {  	[dreg:$0x4] =	wrdreg $0xC0  }
0xab: {  	_ =	task [dreg:s7], $0x5FFFF  }
0xac: {  	[dreg:$0x1] =	wrdreg $0xFFFFFFFF  }
0xad: {  	[dreg:$0x0] =	wrdreg $0x60  }
0xae: {  	[dreg:$0x2] =	wrdreg s2  }
0xaf: {  	[dreg:$0x3] =	wrdreg s24  }
0xb0: {  	[dreg:$0x4] =	wrdreg $0x0  }
0xb1: {  	[dreg:$0x5] =	wrdreg $0x9  }
0xb2: {  	_ =	task.clear_ibuf [dreg:s7], $0x6FFFF;
	_ =	strace $0x9000004C  }
0xb3: {  	s29 =	simm.s32 $0x9;
	_ =	strace $0x8000004E  }
0xb4: {  	_ =	swait.ge [sflag:s29], $0x1  }
0xb5: {  	[sflag:s29] =	ssyncadd.s32 $0xFFFFFFFF  }
0xb6: {  	_ =	strace $0x9000004E  }
0xb7: {  	_ =	sfence  }
0xb8: {  	s30 =	sld [smem:$0x0];
	_ =	sdelay $0x2  }
0xb9: {  	s31 =	sshll.u32 s1, $0xD;
	s1 =	sshrl.u32 s1, $0x2  }
0xba: {  	s3 =	sand.u32 $0x4000, s31;
	s1 =	sadd.s32 s1, s30  }
0xbb: {  	s0 =	sor.u32 s3, s0;
	s1 =	sshll.u32 s1, $0x11  }
0xbc: {  	s0 =	sor.u32 s1, s0  }
0xbd: {  	s0 =	sadd.s32 $0x8F2B, s0  }
0xbe: {  	[sflag:s0] =	ssyncadd.remote.s32 $0x1  }
0xbf: {  	_ =	sfence.sel $0xFFFF  }
0xc0: {  	[dreg:$0x0] =	wrdreg $0xFFFFFFFF;
	(pc) =	sbr.abs _section_cstart, $3  }
0xc1: {  	[dreg:$0x1] =	wrdreg $0xFFFFFFFF  }
0xc2: {  	_ =	task.clear_ibuf [dreg:s7], $0x2FFFF;
	_ =	strace $0x9FFFFFFF  }
0xc3: {  	(tm) =	ssettm $0x7FFFFFFF  }
tec
execute0_lowered:
.L_overlay_start_1:
0x0: {  	(tag) =	ssettag $0x1  }
0x1: {  	s3 =	rddreg [dreg:$0x0]  }
0x2: {  	s4 =	rddreg [dreg:$0x1];
	s1 =	simm.s32 $0x0  }
0x3: {  	s5 =	srdreg.scid;
	s0 =	stileid.u32;
	s28 =	simm.s32 $0x1  }
0x4: {  	[smem:$0x7FF] =	sst s1;
	s2 =	sadd.s32 $0x17400, s4;
	s8 =	smul.u32 $0x4E20, s0  }
0x5: {  	s5 =	sand.u32 $0x1, s5;
	s19 =	smul.u32 $0x500, s0;
	s12 =	sor.u32 $0x10, s0  }
0x6: {  	s6 =	sadd.s32 $0xD600, s4;
	s14 =	sor.u32 $0x20, s0;
	s20 =	smul.u32 $0x500, s12  }
0x7: {  	s9 =	sadd.s32 $0x3800, s4;
	s17 =	sor.u32 $0x30, s0;
	s16 =	smul.u32 $0x500, s14  }
0x8: {  	s10 =	sadd.s32 $0x3E600, s4;
	s21 =	sor.u32 $0x40, s0;
	s25 =	smul.u32 $0x500, s17  }
0x9: {  	s4 =	sadd.s32 $0x65800, s4;
	s22 =	sor.u32 $0x50, s0;
	s26 =	smul.u32 $0x500, s21  }
0xa: {  	s23 =	sor.u32 $0x60, s0;
	s24 =	sor.u32 $0x70, s0;
	s29 =	smul.u32 $0x500, s22  }
0xb: {  	s7 =	ssub.s32 $0x2, s5;
	p0 =	seq.s32 s5, $0x0;
	s30 =	smul.u32 $0x500, s23  }
0xc: {  	p1 =	sgt.u32 s24, $0x7C;
	s11 =	sshrl.u32 s7, $0x1;
	s8 =	sshrl.u32 s8, $0x3  }
0xd: {  	s2 =	smov.u32 @p0 s3;
	s4 =	smov.u32 @p0 s10;
	s18 =	sadd.s32 s6, s8  }
0xe: {  	s10 =	simm.s32 $0x19D80;
	s13 =	sadd.s32 s9, s8;
	[dreg:$0x6] =	wrdreg s18  }
0xf: {  	s7 =	ssub.s32 s7, s11;
	s11 =	sadd.s32 s4, s19;
	[dreg:$0x7] =	wrdreg s13  }
0x10: {  	s15 =	sadd.s32 $0xC, s8;
	s31 =	sadd.s32 s4, s16;
	[dreg:$0x8] =	wrdreg s11  }
0x11: {  	s16 =	smul.u32 $0x500, s24;
	s5 =	sadd.s32 s4, s25;
	[dreg:$0xa] =	wrdreg s31  }
0x12: {  	s3 =	sadd.s32 s4, s26;
	s19 =	sadd.s32 s4, s30;
	[dreg:$0xb] =	wrdreg s5  }
0x13: {  	s30 =	smul.u32 $0x9C4, s0;
	s13 =	sadd.s32 s4, s20;
	[dreg:$0xc] =	wrdreg s3  }
0x14: {  	s18 =	sadd.s32 s4, s29;
	[dreg:$0xe] =	wrdreg s19;
	s25 =	sadd.s32 s6, s15  }
0x15: {  	s26 =	sadd.s32 s9, s15;
	s11 =	smul.u32 $0xA000, s14;
	[dreg:$0x9] =	wrdreg s13  }
0x16: {  	s29 =	sadd.s32 $0x9C0, s8;
	s14 =	smul.u32 $0xA000, s21;
	[dreg:$0xd] =	wrdreg s18  }
0x17: {  	s8 =	simm.s32 $0x13B80;
	s21 =	smul.u32 $0xA000, s23;
	[dreg:$0x10] =	wrdreg s25  }
0x18: {  	s3 =	sadd.s32 s9, s29;
	s19 =	sadd.s32 s30, s9;
	s9 =	smul.u32 $0xA000, s12  }
0x19: {  	s20 =	sadd.s32 s4, s16;
	[dreg:$0x11] =	wrdreg s26;
	s13 =	smul.u32 $0xA000, s17  }
0x1a: {  	s31 =	sadd.s32 s6, s29;
	s18 =	rddreg [dreg:$0x2];
	s16 =	smul.u32 $0xA000, s22  }
0x1b: {  	s12 =	smax.u32 s7, $0x1;
	s22 =	smul.u32 $0xA000, s24;
	[dreg:$0xf] =	wrdreg s20  }
0x1c: {  	s29 =	sshll.u32 s0, $0xB;
	s7 =	simm.s32 $0x60;
	[dreg:$0x12] =	wrdreg s31  }
0x1d: {  	[dreg:$0x13] =	wrdreg s3;
	s20 =	sadd.s32 s30, s6;
	s6 =	smul.u32 $0xA000, s0  }
0x1e: {  	s5 =	sshrl.u32 s11, $0x2;
	s17 =	sshrl.u32 s14, $0x2;
	s25 =	sshrl.u32 s21, $0x2  }
0x1f: {  	s31 =	sadd.s32 s29, s18;
	_ =	strace $0x8000004D;
	[dreg:$0x4] =	wrdreg s8  }
0x20: {  	s11 =	simm.s32 $0x13980;
	s14 =	simm.s32 $0x13A00;
	[dreg:$0x5] =	wrdreg s10  }
0x21: {  	s21 =	simm.s32 $0x4;
	[dreg:$0x14] =	wrdreg s12;
	s4 =	sshrl.u32 s9, $0x2  }
0x22: {  	s15 =	sadd.s32 s5, s18;
	s23 =	sadd.s32 s17, s18;
	s26 =	sshrl.u32 s22, $0x2  }
0x23: {  	[dreg:$0x1d] =	wrdreg s31;
	s5 =	simm.s32 $0x13B00;
	s8 =	simm.s32 $0x13D80  }
0x24: {  	s9 =	simm.s32 $0x2;
	s10 =	simm.s32 $0x16D80;
	s12 =	simm.s32 $0x5  }
0x25: {  	s17 =	simm.s32 $0x6;
	s22 =	simm.s32 $0x1CD80;
	[dreg:$0x17] =	wrdreg s15  }
0x26: {  	s3 =	sshrl.u32 s6, $0x2;
	s4 =	sadd.s32 s4, s18;
	[dreg:$0x19] =	wrdreg s23  }
0x27: {  	s30 =	sadd.s32 s26, s18;
	s26 =	simm.s32 $0x13880;
	s23 =	simm.s32 $0x9  }
0x28: {  	s6 =	simm.s32 $0x0;
	s3 =	sadd.s32 s3, s18;
	[dreg:$0x16] =	wrdreg s4  }
0x29: {  	s4 =	sshrl.u32 s16, $0x2;
	[dreg:$0x1c] =	wrdreg s30;
	s16 =	simm.s32 $0x13C00  }
0x2a: {  	[dreg:$0x15] =	wrdreg s3;
	s3 =	sshrl.u32 s13, $0x2;
	s24 =	sadd.s32 s4, s18  }
0x2b: {  	s4 =	simm.s32 $0x13900;
	s3 =	sadd.s32 s3, s18;
	[dreg:$0x1a] =	wrdreg s24  }
0x2c: {  	s13 =	simm.s32 $0x3;
	[dreg:$0x18] =	wrdreg s3;
	s3 =	sadd.s32 s25, s18  }
0x2d: {  	v0 =	vimm.f32 $0.0e+00;
	s24 =	simm.s32 $0x8;
	[dreg:$0x1b] =	wrdreg s3;
	s3 =	simm.s32 $0x13A80  }
.LBB2_1:
0x2e: {  	[tilespmem:$0x16D80] =	vst v0  }
0x2f: {  	[tilespmem:$0x16D90] =	vst v0  }
0x30: {  	[tilespmem:$0x16DA0] =	vst v0  }
0x31: {  	[tilespmem:$0x16DB0] =	vst v0  }
0x32: {  	[tilespmem:$0x16DC0] =	vst v0  }
0x33: {  	[tilespmem:$0x16DD0] =	vst v0  }
0x34: {  	[tilespmem:$0x16DE0] =	vst v0  }
0x35: {  	[tilespmem:$0x16DF0] =	vst v0  }
0x36: {  	[tilespmem:$0x16E00] =	vst v0  }
0x37: {  	[tilespmem:$0x16E10] =	vst v0  }
0x38: {  	[tilespmem:$0x16E20] =	vst v0  }
0x39: {  	[tilespmem:$0x16E30] =	vst v0  }
0x3a: {  	[tilespmem:$0x16E40] =	vst v0  }
0x3b: {  	[tilespmem:$0x16E50] =	vst v0  }
0x3c: {  	[tilespmem:$0x16E60] =	vst v0  }
0x3d: {  	[tilespmem:$0x16E70] =	vst v0  }
0x3e: {  	[tilespmem:$0x16E80] =	vst v0  }
0x3f: {  	[tilespmem:$0x16E90] =	vst v0  }
0x40: {  	[tilespmem:$0x16EA0] =	vst v0  }
0x41: {  	[tilespmem:$0x16EB0] =	vst v0  }
0x42: {  	[tilespmem:$0x16EC0] =	vst v0  }
0x43: {  	[tilespmem:$0x16ED0] =	vst v0  }
0x44: {  	[tilespmem:$0x16EE0] =	vst v0  }
0x45: {  	[tilespmem:$0x16EF0] =	vst v0  }
0x46: {  	[tilespmem:$0x16F00] =	vst v0  }
0x47: {  	[tilespmem:$0x16F10] =	vst v0  }
0x48: {  	[tilespmem:$0x16F20] =	vst v0  }
0x49: {  	[tilespmem:$0x16F30] =	vst v0  }
0x4a: {  	[tilespmem:$0x16F40] =	vst v0  }
0x4b: {  	[tilespmem:$0x16F50] =	vst v0  }
0x4c: {  	[tilespmem:$0x16F60] =	vst v0  }
0x4d: {  	[tilespmem:$0x16F70] =	vst v0  }
0x4e: {  	[tilespmem:$0x16F80] =	vst v0  }
0x4f: {  	[tilespmem:$0x16F90] =	vst v0  }
0x50: {  	[tilespmem:$0x16FA0] =	vst v0  }
0x51: {  	[tilespmem:$0x16FB0] =	vst v0  }
0x52: {  	[tilespmem:$0x16FC0] =	vst v0  }
0x53: {  	[tilespmem:$0x16FD0] =	vst v0  }
0x54: {  	[tilespmem:$0x16FE0] =	vst v0  }
0x55: {  	[tilespmem:$0x16FF0] =	vst v0  }
0x56: {  	[tilespmem:$0x17000] =	vst v0  }
0x57: {  	[tilespmem:$0x17010] =	vst v0  }
0x58: {  	[tilespmem:$0x17020] =	vst v0  }
0x59: {  	[tilespmem:$0x17030] =	vst v0  }
0x5a: {  	[tilespmem:$0x17040] =	vst v0  }
0x5b: {  	[tilespmem:$0x17050] =	vst v0  }
0x5c: {  	[tilespmem:$0x17060] =	vst v0  }
0x5d: {  	[tilespmem:$0x17070] =	vst v0  }
0x5e: {  	[tilespmem:$0x17080] =	vst v0  }
0x5f: {  	[tilespmem:$0x17090] =	vst v0  }
0x60: {  	[tilespmem:$0x170A0] =	vst v0  }
0x61: {  	[tilespmem:$0x170B0] =	vst v0  }
0x62: {  	[tilespmem:$0x170C0] =	vst v0  }
0x63: {  	[tilespmem:$0x170D0] =	vst v0  }
0x64: {  	[tilespmem:$0x170E0] =	vst v0  }
0x65: {  	[tilespmem:$0x170F0] =	vst v0  }
0x66: {  	[tilespmem:$0x17100] =	vst v0  }
0x67: {  	[tilespmem:$0x17110] =	vst v0  }
0x68: {  	[tilespmem:$0x17120] =	vst v0  }
0x69: {  	[tilespmem:$0x17130] =	vst v0  }
0x6a: {  	[tilespmem:$0x17140] =	vst v0  }
0x6b: {  	[tilespmem:$0x17150] =	vst v0  }
0x6c: {  	[tilespmem:$0x17160] =	vst v0  }
0x6d: {  	[tilespmem:$0x17170] =	vst v0  }
0x6e: {  	[tilespmem:$0x17180] =	vst v0  }
0x6f: {  	[tilespmem:$0x17190] =	vst v0  }
0x70: {  	[tilespmem:$0x171A0] =	vst v0  }
0x71: {  	[tilespmem:$0x171B0] =	vst v0  }
0x72: {  	[tilespmem:$0x171C0] =	vst v0  }
0x73: {  	[tilespmem:$0x171D0] =	vst v0  }
0x74: {  	[tilespmem:$0x171E0] =	vst v0  }
0x75: {  	[tilespmem:$0x171F0] =	vst v0  }
0x76: {  	[tilespmem:$0x17200] =	vst v0  }
0x77: {  	[tilespmem:$0x17210] =	vst v0  }
0x78: {  	[tilespmem:$0x17220] =	vst v0  }
0x79: {  	[tilespmem:$0x17230] =	vst v0  }
0x7a: {  	[tilespmem:$0x17240] =	vst v0  }
0x7b: {  	[tilespmem:$0x17250] =	vst v0  }
0x7c: {  	[tilespmem:$0x17260] =	vst v0  }
0x7d: {  	[tilespmem:$0x17270] =	vst v0  }
0x7e: {  	[tilespmem:$0x17280] =	vst v0  }
0x7f: {  	[tilespmem:$0x17290] =	vst v0  }
0x80: {  	[tilespmem:$0x172A0] =	vst v0  }
0x81: {  	[tilespmem:$0x172B0] =	vst v0  }
0x82: {  	[tilespmem:$0x172C0] =	vst v0  }
0x83: {  	[tilespmem:$0x172D0] =	vst v0  }
0x84: {  	[tilespmem:$0x172E0] =	vst v0  }
0x85: {  	[tilespmem:$0x172F0] =	vst v0  }
0x86: {  	[tilespmem:$0x17300] =	vst v0  }
0x87: {  	[tilespmem:$0x17310] =	vst v0  }
0x88: {  	[tilespmem:$0x17320] =	vst v0  }
0x89: {  	[tilespmem:$0x17330] =	vst v0  }
0x8a: {  	[tilespmem:$0x17340] =	vst v0  }
0x8b: {  	[tilespmem:$0x17350] =	vst v0  }
0x8c: {  	[tilespmem:$0x17360] =	vst v0  }
0x8d: {  	[tilespmem:$0x17370] =	vst v0  }
0x8e: {  	[tilespmem:$0x17380] =	vst v0  }
0x8f: {  	[tilespmem:$0x17390] =	vst v0  }
0x90: {  	[tilespmem:$0x173A0] =	vst v0  }
0x91: {  	[tilespmem:$0x173B0] =	vst v0  }
0x92: {  	[tilespmem:$0x173C0] =	vst v0  }
0x93: {  	[tilespmem:$0x173D0] =	vst v0  }
0x94: {  	[tilespmem:$0x173E0] =	vst v0  }
0x95: {  	[tilespmem:$0x173F0] =	vst v0  }
0x96: {  	[tilespmem:$0x17400] =	vst v0  }
0x97: {  	[tilespmem:$0x17410] =	vst v0  }
0x98: {  	[tilespmem:$0x17420] =	vst v0  }
0x99: {  	[tilespmem:$0x17430] =	vst v0  }
0x9a: {  	[tilespmem:$0x17440] =	vst v0  }
0x9b: {  	[tilespmem:$0x17450] =	vst v0  }
0x9c: {  	[tilespmem:$0x17460] =	vst v0  }
0x9d: {  	[tilespmem:$0x17470] =	vst v0  }
0x9e: {  	[tilespmem:$0x17480] =	vst v0  }
0x9f: {  	[tilespmem:$0x17490] =	vst v0  }
0xa0: {  	[tilespmem:$0x174A0] =	vst v0  }
0xa1: {  	[tilespmem:$0x174B0] =	vst v0  }
0xa2: {  	[tilespmem:$0x174C0] =	vst v0  }
0xa3: {  	[tilespmem:$0x174D0] =	vst v0  }
0xa4: {  	[tilespmem:$0x174E0] =	vst v0  }
0xa5: {  	[tilespmem:$0x174F0] =	vst v0  }
0xa6: {  	[tilespmem:$0x17500] =	vst v0  }
0xa7: {  	[tilespmem:$0x17510] =	vst v0  }
0xa8: {  	[tilespmem:$0x17520] =	vst v0  }
0xa9: {  	[tilespmem:$0x17530] =	vst v0  }
0xaa: {  	[tilespmem:$0x17540] =	vst v0  }
0xab: {  	[tilespmem:$0x17550] =	vst v0  }
0xac: {  	[dreg:$0x1e] =	wrdreg s6;
	[tilespmem:$0x17560] =	vst v0  }
0xad: {  	[tilespmem:$0x17570] =	vst v0;
	s29 =	rddreg [dreg:$0x6]  }
0xae: {  	[tilespmem:s26], [sflag:$0x1] =	stream.linear.gather [hbm4b:s29+s1], $0x60, $0x38;
	[tilespmem:$0x1FD80] =	vst v63  }
0xaf: {  	s15 =	rddreg [dreg:$0x7]  }
0xb0: {  	[tilespmem:s3], [sflag:$0x1] =	stream.linear.gather [hbm4b:s15+s1], $0x60, $0x38;
	[tilespmem:$0x1FD80] =	vst v63  }
0xb1: {  	s25 =	rddreg [dreg:$0x10];
	s15 =	sadd.s32 $0x0, s0  }
0xb2: {  	[tilespmem:s4], [sflag:$0x2] =	stream.linear.gather [hbm4b:s25+s1], $0x60, $0x38;
	[tilespmem:$0x1FD80] =	vst v63  }
0xb3: {  	s29 =	rddreg [dreg:$0x11];
	p2 =	sgt.u32 s15, $0x270  }
0xb4: {  	[tilespmem:s5], [sflag:$0x2] =	stream.linear.gather [hbm4b:s29+s1], $0x60, $0x38;
	[tilespmem:$0x1FD80] =	vst v63  }
0xb5: {  	s6 =	rddreg [dreg:$0x1d];
	s15 =	simm.s32 @!p2 $0x16D80;
	s31 =	simm.s32 @!p2 $0xD  }
0xb6: {  	[spmem:s6] =	stream.linear.scatter @!p2 [tilespmem:s15], [sflag:$0xD], $0x800, $0x38;
	[tilespmem:$0x1FD80] =	vst v63  }
0xb7: {  	s30 =	simm.s32 $0x10;
	_ =	swait.ge @!p2 [sflag:s31], $0x800  }
0xb8: {  	s25 =	simm.s32 $0x20;
	s15 =	sadd.s32 $0x8000, s6;
	[sflag:s31] =	ssyncset.done @!p2 $0x0  }
.LBB2_2:
0xb9: {  	s6 =	sadd.s32 s30, s0;
	s30 =	smov.u32 s25;
	s25 =	sadd.s32 $0x10, s25  }
0xba: {  	[sflag:s31] =	ssyncadd.s32 @!p2 $0xFFFFF800;
	p3 =	sne.s32 s25, $0x280  }
.Ltmp0:
0xbb: {  	p2 =	sgt.u32 s6, $0x270;
	(pc) =	sbr.rel @p3 .LBB2_2-.Ltmp0, $4  }
0xbc: {  	s6 =	simm.s32 @!p2 $0x16D80;
	s31 =	simm.s32 @!p2 $0xD  }
0xbd: {  	[spmem:s15] =	stream.linear.scatter @!p2 [tilespmem:s6], [sflag:$0xD], $0x800, $0x38;
	[tilespmem:$0x1FD80] =	vst v63  }
0xbe: {  	_ =	swait.ge @!p2 [sflag:s31], $0x800  }
0xbf: {  	s15 =	sadd.s32 $0x8000, s15;
	[sflag:s31] =	ssyncset.done @!p2 $0x0  }
0xc0: {  	s6 =	sadd.s32 s30, s0  }
0xc1: {  	p3 =	sgt.u32 s6, $0x270  }
0xc2: {  	[sflag:s31] =	ssyncadd.s32 @!p2 $0xFFFFF800;
	s6 =	simm.s32 @!p3 $0x16D80;
	s25 =	simm.s32 @!p3 $0xD  }
0xc3: {  	[spmem:s15] =	stream.linear.scatter @!p3 [tilespmem:s6], [sflag:$0xD], $0x800, $0x38;
	[tilespmem:$0x1FD80] =	vst v63  }
0xc4: {  	_ =	swait.ge @!p3 [sflag:s25], $0x800  }
0xc5: {  	[sflag:s25] =	ssyncset.done @!p3 $0x0  }
0xc6: {  	[sflag:s25] =	ssyncadd.s32 @!p3 $0xFFFFF800  }
0xc7: {  	_ =	swait.ge [sflag:s28], $0x60  }
0xc8: {  	[sflag:s28] =	ssyncset.done $0x0  }
0xc9: {  	[sflag:s28] =	ssyncadd.s32 $0xFFFFFFA0  }
0xca: {  	_ =	swait.ge [sflag:s28], $0x60  }
0xcb: {  	[sflag:s28] =	ssyncset.done $0x0  }
0xcc: {  	[sflag:s28] =	ssyncadd.s32 $0xFFFFFFA0  }
0xcd: {  	[tilespmem:s8], [sflag:$0x5] =	stream.indirect.gather [hbm4b:s2+s7], $0x80, s26, s7, $0xb8;
	[tilespmem:$0x1FD80] =	vst v63  }
0xce: {  	[bflag:$0x0] =	sbarrier.arrive $0xFFFF  }
0xcf: {  	_ =	swait.ge [sflag:s9], $0x60  }
0xd0: {  	[sflag:s9] =	ssyncset.done $0x0  }
0xd1: {  	[sflag:s9] =	ssyncadd.s32 $0xFFFFFFA0  }
0xd2: {  	_ =	swait.ge [sflag:s9], $0x60  }
0xd3: {  	p2 =	por $0x1, $0x1;
	[sflag:s9] =	ssyncset.done $0x0  }
0xd4: {  	s6 =	simm.s32 @!p2 $0xB;
	[sflag:s9] =	ssyncadd.s32 $0xFFFFFFA0  }
0xd5: {  	[tilespmem:s10], [sflag:$0x6] =	stream.indirect.gather [hbm4b:s2+s7], $0x80, s4, s7, $0xb8;
	[tilespmem:$0x1FD80] =	vst v63  }
0xd6: {  	_ =	swait.ge @!p2 [sflag:s6], $0x3000  }
0xd7: {  	s0 =	sadd.s32 $0x0, s20;
	[sflag:s6] =	ssyncset.done @!p2 $0x0  }
0xd8: {  	s28 =	sadd.s32 $0x0, s19;
	s26 =	sadd.s32 $0x18, s0;
	[sflag:s6] =	ssyncadd.s32 @!p2 $0xFFFFD000  }
0xd9: {  	[tilespmem:s11], [sflag:$0x3] =	stream.linear.gather [hbm4b:s26+s1], $0x60, $0x38;
	[tilespmem:$0x1FD80] =	vst v63  }
0xda: {  	s29 =	sadd.s32 $0x18, s28;
	s30 =	rddreg [dreg:$0x4]  }
0xdb: {  	[tilespmem:s30], [sflag:$0x3] =	stream.linear.gather [hbm4b:s29+s1], $0x60, $0x38;
	[tilespmem:$0x1FD80] =	vst v63  }
0xdc: {  	_ =	swait.ge [sflag:s12], $0x3000  }
0xdd: {  	[sflag:s12] =	ssyncset.done $0x0  }
0xde: {  	[sflag:s12] =	ssyncadd.s32 $0xFFFFD000  }
0xdf: {  	[spmem:s18] =	stream.indirect.scatter.add.f32 [tilespmem:s8], [sflag:$0x9], $0x80, s3, s7, $0xb8;
	[tilespmem:$0x1FD80] =	vst v63  }
0xe0: {  	_ =	swait.ge [sflag:s13], $0x60  }
0xe1: {  	[sflag:s13] =	ssyncset.done $0x0  }
0xe2: {  	[sflag:s13] =	ssyncadd.s32 $0xFFFFFFA0  }
0xe3: {  	_ =	swait.ge [sflag:s13], $0x60  }
0xe4: {  	[sflag:s13] =	ssyncset.done $0x0  }
0xe5: {  	s30 =	simm.s32 @!p2 $0xC;
	s31 =	rddreg [dreg:$0x5];
	[sflag:s13] =	ssyncadd.s32 $0xFFFFFFA0  }
0xe6: {  	[tilespmem:s31], [sflag:$0x7] =	stream.indirect.gather [hbm4b:s2+s7], $0x80, s11, s7, $0xb8;
	[tilespmem:$0x1FD80] =	vst v63  }
0xe7: {  	_ =	swait.ge @!p2 [sflag:s30], $0x3000  }
0xe8: {  	[sflag:s30] =	ssyncset.done @!p2 $0x0  }
0xe9: {  	s15 =	sadd.s32 $0x24, s0;
	[sflag:s30] =	ssyncadd.s32 @!p2 $0xFFFFD000  }
0xea: {  	[tilespmem:s14], [sflag:$0x4] =	stream.linear.gather [hbm4b:s15+s1], $0x60, $0x38;
	[tilespmem:$0x1FD80] =	vst v63  }
0xeb: {  	s6 =	sadd.s32 $0x24, s28  }
0xec: {  	[tilespmem:s16], [sflag:$0x4] =	stream.linear.gather [hbm4b:s6+s1], $0x60, $0x38;
	[tilespmem:$0x1FD80] =	vst v63  }
0xed: {  	_ =	swait.ge [sflag:s17], $0x3000  }
0xee: {  	[sflag:s17] =	ssyncset.done $0x0  }
0xef: {  	[sflag:s17] =	ssyncadd.s32 $0xFFFFD000  }
0xf0: {  	[spmem:s18] =	stream.indirect.scatter.add.f32 [tilespmem:s10], [sflag:$0xA], $0x80, s5, s7, $0xb8;
	[tilespmem:$0x1FD80] =	vst v63  }
0xf1: {  	_ =	swait.ge [sflag:s21], $0x60  }
0xf2: {  	[sflag:s21] =	ssyncset.done $0x0  }
0xf3: {  	[sflag:s21] =	ssyncadd.s32 $0xFFFFFFA0  }
0xf4: {  	_ =	swait.ge [sflag:s21], $0x60  }
0xf5: {  	[sflag:s21] =	ssyncset.done $0x0  }
0xf6: {  	[sflag:s21] =	ssyncadd.s32 $0xFFFFFFA0  }
0xf7: {  	[tilespmem:s22], [sflag:$0x8] =	stream.indirect.gather [hbm4b:s2+s7], $0x80, s14, s7, $0xb8;
	[tilespmem:$0x1FD80] =	vst v63  }
0xf8: {  	_ =	swait.ge [sflag:s23], $0x3000  }
0xf9: {  	p2 =	por $0x0, $0x0;
	[sflag:s23] =	ssyncset.done $0x0  }
0xfa: {  	s6 =	simm.s32 @p2 $0x7;
	[sflag:s23] =	ssyncadd.s32 $0xFFFFD000  }
0xfb: {  	_ =	swait.ge @p2 [sflag:s6], $0x3000  }
0xfc: {  	s15 =	simm.s32 @p2 $0x19D80;
	s25 =	simm.s32 @p2 $0x60;
	[sflag:s6] =	ssyncset.done @p2 $0x0  }
0xfd: {  	s30 =	simm.s32 @p2 $0x13B80;
	[sflag:s6] =	ssyncadd.s32 @p2 $0xFFFFD000;
	s6 =	simm.s32 @p2 $0xA  }
0xfe: {  	[spmem:s18] =	stream.indirect.scatter.add.f32 @p2 [tilespmem:s15], [sflag:$0xB], $0x80, s30, s25, $0xb8;
	[tilespmem:$0x1FD80] =	vst v63  }
0xff: {  	s31 =	simm.s32 @!p2 $0x0;
	_ =	swait.ge @p2 [sflag:s6], $0x3000  }
0x100: {  	s28 =	simm.s32 @!p2 $0x13880;
	s15 =	sadd.s32 @!p2 $0x0, s20;
	[sflag:s6] =	ssyncset.done @p2 $0x0  }
0x101: {  	s30 =	sadd.s32 @!p2 $0x0, s19;
	s25 =	sadd.s32 @!p2 $0x30, s15;
	[sflag:s6] =	ssyncadd.s32 @p2 $0xFFFFD000  }
0x102: {  	[tilespmem:s28], [sflag:$0x1] =	stream.linear.gather @!p2 [hbm4b:s25+s31], $0x60, $0x38;
	[tilespmem:$0x1FD80] =	vst v63  }
0x103: {  	s29 =	simm.s32 @!p2 $0x7;
	s6 =	sadd.s32 @!p2 $0x30, s30;
	s25 =	simm.s32 @!p2 $0x13A80  }
0x104: {  	[tilespmem:s25], [sflag:$0x1] =	stream.linear.gather @!p2 [hbm4b:s6+s31], $0x60, $0x38;
	[tilespmem:$0x1FD80] =	vst v63  }
0x105: {  	_ =	swait.ge @!p2 [sflag:s29], $0x3000  }
0x106: {  	s6 =	simm.s32 @!p2 $0x19D80;
	[sflag:s29] =	ssyncset.done @!p2 $0x0  }
0x107: {  	s25 =	simm.s32 @!p2 $0x60;
	[sflag:s29] =	ssyncadd.s32 @!p2 $0xFFFFD000;
	s29 =	simm.s32 @!p2 $0x13B80  }
0x108: {  	[spmem:s18] =	stream.indirect.scatter.add.f32 @!p2 [tilespmem:s6], [sflag:$0xB], $0x80, s29, s25, $0xb8;
	[tilespmem:$0x1FD80] =	vst v63  }
0x109: {  	s6 =	simm.s32 @!p2 $0x1  }
0x10a: {  	_ =	swait.ge @!p2 [sflag:s6], $0x60  }
0x10b: {  	[sflag:s6] =	ssyncset.done @!p2 $0x0  }
0x10c: {  	[sflag:s6] =	ssyncadd.s32 @!p2 $0xFFFFFFA0  }
0x10d: {  	_ =	swait.ge @!p2 [sflag:s6], $0x60  }
0x10e: {  	[sflag:s6] =	ssyncset.done @!p2 $0x0  }
0x10f: {  	[sflag:s6] =	ssyncadd.s32 @!p2 $0xFFFFFFA0;
	s6 =	simm.s32 @!p2 $0x13D80  }
0x110: {  	[tilespmem:s6], [sflag:$0x5] =	stream.indirect.gather @!p2 [hbm4b:s2+s25], $0x80, s28, s25, $0xb8;
	[tilespmem:$0x1FD80] =	vst v63  }
0x111: {  	s6 =	simm.s32 @!p2 $0xA  }
0x112: {  	_ =	swait.ge @!p2 [sflag:s6], $0x3000  }
0x113: {  	[sflag:s6] =	ssyncset.done @!p2 $0x0  }
0x114: {  	s15 =	sadd.s32 @!p2 $0x3C, s15;
	[sflag:s6] =	ssyncadd.s32 @!p2 $0xFFFFD000;
	s6 =	simm.s32 @!p2 $0x13900  }
0x115: {  	[tilespmem:s6], [sflag:$0x2] =	stream.linear.gather @!p2 [hbm4b:s15+s31], $0x60, $0x38;
	[tilespmem:$0x1FD80] =	vst v63  }
0x116: {  	s6 =	sadd.s32 @!p2 $0x3C, s30;
	s15 =	simm.s32 @!p2 $0x13B00  }
0x117: {  	[tilespmem:s15], [sflag:$0x2] =	stream.linear.gather @!p2 [hbm4b:s6+s31], $0x60, $0x38;
	[tilespmem:$0x1FD80] =	vst v63  }
0x118: {  	_ =	swait.ge [sflag:s24], $0x3000  }
0x119: {  	s30 =	simm.s32 $0x30;
	[sflag:s24] =	ssyncset.done $0x0  }
.LBB2_4:
0x11a: {  	[sflag:s24] =	ssyncadd.s32 $0xFFFFD000  }
0x11b: {  	[spmem:s18] =	stream.indirect.scatter.add.f32 [tilespmem:s22], [sflag:$0xC], $0x80, s16, s7, $0xb8;
	[tilespmem:$0x1FD80] =	vst v63  }
0x11c: {  	_ =	swait.ge [sflag:s9], $0x60  }
0x11d: {  	[sflag:s9] =	ssyncset.done $0x0  }
0x11e: {  	[sflag:s9] =	ssyncadd.s32 $0xFFFFFFA0  }
0x11f: {  	s15 =	smov.u32 s30;
	_ =	swait.ge [sflag:s9], $0x60  }
0x120: {  	p3 =	seq.s32 s15, $0x0;
	[sflag:s9] =	ssyncset.done $0x0  }
0x121: {  	s6 =	simm.s32 @!p3 $0xB;
	[sflag:s9] =	ssyncadd.s32 $0xFFFFFFA0  }
0x122: {  	[tilespmem:s10], [sflag:$0x6] =	stream.indirect.gather [hbm4b:s2+s7], $0x80, s4, s7, $0xb8;
	[tilespmem:$0x1FD80] =	vst v63  }
0x123: {  	_ =	swait.ge @!p3 [sflag:s6], $0x3000  }
0x124: {  	s25 =	sadd.s32 s15, s20;
	[sflag:s6] =	ssyncset.done @!p3 $0x0  }
0x125: {  	s0 =	sadd.s32 s15, s19;
	s28 =	sadd.s32 $0x18, s25;
	[sflag:s6] =	ssyncadd.s32 @!p3 $0xFFFFD000  }
0x126: {  	[tilespmem:s11], [sflag:$0x3] =	stream.linear.gather [hbm4b:s28+s1], $0x60, $0x38;
	[tilespmem:$0x1FD80] =	vst v63  }
0x127: {  	s26 =	sadd.s32 $0x18, s0;
	s29 =	rddreg [dreg:$0x4]  }
0x128: {  	[tilespmem:s29], [sflag:$0x3] =	stream.linear.gather [hbm4b:s26+s1], $0x60, $0x38;
	[tilespmem:$0x1FD80] =	vst v63  }
0x129: {  	_ =	swait.ge [sflag:s12], $0x3000  }
0x12a: {  	[sflag:s12] =	ssyncset.done $0x0  }
0x12b: {  	[sflag:s12] =	ssyncadd.s32 $0xFFFFD000  }
0x12c: {  	[spmem:s18] =	stream.indirect.scatter.add.f32 [tilespmem:s8], [sflag:$0x9], $0x80, s3, s7, $0xb8;
	[tilespmem:$0x1FD80] =	vst v63  }
0x12d: {  	_ =	swait.ge [sflag:s13], $0x60  }
0x12e: {  	[sflag:s13] =	ssyncset.done $0x0  }
0x12f: {  	[sflag:s13] =	ssyncadd.s32 $0xFFFFFFA0  }
0x130: {  	_ =	swait.ge [sflag:s13], $0x60  }
0x131: {  	[sflag:s13] =	ssyncset.done $0x0  }
0x132: {  	s29 =	simm.s32 @!p3 $0xC;
	s31 =	rddreg [dreg:$0x5];
	[sflag:s13] =	ssyncadd.s32 $0xFFFFFFA0  }
0x133: {  	[tilespmem:s31], [sflag:$0x7] =	stream.indirect.gather [hbm4b:s2+s7], $0x80, s11, s7, $0xb8;
	[tilespmem:$0x1FD80] =	vst v63  }
0x134: {  	_ =	swait.ge @!p3 [sflag:s29], $0x3000  }
0x135: {  	[sflag:s29] =	ssyncset.done @!p3 $0x0  }
0x136: {  	s25 =	sadd.s32 $0x24, s25;
	[sflag:s29] =	ssyncadd.s32 @!p3 $0xFFFFD000  }
0x137: {  	[tilespmem:s14], [sflag:$0x4] =	stream.linear.gather [hbm4b:s25+s1], $0x60, $0x38;
	[tilespmem:$0x1FD80] =	vst v63  }
0x138: {  	s6 =	sadd.s32 $0x24, s0  }
0x139: {  	[tilespmem:s16], [sflag:$0x4] =	stream.linear.gather [hbm4b:s6+s1], $0x60, $0x38;
	[tilespmem:$0x1FD80] =	vst v63  }
0x13a: {  	_ =	swait.ge [sflag:s17], $0x3000  }
0x13b: {  	[sflag:s17] =	ssyncset.done $0x0  }
0x13c: {  	[sflag:s17] =	ssyncadd.s32 $0xFFFFD000  }
0x13d: {  	[spmem:s18] =	stream.indirect.scatter.add.f32 [tilespmem:s10], [sflag:$0xA], $0x80, s5, s7, $0xb8;
	[tilespmem:$0x1FD80] =	vst v63  }
0x13e: {  	_ =	swait.ge [sflag:s21], $0x60  }
0x13f: {  	[sflag:s21] =	ssyncset.done $0x0  }
0x140: {  	[sflag:s21] =	ssyncadd.s32 $0xFFFFFFA0  }
0x141: {  	_ =	swait.ge [sflag:s21], $0x60  }
0x142: {  	[sflag:s21] =	ssyncset.done $0x0  }
0x143: {  	[sflag:s21] =	ssyncadd.s32 $0xFFFFFFA0  }
0x144: {  	[tilespmem:s22], [sflag:$0x8] =	stream.indirect.gather [hbm4b:s2+s7], $0x80, s14, s7, $0xb8;
	[tilespmem:$0x1FD80] =	vst v63  }
0x145: {  	_ =	swait.ge [sflag:s23], $0x3000  }
0x146: {  	p3 =	seq.s32 s15, $0x990;
	[sflag:s23] =	ssyncset.done $0x0  }
0x147: {  	s6 =	simm.s32 @p3 $0x7;
	[sflag:s23] =	ssyncadd.s32 $0xFFFFD000  }
0x148: {  	s25 =	sadd.s32 @!p3 s15, s20;
	_ =	swait.ge @p3 [sflag:s6], $0x3000  }
0x149: {  	s29 =	simm.s32 @p3 $0x19D80;
	s26 =	simm.s32 @p3 $0x60;
	[sflag:s6] =	ssyncset.done @p3 $0x0  }
0x14a: {  	s0 =	simm.s32 @p3 $0x13B80;
	[sflag:s6] =	ssyncadd.s32 @p3 $0xFFFFD000;
	s6 =	simm.s32 @p3 $0xA  }
0x14b: {  	[spmem:s18] =	stream.indirect.scatter.add.f32 @p3 [tilespmem:s29], [sflag:$0xB], $0x80, s0, s26, $0xb8;
	[tilespmem:$0x1FD80] =	vst v63  }
0x14c: {  	s15 =	sadd.s32 @!p3 s15, s19;
	s28 =	sadd.s32 @!p3 $0x30, s25;
	_ =	swait.ge @p3 [sflag:s6], $0x3000  }
0x14d: {  	s31 =	sadd.s32 @!p3 $0x30, s15;
	s0 =	sadd.s32 @!p3 $0x3C, s15;
	[sflag:s6] =	ssyncset.done @p3 $0x0  }
0x14e: {  	s15 =	simm.s32 @!p3 $0x0;
	s26 =	simm.s32 @!p3 $0x13880;
	[sflag:s6] =	ssyncadd.s32 @p3 $0xFFFFD000  }
0x14f: {  	[tilespmem:s26], [sflag:$0x1] =	stream.linear.gather @!p3 [hbm4b:s28+s15], $0x60, $0x38;
	[tilespmem:$0x1FD80] =	vst v63  }
0x150: {  	s6 =	simm.s32 @!p3 $0x13A80;
	s28 =	simm.s32 @!p3 $0x7  }
0x151: {  	[tilespmem:s6], [sflag:$0x1] =	stream.linear.gather @!p3 [hbm4b:s31+s15], $0x60, $0x38;
	[tilespmem:$0x1FD80] =	vst v63  }
0x152: {  	_ =	swait.ge @!p3 [sflag:s28], $0x3000  }
0x153: {  	s29 =	simm.s32 @!p3 $0x60;
	s6 =	simm.s32 @!p3 $0x19D80;
	[sflag:s28] =	ssyncset.done @!p3 $0x0  }
0x154: {  	s31 =	simm.s32 @!p3 $0x13B80;
	[sflag:s28] =	ssyncadd.s32 @!p3 $0xFFFFD000;
	s28 =	simm.s32 @!p3 $0x1  }
0x155: {  	[spmem:s18] =	stream.indirect.scatter.add.f32 @!p3 [tilespmem:s6], [sflag:$0xB], $0x80, s31, s29, $0xb8;
	[tilespmem:$0x1FD80] =	vst v63  }
0x156: {  	_ =	swait.ge @!p3 [sflag:s28], $0x60  }
0x157: {  	[sflag:s28] =	ssyncset.done @!p3 $0x0  }
0x158: {  	[sflag:s28] =	ssyncadd.s32 @!p3 $0xFFFFFFA0  }
0x159: {  	_ =	swait.ge @!p3 [sflag:s28], $0x60  }
0x15a: {  	[sflag:s28] =	ssyncset.done @!p3 $0x0  }
0x15b: {  	s6 =	simm.s32 @!p3 $0x13D80;
	[sflag:s28] =	ssyncadd.s32 @!p3 $0xFFFFFFA0;
	s28 =	simm.s32 @!p3 $0xA  }
0x15c: {  	[tilespmem:s6], [sflag:$0x5] =	stream.indirect.gather @!p3 [hbm4b:s2+s29], $0x80, s26, s29, $0xb8;
	[tilespmem:$0x1FD80] =	vst v63  }
0x15d: {  	s30 =	sadd.s32 $0x30, s30;
	_ =	swait.ge @!p3 [sflag:s28], $0x3000  }
0x15e: {  	p2 =	sne.s32 s30, $0x9C0;
	[sflag:s28] =	ssyncset.done @!p3 $0x0  }
0x15f: {  	s25 =	sadd.s32 @!p3 $0x3C, s25;
	s6 =	simm.s32 @!p3 $0x13900;
	[sflag:s28] =	ssyncadd.s32 @!p3 $0xFFFFD000  }
0x160: {  	[tilespmem:s6], [sflag:$0x2] =	stream.linear.gather @!p3 [hbm4b:s25+s15], $0x60, $0x38;
	[tilespmem:$0x1FD80] =	vst v63  }
.Ltmp1:
0x161: {  	_ = 	snop;
	(pc) =	sbr.rel @p2 .LBB2_4-.Ltmp1, $4  }
0x162: {  	s26 =	simm.s32 @!p3 $0x13B00  }
0x163: {  	[tilespmem:s26], [sflag:$0x2] =	stream.linear.gather @!p3 [hbm4b:s0+s15], $0x60, $0x38;
	[tilespmem:$0x1FD80] =	vst v63  }
0x164: {  	_ =	swait.ge [sflag:s24], $0x3000  }
0x165: {  	[sflag:s24] =	ssyncset.done $0x0  }
0x166: {  	[sflag:s24] =	ssyncadd.s32 $0xFFFFD000;
	s0 =	simm.s32 $0xB  }
0x167: {  	[spmem:s18] =	stream.indirect.scatter.add.f32 [tilespmem:s22], [sflag:$0xC], $0x80, s16, s7, $0xb8;
	[tilespmem:$0x1FD80] =	vst v63  }
0x168: {  	_ =	swait.ge [sflag:s0], $0x3000  }
0x169: {  	[sflag:s0] =	ssyncset.done $0x0  }
0x16a: {  	s26 =	simm.s32 $0xC;
	[sflag:s0] =	ssyncadd.s32 $0xFFFFD000  }
0x16b: {  	_ =	swait.ge [sflag:s26], $0x3000  }
0x16c: {  	s6 =	simm.s32 $0x13C80;
	[sflag:s26] =	ssyncset.done $0x0  }
0x16d: {  	s15 =	simm.s32 $0xD;
	s29 =	rddreg [dreg:$0x12];
	[sflag:s26] =	ssyncadd.s32 $0xFFFFD000  }
0x16e: {  	[tilespmem:s6], [sflag:$0xD] =	stream.linear.gather [hbm4b:s29+s1], $0x20, $0x38;
	[tilespmem:$0x1FD80] =	vst v63  }
0x16f: {  	_ =	swait.ge [sflag:s15], $0x20  }
0x170: {  	[sflag:s15] =	ssyncset.done $0x0  }
0x171: {  	s25 =	simm.s32 $0x13D00;
	s30 =	rddreg [dreg:$0x13];
	[sflag:s15] =	ssyncadd.s32 $0xFFFFFFE0  }
0x172: {  	[tilespmem:s25], [sflag:$0xD] =	stream.linear.gather [hbm4b:s30+s1], $0x20, $0x38;
	[tilespmem:$0x1FD80] =	vst v63  }
0x173: {  	_ =	swait.ge [sflag:s15], $0x20  }
0x174: {  	[sflag:s15] =	ssyncset.done $0x0  }
0x175: {  	s31 =	simm.s32 $0x20;
	s28 =	simm.s32 $0x1;
	[sflag:s15] =	ssyncadd.s32 $0xFFFFFFE0  }
0x176: {  	[tilespmem:s8], [sflag:$0x1] =	stream.indirect.gather [hbm4b:s2+s31], $0x80, s6, s31, $0xb8;
	[tilespmem:$0x1FD80] =	vst v63  }
0x177: {  	_ =	swait.ge [sflag:s28], $0x1000  }
0x178: {  	[sflag:s28] =	ssyncset.done $0x0  }
0x179: {  	[sflag:s28] =	ssyncadd.s32 $0xFFFFF000  }
0x17a: {  	[spmem:s18] =	stream.indirect.scatter.add.f32 [tilespmem:s8], [sflag:$0xD], $0x80, s25, s31, $0xb8;
	[tilespmem:$0x1FD80] =	vst v63  }
0x17b: {  	_ =	swait.ge [sflag:s15], $0x1000  }
0x17c: {  	[sflag:s15] =	ssyncset.done $0x0  }
0x17d: {  	[sflag:s15] =	ssyncadd.s32 $0xFFFFF000  }
0x17e: {  	[bflag:$0x0] =	sbarrier.arrive $0xFFFF  }
0x17f: {  	s6 =	simm.s32 $0xE;
	s15 =	rddreg [dreg:$0x15]  }
0x180: {  	[tilespmem:s10], [sflag:$0xE] =	stream.linear.gather [spmem:s15], $0x2800, $0x38;
	[tilespmem:$0x1FD80] =	vst v63  }
0x181: {  	_ =	swait.ge [sflag:s6], $0x2800  }
0x182: {  	s15 =	simm.s32 $0xE;
	[sflag:s6] =	ssyncset.done $0x0  }
0x183: {  	s15 =	simm.s32 @!p0 $0xD;
	s25 =	rddreg [dreg:$0x8];
	[sflag:s6] =	ssyncadd.s32 $0xFFFFD800  }
0x184: {  	[hbm4b:s25+s1] =	stream.linear.scatter [tilespmem:s10], [sflag:s15], $0x2800, $0x38;
	[tilespmem:$0x1FD80] =	vst v63  }
0x185: {  	_ =	swait.ge [sflag:s15], $0x2800  }
0x186: {  	[sflag:s15] =	ssyncset.done $0x0  }
0x187: {  	s26 =	rddreg [dreg:$0x16];
	[sflag:s15] =	ssyncadd.s32 $0xFFFFD800  }
0x188: {  	[tilespmem:s10], [sflag:$0xE] =	stream.linear.gather [spmem:s26], $0x2800, $0x38;
	[tilespmem:$0x1FD80] =	vst v63  }
0x189: {  	_ =	swait.ge [sflag:s6], $0x2800  }
0x18a: {  	[sflag:s6] =	ssyncset.done $0x0  }
0x18b: {  	s29 =	rddreg [dreg:$0x9];
	[sflag:s6] =	ssyncadd.s32 $0xFFFFD800  }
0x18c: {  	[hbm4b:s29+s1] =	stream.linear.scatter [tilespmem:s10], [sflag:s15], $0x2800, $0x38;
	[tilespmem:$0x1FD80] =	vst v63  }
0x18d: {  	_ =	swait.ge [sflag:s15], $0x2800  }
0x18e: {  	[sflag:s15] =	ssyncset.done $0x0  }
0x18f: {  	s30 =	rddreg [dreg:$0x17];
	[sflag:s15] =	ssyncadd.s32 $0xFFFFD800  }
0x190: {  	[tilespmem:s10], [sflag:$0xE] =	stream.linear.gather [spmem:s30], $0x2800, $0x38;
	[tilespmem:$0x1FD80] =	vst v63  }
0x191: {  	_ =	swait.ge [sflag:s6], $0x2800  }
0x192: {  	[sflag:s6] =	ssyncset.done $0x0  }
0x193: {  	s31 =	rddreg [dreg:$0xa];
	[sflag:s6] =	ssyncadd.s32 $0xFFFFD800  }
0x194: {  	[hbm4b:s31+s1] =	stream.linear.scatter [tilespmem:s10], [sflag:s15], $0x2800, $0x38;
	[tilespmem:$0x1FD80] =	vst v63  }
0x195: {  	_ =	swait.ge [sflag:s15], $0x2800  }
0x196: {  	[sflag:s15] =	ssyncset.done $0x0  }
0x197: {  	s25 =	rddreg [dreg:$0x18];
	[sflag:s15] =	ssyncadd.s32 $0xFFFFD800  }
0x198: {  	[tilespmem:s10], [sflag:$0xE] =	stream.linear.gather [spmem:s25], $0x2800, $0x38;
	[tilespmem:$0x1FD80] =	vst v63  }
0x199: {  	_ =	swait.ge [sflag:s6], $0x2800  }
0x19a: {  	[sflag:s6] =	ssyncset.done $0x0  }
0x19b: {  	s26 =	rddreg [dreg:$0xb];
	[sflag:s6] =	ssyncadd.s32 $0xFFFFD800  }
0x19c: {  	[hbm4b:s26+s1] =	stream.linear.scatter [tilespmem:s10], [sflag:s15], $0x2800, $0x38;
	[tilespmem:$0x1FD80] =	vst v63  }
0x19d: {  	_ =	swait.ge [sflag:s15], $0x2800  }
0x19e: {  	[sflag:s15] =	ssyncset.done $0x0  }
0x19f: {  	s29 =	rddreg [dreg:$0x19];
	[sflag:s15] =	ssyncadd.s32 $0xFFFFD800  }
0x1a0: {  	[tilespmem:s10], [sflag:$0xE] =	stream.linear.gather [spmem:s29], $0x2800, $0x38;
	[tilespmem:$0x1FD80] =	vst v63  }
0x1a1: {  	_ =	swait.ge [sflag:s6], $0x2800  }
0x1a2: {  	[sflag:s6] =	ssyncset.done $0x0  }
0x1a3: {  	s30 =	rddreg [dreg:$0xc];
	[sflag:s6] =	ssyncadd.s32 $0xFFFFD800  }
0x1a4: {  	[hbm4b:s30+s1] =	stream.linear.scatter [tilespmem:s10], [sflag:s15], $0x2800, $0x38;
	[tilespmem:$0x1FD80] =	vst v63  }
0x1a5: {  	_ =	swait.ge [sflag:s15], $0x2800  }
0x1a6: {  	[sflag:s15] =	ssyncset.done $0x0  }
0x1a7: {  	s31 =	rddreg [dreg:$0x1a];
	[sflag:s15] =	ssyncadd.s32 $0xFFFFD800  }
0x1a8: {  	[tilespmem:s10], [sflag:$0xE] =	stream.linear.gather [spmem:s31], $0x2800, $0x38;
	[tilespmem:$0x1FD80] =	vst v63  }
0x1a9: {  	_ =	swait.ge [sflag:s6], $0x2800  }
0x1aa: {  	[sflag:s6] =	ssyncset.done $0x0  }
0x1ab: {  	s25 =	rddreg [dreg:$0xd];
	[sflag:s6] =	ssyncadd.s32 $0xFFFFD800  }
0x1ac: {  	[hbm4b:s25+s1] =	stream.linear.scatter [tilespmem:s10], [sflag:s15], $0x2800, $0x38;
	[tilespmem:$0x1FD80] =	vst v63  }
0x1ad: {  	_ =	swait.ge [sflag:s15], $0x2800  }
0x1ae: {  	[sflag:s15] =	ssyncset.done $0x0  }
0x1af: {  	s26 =	rddreg [dreg:$0x1b];
	[sflag:s15] =	ssyncadd.s32 $0xFFFFD800  }
0x1b0: {  	[tilespmem:s10], [sflag:$0xE] =	stream.linear.gather [spmem:s26], $0x2800, $0x38;
	[tilespmem:$0x1FD80] =	vst v63  }
0x1b1: {  	_ =	swait.ge [sflag:s6], $0x2800  }
0x1b2: {  	[sflag:s6] =	ssyncset.done $0x0  }
0x1b3: {  	s29 =	rddreg [dreg:$0xe];
	[sflag:s6] =	ssyncadd.s32 $0xFFFFD800  }
0x1b4: {  	[hbm4b:s29+s1] =	stream.linear.scatter [tilespmem:s10], [sflag:s15], $0x2800, $0x38;
	[tilespmem:$0x1FD80] =	vst v63  }
0x1b5: {  	_ =	swait.ge [sflag:s15], $0x2800  }
0x1b6: {  	[sflag:s15] =	ssyncset.done $0x0  }
0x1b7: {  	s0 =	simm.s32 @!p1 $0x16D80;
	s6 =	rddreg [dreg:$0x1c];
	[sflag:s15] =	ssyncadd.s32 $0xFFFFD800  }
0x1b8: {  	[tilespmem:s0], [sflag:$0xE] =	stream.linear.gather @!p1 [spmem:s6], $0x2800, $0x38;
	[tilespmem:$0x1FD80] =	vst v63  }
0x1b9: {  	s6 =	simm.s32 @!p1 $0xE  }
0x1ba: {  	_ =	swait.ge @!p1 [sflag:s6], $0x2800  }
0x1bb: {  	[sflag:s6] =	ssyncset.done @!p1 $0x0  }
0x1bc: {  	s25 =	rddreg [dreg:$0xf];
	[sflag:s6] =	ssyncadd.s32 @!p1 $0xFFFFD800;
	s6 =	simm.s32 @!p1 $0x0  }
0x1bd: {  	[hbm4b:s25+s6] =	stream.linear.scatter @!p1 [tilespmem:s0], [sflag:s15], $0x2800, $0x38;
	[tilespmem:$0x1FD80] =	vst v63  }
0x1be: {  	_ =	swait.ge @!p1 [sflag:s15], $0x2800  }
0x1bf: {  	s30 =	rddreg [dreg:$0x1e]  }
0x1c0: {  	s31 =	rddreg [dreg:$0x14];
	s6 =	sadd.s32 $0x1, s30  }
0x1c1: {  	p2 =	sne.s32 s6, s31  }
.Ltmp2:
0x1c2: {  	_ = 	snop;
	(pc) =	sbr.rel @p2 .LBB2_1-.Ltmp2, $3  }
0x1c3: {  	_ =	sdelay $0x1  }
0x1c4: {  	[sflag:s15] =	ssyncset.done @!p1 $0x0  }
0x1c5: {  	s26 =	simm.s32 $0x13880;
	s0 =	stileid.u32;
	[sflag:s15] =	ssyncadd.s32 @!p1 $0xFFFFD800  }
0x1c6: {  	_ =	sfence.sel $0x180000  }
0x1c7: {  	[bflag:$0x0] =	sbarrier.arrive $0xFFFF  }
0x1c8: {  	_ =	strace $0x9000004D  }
0x1c9: {  	[bflag:$0x2] =	sbarrier.arrive $0xFFFF  }
0x1ca: {  	p0 =	sne.s32 s0, $0x0;
	s0 =	rddreg [dreg:$0x3]  }
0x1cb: {  	s0 =	sadd.s32 @!p0 $0x100000, s0  }
0x1cc: {  	[sflag:s0] =	ssyncadd.tile.s32 @!p0 $0x1;
	_ =	shalt  }
.Lfunc_end2:
_tile_overlayer_lowered:
.L_overlay_start_2:
0x1cd: {  	(tag) =	ssettag $0x2  }
0x1ce: {  	s0 =	rddreg [dreg:$0x0];
	s2 =	stileid.u32  }
0x1cf: {  	s1 =	rddreg [dreg:$0x1];
	p0 =	sne.s32 s2, $0x0  }
0x1d0: {  	s3 =	rddreg [dreg:$0x2];
	[bflag:$0x3] =	sbarrier.arrive $0xFFFF;
	s2 =	simm.s32 @!p0 $0x1C0D  }
0x1d1: {  	[timem:s3], [sflag:s2] =	dma.local @!p0 [hbm:s0], s1  }
0x1d2: {  	s0 =	simm.s32 @!p0 $0xD  }
0x1d3: {  	_ =	swait.ge @!p0 [sflag:s0], s1  }
0x1d4: {  	s1 =	ssub.s32 @!p0 $0x0, s1;
	[sflag:s0] =	ssyncset.done @!p0 $0x0  }
0x1d5: {  	[sflag:s0] =	ssyncadd.s32 @!p0 s1  }
0x1d6: {  	[bflag:$0x3] =	sbarrier.arrive $0xFFFF  }
0x1d7: {  	_ =	shalt  }

// kernel: kernel.8.cloned.1.call-start
scs
__scs_entry_jumppad:
0x0: {  	(pc) =	sbr.rel $0x88, $3  }
0x1: {  	(tag) =	ssettag $0x0;
	lr =	simm.s32 $0x1  }
0x2: {  	[smem:$0x3F9B] =	sst lr;
	_ =	strace $0xD0000000  }
0x3: {  	_ = 	snop  }
0x4: {  	_ = 	snop  }
0x5: {  	_ = 	snop  }
0x6: {  	_ = 	snop  }
0x7: {  	_ = 	snop  }
__scs_overlays_trampoline_lowered:
0x8: {  	[smem:$0x3FAA] =	sst s0  }
0x9: {  	[smem:$0x3FAB] =	sst s1  }
0xa: {  	[smem:$0x3FAC] =	sst s2  }
0xb: {  	[smem:$0x3FAD] =	sst s3  }
0xc: {  	[smem:$0x3FAE] =	sst s4  }
0xd: {  	[smem:$0x3FAF] =	sst s5  }
0xe: {  	[smem:$0x3FB0] =	sst s6  }
0xf: {  	[smem:$0x3FB1] =	sst s7  }
0x10: {  	[smem:$0x3FB2] =	sst s8  }
0x11: {  	[smem:$0x3FB3] =	sst s9;
	s0 =	simm.s32 @!p0 $0x0  }
0x12: {  	s1 =	sld [smem:$0x3F99];
	s0 =	simm.s32 @p0 $0x1  }
0x13: {  	[smem:$0x3FB4] =	sst s0;
	s0 =	simm.s32 @!p1 $0x0  }
0x14: {  	s2 =	sld [smem:$0x3F98];
	s0 =	simm.s32 @p1 $0x1  }
0x15: {  	[smem:$0x3FB5] =	sst s0;
	s0 =	simm.s32 @!p2 $0x0  }
0x16: {  	s3 =	sld [smem:$0x3FDB];
	s0 =	simm.s32 @p2 $0x1  }
0x17: {  	s4 =	simm.s32 $0x1BF5;
	[smem:$0x3FB7] =	sst s0  }
0x18: {  	s0 =	sld [smem:$0x3F9A];
	_ =	swait.ge [sflag:s4], $0x0  }
0x19: {  	s7 =	sld [smem:$0x3F9B]  }
0x1a: {  	s8 =	sadd.s32 $0xFFFFE003, lr  }
0x1b: {  	s9 =	sadd.s32 $0xFFFFFEF7, lr;
	s5 =	simm.s32 $0xFFFFFFFF;
	p2 =	slt.u32 s8, $0xFFFFF086  }
0x1c: {  	p1 =	slt.u32 s9, $0xF7A;
	s5 =	simm.s32 @!p2 $0x0  }
0x1d: {  	s5 =	simm.s32 @p1 $0x1;
	p0 =	seq.s32 s7, s2  }
0x1e: {  	s7 =	smul.u32 @!p0 $0xF7A, s2;
	p2 =	seq.s32 @!p0 s5, $0x0  }
0x1f: {  	s9 =	smul.u32 $0xF7A, s1;
	s8 =	simm.s32 @!p0 $0x1BF5;
	p2 =	por !p2, p0  }
0x20: {  	[sflag:s8] =	ssyncset.s32 @!p0 $0xFFFFF086;
	s6 =	sadd.s32 @!p0 s3, s7;
	s7 =	simm.s32 @!p0 $0x108  }
0x21: {  	s3 =	sadd.s32 s3, s9;
	s6 =	sadd.s32 @!p0 $0x88, s6;
	s7 =	simm.s32 @p2 $0x1082  }
0x22: {  	[simem:s7], [sflag:s8] =	dma.local @!p0 [hbm:s6], $0xF7A  }
0x23: {  	s9 =	sor.u32 $0xD0000000, s2;
	s6 =	simm.s32 $0x108;
	_ =	swait.ge @!p0 [sflag:s8], $0x0  }
0x24: {  	s3 =	sadd.s32 $0x88, s3;
	s6 =	simm.s32 @!p1 $0x1082;
	[sflag:s4] =	ssyncset.s32 $0xFFFFF086  }
0x25: {  	[simem:s6], [sflag:s4] =	dma.local [hbm:s3], $0xF7A  }
0x26: {  	[smem:$0x3F9B] =	sst s1;
	(tag) =	ssettag s2;
	_ =	strace s9  }
0x27: {  	s1 =	sld [smem:$0x3FAB]  }
0x28: {  	s2 =	sld [smem:$0x3FAC]  }
0x29: {  	s4 =	sld [smem:$0x3FAE]  }
0x2a: {  	p0 =	seq.s32 s5, $0x0;
	s5 =	sld [smem:$0x3FAF]  }
0x2b: {  	s6 =	sld [smem:$0x3FB0]  }
0x2c: {  	s7 =	sld [smem:$0x3FB1]  }
0x2d: {  	s3 =	simm.s32 $0x108;
	s8 =	sld [smem:$0x3FB2]  }
0x2e: {  	s3 =	simm.s32 @!p0 $0x1082;
	s9 =	sld [smem:$0x3FB3]  }
0x2f: {  	lr =	sadd.s32 s0, s3;
	s0 =	sld [smem:$0x3FAA]  }
0x30: {  	s3 =	sld [smem:$0x3FAD]  }
0x31: {  	[smem:$0x3FB6] =	sst s10  }
0x32: {  	s10 =	sld [smem:$0x3FB4];
	_ =	sdelay $0x3  }
0x33: {  	p0 =	seq.s32 s10, $0x1;
	s10 =	sld [smem:$0x3FB6];
	_ =	sdelay $0x3  }
0x34: {  	[smem:$0x3FB6] =	sst s10  }
0x35: {  	s10 =	sld [smem:$0x3FB5];
	_ =	sdelay $0x3  }
0x36: {  	p1 =	seq.s32 s10, $0x1;
	s10 =	sld [smem:$0x3FB6];
	_ =	sdelay $0x3  }
0x37: {  	[smem:$0x3FB6] =	sst s10  }
0x38: {  	s10 =	sld [smem:$0x3FB7]  }
0x39: {  	_ = 	snop;
	(pc) =	sbr.ind lr, $3  }
0x3a: {  	_ = 	snop  }
0x3b: {  	_ = 	snop  }
0x3c: {  	p2 =	seq.s32 s10, $0x1;
	s10 =	sld [smem:$0x3FB6]  }
0x3d: {  	_ =	shalt  }
0x3e: {  	_ =	shalt  }
0x3f: {  	_ =	shalt  }
0x40: {  	_ =	shalt  }
0x41: {  	_ =	shalt  }
0x42: {  	_ =	shalt  }
0x43: {  	_ =	shalt  }
0x44: {  	_ =	shalt  }
0x45: {  	_ =	shalt  }
0x46: {  	_ =	shalt  }
0x47: {  	_ =	shalt  }
0x48: {  	_ =	shalt  }
0x49: {  	_ =	shalt  }
0x4a: {  	_ =	shalt  }
0x4b: {  	_ =	shalt  }
0x4c: {  	_ =	shalt  }
0x4d: {  	_ =	shalt  }
0x4e: {  	_ =	shalt  }
0x4f: {  	_ =	shalt  }
0x50: {  	_ =	shalt  }
0x51: {  	_ =	shalt  }
0x52: {  	_ =	shalt  }
0x53: {  	_ =	shalt  }
0x54: {  	_ =	shalt  }
0x55: {  	_ =	shalt  }
0x56: {  	_ =	shalt  }
0x57: {  	_ =	shalt  }
0x58: {  	_ =	shalt  }
0x59: {  	_ =	shalt  }
0x5a: {  	_ =	shalt  }
0x5b: {  	_ =	shalt  }
0x5c: {  	_ =	shalt  }
0x5d: {  	_ =	shalt  }
0x5e: {  	_ =	shalt  }
0x5f: {  	_ =	shalt  }
0x60: {  	_ =	shalt  }
0x61: {  	_ =	shalt  }
0x62: {  	_ =	shalt  }
0x63: {  	_ =	shalt  }
0x64: {  	_ =	shalt  }
0x65: {  	_ =	shalt  }
0x66: {  	_ =	shalt  }
0x67: {  	_ =	shalt  }
0x68: {  	_ =	shalt  }
0x69: {  	_ =	shalt  }
0x6a: {  	_ =	shalt  }
0x6b: {  	_ =	shalt  }
0x6c: {  	_ =	shalt  }
0x6d: {  	_ =	shalt  }
0x6e: {  	_ =	shalt  }
0x6f: {  	_ =	shalt  }
0x70: {  	_ =	shalt  }
0x71: {  	_ =	shalt  }
0x72: {  	_ =	shalt  }
0x73: {  	_ =	shalt  }
0x74: {  	_ =	shalt  }
0x75: {  	_ =	shalt  }
0x76: {  	_ =	shalt  }
0x77: {  	_ =	shalt  }
0x78: {  	_ =	shalt  }
0x79: {  	_ =	shalt  }
0x7a: {  	_ =	shalt  }
0x7b: {  	_ =	shalt  }
0x7c: {  	_ =	shalt  }
0x7d: {  	_ =	shalt  }
0x7e: {  	_ =	shalt  }
0x7f: {  	_ =	shalt  }
0x80: {  	_ =	shalt  }
0x81: {  	_ =	shalt  }
0x82: {  	_ =	shalt  }
0x83: {  	_ =	shalt  }
0x84: {  	_ =	shalt  }
0x85: {  	_ =	shalt  }
0x86: {  	_ =	shalt  }
0x87: {  	_ =	shalt  }
.Lfunc_end0:
.L_simem_size_0:
called_computation_lowered:
.L_overlay_start_0:
0x88: {  	s2 =	sld [smem:$0x3FD9]  }
0x89: {  	s3 =	sld [smem:$0x3FFE];
	_ =	sdelay $0x1  }
0x8a: {  	s1 =	srdreg.scid  }
0x8b: {  	s0 =	sand.u32 $0x1, s1  }
0x8c: {  	s17 =	sshll.u32 s0, $0xA;
	s2 =	sadd.s32 s3, s2  }
0x8d: {  	s2 =	sadd.s32 s2, s17  }
0x8e: {  	[smem:$0x3FC2] =	sst s2  }
0x8f: {  	_ = 	snop  }
0x90: {  	s2 =	sld [smem:$0x3FD0];
	(tm) =	ssettm $0x1  }
0x91: {  	s18 =	sld [smem:$0x3FFB];
	_ =	sdelay $0x3  }
0x92: {  	_ =	strace s18  }
0x93: {  	s3 =	sld [smem:$0x3FFC];
	_ =	sdelay $0x3  }
0x94: {  	_ =	strace s3  }
0x95: {  	s3 =	sld [smem:$0x3FFD];
	_ =	sdelay $0x3  }
0x96: {  	_ =	strace s3  }
0x97: {  	_ =	strace $0x8FFFFFFF  }
0x98: {  	s19 =	sld [smem:$0x3FDB];
	_ =	sdelay $0x1  }
0x99: {  	s4 =	simm.s32 $_scs_section_size  }
0x9a: {  	s5 =	simm.s32 $_size__tile_overlayer_lowered;
	s6 =	simm.s32 $_tile_overlayer_lowered  }
0x9b: {  	s22 =	simm.s32 $0x1BFF;
	s21 =	sshll.u32 s6, $0x1;
	s3 =	sadd.s32 s4, s19  }
0x9c: {  	s7 =	simm.s32 $0x0;
	s20 =	sshll.u32 s5, $0x1;
	s5 =	sadd.s32 s21, s3  }
0x9d: {  	[timem:s7], [sflag:s22] =	dma.local [hbm:s5], s20  }
0x9e: {  	_ =	swait.ge [sflag:s22], s20  }
0x9f: {  	s4 =	ssub.s32 $0x0, s20;
	[sflag:s22] =	ssyncset.done $0x0  }
0xa0: {  	[sflag:s22] =	ssyncadd.s32 s4;
	_ =	sdelay $0x1  }
0xa1: {  	s23 =	simm.s32 $0x1B8B  }
0xa2: {  	_ =	swait.ge [sflag:s23], $0x1  }
0xa3: {  	[sflag:s23] =	ssyncset.done $0x0  }
0xa4: {  	s25 =	simm.s32 $0x1B8E;
	s24 =	sld [smem:$0x3FFE];
	[sflag:s23] =	ssyncadd.s32 $0xFFFFFFFF  }
0xa5: {  	s26 =	simm.s32 $execute0_lowered;
	[smem:$0x3FD2] =	sst s25  }
0xa6: {  	s5 =	sshll.u32 s26, $0x1;
	_ =	strace $0x80000046;
	[dreg:$0x1] =	wrdreg $0xFFFFFFFF  }
0xa7: {  	s28 =	simm.s32 $_size_execute0_lowered;
	s3 =	sadd.s32 s3, s5;
	[dreg:$0x0] =	wrdreg $0x0  }
0xa8: {  	s5 =	sshll.u32 s28, $0x1;
	[dreg:$0x2] =	wrdreg s3  }
0xa9: {  	[dreg:$0x3] =	wrdreg s5  }
0xaa: {  	[dreg:$0x4] =	wrdreg $0xC0  }
0xab: {  	_ =	task [dreg:s7], $0x5FFFF  }
0xac: {  	[dreg:$0x1] =	wrdreg $0xFFFFFFFF  }
0xad: {  	[dreg:$0x0] =	wrdreg $0x60  }
0xae: {  	[dreg:$0x2] =	wrdreg s24  }
0xaf: {  	[dreg:$0x3] =	wrdreg s2  }
0xb0: {  	[dreg:$0x4] =	wrdreg $0x0  }
0xb1: {  	[dreg:$0x5] =	wrdreg $0x2780  }
0xb2: {  	[dreg:$0x6] =	wrdreg $0x9  }
0xb3: {  	_ =	task.clear_ibuf [dreg:s7], $0x7FFFF;
	_ =	strace $0x90000046  }
0xb4: {  	s29 =	simm.s32 $0x9;
	_ =	strace $0x80000048  }
0xb5: {  	_ =	swait.ge [sflag:s29], $0x1  }
0xb6: {  	[sflag:s29] =	ssyncadd.s32 $0xFFFFFFFF  }
0xb7: {  	_ =	strace $0x90000048  }
0xb8: {  	_ =	sfence  }
0xb9: {  	s30 =	sld [smem:$0x0];
	_ =	sdelay $0x2  }
0xba: {  	s31 =	sshll.u32 s1, $0xD;
	s1 =	sshrl.u32 s1, $0x2  }
0xbb: {  	s3 =	sand.u32 $0x4000, s31;
	s1 =	sadd.s32 s1, s30  }
0xbc: {  	s0 =	sor.u32 s3, s0;
	s1 =	sshll.u32 s1, $0x11  }
0xbd: {  	s0 =	sor.u32 s1, s0  }
0xbe: {  	s0 =	sadd.s32 $0x8F2B, s0  }
0xbf: {  	[sflag:s0] =	ssyncadd.remote.s32 $0x1  }
0xc0: {  	_ =	sfence.sel $0xFFFF  }
0xc1: {  	[dreg:$0x0] =	wrdreg $0xFFFFFFFF;
	(pc) =	sbr.abs _section_cstart, $3  }
0xc2: {  	[dreg:$0x1] =	wrdreg $0xFFFFFFFF  }
0xc3: {  	_ =	task.clear_ibuf [dreg:s7], $0x2FFFF;
	_ =	strace $0x9FFFFFFF  }
0xc4: {  	(tm) =	ssettm $0x7FFFFFFF  }
0xc5: {  	_ =	shalt  }
tec
execute0_lowered:
.L_overlay_start_1:
0x0: {  	(tag) =	ssettag $0x1  }
0x1: {  	s9 =	rddreg [dreg:$0x0]  }
0x2: {  	s10 =	rddreg [dreg:$0x1]  }
0x3: {  	s0 =	simm.s32 $0x0;
	s1 =	srdreg.scid;
	s23 =	stileid.u32  }
0x4: {  	[smem:$0x7FF] =	sst s0;
	s2 =	sadd.s32 $0x17400, s9;
	s11 =	sand.u32 $0x1, s1  }
0x5: {  	s12 =	sadd.s32 $0x17A00, s9;
	s13 =	sadd.s32 $0x18000, s9;
	s1 =	smul.u32 $0x50, s23  }
0x6: {  	s15 =	sor.u32 $0x70, s23;
	s3 =	ssub.s32 $0x2, s11;
	p0 =	seq.s32 s11, $0x1  }
0x7: {  	p1 =	sgt.u32 s15, $0x7C;
	s4 =	sshrl.u32 s3, $0x1;
	s16 =	sshrl.u32 s1, $0x3  }
0x8: {  	s10 =	smov.u32 @p0 s2;
	s2 =	sadd.s32 $0x500, s1;
	s12 =	smov.u32 @p0 s13  }
0x9: {  	s14 =	ssub.s32 s3, s4;
	s19 =	sadd.s32 s10, s16;
	s17 =	sshrl.u32 s2, $0x3  }
0xa: {  	s3 =	sadd.s32 $0xA00, s1;
	s28 =	sadd.s32 s12, s16;
	[dreg:$0x5] =	wrdreg s19  }
0xb: {  	s4 =	sadd.s32 $0xF00, s1;
	s20 =	sadd.s32 s10, s17;
	[dreg:$0xd] =	wrdreg s28  }
0xc: {  	s18 =	sshrl.u32 s3, $0x3;
	s30 =	sadd.s32 s12, s17;
	[dreg:$0x6] =	wrdreg s20  }
0xd: {  	s19 =	sshrl.u32 s4, $0x3;
	s5 =	sadd.s32 s10, s18;
	[dreg:$0xe] =	wrdreg s30  }
0xe: {  	s6 =	sadd.s32 $0x1400, s1;
	s21 =	sadd.s32 s10, s19;
	[dreg:$0x7] =	wrdreg s5  }
0xf: {  	s8 =	sadd.s32 $0x1900, s1;
	s31 =	sadd.s32 s12, s18;
	[dreg:$0x8] =	wrdreg s21  }
0x10: {  	s24 =	sshrl.u32 s8, $0x3;
	s16 =	sadd.s32 s12, s19;
	[dreg:$0xf] =	wrdreg s31  }
0x11: {  	s20 =	sshrl.u32 s6, $0x3;
	s18 =	sadd.s32 s12, s24;
	[dreg:$0x10] =	wrdreg s16  }
0x12: {  	s7 =	sadd.s32 $0x1E00, s1;
	s22 =	sadd.s32 s10, s20;
	[dreg:$0x12] =	wrdreg s18  }
0x13: {  	s14 =	smax.u32 s14, $0x1;
	s17 =	sadd.s32 s12, s20;
	[dreg:$0x9] =	wrdreg s22  }
0x14: {  	s19 =	sshll.u32 s11, $0x4;
	s11 =	smul.u32 $0x27100, s11;
	[dreg:$0x11] =	wrdreg s17  }
0x15: {  	s21 =	sshrl.u32 s7, $0x3;
	s22 =	sadd.s32 s10, s24;
	s17 =	rddreg [dreg:$0x2]  }
0x16: {  	s5 =	smul.u32 $0x50, s15;
	s25 =	sadd.s32 s10, s21;
	[dreg:$0xa] =	wrdreg s22  }
0x17: {  	s30 =	smul.u32 $0x140, s23;
	s20 =	sadd.s32 s12, s21;
	[dreg:$0xb] =	wrdreg s25  }
0x18: {  	s21 =	smul.u32 $0x2710, s23;
	s26 =	sshrl.u32 s5, $0x3;
	[dreg:$0x13] =	wrdreg s20  }
0x19: {  	s20 =	rddreg [dreg:$0x3];
	s25 =	smul.u32 $0x140, s15;
	s10 =	sadd.s32 s10, s26  }
0x1a: {  	s15 =	sshrl.u32 s30, $0x2;
	s12 =	sadd.s32 s12, s26;
	[dreg:$0xc] =	wrdreg s10  }
0x1b: {  	s16 =	sadd.s32 s15, s17;
	s13 =	sadd.s32 $0xA00, s15;
	[dreg:$0x14] =	wrdreg s12  }
0x1c: {  	s10 =	sor.u32 s23, s19;
	_ =	strace $0x80000047;
	[dreg:$0x19] =	wrdreg s14  }
0x1d: {  	s23 =	sadd.s32 $0x1400, s15;
	s30 =	sadd.s32 s13, s17;
	[dreg:$0x1a] =	wrdreg s16  }
0x1e: {  	[dreg:$0x1e] =	wrdreg s30;
	s14 =	sadd.s32 s23, s17  }
0x1f: {  	s11 =	sadd.s32 s21, s11;
	s30 =	sadd.s32 s1, s17;
	[smem:$0x7E5] =	sst s14  }
0x20: {  	s10 =	smul.u32 $0x2710, s10;
	s1 =	sadd.s32 s1, s20;
	[smem:$0x7ED] =	sst s30  }
0x21: {  	s21 =	sadd.s32 $0xD600, s9;
	s16 =	sadd.s32 s8, s17;
	[smem:$0x7EE] =	sst s1  }
0x22: {  	s14 =	sadd.s32 s6, s17;
	[smem:$0x7F7] =	sst s16;
	s24 =	sshrl.u32 s10, $0x3  }
0x23: {  	s22 =	sadd.s32 $0x3800, s9;
	[smem:$0x7F5] =	sst s14;
	s26 =	sadd.s32 s21, s24  }
0x24: {  	s28 =	sadd.s32 $0x4E0, s24;
	s9 =	sadd.s32 s22, s24;
	[dreg:$0x15] =	wrdreg s26  }
0x25: {  	[dreg:$0x16] =	wrdreg s9;
	s31 =	sadd.s32 s21, s28  }
0x26: {  	s18 =	sadd.s32 $0x500, s15;
	s12 =	sadd.s32 s22, s28;
	[dreg:$0x17] =	wrdreg s31  }
0x27: {  	s19 =	sadd.s32 $0xF00, s15;
	s9 =	sadd.s32 s15, s20;
	[dreg:$0x18] =	wrdreg s12  }
0x28: {  	s10 =	sshrl.u32 s25, $0x2;
	s26 =	sadd.s32 s18, s17;
	[dreg:$0x1b] =	wrdreg s9  }
0x29: {  	s25 =	sadd.s32 $0x1E00, s15;
	s28 =	sadd.s32 s18, s20;
	[dreg:$0x1c] =	wrdreg s26  }
0x2a: {  	s24 =	sadd.s32 $0x1900, s15;
	s15 =	sadd.s32 s23, s20;
	[dreg:$0x1d] =	wrdreg s28  }
0x2b: {  	s23 =	sadd.s32 s24, s20;
	[smem:$0x7E6] =	sst s15  }
0x2c: {  	s18 =	sadd.s32 s8, s20;
	[smem:$0x7E8] =	sst s23  }
0x2d: {  	s31 =	sadd.s32 s13, s20;
	[smem:$0x7F8] =	sst s18  }
0x2e: {  	s12 =	sadd.s32 s19, s17;
	[dreg:$0x1f] =	wrdreg s31  }
0x2f: {  	s13 =	sadd.s32 s19, s20;
	[smem:$0x7E3] =	sst s12  }
0x30: {  	s19 =	sadd.s32 s24, s17;
	[smem:$0x7E4] =	sst s13  }
0x31: {  	s24 =	sadd.s32 s25, s17;
	[smem:$0x7E7] =	sst s19  }
0x32: {  	s25 =	sadd.s32 s25, s20;
	[smem:$0x7E9] =	sst s24  }
0x33: {  	s26 =	sadd.s32 s10, s17;
	[smem:$0x7EA] =	sst s25  }
0x34: {  	s28 =	sadd.s32 s10, s20;
	[smem:$0x7EB] =	sst s26  }
0x35: {  	s29 =	simm.s32 $0x6;
	s9 =	sadd.s32 s3, s17;
	[smem:$0x7EC] =	sst s28  }
0x36: {  	s30 =	sadd.s32 $0x80, s11;
	s10 =	sadd.s32 s3, s20;
	[smem:$0x7F1] =	sst s9  }
0x37: {  	s16 =	simm.s32 $0x8F0;
	s15 =	sadd.s32 s6, s20;
	[smem:$0x7F2] =	sst s10  }
0x38: {  	s14 =	simm.s32 $0x6F0;
	s23 =	sadd.s32 s7, s20;
	[smem:$0x7F6] =	sst s15  }
0x39: {  	s8 =	simm.s32 $0x4F0;
	s31 =	sadd.s32 s2, s17;
	[smem:$0x7FA] =	sst s23  }
0x3a: {  	s3 =	simm.s32 $0x0;
	s2 =	sadd.s32 s2, s20;
	[smem:$0x7EF] =	sst s31  }
0x3b: {  	s12 =	sadd.s32 s4, s17;
	s13 =	sadd.s32 s4, s20;
	[smem:$0x7F0] =	sst s2  }
0x3c: {  	s19 =	sadd.s32 s7, s17;
	s24 =	sadd.s32 s5, s17;
	[smem:$0x7F3] =	sst s12  }
0x3d: {  	s25 =	sadd.s32 s5, s20;
	s26 =	sadd.s32 $0x100, s11;
	[smem:$0x7F4] =	sst s13  }
0x3e: {  	s28 =	sadd.s32 $0x180, s11;
	s9 =	simm.s32 $0x670;
	[smem:$0x7F9] =	sst s19  }
0x3f: {  	s10 =	simm.s32 $0x9F0;
	s11 =	simm.s32 $0x7;
	[smem:$0x7FB] =	sst s24  }
0x40: {  	s15 =	simm.s32 $0x80;
	s23 =	simm.s32 $0x5F0;
	[smem:$0x7FC] =	sst s25  }
.Ltmp0:
0x41: {  	s1 =	sshrl.u32 s26, $0x3;
	[smem:$0x7FD] =	sst s28;
	(pc) =	sbr.rel .LBB2_1-.Ltmp0, $4  }
0x42: {  	s31 =	sshrl.u32 s30, $0x3;
	s12 =	simm.s32 $0x1;
	s13 =	simm.s32 $0x570  }
0x43: {  	s19 =	simm.s32 $0x2;
	s24 =	simm.s32 $0x770;
	s25 =	simm.s32 $0x3  }
0x44: {  	s26 =	simm.s32 $0x4;
	s2 =	simm.s32 $0x8;
	s4 =	sadd.s32 s1, s22  }
0x45: {  	v0 =	vimm.f32 $1.000000000e+00;
	v1 =	vimm.f32 $0.0e+00;
	s5 =	sadd.s32 s1, s21;
	s6 =	sadd.s32 s31, s22;
	s7 =	sadd.s32 s31, s21  }
.LBB2_4:
0x46: {  	[spmem:s17] =	stream.indirect.scatter.add.f32 [tilespmem:s16], [sflag:$0x6], $0x1, s23, s15, $0xb8;
	[tilespmem:$0xA70] =	vst v63  }
0x47: {  	s1 =	simm.s32 $0x5  }
0x48: {  	[spmem:s20] =	stream.indirect.scatter.add.f32 [tilespmem:s16], [sflag:$0x6], $0x1, s24, s15, $0xb8;
	[tilespmem:$0xA70] =	vst v63  }
0x49: {  	_ =	swait.ge [sflag:s1], $0x80  }
0x4a: {  	[sflag:s1] =	ssyncset.done $0x0  }
0x4b: {  	[sflag:s1] =	ssyncadd.s32 $0xFFFFFF80  }
0x4c: {  	_ =	swait.ge [sflag:s1], $0x80  }
0x4d: {  	[sflag:s1] =	ssyncset.done $0x0  }
0x4e: {  	[sflag:s1] =	ssyncadd.s32 $0xFFFFFF80  }
0x4f: {  	_ =	swait.ge [sflag:s29], $0x80  }
0x50: {  	[sflag:s29] =	ssyncset.done $0x0  }
0x51: {  	[sflag:s29] =	ssyncadd.s32 $0xFFFFFF80  }
0x52: {  	_ =	swait.ge [sflag:s29], $0x80  }
0x53: {  	[sflag:s29] =	ssyncset.done $0x0  }
0x54: {  	s18 =	simm.s32 $0x7F0;
	s28 =	rddreg [dreg:$0x17];
	[sflag:s29] =	ssyncadd.s32 $0xFFFFFF80  }
0x55: {  	[tilespmem:s18], [sflag:$0x7] =	stream.linear.gather [hbm4b:s28+s0], $0x10, $0x38;
	[tilespmem:$0xA70] =	vst v63  }
0x56: {  	_ =	swait.ge [sflag:s11], $0x10  }
0x57: {  	[sflag:s11] =	ssyncset.done $0x0  }
0x58: {  	s28 =	simm.s32 $0x870;
	s30 =	rddreg [dreg:$0x18];
	[sflag:s11] =	ssyncadd.s32 $0xFFFFFFF0  }
0x59: {  	[tilespmem:s28], [sflag:$0x7] =	stream.linear.gather [hbm4b:s30+s0], $0x10, $0x38;
	[tilespmem:$0xA70] =	vst v63  }
0x5a: {  	_ =	swait.ge [sflag:s11], $0x10  }
0x5b: {  	[sflag:s11] =	ssyncset.done $0x0  }
0x5c: {  	s31 =	simm.s32 $0x10;
	s30 =	simm.s32 $0x970;
	[sflag:s11] =	ssyncadd.s32 $0xFFFFFFF0  }
0x5d: {  	[spmem:s17] =	stream.indirect.scatter.add.f32 [tilespmem:s30], [sflag:$0x7], $0x1, s18, s31, $0xb8;
	[tilespmem:$0xA70] =	vst v63  }
0x5e: {  	_ =	swait.ge [sflag:s11], $0x10  }
0x5f: {  	[sflag:s11] =	ssyncset.done $0x0  }
0x60: {  	[sflag:s11] =	ssyncadd.s32 $0xFFFFFFF0  }
0x61: {  	[spmem:s20] =	stream.indirect.scatter.add.f32 [tilespmem:s30], [sflag:$0x7], $0x1, s28, s31, $0xb8;
	[tilespmem:$0xA70] =	vst v63  }
0x62: {  	_ =	swait.ge [sflag:s11], $0x10  }
0x63: {  	[sflag:s11] =	ssyncset.done $0x0  }
0x64: {  	[sflag:s11] =	ssyncadd.s32 $0xFFFFFFF0  }
0x65: {  	[bflag:$0x0] =	sbarrier.arrive $0xFFFF  }
0x66: {  	s18 =	sld [smem:$0x7ED];
	_ =	sdelay $0x2  }
0x67: {  	[tilespmem:s10], [sflag:$0x8] =	stream.linear.gather [spmem:s18], $0x50, $0x38;
	[tilespmem:$0xA70] =	vst v63  }
0x68: {  	_ =	swait.ge [sflag:s2], $0x50  }
0x69: {  	s30 =	simm.s32 $0x7;
	[sflag:s2] =	ssyncset.done $0x0  }
0x6a: {  	s30 =	simm.s32 @!p0 $0x8;
	s28 =	rddreg [dreg:$0x5];
	[sflag:s2] =	ssyncadd.s32 $0xFFFFFFB0  }
0x6b: {  	[hbm4b:s28+s0] =	stream.linear.scatter [tilespmem:s10], [sflag:s30], $0x50, $0x38;
	[tilespmem:$0xA70] =	vst v63  }
0x6c: {  	_ =	swait.ge [sflag:s30], $0x50  }
0x6d: {  	s31 =	sld [smem:$0x7EF]  }
0x6e: {  	[sflag:s30] =	ssyncset.done $0x0  }
0x6f: {  	[sflag:s30] =	ssyncadd.s32 $0xFFFFFFB0  }
0x70: {  	[tilespmem:s10], [sflag:$0x8] =	stream.linear.gather [spmem:s31], $0x50, $0x38;
	[tilespmem:$0xA70] =	vst v63  }
0x71: {  	_ =	swait.ge [sflag:s2], $0x50  }
0x72: {  	[sflag:s2] =	ssyncset.done $0x0  }
0x73: {  	s18 =	rddreg [dreg:$0x6];
	[sflag:s2] =	ssyncadd.s32 $0xFFFFFFB0  }
0x74: {  	[hbm4b:s18+s0] =	stream.linear.scatter [tilespmem:s10], [sflag:s30], $0x50, $0x38;
	[tilespmem:$0xA70] =	vst v63  }
0x75: {  	_ =	swait.ge [sflag:s30], $0x50  }
0x76: {  	s28 =	sld [smem:$0x7F1]  }
0x77: {  	[sflag:s30] =	ssyncset.done $0x0  }
0x78: {  	[sflag:s30] =	ssyncadd.s32 $0xFFFFFFB0  }
0x79: {  	[tilespmem:s10], [sflag:$0x8] =	stream.linear.gather [spmem:s28], $0x50, $0x38;
	[tilespmem:$0xA70] =	vst v63  }
0x7a: {  	_ =	swait.ge [sflag:s2], $0x50  }
0x7b: {  	[sflag:s2] =	ssyncset.done $0x0  }
0x7c: {  	s31 =	rddreg [dreg:$0x7];
	[sflag:s2] =	ssyncadd.s32 $0xFFFFFFB0  }
0x7d: {  	[hbm4b:s31+s0] =	stream.linear.scatter [tilespmem:s10], [sflag:s30], $0x50, $0x38;
	[tilespmem:$0xA70] =	vst v63  }
0x7e: {  	_ =	swait.ge [sflag:s30], $0x50  }
0x7f: {  	s18 =	sld [smem:$0x7F3]  }
0x80: {  	[sflag:s30] =	ssyncset.done $0x0  }
0x81: {  	[sflag:s30] =	ssyncadd.s32 $0xFFFFFFB0  }
0x82: {  	[tilespmem:s10], [sflag:$0x8] =	stream.linear.gather [spmem:s18], $0x50, $0x38;
	[tilespmem:$0xA70] =	vst v63  }
0x83: {  	_ =	swait.ge [sflag:s2], $0x50  }
0x84: {  	[sflag:s2] =	ssyncset.done $0x0  }
0x85: {  	s28 =	rddreg [dreg:$0x8];
	[sflag:s2] =	ssyncadd.s32 $0xFFFFFFB0  }
0x86: {  	[hbm4b:s28+s0] =	stream.linear.scatter [tilespmem:s10], [sflag:s30], $0x50, $0x38;
	[tilespmem:$0xA70] =	vst v63  }
0x87: {  	_ =	swait.ge [sflag:s30], $0x50  }
0x88: {  	s31 =	sld [smem:$0x7F5]  }
0x89: {  	[sflag:s30] =	ssyncset.done $0x0  }
0x8a: {  	[sflag:s30] =	ssyncadd.s32 $0xFFFFFFB0  }
0x8b: {  	[tilespmem:s10], [sflag:$0x8] =	stream.linear.gather [spmem:s31], $0x50, $0x38;
	[tilespmem:$0xA70] =	vst v63  }
0x8c: {  	_ =	swait.ge [sflag:s2], $0x50  }
0x8d: {  	[sflag:s2] =	ssyncset.done $0x0  }
0x8e: {  	s18 =	rddreg [dreg:$0x9];
	[sflag:s2] =	ssyncadd.s32 $0xFFFFFFB0  }
0x8f: {  	[hbm4b:s18+s0] =	stream.linear.scatter [tilespmem:s10], [sflag:s30], $0x50, $0x38;
	[tilespmem:$0xA70] =	vst v63  }
0x90: {  	_ =	swait.ge [sflag:s30], $0x50  }
0x91: {  	s28 =	sld [smem:$0x7F7]  }
0x92: {  	[sflag:s30] =	ssyncset.done $0x0  }
0x93: {  	[sflag:s30] =	ssyncadd.s32 $0xFFFFFFB0  }
0x94: {  	[tilespmem:s10], [sflag:$0x8] =	stream.linear.gather [spmem:s28], $0x50, $0x38;
	[tilespmem:$0xA70] =	vst v63  }
0x95: {  	_ =	swait.ge [sflag:s2], $0x50  }
0x96: {  	[sflag:s2] =	ssyncset.done $0x0  }
0x97: {  	s31 =	rddreg [dreg:$0xa];
	[sflag:s2] =	ssyncadd.s32 $0xFFFFFFB0  }
0x98: {  	[hbm4b:s31+s0] =	stream.linear.scatter [tilespmem:s10], [sflag:s30], $0x50, $0x38;
	[tilespmem:$0xA70] =	vst v63  }
0x99: {  	_ =	swait.ge [sflag:s30], $0x50  }
0x9a: {  	s18 =	sld [smem:$0x7F9]  }
0x9b: {  	[sflag:s30] =	ssyncset.done $0x0  }
0x9c: {  	[sflag:s30] =	ssyncadd.s32 $0xFFFFFFB0  }
0x9d: {  	[tilespmem:s10], [sflag:$0x8] =	stream.linear.gather [spmem:s18], $0x50, $0x38;
	[tilespmem:$0xA70] =	vst v63  }
0x9e: {  	_ =	swait.ge [sflag:s2], $0x50  }
0x9f: {  	[sflag:s2] =	ssyncset.done $0x0  }
0xa0: {  	s28 =	rddreg [dreg:$0xb];
	[sflag:s2] =	ssyncadd.s32 $0xFFFFFFB0  }
0xa1: {  	[hbm4b:s28+s0] =	stream.linear.scatter [tilespmem:s10], [sflag:s30], $0x50, $0x38;
	[tilespmem:$0xA70] =	vst v63  }
0xa2: {  	_ =	swait.ge [sflag:s30], $0x50  }
0xa3: {  	s1 =	sld [smem:$0x7FB]  }
0xa4: {  	[sflag:s30] =	ssyncset.done $0x0  }
0xa5: {  	s31 =	simm.s32 @!p1 $0x9F0;
	s18 =	simm.s32 @!p1 $0x8;
	[sflag:s30] =	ssyncadd.s32 $0xFFFFFFB0  }
0xa6: {  	[tilespmem:s31], [sflag:$0x8] =	stream.linear.gather @!p1 [spmem:s1], $0x50, $0x38;
	[tilespmem:$0xA70] =	vst v63  }
0xa7: {  	_ =	swait.ge @!p1 [sflag:s18], $0x50  }
0xa8: {  	[sflag:s18] =	ssyncset.done @!p1 $0x0  }
0xa9: {  	s1 =	simm.s32 @!p1 $0x0;
	s28 =	rddreg [dreg:$0xc];
	[sflag:s18] =	ssyncadd.s32 @!p1 $0xFFFFFFB0  }
0xaa: {  	[hbm4b:s28+s1] =	stream.linear.scatter @!p1 [tilespmem:s31], [sflag:s30], $0x50, $0x38;
	[tilespmem:$0xA70] =	vst v63  }
0xab: {  	_ =	swait.ge @!p1 [sflag:s30], $0x50  }
0xac: {  	s28 =	sld [smem:$0x7EE]  }
0xad: {  	[sflag:s30] =	ssyncset.done @!p1 $0x0  }
0xae: {  	[sflag:s30] =	ssyncadd.s32 @!p1 $0xFFFFFFB0  }
0xaf: {  	[tilespmem:s10], [sflag:$0x8] =	stream.linear.gather [spmem:s28], $0x50, $0x38;
	[tilespmem:$0xA70] =	vst v63  }
0xb0: {  	_ =	swait.ge [sflag:s2], $0x50  }
0xb1: {  	[sflag:s2] =	ssyncset.done $0x0  }
0xb2: {  	s28 =	rddreg [dreg:$0xd];
	[sflag:s2] =	ssyncadd.s32 $0xFFFFFFB0  }
0xb3: {  	[hbm4b:s28+s0] =	stream.linear.scatter [tilespmem:s10], [sflag:s30], $0x50, $0x38;
	[tilespmem:$0xA70] =	vst v63  }
0xb4: {  	_ =	swait.ge [sflag:s30], $0x50  }
0xb5: {  	s28 =	sld [smem:$0x7F0]  }
0xb6: {  	[sflag:s30] =	ssyncset.done $0x0  }
0xb7: {  	[sflag:s30] =	ssyncadd.s32 $0xFFFFFFB0  }
0xb8: {  	[tilespmem:s10], [sflag:$0x8] =	stream.linear.gather [spmem:s28], $0x50, $0x38;
	[tilespmem:$0xA70] =	vst v63  }
0xb9: {  	_ =	swait.ge [sflag:s2], $0x50  }
0xba: {  	[sflag:s2] =	ssyncset.done $0x0  }
0xbb: {  	s28 =	rddreg [dreg:$0xe];
	[sflag:s2] =	ssyncadd.s32 $0xFFFFFFB0  }
0xbc: {  	[hbm4b:s28+s0] =	stream.linear.scatter [tilespmem:s10], [sflag:s30], $0x50, $0x38;
	[tilespmem:$0xA70] =	vst v63  }
0xbd: {  	_ =	swait.ge [sflag:s30], $0x50  }
0xbe: {  	s28 =	sld [smem:$0x7F2]  }
0xbf: {  	[sflag:s30] =	ssyncset.done $0x0  }
0xc0: {  	[sflag:s30] =	ssyncadd.s32 $0xFFFFFFB0  }
0xc1: {  	[tilespmem:s10], [sflag:$0x8] =	stream.linear.gather [spmem:s28], $0x50, $0x38;
	[tilespmem:$0xA70] =	vst v63  }
0xc2: {  	_ =	swait.ge [sflag:s2], $0x50  }
0xc3: {  	[sflag:s2] =	ssyncset.done $0x0  }
0xc4: {  	s28 =	rddreg [dreg:$0xf];
	[sflag:s2] =	ssyncadd.s32 $0xFFFFFFB0  }
0xc5: {  	[hbm4b:s28+s0] =	stream.linear.scatter [tilespmem:s10], [sflag:s30], $0x50, $0x38;
	[tilespmem:$0xA70] =	vst v63  }
0xc6: {  	_ =	swait.ge [sflag:s30], $0x50  }
0xc7: {  	s28 =	sld [smem:$0x7F4]  }
0xc8: {  	[sflag:s30] =	ssyncset.done $0x0  }
0xc9: {  	[sflag:s30] =	ssyncadd.s32 $0xFFFFFFB0  }
0xca: {  	[tilespmem:s10], [sflag:$0x8] =	stream.linear.gather [spmem:s28], $0x50, $0x38;
	[tilespmem:$0xA70] =	vst v63  }
0xcb: {  	_ =	swait.ge [sflag:s2], $0x50  }
0xcc: {  	[sflag:s2] =	ssyncset.done $0x0  }
0xcd: {  	s28 =	rddreg [dreg:$0x10];
	[sflag:s2] =	ssyncadd.s32 $0xFFFFFFB0  }
0xce: {  	[hbm4b:s28+s0] =	stream.linear.scatter [tilespmem:s10], [sflag:s30], $0x50, $0x38;
	[tilespmem:$0xA70] =	vst v63  }
0xcf: {  	_ =	swait.ge [sflag:s30], $0x50  }
0xd0: {  	s28 =	sld [smem:$0x7F6]  }
0xd1: {  	[sflag:s30] =	ssyncset.done $0x0  }
0xd2: {  	[sflag:s30] =	ssyncadd.s32 $0xFFFFFFB0  }
0xd3: {  	[tilespmem:s10], [sflag:$0x8] =	stream.linear.gather [spmem:s28], $0x50, $0x38;
	[tilespmem:$0xA70] =	vst v63  }
0xd4: {  	_ =	swait.ge [sflag:s2], $0x50  }
0xd5: {  	[sflag:s2] =	ssyncset.done $0x0  }
0xd6: {  	s28 =	rddreg [dreg:$0x11];
	[sflag:s2] =	ssyncadd.s32 $0xFFFFFFB0  }
0xd7: {  	[hbm4b:s28+s0] =	stream.linear.scatter [tilespmem:s10], [sflag:s30], $0x50, $0x38;
	[tilespmem:$0xA70] =	vst v63  }
0xd8: {  	_ =	swait.ge [sflag:s30], $0x50  }
0xd9: {  	s28 =	sld [smem:$0x7F8]  }
0xda: {  	[sflag:s30] =	ssyncset.done $0x0  }
0xdb: {  	[sflag:s30] =	ssyncadd.s32 $0xFFFFFFB0  }
0xdc: {  	[tilespmem:s10], [sflag:$0x8] =	stream.linear.gather [spmem:s28], $0x50, $0x38;
	[tilespmem:$0xA70] =	vst v63  }
0xdd: {  	_ =	swait.ge [sflag:s2], $0x50  }
0xde: {  	[sflag:s2] =	ssyncset.done $0x0  }
0xdf: {  	s28 =	rddreg [dreg:$0x12];
	[sflag:s2] =	ssyncadd.s32 $0xFFFFFFB0  }
0xe0: {  	[hbm4b:s28+s0] =	stream.linear.scatter [tilespmem:s10], [sflag:s30], $0x50, $0x38;
	[tilespmem:$0xA70] =	vst v63  }
0xe1: {  	_ =	swait.ge [sflag:s30], $0x50  }
0xe2: {  	s28 =	sld [smem:$0x7FA]  }
0xe3: {  	[sflag:s30] =	ssyncset.done $0x0  }
0xe4: {  	[sflag:s30] =	ssyncadd.s32 $0xFFFFFFB0  }
0xe5: {  	[tilespmem:s10], [sflag:$0x8] =	stream.linear.gather [spmem:s28], $0x50, $0x38;
	[tilespmem:$0xA70] =	vst v63  }
0xe6: {  	_ =	swait.ge [sflag:s2], $0x50  }
0xe7: {  	[sflag:s2] =	ssyncset.done $0x0  }
0xe8: {  	s28 =	rddreg [dreg:$0x13];
	[sflag:s2] =	ssyncadd.s32 $0xFFFFFFB0  }
0xe9: {  	[hbm4b:s28+s0] =	stream.linear.scatter [tilespmem:s10], [sflag:s30], $0x50, $0x38;
	[tilespmem:$0xA70] =	vst v63  }
0xea: {  	_ =	swait.ge [sflag:s30], $0x50  }
0xeb: {  	s28 =	sld [smem:$0x7FC]  }
0xec: {  	[sflag:s30] =	ssyncset.done $0x0  }
0xed: {  	[sflag:s30] =	ssyncadd.s32 $0xFFFFFFB0  }
0xee: {  	[tilespmem:s31], [sflag:$0x8] =	stream.linear.gather @!p1 [spmem:s28], $0x50, $0x38;
	[tilespmem:$0xA70] =	vst v63  }
0xef: {  	_ =	swait.ge @!p1 [sflag:s18], $0x50  }
0xf0: {  	[sflag:s18] =	ssyncset.done @!p1 $0x0  }
0xf1: {  	[sflag:s18] =	ssyncadd.s32 @!p1 $0xFFFFFFB0;
	s18 =	rddreg [dreg:$0x14]  }
0xf2: {  	[hbm4b:s18+s1] =	stream.linear.scatter @!p1 [tilespmem:s31], [sflag:s30], $0x50, $0x38;
	[tilespmem:$0xA70] =	vst v63  }
0xf3: {  	_ =	swait.ge @!p1 [sflag:s30], $0x50  }
0xf4: {  	s3 =	sadd.s32 $0x1, s3;
	s31 =	rddreg [dreg:$0x19]  }
0xf5: {  	p2 =	sne.s32 s3, s31  }
.Ltmp1:
0xf6: {  	_ = 	snop;
	(pc) =	sbr.rel @!p2 .LBB2_5-.Ltmp1, $3  }
0xf7: {  	_ =	sdelay $0x1  }
0xf8: {  	[sflag:s30] =	ssyncset.done @!p1 $0x0  }
0xf9: {  	[sflag:s30] =	ssyncadd.s32 @!p1 $0xFFFFFFB0  }
.LBB2_1:
0xfa: {  	[tilespmem:$0x8F0] =	vst v0  }
0xfb: {  	[tilespmem:$0x900] =	vst v0  }
0xfc: {  	[tilespmem:$0x910] =	vst v0  }
0xfd: {  	[tilespmem:$0x920] =	vst v0  }
0xfe: {  	[tilespmem:$0x930] =	vst v0  }
0xff: {  	[tilespmem:$0x940] =	vst v0  }
0x100: {  	[tilespmem:$0x950] =	vst v0  }
0x101: {  	[tilespmem:$0x960] =	vst v0  }
0x102: {  	[tilespmem:$0x970] =	vst v0  }
0x103: {  	[tilespmem:$0x9F0] =	vst v1  }
0x104: {  	[tilespmem:$0xA00] =	vst v1  }
0x105: {  	[tilespmem:$0xA10] =	vst v1  }
0x106: {  	[tilespmem:$0xA20] =	vst v1  }
0x107: {  	[tilespmem:$0xA30] =	vst v1;
	s1 =	rddreg [dreg:$0x15]  }
0x108: {  	[tilespmem:s8], [sflag:$0x1] =	stream.linear.gather [hbm4b:s1+s0], $0x80, $0x38;
	[tilespmem:$0xA70] =	vst v63  }
0x109: {  	s18 =	rddreg [dreg:$0x16]  }
0x10a: {  	[tilespmem:s9], [sflag:$0x1] =	stream.linear.gather [hbm4b:s18+s0], $0x80, $0x38;
	[tilespmem:$0xA70] =	vst v63  }
0x10b: {  	s28 =	rddreg [dreg:$0x1a]  }
0x10c: {  	[spmem:s28] =	stream.linear.scatter [tilespmem:s10], [sflag:$0x7], $0x50, $0x38;
	[tilespmem:$0xA70] =	vst v63  }
0x10d: {  	_ =	swait.ge [sflag:s11], $0x50  }
0x10e: {  	[sflag:s11] =	ssyncset.done $0x0  }
0x10f: {  	s31 =	rddreg [dreg:$0x1c];
	[sflag:s11] =	ssyncadd.s32 $0xFFFFFFB0  }
0x110: {  	[spmem:s31] =	stream.linear.scatter [tilespmem:s10], [sflag:$0x7], $0x50, $0x38;
	[tilespmem:$0xA70] =	vst v63  }
0x111: {  	_ =	swait.ge [sflag:s11], $0x50  }
0x112: {  	[sflag:s11] =	ssyncset.done $0x0  }
0x113: {  	s18 =	rddreg [dreg:$0x1e];
	[sflag:s11] =	ssyncadd.s32 $0xFFFFFFB0  }
0x114: {  	[spmem:s18] =	stream.linear.scatter [tilespmem:s10], [sflag:$0x7], $0x50, $0x38;
	[tilespmem:$0xA70] =	vst v63  }
0x115: {  	_ =	swait.ge [sflag:s11], $0x50  }
0x116: {  	s28 =	sld [smem:$0x7E3]  }
0x117: {  	[sflag:s11] =	ssyncset.done $0x0  }
0x118: {  	[sflag:s11] =	ssyncadd.s32 $0xFFFFFFB0  }
0x119: {  	[spmem:s28] =	stream.linear.scatter [tilespmem:s10], [sflag:$0x7], $0x50, $0x38;
	[tilespmem:$0xA70] =	vst v63  }
0x11a: {  	_ =	swait.ge [sflag:s11], $0x50  }
0x11b: {  	s31 =	sld [smem:$0x7E5]  }
0x11c: {  	[sflag:s11] =	ssyncset.done $0x0  }
0x11d: {  	[sflag:s11] =	ssyncadd.s32 $0xFFFFFFB0  }
0x11e: {  	[spmem:s31] =	stream.linear.scatter [tilespmem:s10], [sflag:$0x7], $0x50, $0x38;
	[tilespmem:$0xA70] =	vst v63  }
0x11f: {  	_ =	swait.ge [sflag:s11], $0x50  }
0x120: {  	s18 =	sld [smem:$0x7E7]  }
0x121: {  	[sflag:s11] =	ssyncset.done $0x0  }
0x122: {  	[sflag:s11] =	ssyncadd.s32 $0xFFFFFFB0  }
0x123: {  	[spmem:s18] =	stream.linear.scatter [tilespmem:s10], [sflag:$0x7], $0x50, $0x38;
	[tilespmem:$0xA70] =	vst v63  }
0x124: {  	_ =	swait.ge [sflag:s11], $0x50  }
0x125: {  	s28 =	sld [smem:$0x7E9]  }
0x126: {  	[sflag:s11] =	ssyncset.done $0x0  }
0x127: {  	[sflag:s11] =	ssyncadd.s32 $0xFFFFFFB0  }
0x128: {  	[spmem:s28] =	stream.linear.scatter [tilespmem:s10], [sflag:$0x7], $0x50, $0x38;
	[tilespmem:$0xA70] =	vst v63  }
0x129: {  	_ =	swait.ge [sflag:s11], $0x50  }
0x12a: {  	s18 =	sld [smem:$0x7EB]  }
0x12b: {  	[sflag:s11] =	ssyncset.done $0x0  }
0x12c: {  	s1 =	simm.s32 @!p1 $0x9F0;
	[sflag:s11] =	ssyncadd.s32 $0xFFFFFFB0  }
0x12d: {  	[spmem:s18] =	stream.linear.scatter @!p1 [tilespmem:s1], [sflag:$0x7], $0x50, $0x38;
	[tilespmem:$0xA70] =	vst v63  }
0x12e: {  	s18 =	simm.s32 @!p1 $0x7  }
0x12f: {  	_ =	swait.ge @!p1 [sflag:s18], $0x50  }
0x130: {  	[sflag:s18] =	ssyncset.done @!p1 $0x0  }
0x131: {  	s28 =	rddreg [dreg:$0x1b];
	[sflag:s18] =	ssyncadd.s32 @!p1 $0xFFFFFFB0  }
0x132: {  	[spmem:s28] =	stream.linear.scatter [tilespmem:s10], [sflag:$0x7], $0x50, $0x38;
	[tilespmem:$0xA70] =	vst v63  }
0x133: {  	_ =	swait.ge [sflag:s11], $0x50  }
0x134: {  	[sflag:s11] =	ssyncset.done $0x0  }
0x135: {  	s31 =	rddreg [dreg:$0x1d];
	[sflag:s11] =	ssyncadd.s32 $0xFFFFFFB0  }
0x136: {  	[spmem:s31] =	stream.linear.scatter [tilespmem:s10], [sflag:$0x7], $0x50, $0x38;
	[tilespmem:$0xA70] =	vst v63  }
0x137: {  	_ =	swait.ge [sflag:s11], $0x50  }
0x138: {  	[sflag:s11] =	ssyncset.done $0x0  }
0x139: {  	s31 =	rddreg [dreg:$0x1f];
	[sflag:s11] =	ssyncadd.s32 $0xFFFFFFB0  }
0x13a: {  	[spmem:s31] =	stream.linear.scatter [tilespmem:s10], [sflag:$0x7], $0x50, $0x38;
	[tilespmem:$0xA70] =	vst v63  }
0x13b: {  	_ =	swait.ge [sflag:s11], $0x50  }
0x13c: {  	s31 =	sld [smem:$0x7E4]  }
0x13d: {  	[sflag:s11] =	ssyncset.done $0x0  }
0x13e: {  	[sflag:s11] =	ssyncadd.s32 $0xFFFFFFB0  }
0x13f: {  	[spmem:s31] =	stream.linear.scatter [tilespmem:s10], [sflag:$0x7], $0x50, $0x38;
	[tilespmem:$0xA70] =	vst v63  }
0x140: {  	_ =	swait.ge [sflag:s11], $0x50  }
0x141: {  	s31 =	sld [smem:$0x7E6]  }
0x142: {  	[sflag:s11] =	ssyncset.done $0x0  }
0x143: {  	[sflag:s11] =	ssyncadd.s32 $0xFFFFFFB0  }
0x144: {  	[spmem:s31] =	stream.linear.scatter [tilespmem:s10], [sflag:$0x7], $0x50, $0x38;
	[tilespmem:$0xA70] =	vst v63  }
0x145: {  	_ =	swait.ge [sflag:s11], $0x50  }
0x146: {  	s31 =	sld [smem:$0x7E8]  }
0x147: {  	[sflag:s11] =	ssyncset.done $0x0  }
0x148: {  	[sflag:s11] =	ssyncadd.s32 $0xFFFFFFB0  }
0x149: {  	[spmem:s31] =	stream.linear.scatter [tilespmem:s10], [sflag:$0x7], $0x50, $0x38;
	[tilespmem:$0xA70] =	vst v63  }
0x14a: {  	_ =	swait.ge [sflag:s11], $0x50  }
0x14b: {  	s31 =	sld [smem:$0x7EA]  }
0x14c: {  	[sflag:s11] =	ssyncset.done $0x0  }
0x14d: {  	[sflag:s11] =	ssyncadd.s32 $0xFFFFFFB0  }
0x14e: {  	[spmem:s31] =	stream.linear.scatter [tilespmem:s10], [sflag:$0x7], $0x50, $0x38;
	[tilespmem:$0xA70] =	vst v63  }
0x14f: {  	_ =	swait.ge [sflag:s11], $0x50  }
0x150: {  	s28 =	sld [smem:$0x7EC]  }
0x151: {  	[sflag:s11] =	ssyncset.done $0x0  }
0x152: {  	[sflag:s11] =	ssyncadd.s32 $0xFFFFFFB0  }
0x153: {  	[spmem:s28] =	stream.linear.scatter @!p1 [tilespmem:s1], [sflag:$0x7], $0x50, $0x38;
	[tilespmem:$0xA70] =	vst v63  }
0x154: {  	_ =	swait.ge @!p1 [sflag:s18], $0x50  }
0x155: {  	[sflag:s18] =	ssyncset.done @!p1 $0x0  }
0x156: {  	[sflag:s18] =	ssyncadd.s32 @!p1 $0xFFFFFFB0  }
0x157: {  	[bflag:$0x0] =	sbarrier.arrive $0xFFFF  }
0x158: {  	s30 =	simm.s32 $0x0;
	s18 =	sld [smem:$0x7FD]  }
.LBB2_2:
0x159: {  	_ =	swait.ge [sflag:s12], $0x80  }
0x15a: {  	[sflag:s12] =	ssyncset.done $0x0  }
0x15b: {  	[sflag:s12] =	ssyncadd.s32 $0xFFFFFF80  }
0x15c: {  	_ =	swait.ge [sflag:s12], $0x80  }
0x15d: {  	p2 =	seq.s32 s30, $0x0;
	[sflag:s12] =	ssyncset.done $0x0  }
0x15e: {  	s1 =	simm.s32 @!p2 $0x5;
	[sflag:s12] =	ssyncadd.s32 $0xFFFFFF80  }
0x15f: {  	_ =	swait.ge @!p2 [sflag:s1], $0x80  }
0x160: {  	[sflag:s1] =	ssyncset.done @!p2 $0x0  }
0x161: {  	[sflag:s1] =	ssyncadd.s32 @!p2 $0xFFFFFF80  }
0x162: {  	_ =	swait.ge @!p2 [sflag:s1], $0x80  }
0x163: {  	[sflag:s1] =	ssyncset.done @!p2 $0x0  }
0x164: {  	s28 =	sadd.s32 s30, s7;
	[sflag:s1] =	ssyncadd.s32 @!p2 $0xFFFFFF80  }
0x165: {  	[tilespmem:s13], [sflag:$0x2] =	stream.linear.gather [hbm4b:s28+s0], $0x80, $0x38;
	[tilespmem:$0xA70] =	vst v63  }
0x166: {  	s31 =	sadd.s32 s30, s6  }
0x167: {  	[tilespmem:s14], [sflag:$0x2] =	stream.linear.gather [hbm4b:s31+s0], $0x80, $0x38;
	[tilespmem:$0xA70] =	vst v63  }
0x168: {  	_ = 	snop  }
0x169: {  	[spmem:s17] =	stream.indirect.scatter.add.f32 [tilespmem:s16], [sflag:$0x4], $0x1, s8, s15, $0xb8;
	[tilespmem:$0xA70] =	vst v63  }
0x16a: {  	_ = 	snop  }
0x16b: {  	[spmem:s20] =	stream.indirect.scatter.add.f32 [tilespmem:s16], [sflag:$0x4], $0x1, s9, s15, $0xb8;
	[tilespmem:$0xA70] =	vst v63  }
0x16c: {  	_ =	swait.ge [sflag:s19], $0x80  }
0x16d: {  	[sflag:s19] =	ssyncset.done $0x0  }
0x16e: {  	[sflag:s19] =	ssyncadd.s32 $0xFFFFFF80  }
0x16f: {  	_ =	swait.ge [sflag:s19], $0x80  }
0x170: {  	[sflag:s19] =	ssyncset.done $0x0  }
0x171: {  	s1 =	simm.s32 @!p2 $0x6;
	[sflag:s19] =	ssyncadd.s32 $0xFFFFFF80  }
0x172: {  	_ =	swait.ge @!p2 [sflag:s1], $0x80  }
0x173: {  	[sflag:s1] =	ssyncset.done @!p2 $0x0  }
0x174: {  	[sflag:s1] =	ssyncadd.s32 @!p2 $0xFFFFFF80  }
0x175: {  	_ =	swait.ge @!p2 [sflag:s1], $0x80  }
0x176: {  	[sflag:s1] =	ssyncset.done @!p2 $0x0  }
0x177: {  	s28 =	sadd.s32 s30, s5;
	[sflag:s1] =	ssyncadd.s32 @!p2 $0xFFFFFF80  }
0x178: {  	[tilespmem:s23], [sflag:$0x3] =	stream.linear.gather [hbm4b:s28+s0], $0x80, $0x38;
	[tilespmem:$0xA70] =	vst v63  }
0x179: {  	s31 =	sadd.s32 s30, s4  }
0x17a: {  	[tilespmem:s24], [sflag:$0x3] =	stream.linear.gather [hbm4b:s31+s0], $0x80, $0x38;
	[tilespmem:$0xA70] =	vst v63  }
0x17b: {  	_ = 	snop  }
0x17c: {  	[spmem:s17] =	stream.indirect.scatter.add.f32 [tilespmem:s16], [sflag:$0x5], $0x1, s13, s15, $0xb8;
	[tilespmem:$0xA70] =	vst v63  }
0x17d: {  	_ = 	snop  }
0x17e: {  	[spmem:s20] =	stream.indirect.scatter.add.f32 [tilespmem:s16], [sflag:$0x5], $0x1, s14, s15, $0xb8;
	[tilespmem:$0xA70] =	vst v63  }
0x17f: {  	_ =	swait.ge [sflag:s25], $0x80  }
0x180: {  	[sflag:s25] =	ssyncset.done $0x0  }
0x181: {  	[sflag:s25] =	ssyncadd.s32 $0xFFFFFF80  }
0x182: {  	_ =	swait.ge [sflag:s25], $0x80  }
0x183: {  	[sflag:s25] =	ssyncset.done $0x0  }
0x184: {  	[sflag:s25] =	ssyncadd.s32 $0xFFFFFF80  }
0x185: {  	p2 =	seq.s32 s30, $0x4B0;
	_ =	swait.ge [sflag:s26], $0x80  }
.Ltmp2:
0x186: {  	[sflag:s26] =	ssyncset.done $0x0;
	(pc) =	sbr.rel @p2 .LBB2_4-.Ltmp2, $4  }
0x187: {  	[sflag:s26] =	ssyncadd.s32 $0xFFFFFF80  }
0x188: {  	_ =	swait.ge [sflag:s26], $0x80  }
0x189: {  	[sflag:s26] =	ssyncset.done $0x0  }
0x18a: {  	[sflag:s26] =	ssyncadd.s32 $0xFFFFFF80  }
0x18b: {  	s1 =	sshrl.u32 s18, $0x3  }
0x18c: {  	s31 =	sadd.s32 s21, s1  }
0x18d: {  	[tilespmem:s8], [sflag:$0x1] =	stream.linear.gather [hbm4b:s31+s0], $0x80, $0x38;
	[tilespmem:$0xA70] =	vst v63  }
0x18e: {  	s1 =	sadd.s32 s22, s1  }
0x18f: {  	[tilespmem:s9], [sflag:$0x1] =	stream.linear.gather [hbm4b:s1+s0], $0x80, $0x38;
	[tilespmem:$0xA70] =	vst v63  }
.Ltmp3:
0x190: {  	_ = 	snop;
	(pc) =	sbr.rel .LBB2_2-.Ltmp3, $4  }
0x191: {  	_ = 	snop  }
0x192: {  	[spmem:s17] =	stream.indirect.scatter.add.f32 [tilespmem:s16], [sflag:$0x6], $0x1, s23, s15, $0xb8;
	[tilespmem:$0xA70] =	vst v63  }
0x193: {  	s30 =	sadd.s32 $0x30, s30;
	s18 =	sadd.s32 $0x180, s18  }
0x194: {  	[spmem:s20] =	stream.indirect.scatter.add.f32 [tilespmem:s16], [sflag:$0x6], $0x1, s24, s15, $0xb8;
	[tilespmem:$0xA70] =	vst v63  }
.LBB2_5:
0x195: {  	_ =	sfence.sel $0x180000  }
0x196: {  	[bflag:$0x0] =	sbarrier.arrive $0xFFFF  }
0x197: {  	_ =	strace $0x90000047  }
0x198: {  	s0 =	stileid.u32;
	[bflag:$0x2] =	sbarrier.arrive $0xFFFF  }
0x199: {  	p0 =	sne.s32 s0, $0x0;
	s0 =	rddreg [dreg:$0x4]  }
0x19a: {  	s0 =	sadd.s32 @!p0 $0x100000, s0  }
0x19b: {  	[sflag:s0] =	ssyncadd.tile.s32 @!p0 $0x1;
	_ =	shalt  }
.Lfunc_end2:
_tile_overlayer_lowered:
.L_overlay_start_2:
0x19c: {  	(tag) =	ssettag $0x2  }
0x19d: {  	s0 =	rddreg [dreg:$0x0];
	s2 =	stileid.u32  }
0x19e: {  	s1 =	rddreg [dreg:$0x1];
	p0 =	sne.s32 s2, $0x0  }
0x19f: {  	s3 =	rddreg [dreg:$0x2];
	[bflag:$0x3] =	sbarrier.arrive $0xFFFF;
	s2 =	simm.s32 @!p0 $0x1C07  }
0x1a0: {  	[timem:s3], [sflag:s2] =	dma.local @!p0 [hbm:s0], s1  }
0x1a1: {  	s0 =	simm.s32 @!p0 $0x7  }
0x1a2: {  	_ =	swait.ge @!p0 [sflag:s0], s1  }
0x1a3: {  	s1 =	ssub.s32 @!p0 $0x0, s1;
	[sflag:s0] =	ssyncset.done @!p0 $0x0  }
0x1a4: {  	[sflag:s0] =	ssyncadd.s32 @!p0 s1  }
0x1a5: {  	[bflag:$0x3] =	sbarrier.arrive $0xFFFF  }
0x1a6: {  	_ =	shalt  }

</sc_bundles>
